<compile_context>
chip_gen: v7x
topology: tpu7x:2x2x1
jax: 0.10.2.dev20260603
libtpu: 0.0.44.dev20260713+nightly
codegen_flags: <defaults>
</compile_context>

<pallas_src>
import jax
import jax.numpy as jnp
from jax import lax
from jax.experimental import pallas as pl
from jax.experimental.pallas import tpu as pltpu
from jax.experimental.pallas import tpu_sc as plsc

N = 10000
NP = 10240
D = 128
E = 320000
NC = 2
NS = 16
NW = NC * NS
CHUNK = 125
CPW = E // (NW * CHUNK)
IB = 10
NBLK = CPW // IB
ROWS_PER_TILE = NP // NS


def _sc_agg_body(table, src_idx, dst_idx, zeros_tab,
                 agg_out,
                 agg_sh, src_a, dst_a, src_b, dst_b, rows0, rows1,
                 sem0, sem1, idx_sem):
    c = lax.axis_index("c")
    s = lax.axis_index("s")
    w = c * NS + s

    src_blks = (src_a, src_b)
    dst_blks = (dst_a, dst_b)
    rows = (rows0, rows1)
    sems = (sem0, sem1)

    def idx_refill(m, p, start):
        op = pltpu.async_copy if start else (
            lambda s_, d_, m_: pltpu.make_async_copy(s_, d_, m_).wait())
        op(src_idx.at[w, m], src_blks[p], idx_sem)
        op(dst_idx.at[w, m], dst_blks[p], idx_sem)

    def gather(p, jj, b, start):
        src_ref = table.at[src_blks[p].at[jj]]
        if start:
            pltpu.async_copy(src_ref, rows[b], sems[b])
        else:
            pltpu.make_async_copy(src_ref, rows[b], sems[b]).wait()

    idx_refill(0, 0, True)
    idx_refill(0, 0, False)
    gather(0, 0, 0, True)
    gather(0, 1, 1, True)
    idx_refill(1, 1, True)

    r0 = s * ROWS_PER_TILE
    pltpu.sync_copy(zeros_tab.at[pl.ds(r0, ROWS_PER_TILE)],
                    agg_sh.at[pl.ds(r0, ROWS_PER_TILE)])
    plsc.subcore_barrier()

    def step(kk, carry):
        for p in range(2):
            m = 2 * kk + p
            for jj in range(IB):
                j = m * IB + jj
                b = jj % 2
                gather(p, jj, b, False)
                pltpu.sync_copy(rows[b], agg_sh.at[dst_blks[p].at[jj]],
                                add=True)
                if jj == IB - 2:
                    @pl.when(m + 1 < NBLK)
                    def _():
                        idx_refill(m + 1, 1 - p, False)
                if jj + 2 < IB:
                    @pl.when(j + 2 < CPW)
                    def _():
                        gather(p, jj + 2, b, True)
                else:
                    @pl.when(j + 2 < CPW)
                    def _():
                        gather(1 - p, jj + 2 - IB, b, True)
            @pl.when(m + 2 < NBLK)
            def _():
                idx_refill(m + 2, p, True)
        return carry

    lax.fori_loop(0, NBLK // 2, step, 0)

    plsc.subcore_barrier()

    pltpu.sync_copy(agg_sh.at[pl.ds(r0, ROWS_PER_TILE)],
                    agg_out.at[c, pl.ds(r0, ROWS_PER_TILE)])


_sc_agg = pl.kernel(
    _sc_agg_body,
    out_type=jax.ShapeDtypeStruct((NC, NP, D), jnp.float32),
    mesh=plsc.VectorSubcoreMesh(core_axis_name="c", subcore_axis_name="s",
                                num_cores=NC, num_subcores=NS),
    scratch_types=[
        pltpu.VMEM_SHARED((NP, D), jnp.float32),
        pltpu.VMEM((IB, CHUNK), jnp.int32),
        pltpu.VMEM((IB, CHUNK), jnp.int32),
        pltpu.VMEM((IB, CHUNK), jnp.int32),
        pltpu.VMEM((IB, CHUNK), jnp.int32),
        pltpu.VMEM((CHUNK, D), jnp.float32),
        pltpu.VMEM((CHUNK, D), jnp.float32),
        pltpu.SemaphoreType.DMA,
        pltpu.SemaphoreType.DMA,
        pltpu.SemaphoreType.DMA,
    ],
)


def _sc_cnt_body(dst_idx, zeros_cnt, ones_hbm,
                 cnt_out,
                 cnt_sh, dst_v, ones_v, sem):
    c = lax.axis_index("c")
    s = lax.axis_index("s")
    w = c * NS + s

    pltpu.sync_copy(dst_idx.at[w], dst_v)
    pltpu.sync_copy(ones_hbm, ones_v)
    r0 = s * ROWS_PER_TILE
    pltpu.sync_copy(zeros_cnt.at[pl.ds(r0, ROWS_PER_TILE)],
                    cnt_sh.at[pl.ds(r0, ROWS_PER_TILE)])
    plsc.subcore_barrier()

    def step(m, carry):
        for jj in range(IB):
            pltpu.async_copy(ones_v, cnt_sh.at[dst_v.at[m, jj]], sem, add=True)
        for jj in range(IB):
            pltpu.make_async_copy(ones_v, cnt_sh.at[dst_v.at[m, jj]], sem).wait()
        return carry

    lax.fori_loop(0, NBLK, step, 0)

    plsc.subcore_barrier()
    pltpu.sync_copy(cnt_sh.at[pl.ds(r0, ROWS_PER_TILE)],
                    cnt_out.at[pl.ds(c * NP + r0, ROWS_PER_TILE)])


_sc_cnt = pl.kernel(
    _sc_cnt_body,
    out_type=jax.ShapeDtypeStruct((NC * NP,), jnp.float32),
    mesh=plsc.VectorSubcoreMesh(core_axis_name="c", subcore_axis_name="s",
                                num_cores=NC, num_subcores=NS),
    scratch_types=[
        pltpu.VMEM_SHARED((NP,), jnp.float32),
        pltpu.VMEM((NBLK, IB, CHUNK), jnp.int32),
        pltpu.VMEM((CHUNK,), jnp.float32),
        pltpu.SemaphoreType.DMA,
    ],
)


_NT = (((1,), (1,)), ((), ()))


def _tc_pre_body(x_ref, wl_ref, wr_ref, b_ref, xl_ref, xrb_ref):
    x = x_ref[...]
    xl_ref[:N] = lax.dot_general(x, wl_ref[...], _NT,
                                 preferred_element_type=jnp.float32)
    xrb_ref[:N] = lax.dot_general(x, wr_ref[...], _NT,
                                  preferred_element_type=jnp.float32) + b_ref[...]


_tc_pre = pl.pallas_call(
    _tc_pre_body,
    out_shape=(jax.ShapeDtypeStruct((NP, D), jnp.float32),
               jax.ShapeDtypeStruct((NP, D), jnp.float32)),
)


def _tc_mid_body(agg_ref, rc_ref, xrb_ref, wl_ref, wr_ref, b_ref,
                 xl_ref, xrb2_ref):
    t = (agg_ref[0, :N] + agg_ref[1, :N]) * rc_ref[...] + xrb_ref[:N]
    h = jnp.maximum(t, 0.0)
    xl_ref[:N] = lax.dot_general(h, wl_ref[...], _NT,
                                 preferred_element_type=jnp.float32)
    xrb2_ref[:N] = lax.dot_general(h, wr_ref[...], _NT,
                                   preferred_element_type=jnp.float32) + b_ref[...]


_tc_mid = pl.pallas_call(
    _tc_mid_body,
    out_shape=(jax.ShapeDtypeStruct((NP, D), jnp.float32),
               jax.ShapeDtypeStruct((NP, D), jnp.float32)),
)


def _tc_out_body(agg_ref, rc_ref, xrb_ref, out_ref):
    out_ref[...] = (agg_ref[0, :N] + agg_ref[1, :N]) * rc_ref[...] + xrb_ref[:N]


_tc_out = pl.pallas_call(
    _tc_out_body,
    out_shape=jax.ShapeDtypeStruct((N, D), jnp.float32),
)


def kernel(x, edge_index, W1l, b1, W1r, W2l, b2, W2r):
    src = edge_index[0].astype(jnp.int32).reshape(NW, NBLK, IB, CHUNK)
    dst = edge_index[1].astype(jnp.int32).reshape(NW, NBLK, IB, CHUNK)
    zeros_tab = jnp.zeros((NP, D), jnp.float32)
    zeros_cnt = jnp.zeros((NP,), jnp.float32)
    ones = jnp.ones((CHUNK,), jnp.float32)

    cnt = _sc_cnt(dst, zeros_cnt, ones)
    rc = (1.0 / jnp.maximum(cnt[:N] + cnt[NP:NP + N], 1.0)).reshape(N, 1)
    xl1, xr1b = _tc_pre(x, W1l, W1r, b1.reshape(1, D))
    agg1 = _sc_agg(xl1, src, dst, zeros_tab)
    xl2, xr2b = _tc_mid(agg1, rc, xr1b, W2l, W2r, b2.reshape(1, D))
    agg2 = _sc_agg(xl2, src, dst, zeros_tab)
    return _tc_out(agg2, rc, xr2b)

# --- scband reference (transcript-rebuilt; emitter-appended) ---
"""Pipeline reference for scband-sage-893353198160 (READ-ONLY COPY).

The authoritative reference and input builder live on the scoring server;
editing this copy changes nothing except your own understanding.
"""

import jax, jax.numpy as jnp
import numpy as np

N = 10000
E = 320000
D_IN = 128
D_H = 128
D_OUT = 128


def setup_inputs(seed: int = 0) -> dict:
    key = jax.random.key(seed)
    ks = jax.random.split(key, 10)
    x = jax.random.normal(ks[0], (N, D_IN), dtype=jnp.float32)
    edge_index = jax.random.randint(ks[1], (2, E), 0, N).astype(jnp.int64)
    # Layer 1: SAGEConv(in=128 -> hidden=128), aggr='mean'
    s1 = 1.0 / np.sqrt(D_IN)
    W1l = jax.random.uniform(ks[2], (D_H, D_IN), jnp.float32, -s1, s1)  # lin_l (aggregated neighbors, has bias)
    b1 = jnp.zeros((D_H,), jnp.float32)
    W1r = jax.random.uniform(ks[3], (D_H, D_IN), jnp.float32, -s1, s1)  # lin_r (root/self, no bias)
    # Layer 2: SAGEConv(hidden=128 -> embedding=128)
    s2 = 1.0 / np.sqrt(D_H)
    W2l = jax.random.uniform(ks[4], (D_OUT, D_H), jnp.float32, -s2, s2)
    b2 = jnp.zeros((D_OUT,), jnp.float32)
    W2r = jax.random.uniform(ks[5], (D_OUT, D_H), jnp.float32, -s2, s2)
    return {"x": x, "edge_index": edge_index, "W1l": W1l, "b1": b1, "W1r": W1r,
            "W2l": W2l, "b2": b2, "W2r": W2r}


def _sage_conv(x, src, dst, Wl, bl, Wr, num_nodes):
    # message: x_j from source nodes; mean-aggregate at destination nodes
    msgs = jnp.take(x, src, axis=0)
    agg = jax.ops.segment_sum(msgs, dst, num_segments=num_nodes)
    cnt = jax.ops.segment_sum(jnp.ones((src.shape[0], 1), x.dtype), dst, num_segments=num_nodes)
    agg = agg / jnp.maximum(cnt, 1.0)
    # out = lin_l(agg) + lin_r(x)
    return agg @ Wl.T + bl + x @ Wr.T


def reference(x, edge_index, W1l, b1, W1r, W2l, b2, W2r):
    src = edge_index[0]
    dst = edge_index[1]
    n = x.shape[0]
    h = _sage_conv(x, src, dst, W1l, b1, W1r, n)
    h = jax.nn.relu(h)  # dropout p=0.0 -> identity
    out = _sage_conv(h, src, dst, W2l, b2, W2r, n)
    return out

if __name__ == "__main__":
    import jax
    _d = setup_inputs()
    print(jax.jit(kernel)(*tuple(_d.values())))

</pallas_src>

<mosaic_0001>
#map = affine_map<(d0, d1) -> (0, 0)>
#map1 = affine_map<(d0, d1) -> (0, 0, 0, 0)>
#map2 = affine_map<(d0, d1) -> (0, 0, 0)>
module attributes {stable_mosaic.version = 14 : i64} {
  func.func @_sc_agg_body(%arg0: i32, %arg1: i32, %arg2: memref<10240x128xf32, #tpu.memory_space<hbm>>, %arg3: memref<32x8x10x125xi32, #tpu.memory_space<hbm>>, %arg4: memref<32x8x10x125xi32, #tpu.memory_space<hbm>>, %arg5: memref<10240x128xf32, #tpu.memory_space<hbm>>, %arg6: memref<2x10240x128xf32, #tpu.memory_space<hbm>>, %arg7: memref<10240x128xf32, #tpu.memory_space<vmem_shared>>, %arg8: memref<10x125xi32, #tpu.memory_space<vmem>>, %arg9: memref<10x125xi32, #tpu.memory_space<vmem>>, %arg10: memref<10x125xi32, #tpu.memory_space<vmem>>, %arg11: memref<10x125xi32, #tpu.memory_space<vmem>>, %arg12: memref<125x128xf32, #tpu.memory_space<vmem>>, %arg13: memref<125x128xf32, #tpu.memory_space<vmem>>, %arg14: memref<!tpu.dma_semaphore, #tpu.memory_space<semaphore_mem>>, %arg15: memref<!tpu.dma_semaphore, #tpu.memory_space<semaphore_mem>>, %arg16: memref<!tpu.dma_semaphore, #tpu.memory_space<semaphore_mem>>) attributes {dimension_semantics = [#tpu.dimension_semantics<core_parallel>, #tpu.dimension_semantics<subcore_parallel>], iteration_bounds = array<i64: 2, 16>, scalar_prefetch = 0 : i64, scratch_operands = 10 : i64, tpu.core_type = #tpu.core_type<sc_vector_subcore>, window_params = [{transform_indices = #map}, {transform_indices = #map1}, {transform_indices = #map1}, {transform_indices = #map}, {transform_indices = #map2}]} {
    %mul3A = arith.constant 16 : i32
    %mul3A_0 = arith.muli %arg0, %mul3A : i32
    %add3A = arith.addi %mul3A_0, %arg1 : i32
    %dma_start3A = arith.constant 0 : i32
    %dma_start3A_1 = arith.constant 0 : i32
    %dma_start3A_2 = arith.constant 0 : i32
    %dma_start3A_3 = tpu.memref_slice %arg3[%add3A, %dma_start3A, %dma_start3A_1, %dma_start3A_2] : memref<32x8x10x125xi32, #tpu.memory_space<hbm>> -> memref<1x1x10x125xi32, #tpu.memory_space<hbm>>
    %dma_start3A_4 = tpu.memref_squeeze %dma_start3A_3 : memref<1x1x10x125xi32, #tpu.memory_space<hbm>> -> memref<10x125xi32, #tpu.memory_space<hbm>>
    %dma_start3A_5 = arith.constant 0 : i32
    %dma_start3A_6 = arith.constant 0 : i32
    %dma_start3A_7 = tpu.memref_slice %arg3[%add3A, %dma_start3A, %dma_start3A_5, %dma_start3A_6] : memref<32x8x10x125xi32, #tpu.memory_space<hbm>> -> memref<1x1x10x125xi32, #tpu.memory_space<hbm>>
    %dma_start3A_8 = tpu.memref_squeeze %dma_start3A_7 : memref<1x1x10x125xi32, #tpu.memory_space<hbm>> -> memref<10x125xi32, #tpu.memory_space<hbm>>
    tpu.enqueue_dma source(%dma_start3A_8 : memref<10x125xi32, #tpu.memory_space<hbm>>) target(%arg8 : memref<10x125xi32, #tpu.memory_space<vmem>>) target_semaphore(%arg16 : memref<!tpu.dma_semaphore, #tpu.memory_space<semaphore_mem>>)
    %dma_start3A_9 = arith.constant 0 : i32
    %dma_start3A_10 = arith.constant 0 : i32
    %dma_start3A_11 = arith.constant 0 : i32
    %dma_start3A_12 = tpu.memref_slice %arg4[%add3A, %dma_start3A_9, %dma_start3A_10, %dma_start3A_11] : memref<32x8x10x125xi32, #tpu.memory_space<hbm>> -> memref<1x1x10x125xi32, #tpu.memory_space<hbm>>
    %dma_start3A_13 = tpu.memref_squeeze %dma_start3A_12 : memref<1x1x10x125xi32, #tpu.memory_space<hbm>> -> memref<10x125xi32, #tpu.memory_space<hbm>>
    %dma_start3A_14 = arith.constant 0 : i32
    %dma_start3A_15 = arith.constant 0 : i32
    %dma_start3A_16 = tpu.memref_slice %arg4[%add3A, %dma_start3A_9, %dma_start3A_14, %dma_start3A_15] : memref<32x8x10x125xi32, #tpu.memory_space<hbm>> -> memref<1x1x10x125xi32, #tpu.memory_space<hbm>>
    %dma_start3A_17 = tpu.memref_squeeze %dma_start3A_16 : memref<1x1x10x125xi32, #tpu.memory_space<hbm>> -> memref<10x125xi32, #tpu.memory_space<hbm>>
    tpu.enqueue_dma source(%dma_start3A_17 : memref<10x125xi32, #tpu.memory_space<hbm>>) target(%arg9 : memref<10x125xi32, #tpu.memory_space<vmem>>) target_semaphore(%arg16 : memref<!tpu.dma_semaphore, #tpu.memory_space<semaphore_mem>>)
    %dma_wait3A = arith.constant 0 : i32
    %dma_wait3A_18 = arith.constant 0 : i32
    %dma_wait3A_19 = arith.constant 0 : i32
    %dma_wait3A_20 = tpu.memref_slice %arg3[%add3A, %dma_wait3A, %dma_wait3A_18, %dma_wait3A_19] : memref<32x8x10x125xi32, #tpu.memory_space<hbm>> -> memref<1x1x10x125xi32, #tpu.memory_space<hbm>>
    %dma_wait3A_21 = tpu.memref_squeeze %dma_wait3A_20 : memref<1x1x10x125xi32, #tpu.memory_space<hbm>> -> memref<10x125xi32, #tpu.memory_space<hbm>>
    %dma_wait3A_22 = arith.constant 0 : i32
    %dma_wait3A_23 = arith.constant 0 : i32
    %dma_wait3A_24 = tpu.memref_slice %arg3[%add3A, %dma_wait3A, %dma_wait3A_22, %dma_wait3A_23] : memref<32x8x10x125xi32, #tpu.memory_space<hbm>> -> memref<1x1x10x125xi32, #tpu.memory_space<hbm>>
    %dma_wait3A_25 = tpu.memref_squeeze %dma_wait3A_24 : memref<1x1x10x125xi32, #tpu.memory_space<hbm>> -> memref<10x125xi32, #tpu.memory_space<hbm>>
    tpu.wait_dma2 semaphore(%arg16 : memref<!tpu.dma_semaphore, #tpu.memory_space<semaphore_mem>>) src(%dma_wait3A_25 : memref<10x125xi32, #tpu.memory_space<hbm>>) dst(%arg8 : memref<10x125xi32, #tpu.memory_space<vmem>>)
    %dma_wait3A_26 = arith.constant 0 : i32
    %dma_wait3A_27 = arith.constant 0 : i32
    %dma_wait3A_28 = arith.constant 0 : i32
    %dma_wait3A_29 = tpu.memref_slice %arg4[%add3A, %dma_wait3A_26, %dma_wait3A_27, %dma_wait3A_28] : memref<32x8x10x125xi32, #tpu.memory_space<hbm>> -> memref<1x1x10x125xi32, #tpu.memory_space<hbm>>
    %dma_wait3A_30 = tpu.memref_squeeze %dma_wait3A_29 : memref<1x1x10x125xi32, #tpu.memory_space<hbm>> -> memref<10x125xi32, #tpu.memory_space<hbm>>
    %dma_wait3A_31 = arith.constant 0 : i32
    %dma_wait3A_32 = arith.constant 0 : i32
    %dma_wait3A_33 = tpu.memref_slice %arg4[%add3A, %dma_wait3A_26, %dma_wait3A_31, %dma_wait3A_32] : memref<32x8x10x125xi32, #tpu.memory_space<hbm>> -> memref<1x1x10x125xi32, #tpu.memory_space<hbm>>
    %dma_wait3A_34 = tpu.memref_squeeze %dma_wait3A_33 : memref<1x1x10x125xi32, #tpu.memory_space<hbm>> -> memref<10x125xi32, #tpu.memory_space<hbm>>
    tpu.wait_dma2 semaphore(%arg16 : memref<!tpu.dma_semaphore, #tpu.memory_space<semaphore_mem>>) src(%dma_wait3A_34 : memref<10x125xi32, #tpu.memory_space<hbm>>) dst(%arg9 : memref<10x125xi32, #tpu.memory_space<vmem>>)
    %dma_start3A_35 = arith.constant 0 : i32
    %dma_start3A_36 = arith.constant 0 : i32
    %dma_start3A_37 = tpu.memref_slice %arg8[%dma_start3A_35, %dma_start3A_36] : memref<10x125xi32, #tpu.memory_space<vmem>> -> memref<1x125xi32, #tpu.memory_space<vmem>>
    %dma_start3A_38 = tpu.memref_squeeze %dma_start3A_37 : memref<1x125xi32, #tpu.memory_space<vmem>> -> memref<125xi32, #tpu.memory_space<vmem>>
    %dma_start3A_39 = arith.constant 0 : i32
    %dma_start3A_40 = arith.constant 0 : i32
    %dma_start3A_41 = tpu.memref_slice %arg2[%dma_start3A_39, %dma_start3A_40] : memref<10240x128xf32, #tpu.memory_space<hbm>> -> memref<10240x128xf32, #tpu.memory_space<hbm>>
    tpu.enqueue_indirect_dma source(%dma_start3A_41 : memref<10240x128xf32, #tpu.memory_space<hbm>>) target(%arg12 : memref<125x128xf32, #tpu.memory_space<vmem>>) offsets(%dma_start3A_38 : memref<125xi32, #tpu.memory_space<vmem>>) semaphore(%arg14 : memref<!tpu.dma_semaphore, #tpu.memory_space<semaphore_mem>>)
    %dma_start3A_42 = arith.constant 1 : i32
    %dma_start3A_43 = arith.constant 0 : i32
    %dma_start3A_44 = tpu.memref_slice %arg8[%dma_start3A_42, %dma_start3A_43] : memref<10x125xi32, #tpu.memory_space<vmem>> -> memref<1x125xi32, #tpu.memory_space<vmem>>
    %dma_start3A_45 = tpu.memref_squeeze %dma_start3A_44 : memref<1x125xi32, #tpu.memory_space<vmem>> -> memref<125xi32, #tpu.memory_space<vmem>>
    %dma_start3A_46 = arith.constant 0 : i32
    %dma_start3A_47 = arith.constant 0 : i32
    %dma_start3A_48 = tpu.memref_slice %arg2[%dma_start3A_46, %dma_start3A_47] : memref<10240x128xf32, #tpu.memory_space<hbm>> -> memref<10240x128xf32, #tpu.memory_space<hbm>>
    tpu.enqueue_indirect_dma source(%dma_start3A_48 : memref<10240x128xf32, #tpu.memory_space<hbm>>) target(%arg13 : memref<125x128xf32, #tpu.memory_space<vmem>>) offsets(%dma_start3A_45 : memref<125xi32, #tpu.memory_space<vmem>>) semaphore(%arg15 : memref<!tpu.dma_semaphore, #tpu.memory_space<semaphore_mem>>)
    %dma_start3A_49 = arith.constant 1 : i32
    %dma_start3A_50 = arith.constant 0 : i32
    %dma_start3A_51 = arith.constant 0 : i32
    %dma_start3A_52 = tpu.memref_slice %arg3[%add3A, %dma_start3A_49, %dma_start3A_50, %dma_start3A_51] : memref<32x8x10x125xi32, #tpu.memory_space<hbm>> -> memref<1x1x10x125xi32, #tpu.memory_space<hbm>>
    %dma_start3A_53 = tpu.memref_squeeze %dma_start3A_52 : memref<1x1x10x125xi32, #tpu.memory_space<hbm>> -> memref<10x125xi32, #tpu.memory_space<hbm>>
    %dma_start3A_54 = arith.constant 0 : i32
    %dma_start3A_55 = arith.constant 0 : i32
    %dma_start3A_56 = tpu.memref_slice %arg3[%add3A, %dma_start3A_49, %dma_start3A_54, %dma_start3A_55] : memref<32x8x10x125xi32, #tpu.memory_space<hbm>> -> memref<1x1x10x125xi32, #tpu.memory_space<hbm>>
    %dma_start3A_57 = tpu.memref_squeeze %dma_start3A_56 : memref<1x1x10x125xi32, #tpu.memory_space<hbm>> -> memref<10x125xi32, #tpu.memory_space<hbm>>
    tpu.enqueue_dma source(%dma_start3A_57 : memref<10x125xi32, #tpu.memory_space<hbm>>) target(%arg10 : memref<10x125xi32, #tpu.memory_space<vmem>>) target_semaphore(%arg16 : memref<!tpu.dma_semaphore, #tpu.memory_space<semaphore_mem>>)
    %dma_start3A_58 = arith.constant 1 : i32
    %dma_start3A_59 = arith.constant 0 : i32
    %dma_start3A_60 = arith.constant 0 : i32
    %dma_start3A_61 = tpu.memref_slice %arg4[%add3A, %dma_start3A_58, %dma_start3A_59, %dma_start3A_60] : memref<32x8x10x125xi32, #tpu.memory_space<hbm>> -> memref<1x1x10x125xi32, #tpu.memory_space<hbm>>
    %dma_start3A_62 = tpu.memref_squeeze %dma_start3A_61 : memref<1x1x10x125xi32, #tpu.memory_space<hbm>> -> memref<10x125xi32, #tpu.memory_space<hbm>>
    %dma_start3A_63 = arith.constant 0 : i32
    %dma_start3A_64 = arith.constant 0 : i32
    %dma_start3A_65 = tpu.memref_slice %arg4[%add3A, %dma_start3A_58, %dma_start3A_63, %dma_start3A_64] : memref<32x8x10x125xi32, #tpu.memory_space<hbm>> -> memref<1x1x10x125xi32, #tpu.memory_space<hbm>>
    %dma_start3A_66 = tpu.memref_squeeze %dma_start3A_65 : memref<1x1x10x125xi32, #tpu.memory_space<hbm>> -> memref<10x125xi32, #tpu.memory_space<hbm>>
    tpu.enqueue_dma source(%dma_start3A_66 : memref<10x125xi32, #tpu.memory_space<hbm>>) target(%arg11 : memref<10x125xi32, #tpu.memory_space<vmem>>) target_semaphore(%arg16 : memref<!tpu.dma_semaphore, #tpu.memory_space<semaphore_mem>>)
    %mul3A_67 = arith.constant 640 : i32
    %mul3A_68 = arith.muli %arg1, %mul3A_67 : i32
    "tpu.region"() ({
      %run_scoped3A = tpu.sem_alloc : memref<!tpu.dma_semaphore, #tpu.memory_space<semaphore_mem>>
      %dma_start3A_75 = arith.constant 0 : i32
      %dma_start3A_76 = tpu.memref_slice %arg7[%mul3A_68, %dma_start3A_75] : memref<10240x128xf32, #tpu.memory_space<vmem_shared>> -> memref<640x128xf32, #tpu.memory_space<vmem_shared>>
      %dma_start3A_77 = arith.constant 0 : i32
      %dma_start3A_78 = tpu.memref_slice %arg5[%mul3A_68, %dma_start3A_77] : memref<10240x128xf32, #tpu.memory_space<hbm>> -> memref<640x128xf32, #tpu.memory_space<hbm>>
      tpu.enqueue_dma source(%dma_start3A_78 : memref<640x128xf32, #tpu.memory_space<hbm>>) target(%dma_start3A_76 : memref<640x128xf32, #tpu.memory_space<vmem_shared>>) target_semaphore(%run_scoped3A : memref<!tpu.dma_semaphore, #tpu.memory_space<semaphore_mem>>)
      %dma_wait3A_79 = arith.constant 0 : i32
      %dma_wait3A_80 = tpu.memref_slice %arg7[%mul3A_68, %dma_wait3A_79] : memref<10240x128xf32, #tpu.memory_space<vmem_shared>> -> memref<640x128xf32, #tpu.memory_space<vmem_shared>>
      %dma_wait3A_81 = arith.constant 0 : i32
      %dma_wait3A_82 = tpu.memref_slice %arg5[%mul3A_68, %dma_wait3A_81] : memref<10240x128xf32, #tpu.memory_space<hbm>> -> memref<640x128xf32, #tpu.memory_space<hbm>>
      tpu.wait_dma2 semaphore(%run_scoped3A : memref<!tpu.dma_semaphore, #tpu.memory_space<semaphore_mem>>) src(%dma_wait3A_82 : memref<640x128xf32, #tpu.memory_space<hbm>>) dst(%dma_wait3A_80 : memref<640x128xf32, #tpu.memory_space<vmem_shared>>)
      tpu.yield
    }) : () -> ()
    %barrier3A = arith.constant 0 : index
    tpu.barrier barrier_id(%barrier3A)
    %scan3A = arith.constant 0 : i32
    %scan3A_69 = arith.constant 0 : i32
    %scan3A_70 = arith.constant 4 : i32
    %scan3A_71 = arith.addi %scan3A_69, %scan3A_70 : i32
    %scan3A_72 = arith.constant 1 : i32
    scf.for %scan3A_75 = %scan3A_69 to %scan3A_71 step %scan3A_72  : i32 {
      %mul3A_76 = arith.constant 2 : i32
      %mul3A_77 = arith.muli %mul3A_76, %scan3A_75 : i32
      %add3A_78 = arith.constant 0 : i32
      %add3A_79 = arith.addi %mul3A_77, %add3A_78 : i32
      %mul3A_80 = arith.constant 10 : i32
      %mul3A_81 = arith.muli %add3A_79, %mul3A_80 : i32
      %add3A_82 = arith.constant 0 : i32
      %add3A_83 = arith.addi %mul3A_81, %add3A_82 : i32
      %dma_wait3A_84 = arith.constant 0 : i32
      %dma_wait3A_85 = arith.constant 0 : i32
      %dma_wait3A_86 = tpu.memref_slice %arg8[%dma_wait3A_84, %dma_wait3A_85] : memref<10x125xi32, #tpu.memory_space<vmem>> -> memref<1x125xi32, #tpu.memory_space<vmem>>
      %dma_wait3A_87 = tpu.memref_squeeze %dma_wait3A_86 : memref<1x125xi32, #tpu.memory_space<vmem>> -> memref<125xi32, #tpu.memory_space<vmem>>
      %dma_wait3A_88 = arith.constant 0 : i32
      %dma_wait3A_89 = arith.constant 0 : i32
      %dma_wait3A_90 = tpu.memref_slice %arg2[%dma_wait3A_88, %dma_wait3A_89] : memref<10240x128xf32, #tpu.memory_space<hbm>> -> memref<10240x128xf32, #tpu.memory_space<hbm>>
      tpu.wait_indirect_dma semaphore(%arg14 : memref<!tpu.dma_semaphore, #tpu.memory_space<semaphore_mem>>) src(%dma_wait3A_90 : memref<10240x128xf32, #tpu.memory_space<hbm>>) dst(%arg12 : memref<125x128xf32, #tpu.memory_space<vmem>>)
      %run_scoped3A = arith.constant 0 : i32
      "tpu.region"() ({
        %run_scoped3A_488 = tpu.sem_alloc : memref<!tpu.dma_semaphore, #tpu.memory_space<semaphore_mem>>
        %dma_start3A_489 = arith.constant 0 : i32
        %dma_start3A_490 = tpu.memref_slice %arg9[%run_scoped3A, %dma_start3A_489] : memref<10x125xi32, #tpu.memory_space<vmem>> -> memref<1x125xi32, #tpu.memory_space<vmem>>
        %dma_start3A_491 = tpu.memref_squeeze %dma_start3A_490 : memref<1x125xi32, #tpu.memory_space<vmem>> -> memref<125xi32, #tpu.memory_space<vmem>>
        %dma_start3A_492 = arith.constant 0 : i32
        %dma_start3A_493 = arith.constant 0 : i32
        %dma_start3A_494 = tpu.memref_slice %arg7[%dma_start3A_492, %dma_start3A_493] : memref<10240x128xf32, #tpu.memory_space<vmem_shared>> -> memref<10240x128xf32, #tpu.memory_space<vmem_shared>>
        tpu.enqueue_indirect_dma source(%arg12 : memref<125x128xf32, #tpu.memory_space<vmem>>) target(%dma_start3A_494 : memref<10240x128xf32, #tpu.memory_space<vmem_shared>>) offsets(%dma_start3A_491 : memref<125xi32, #tpu.memory_space<vmem>>) semaphore(%run_scoped3A_488 : memref<!tpu.dma_semaphore, #tpu.memory_space<semaphore_mem>>) {add = true}
        %dma_wait3A_495 = arith.constant 0 : i32
        %dma_wait3A_496 = tpu.memref_slice %arg9[%run_scoped3A, %dma_wait3A_495] : memref<10x125xi32, #tpu.memory_space<vmem>> -> memref<1x125xi32, #tpu.memory_space<vmem>>
        %dma_wait3A_497 = tpu.memref_squeeze %dma_wait3A_496 : memref<1x125xi32, #tpu.memory_space<vmem>> -> memref<125xi32, #tpu.memory_space<vmem>>
        %dma_wait3A_498 = arith.constant 0 : i32
        %dma_wait3A_499 = arith.constant 0 : i32
        %dma_wait3A_500 = tpu.memref_slice %arg7[%dma_wait3A_498, %dma_wait3A_499] : memref<10240x128xf32, #tpu.memory_space<vmem_shared>> -> memref<10240x128xf32, #tpu.memory_space<vmem_shared>>
        tpu.wait_indirect_dma semaphore(%run_scoped3A_488 : memref<!tpu.dma_semaphore, #tpu.memory_space<semaphore_mem>>) src(%arg12 : memref<125x128xf32, #tpu.memory_space<vmem>>) dst(%dma_wait3A_500 : memref<10240x128xf32, #tpu.memory_space<vmem_shared>>)
        tpu.yield
      }) : () -> ()
      %add3A_91 = arith.constant 2 : i32
      %add3A_92 = arith.addi %add3A_83, %add3A_91 : i32
      %lt3A = arith.constant 80 : i32
      %lt3A_93 = arith.cmpi slt, %add3A_92, %lt3A : i32
      %convert_element_type3A = arith.extui %lt3A_93 : i1 to i32
      %cond3A = arith.constant 0 : i32
      %cond3A_94 = arith.cmpi ne, %convert_element_type3A, %cond3A : i32
      scf.if %cond3A_94 {
        %dma_start3A_488 = arith.constant 2 : i32
        %dma_start3A_489 = arith.constant 0 : i32
        %dma_start3A_490 = tpu.memref_slice %arg8[%dma_start3A_488, %dma_start3A_489] : memref<10x125xi32, #tpu.memory_space<vmem>> -> memref<1x125xi32, #tpu.memory_space<vmem>>
        %dma_start3A_491 = tpu.memref_squeeze %dma_start3A_490 : memref<1x125xi32, #tpu.memory_space<vmem>> -> memref<125xi32, #tpu.memory_space<vmem>>
        %dma_start3A_492 = arith.constant 0 : i32
        %dma_start3A_493 = arith.constant 0 : i32
        %dma_start3A_494 = tpu.memref_slice %arg2[%dma_start3A_492, %dma_start3A_493] : memref<10240x128xf32, #tpu.memory_space<hbm>> -> memref<10240x128xf32, #tpu.memory_space<hbm>>
        tpu.enqueue_indirect_dma source(%dma_start3A_494 : memref<10240x128xf32, #tpu.memory_space<hbm>>) target(%arg12 : memref<125x128xf32, #tpu.memory_space<vmem>>) offsets(%dma_start3A_491 : memref<125xi32, #tpu.memory_space<vmem>>) semaphore(%arg14 : memref<!tpu.dma_semaphore, #tpu.memory_space<semaphore_mem>>)
      } else {
      }
      %mul3A_95 = arith.constant 10 : i32
      %mul3A_96 = arith.muli %add3A_79, %mul3A_95 : i32
      %add3A_97 = arith.constant 1 : i32
      %add3A_98 = arith.addi %mul3A_96, %add3A_97 : i32
      %dma_wait3A_99 = arith.constant 1 : i32
      %dma_wait3A_100 = arith.constant 0 : i32
      %dma_wait3A_101 = tpu.memref_slice %arg8[%dma_wait3A_99, %dma_wait3A_100] : memref<10x125xi32, #tpu.memory_space<vmem>> -> memref<1x125xi32, #tpu.memory_space<vmem>>
      %dma_wait3A_102 = tpu.memref_squeeze %dma_wait3A_101 : memref<1x125xi32, #tpu.memory_space<vmem>> -> memref<125xi32, #tpu.memory_space<vmem>>
      %dma_wait3A_103 = arith.constant 0 : i32
      %dma_wait3A_104 = arith.constant 0 : i32
      %dma_wait3A_105 = tpu.memref_slice %arg2[%dma_wait3A_103, %dma_wait3A_104] : memref<10240x128xf32, #tpu.memory_space<hbm>> -> memref<10240x128xf32, #tpu.memory_space<hbm>>
      tpu.wait_indirect_dma semaphore(%arg15 : memref<!tpu.dma_semaphore, #tpu.memory_space<semaphore_mem>>) src(%dma_wait3A_105 : memref<10240x128xf32, #tpu.memory_space<hbm>>) dst(%arg13 : memref<125x128xf32, #tpu.memory_space<vmem>>)
      %run_scoped3A_106 = arith.constant 1 : i32
      "tpu.region"() ({
        %run_scoped3A_488 = tpu.sem_alloc : memref<!tpu.dma_semaphore, #tpu.memory_space<semaphore_mem>>
        %dma_start3A_489 = arith.constant 0 : i32
        %dma_start3A_490 = tpu.memref_slice %arg9[%run_scoped3A_106, %dma_start3A_489] : memref<10x125xi32, #tpu.memory_space<vmem>> -> memref<1x125xi32, #tpu.memory_space<vmem>>
        %dma_start3A_491 = tpu.memref_squeeze %dma_start3A_490 : memref<1x125xi32, #tpu.memory_space<vmem>> -> memref<125xi32, #tpu.memory_space<vmem>>
        %dma_start3A_492 = arith.constant 0 : i32
        %dma_start3A_493 = arith.constant 0 : i32
        %dma_start3A_494 = tpu.memref_slice %arg7[%dma_start3A_492, %dma_start3A_493] : memref<10240x128xf32, #tpu.memory_space<vmem_shared>> -> memref<10240x128xf32, #tpu.memory_space<vmem_shared>>
        tpu.enqueue_indirect_dma source(%arg13 : memref<125x128xf32, #tpu.memory_space<vmem>>) target(%dma_start3A_494 : memref<10240x128xf32, #tpu.memory_space<vmem_shared>>) offsets(%dma_start3A_491 : memref<125xi32, #tpu.memory_space<vmem>>) semaphore(%run_scoped3A_488 : memref<!tpu.dma_semaphore, #tpu.memory_space<semaphore_mem>>) {add = true}
        %dma_wait3A_495 = arith.constant 0 : i32
        %dma_wait3A_496 = tpu.memref_slice %arg9[%run_scoped3A_106, %dma_wait3A_495] : memref<10x125xi32, #tpu.memory_space<vmem>> -> memref<1x125xi32, #tpu.memory_space<vmem>>
        %dma_wait3A_497 = tpu.memref_squeeze %dma_wait3A_496 : memref<1x125xi32, #tpu.memory_space<vmem>> -> memref<125xi32, #tpu.memory_space<vmem>>
        %dma_wait3A_498 = arith.constant 0 : i32
        %dma_wait3A_499 = arith.constant 0 : i32
        %dma_wait3A_500 = tpu.memref_slice %arg7[%dma_wait3A_498, %dma_wait3A_499] : memref<10240x128xf32, #tpu.memory_space<vmem_shared>> -> memref<10240x128xf32, #tpu.memory_space<vmem_shared>>
        tpu.wait_indirect_dma semaphore(%run_scoped3A_488 : memref<!tpu.dma_semaphore, #tpu.memory_space<semaphore_mem>>) src(%arg13 : memref<125x128xf32, #tpu.memory_space<vmem>>) dst(%dma_wait3A_500 : memref<10240x128xf32, #tpu.memory_space<vmem_shared>>)
        tpu.yield
      }) : () -> ()
      %add3A_107 = arith.constant 2 : i32
      %add3A_108 = arith.addi %add3A_98, %add3A_107 : i32
      %lt3A_109 = arith.constant 80 : i32
      %lt3A_110 = arith.cmpi slt, %add3A_108, %lt3A_109 : i32
      %convert_element_type3A_111 = arith.extui %lt3A_110 : i1 to i32
      %cond3A_112 = arith.constant 0 : i32
      %cond3A_113 = arith.cmpi ne, %convert_element_type3A_111, %cond3A_112 : i32
      scf.if %cond3A_113 {
        %dma_start3A_488 = arith.constant 3 : i32
        %dma_start3A_489 = arith.constant 0 : i32
        %dma_start3A_490 = tpu.memref_slice %arg8[%dma_start3A_488, %dma_start3A_489] : memref<10x125xi32, #tpu.memory_space<vmem>> -> memref<1x125xi32, #tpu.memory_space<vmem>>
        %dma_start3A_491 = tpu.memref_squeeze %dma_start3A_490 : memref<1x125xi32, #tpu.memory_space<vmem>> -> memref<125xi32, #tpu.memory_space<vmem>>
        %dma_start3A_492 = arith.constant 0 : i32
        %dma_start3A_493 = arith.constant 0 : i32
        %dma_start3A_494 = tpu.memref_slice %arg2[%dma_start3A_492, %dma_start3A_493] : memref<10240x128xf32, #tpu.memory_space<hbm>> -> memref<10240x128xf32, #tpu.memory_space<hbm>>
        tpu.enqueue_indirect_dma source(%dma_start3A_494 : memref<10240x128xf32, #tpu.memory_space<hbm>>) target(%arg13 : memref<125x128xf32, #tpu.memory_space<vmem>>) offsets(%dma_start3A_491 : memref<125xi32, #tpu.memory_space<vmem>>) semaphore(%arg15 : memref<!tpu.dma_semaphore, #tpu.memory_space<semaphore_mem>>)
      } else {
      }
      %mul3A_114 = arith.constant 10 : i32
      %mul3A_115 = arith.muli %add3A_79, %mul3A_114 : i32
      %add3A_116 = arith.constant 2 : i32
      %add3A_117 = arith.addi %mul3A_115, %add3A_116 : i32
      %dma_wait3A_118 = arith.constant 2 : i32
      %dma_wait3A_119 = arith.constant 0 : i32
      %dma_wait3A_120 = tpu.memref_slice %arg8[%dma_wait3A_118, %dma_wait3A_119] : memref<10x125xi32, #tpu.memory_space<vmem>> -> memref<1x125xi32, #tpu.memory_space<vmem>>
      %dma_wait3A_121 = tpu.memref_squeeze %dma_wait3A_120 : memref<1x125xi32, #tpu.memory_space<vmem>> -> memref<125xi32, #tpu.memory_space<vmem>>
      %dma_wait3A_122 = arith.constant 0 : i32
      %dma_wait3A_123 = arith.constant 0 : i32
      %dma_wait3A_124 = tpu.memref_slice %arg2[%dma_wait3A_122, %dma_wait3A_123] : memref<10240x128xf32, #tpu.memory_space<hbm>> -> memref<10240x128xf32, #tpu.memory_space<hbm>>
      tpu.wait_indirect_dma semaphore(%arg14 : memref<!tpu.dma_semaphore, #tpu.memory_space<semaphore_mem>>) src(%dma_wait3A_124 : memref<10240x128xf32, #tpu.memory_space<hbm>>) dst(%arg12 : memref<125x128xf32, #tpu.memory_space<vmem>>)
      %run_scoped3A_125 = arith.constant 2 : i32
      "tpu.region"() ({
        %run_scoped3A_488 = tpu.sem_alloc : memref<!tpu.dma_semaphore, #tpu.memory_space<semaphore_mem>>
        %dma_start3A_489 = arith.constant 0 : i32
        %dma_start3A_490 = tpu.memref_slice %arg9[%run_scoped3A_125, %dma_start3A_489] : memref<10x125xi32, #tpu.memory_space<vmem>> -> memref<1x125xi32, #tpu.memory_space<vmem>>
        %dma_start3A_491 = tpu.memref_squeeze %dma_start3A_490 : memref<1x125xi32, #tpu.memory_space<vmem>> -> memref<125xi32, #tpu.memory_space<vmem>>
        %dma_start3A_492 = arith.constant 0 : i32
        %dma_start3A_493 = arith.constant 0 : i32
        %dma_start3A_494 = tpu.memref_slice %arg7[%dma_start3A_492, %dma_start3A_493] : memref<10240x128xf32, #tpu.memory_space<vmem_shared>> -> memref<10240x128xf32, #tpu.memory_space<vmem_shared>>
        tpu.enqueue_indirect_dma source(%arg12 : memref<125x128xf32, #tpu.memory_space<vmem>>) target(%dma_start3A_494 : memref<10240x128xf32, #tpu.memory_space<vmem_shared>>) offsets(%dma_start3A_491 : memref<125xi32, #tpu.memory_space<vmem>>) semaphore(%run_scoped3A_488 : memref<!tpu.dma_semaphore, #tpu.memory_space<semaphore_mem>>) {add = true}
        %dma_wait3A_495 = arith.constant 0 : i32
        %dma_wait3A_496 = tpu.memref_slice %arg9[%run_scoped3A_125, %dma_wait3A_495] : memref<10x125xi32, #tpu.memory_space<vmem>> -> memref<1x125xi32, #tpu.memory_space<vmem>>
        %dma_wait3A_497 = tpu.memref_squeeze %dma_wait3A_496 : memref<1x125xi32, #tpu.memory_space<vmem>> -> memref<125xi32, #tpu.memory_space<vmem>>
        %dma_wait3A_498 = arith.constant 0 : i32
        %dma_wait3A_499 = arith.constant 0 : i32
        %dma_wait3A_500 = tpu.memref_slice %arg7[%dma_wait3A_498, %dma_wait3A_499] : memref<10240x128xf32, #tpu.memory_space<vmem_shared>> -> memref<10240x128xf32, #tpu.memory_space<vmem_shared>>
        tpu.wait_indirect_dma semaphore(%run_scoped3A_488 : memref<!tpu.dma_semaphore, #tpu.memory_space<semaphore_mem>>) src(%arg12 : memref<125x128xf32, #tpu.memory_space<vmem>>) dst(%dma_wait3A_500 : memref<10240x128xf32, #tpu.memory_space<vmem_shared>>)
        tpu.yield
      }) : () -> ()
      %add3A_126 = arith.constant 2 : i32
      %add3A_127 = arith.addi %add3A_117, %add3A_126 : i32
      %lt3A_128 = arith.constant 80 : i32
      %lt3A_129 = arith.cmpi slt, %add3A_127, %lt3A_128 : i32
      %convert_element_type3A_130 = arith.extui %lt3A_129 : i1 to i32
      %cond3A_131 = arith.constant 0 : i32
      %cond3A_132 = arith.cmpi ne, %convert_element_type3A_130, %cond3A_131 : i32
      scf.if %cond3A_132 {
        %dma_start3A_488 = arith.constant 4 : i32
        %dma_start3A_489 = arith.constant 0 : i32
        %dma_start3A_490 = tpu.memref_slice %arg8[%dma_start3A_488, %dma_start3A_489] : memref<10x125xi32, #tpu.memory_space<vmem>> -> memref<1x125xi32, #tpu.memory_space<vmem>>
        %dma_start3A_491 = tpu.memref_squeeze %dma_start3A_490 : memref<1x125xi32, #tpu.memory_space<vmem>> -> memref<125xi32, #tpu.memory_space<vmem>>
        %dma_start3A_492 = arith.constant 0 : i32
        %dma_start3A_493 = arith.constant 0 : i32
        %dma_start3A_494 = tpu.memref_slice %arg2[%dma_start3A_492, %dma_start3A_493] : memref<10240x128xf32, #tpu.memory_space<hbm>> -> memref<10240x128xf32, #tpu.memory_space<hbm>>
        tpu.enqueue_indirect_dma source(%dma_start3A_494 : memref<10240x128xf32, #tpu.memory_space<hbm>>) target(%arg12 : memref<125x128xf32, #tpu.memory_space<vmem>>) offsets(%dma_start3A_491 : memref<125xi32, #tpu.memory_space<vmem>>) semaphore(%arg14 : memref<!tpu.dma_semaphore, #tpu.memory_space<semaphore_mem>>)
      } else {
      }
      %mul3A_133 = arith.constant 10 : i32
      %mul3A_134 = arith.muli %add3A_79, %mul3A_133 : i32
      %add3A_135 = arith.constant 3 : i32
      %add3A_136 = arith.addi %mul3A_134, %add3A_135 : i32
      %dma_wait3A_137 = arith.constant 3 : i32
      %dma_wait3A_138 = arith.constant 0 : i32
      %dma_wait3A_139 = tpu.memref_slice %arg8[%dma_wait3A_137, %dma_wait3A_138] : memref<10x125xi32, #tpu.memory_space<vmem>> -> memref<1x125xi32, #tpu.memory_space<vmem>>
      %dma_wait3A_140 = tpu.memref_squeeze %dma_wait3A_139 : memref<1x125xi32, #tpu.memory_space<vmem>> -> memref<125xi32, #tpu.memory_space<vmem>>
      %dma_wait3A_141 = arith.constant 0 : i32
      %dma_wait3A_142 = arith.constant 0 : i32
      %dma_wait3A_143 = tpu.memref_slice %arg2[%dma_wait3A_141, %dma_wait3A_142] : memref<10240x128xf32, #tpu.memory_space<hbm>> -> memref<10240x128xf32, #tpu.memory_space<hbm>>
      tpu.wait_indirect_dma semaphore(%arg15 : memref<!tpu.dma_semaphore, #tpu.memory_space<semaphore_mem>>) src(%dma_wait3A_143 : memref<10240x128xf32, #tpu.memory_space<hbm>>) dst(%arg13 : memref<125x128xf32, #tpu.memory_space<vmem>>)
      %run_scoped3A_144 = arith.constant 3 : i32
      "tpu.region"() ({
        %run_scoped3A_488 = tpu.sem_alloc : memref<!tpu.dma_semaphore, #tpu.memory_space<semaphore_mem>>
        %dma_start3A_489 = arith.constant 0 : i32
        %dma_start3A_490 = tpu.memref_slice %arg9[%run_scoped3A_144, %dma_start3A_489] : memref<10x125xi32, #tpu.memory_space<vmem>> -> memref<1x125xi32, #tpu.memory_space<vmem>>
        %dma_start3A_491 = tpu.memref_squeeze %dma_start3A_490 : memref<1x125xi32, #tpu.memory_space<vmem>> -> memref<125xi32, #tpu.memory_space<vmem>>
        %dma_start3A_492 = arith.constant 0 : i32
        %dma_start3A_493 = arith.constant 0 : i32
        %dma_start3A_494 = tpu.memref_slice %arg7[%dma_start3A_492, %dma_start3A_493] : memref<10240x128xf32, #tpu.memory_space<vmem_shared>> -> memref<10240x128xf32, #tpu.memory_space<vmem_shared>>
        tpu.enqueue_indirect_dma source(%arg13 : memref<125x128xf32, #tpu.memory_space<vmem>>) target(%dma_start3A_494 : memref<10240x128xf32, #tpu.memory_space<vmem_shared>>) offsets(%dma_start3A_491 : memref<125xi32, #tpu.memory_space<vmem>>) semaphore(%run_scoped3A_488 : memref<!tpu.dma_semaphore, #tpu.memory_space<semaphore_mem>>) {add = true}
        %dma_wait3A_495 = arith.constant 0 : i32
        %dma_wait3A_496 = tpu.memref_slice %arg9[%run_scoped3A_144, %dma_wait3A_495] : memref<10x125xi32, #tpu.memory_space<vmem>> -> memref<1x125xi32, #tpu.memory_space<vmem>>
        %dma_wait3A_497 = tpu.memref_squeeze %dma_wait3A_496 : memref<1x125xi32, #tpu.memory_space<vmem>> -> memref<125xi32, #tpu.memory_space<vmem>>
        %dma_wait3A_498 = arith.constant 0 : i32
        %dma_wait3A_499 = arith.constant 0 : i32
        %dma_wait3A_500 = tpu.memref_slice %arg7[%dma_wait3A_498, %dma_wait3A_499] : memref<10240x128xf32, #tpu.memory_space<vmem_shared>> -> memref<10240x128xf32, #tpu.memory_space<vmem_shared>>
        tpu.wait_indirect_dma semaphore(%run_scoped3A_488 : memref<!tpu.dma_semaphore, #tpu.memory_space<semaphore_mem>>) src(%arg13 : memref<125x128xf32, #tpu.memory_space<vmem>>) dst(%dma_wait3A_500 : memref<10240x128xf32, #tpu.memory_space<vmem_shared>>)
        tpu.yield
      }) : () -> ()
      %add3A_145 = arith.constant 2 : i32
      %add3A_146 = arith.addi %add3A_136, %add3A_145 : i32
      %lt3A_147 = arith.constant 80 : i32
      %lt3A_148 = arith.cmpi slt, %add3A_146, %lt3A_147 : i32
      %convert_element_type3A_149 = arith.extui %lt3A_148 : i1 to i32
      %cond3A_150 = arith.constant 0 : i32
      %cond3A_151 = arith.cmpi ne, %convert_element_type3A_149, %cond3A_150 : i32
      scf.if %cond3A_151 {
        %dma_start3A_488 = arith.constant 5 : i32
        %dma_start3A_489 = arith.constant 0 : i32
        %dma_start3A_490 = tpu.memref_slice %arg8[%dma_start3A_488, %dma_start3A_489] : memref<10x125xi32, #tpu.memory_space<vmem>> -> memref<1x125xi32, #tpu.memory_space<vmem>>
        %dma_start3A_491 = tpu.memref_squeeze %dma_start3A_490 : memref<1x125xi32, #tpu.memory_space<vmem>> -> memref<125xi32, #tpu.memory_space<vmem>>
        %dma_start3A_492 = arith.constant 0 : i32
        %dma_start3A_493 = arith.constant 0 : i32
        %dma_start3A_494 = tpu.memref_slice %arg2[%dma_start3A_492, %dma_start3A_493] : memref<10240x128xf32, #tpu.memory_space<hbm>> -> memref<10240x128xf32, #tpu.memory_space<hbm>>
        tpu.enqueue_indirect_dma source(%dma_start3A_494 : memref<10240x128xf32, #tpu.memory_space<hbm>>) target(%arg13 : memref<125x128xf32, #tpu.memory_space<vmem>>) offsets(%dma_start3A_491 : memref<125xi32, #tpu.memory_space<vmem>>) semaphore(%arg15 : memref<!tpu.dma_semaphore, #tpu.memory_space<semaphore_mem>>)
      } else {
      }
      %mul3A_152 = arith.constant 10 : i32
      %mul3A_153 = arith.muli %add3A_79, %mul3A_152 : i32
      %add3A_154 = arith.constant 4 : i32
      %add3A_155 = arith.addi %mul3A_153, %add3A_154 : i32
      %dma_wait3A_156 = arith.constant 4 : i32
      %dma_wait3A_157 = arith.constant 0 : i32
      %dma_wait3A_158 = tpu.memref_slice %arg8[%dma_wait3A_156, %dma_wait3A_157] : memref<10x125xi32, #tpu.memory_space<vmem>> -> memref<1x125xi32, #tpu.memory_space<vmem>>
      %dma_wait3A_159 = tpu.memref_squeeze %dma_wait3A_158 : memref<1x125xi32, #tpu.memory_space<vmem>> -> memref<125xi32, #tpu.memory_space<vmem>>
      %dma_wait3A_160 = arith.constant 0 : i32
      %dma_wait3A_161 = arith.constant 0 : i32
      %dma_wait3A_162 = tpu.memref_slice %arg2[%dma_wait3A_160, %dma_wait3A_161] : memref<10240x128xf32, #tpu.memory_space<hbm>> -> memref<10240x128xf32, #tpu.memory_space<hbm>>
      tpu.wait_indirect_dma semaphore(%arg14 : memref<!tpu.dma_semaphore, #tpu.memory_space<semaphore_mem>>) src(%dma_wait3A_162 : memref<10240x128xf32, #tpu.memory_space<hbm>>) dst(%arg12 : memref<125x128xf32, #tpu.memory_space<vmem>>)
      %run_scoped3A_163 = arith.constant 4 : i32
      "tpu.region"() ({
        %run_scoped3A_488 = tpu.sem_alloc : memref<!tpu.dma_semaphore, #tpu.memory_space<semaphore_mem>>
        %dma_start3A_489 = arith.constant 0 : i32
        %dma_start3A_490 = tpu.memref_slice %arg9[%run_scoped3A_163, %dma_start3A_489] : memref<10x125xi32, #tpu.memory_space<vmem>> -> memref<1x125xi32, #tpu.memory_space<vmem>>
        %dma_start3A_491 = tpu.memref_squeeze %dma_start3A_490 : memref<1x125xi32, #tpu.memory_space<vmem>> -> memref<125xi32, #tpu.memory_space<vmem>>
        %dma_start3A_492 = arith.constant 0 : i32
        %dma_start3A_493 = arith.constant 0 : i32
        %dma_start3A_494 = tpu.memref_slice %arg7[%dma_start3A_492, %dma_start3A_493] : memref<10240x128xf32, #tpu.memory_space<vmem_shared>> -> memref<10240x128xf32, #tpu.memory_space<vmem_shared>>
        tpu.enqueue_indirect_dma source(%arg12 : memref<125x128xf32, #tpu.memory_space<vmem>>) target(%dma_start3A_494 : memref<10240x128xf32, #tpu.memory_space<vmem_shared>>) offsets(%dma_start3A_491 : memref<125xi32, #tpu.memory_space<vmem>>) semaphore(%run_scoped3A_488 : memref<!tpu.dma_semaphore, #tpu.memory_space<semaphore_mem>>) {add = true}
        %dma_wait3A_495 = arith.constant 0 : i32
        %dma_wait3A_496 = tpu.memref_slice %arg9[%run_scoped3A_163, %dma_wait3A_495] : memref<10x125xi32, #tpu.memory_space<vmem>> -> memref<1x125xi32, #tpu.memory_space<vmem>>
        %dma_wait3A_497 = tpu.memref_squeeze %dma_wait3A_496 : memref<1x125xi32, #tpu.memory_space<vmem>> -> memref<125xi32, #tpu.memory_space<vmem>>
        %dma_wait3A_498 = arith.constant 0 : i32
        %dma_wait3A_499 = arith.constant 0 : i32
        %dma_wait3A_500 = tpu.memref_slice %arg7[%dma_wait3A_498, %dma_wait3A_499] : memref<10240x128xf32, #tpu.memory_space<vmem_shared>> -> memref<10240x128xf32, #tpu.memory_space<vmem_shared>>
        tpu.wait_indirect_dma semaphore(%run_scoped3A_488 : memref<!tpu.dma_semaphore, #tpu.memory_space<semaphore_mem>>) src(%arg12 : memref<125x128xf32, #tpu.memory_space<vmem>>) dst(%dma_wait3A_500 : memref<10240x128xf32, #tpu.memory_space<vmem_shared>>)
        tpu.yield
      }) : () -> ()
      %add3A_164 = arith.constant 2 : i32
      %add3A_165 = arith.addi %add3A_155, %add3A_164 : i32
      %lt3A_166 = arith.constant 80 : i32
      %lt3A_167 = arith.cmpi slt, %add3A_165, %lt3A_166 : i32
      %convert_element_type3A_168 = arith.extui %lt3A_167 : i1 to i32
      %cond3A_169 = arith.constant 0 : i32
      %cond3A_170 = arith.cmpi ne, %convert_element_type3A_168, %cond3A_169 : i32
      scf.if %cond3A_170 {
        %dma_start3A_488 = arith.constant 6 : i32
        %dma_start3A_489 = arith.constant 0 : i32
        %dma_start3A_490 = tpu.memref_slice %arg8[%dma_start3A_488, %dma_start3A_489] : memref<10x125xi32, #tpu.memory_space<vmem>> -> memref<1x125xi32, #tpu.memory_space<vmem>>
        %dma_start3A_491 = tpu.memref_squeeze %dma_start3A_490 : memref<1x125xi32, #tpu.memory_space<vmem>> -> memref<125xi32, #tpu.memory_space<vmem>>
        %dma_start3A_492 = arith.constant 0 : i32
        %dma_start3A_493 = arith.constant 0 : i32
        %dma_start3A_494 = tpu.memref_slice %arg2[%dma_start3A_492, %dma_start3A_493] : memref<10240x128xf32, #tpu.memory_space<hbm>> -> memref<10240x128xf32, #tpu.memory_space<hbm>>
        tpu.enqueue_indirect_dma source(%dma_start3A_494 : memref<10240x128xf32, #tpu.memory_space<hbm>>) target(%arg12 : memref<125x128xf32, #tpu.memory_space<vmem>>) offsets(%dma_start3A_491 : memref<125xi32, #tpu.memory_space<vmem>>) semaphore(%arg14 : memref<!tpu.dma_semaphore, #tpu.memory_space<semaphore_mem>>)
      } else {
      }
      %mul3A_171 = arith.constant 10 : i32
      %mul3A_172 = arith.muli %add3A_79, %mul3A_171 : i32
      %add3A_173 = arith.constant 5 : i32
      %add3A_174 = arith.addi %mul3A_172, %add3A_173 : i32
      %dma_wait3A_175 = arith.constant 5 : i32
      %dma_wait3A_176 = arith.constant 0 : i32
      %dma_wait3A_177 = tpu.memref_slice %arg8[%dma_wait3A_175, %dma_wait3A_176] : memref<10x125xi32, #tpu.memory_space<vmem>> -> memref<1x125xi32, #tpu.memory_space<vmem>>
      %dma_wait3A_178 = tpu.memref_squeeze %dma_wait3A_177 : memref<1x125xi32, #tpu.memory_space<vmem>> -> memref<125xi32, #tpu.memory_space<vmem>>
      %dma_wait3A_179 = arith.constant 0 : i32
      %dma_wait3A_180 = arith.constant 0 : i32
      %dma_wait3A_181 = tpu.memref_slice %arg2[%dma_wait3A_179, %dma_wait3A_180] : memref<10240x128xf32, #tpu.memory_space<hbm>> -> memref<10240x128xf32, #tpu.memory_space<hbm>>
      tpu.wait_indirect_dma semaphore(%arg15 : memref<!tpu.dma_semaphore, #tpu.memory_space<semaphore_mem>>) src(%dma_wait3A_181 : memref<10240x128xf32, #tpu.memory_space<hbm>>) dst(%arg13 : memref<125x128xf32, #tpu.memory_space<vmem>>)
      %run_scoped3A_182 = arith.constant 5 : i32
      "tpu.region"() ({
        %run_scoped3A_488 = tpu.sem_alloc : memref<!tpu.dma_semaphore, #tpu.memory_space<semaphore_mem>>
        %dma_start3A_489 = arith.constant 0 : i32
        %dma_start3A_490 = tpu.memref_slice %arg9[%run_scoped3A_182, %dma_start3A_489] : memref<10x125xi32, #tpu.memory_space<vmem>> -> memref<1x125xi32, #tpu.memory_space<vmem>>
        %dma_start3A_491 = tpu.memref_squeeze %dma_start3A_490 : memref<1x125xi32, #tpu.memory_space<vmem>> -> memref<125xi32, #tpu.memory_space<vmem>>
        %dma_start3A_492 = arith.constant 0 : i32
        %dma_start3A_493 = arith.constant 0 : i32
        %dma_start3A_494 = tpu.memref_slice %arg7[%dma_start3A_492, %dma_start3A_493] : memref<10240x128xf32, #tpu.memory_space<vmem_shared>> -> memref<10240x128xf32, #tpu.memory_space<vmem_shared>>
        tpu.enqueue_indirect_dma source(%arg13 : memref<125x128xf32, #tpu.memory_space<vmem>>) target(%dma_start3A_494 : memref<10240x128xf32, #tpu.memory_space<vmem_shared>>) offsets(%dma_start3A_491 : memref<125xi32, #tpu.memory_space<vmem>>) semaphore(%run_scoped3A_488 : memref<!tpu.dma_semaphore, #tpu.memory_space<semaphore_mem>>) {add = true}
        %dma_wait3A_495 = arith.constant 0 : i32
        %dma_wait3A_496 = tpu.memref_slice %arg9[%run_scoped3A_182, %dma_wait3A_495] : memref<10x125xi32, #tpu.memory_space<vmem>> -> memref<1x125xi32, #tpu.memory_space<vmem>>
        %dma_wait3A_497 = tpu.memref_squeeze %dma_wait3A_496 : memref<1x125xi32, #tpu.memory_space<vmem>> -> memref<125xi32, #tpu.memory_space<vmem>>
        %dma_wait3A_498 = arith.constant 0 : i32
        %dma_wait3A_499 = arith.constant 0 : i32
        %dma_wait3A_500 = tpu.memref_slice %arg7[%dma_wait3A_498, %dma_wait3A_499] : memref<10240x128xf32, #tpu.memory_space<vmem_shared>> -> memref<10240x128xf32, #tpu.memory_space<vmem_shared>>
        tpu.wait_indirect_dma semaphore(%run_scoped3A_488 : memref<!tpu.dma_semaphore, #tpu.memory_space<semaphore_mem>>) src(%arg13 : memref<125x128xf32, #tpu.memory_space<vmem>>) dst(%dma_wait3A_500 : memref<10240x128xf32, #tpu.memory_space<vmem_shared>>)
        tpu.yield
      }) : () -> ()
      %add3A_183 = arith.constant 2 : i32
      %add3A_184 = arith.addi %add3A_174, %add3A_183 : i32
      %lt3A_185 = arith.constant 80 : i32
      %lt3A_186 = arith.cmpi slt, %add3A_184, %lt3A_185 : i32
      %convert_element_type3A_187 = arith.extui %lt3A_186 : i1 to i32
      %cond3A_188 = arith.constant 0 : i32
      %cond3A_189 = arith.cmpi ne, %convert_element_type3A_187, %cond3A_188 : i32
      scf.if %cond3A_189 {
        %dma_start3A_488 = arith.constant 7 : i32
        %dma_start3A_489 = arith.constant 0 : i32
        %dma_start3A_490 = tpu.memref_slice %arg8[%dma_start3A_488, %dma_start3A_489] : memref<10x125xi32, #tpu.memory_space<vmem>> -> memref<1x125xi32, #tpu.memory_space<vmem>>
        %dma_start3A_491 = tpu.memref_squeeze %dma_start3A_490 : memref<1x125xi32, #tpu.memory_space<vmem>> -> memref<125xi32, #tpu.memory_space<vmem>>
        %dma_start3A_492 = arith.constant 0 : i32
        %dma_start3A_493 = arith.constant 0 : i32
        %dma_start3A_494 = tpu.memref_slice %arg2[%dma_start3A_492, %dma_start3A_493] : memref<10240x128xf32, #tpu.memory_space<hbm>> -> memref<10240x128xf32, #tpu.memory_space<hbm>>
        tpu.enqueue_indirect_dma source(%dma_start3A_494 : memref<10240x128xf32, #tpu.memory_space<hbm>>) target(%arg13 : memref<125x128xf32, #tpu.memory_space<vmem>>) offsets(%dma_start3A_491 : memref<125xi32, #tpu.memory_space<vmem>>) semaphore(%arg15 : memref<!tpu.dma_semaphore, #tpu.memory_space<semaphore_mem>>)
      } else {
      }
      %mul3A_190 = arith.constant 10 : i32
      %mul3A_191 = arith.muli %add3A_79, %mul3A_190 : i32
      %add3A_192 = arith.constant 6 : i32
      %add3A_193 = arith.addi %mul3A_191, %add3A_192 : i32
      %dma_wait3A_194 = arith.constant 6 : i32
      %dma_wait3A_195 = arith.constant 0 : i32
      %dma_wait3A_196 = tpu.memref_slice %arg8[%dma_wait3A_194, %dma_wait3A_195] : memref<10x125xi32, #tpu.memory_space<vmem>> -> memref<1x125xi32, #tpu.memory_space<vmem>>
      %dma_wait3A_197 = tpu.memref_squeeze %dma_wait3A_196 : memref<1x125xi32, #tpu.memory_space<vmem>> -> memref<125xi32, #tpu.memory_space<vmem>>
      %dma_wait3A_198 = arith.constant 0 : i32
      %dma_wait3A_199 = arith.constant 0 : i32
      %dma_wait3A_200 = tpu.memref_slice %arg2[%dma_wait3A_198, %dma_wait3A_199] : memref<10240x128xf32, #tpu.memory_space<hbm>> -> memref<10240x128xf32, #tpu.memory_space<hbm>>
      tpu.wait_indirect_dma semaphore(%arg14 : memref<!tpu.dma_semaphore, #tpu.memory_space<semaphore_mem>>) src(%dma_wait3A_200 : memref<10240x128xf32, #tpu.memory_space<hbm>>) dst(%arg12 : memref<125x128xf32, #tpu.memory_space<vmem>>)
      %run_scoped3A_201 = arith.constant 6 : i32
      "tpu.region"() ({
        %run_scoped3A_488 = tpu.sem_alloc : memref<!tpu.dma_semaphore, #tpu.memory_space<semaphore_mem>>
        %dma_start3A_489 = arith.constant 0 : i32
        %dma_start3A_490 = tpu.memref_slice %arg9[%run_scoped3A_201, %dma_start3A_489] : memref<10x125xi32, #tpu.memory_space<vmem>> -> memref<1x125xi32, #tpu.memory_space<vmem>>
        %dma_start3A_491 = tpu.memref_squeeze %dma_start3A_490 : memref<1x125xi32, #tpu.memory_space<vmem>> -> memref<125xi32, #tpu.memory_space<vmem>>
        %dma_start3A_492 = arith.constant 0 : i32
        %dma_start3A_493 = arith.constant 0 : i32
        %dma_start3A_494 = tpu.memref_slice %arg7[%dma_start3A_492, %dma_start3A_493] : memref<10240x128xf32, #tpu.memory_space<vmem_shared>> -> memref<10240x128xf32, #tpu.memory_space<vmem_shared>>
        tpu.enqueue_indirect_dma source(%arg12 : memref<125x128xf32, #tpu.memory_space<vmem>>) target(%dma_start3A_494 : memref<10240x128xf32, #tpu.memory_space<vmem_shared>>) offsets(%dma_start3A_491 : memref<125xi32, #tpu.memory_space<vmem>>) semaphore(%run_scoped3A_488 : memref<!tpu.dma_semaphore, #tpu.memory_space<semaphore_mem>>) {add = true}
        %dma_wait3A_495 = arith.constant 0 : i32
        %dma_wait3A_496 = tpu.memref_slice %arg9[%run_scoped3A_201, %dma_wait3A_495] : memref<10x125xi32, #tpu.memory_space<vmem>> -> memref<1x125xi32, #tpu.memory_space<vmem>>
        %dma_wait3A_497 = tpu.memref_squeeze %dma_wait3A_496 : memref<1x125xi32, #tpu.memory_space<vmem>> -> memref<125xi32, #tpu.memory_space<vmem>>
        %dma_wait3A_498 = arith.constant 0 : i32
        %dma_wait3A_499 = arith.constant 0 : i32
        %dma_wait3A_500 = tpu.memref_slice %arg7[%dma_wait3A_498, %dma_wait3A_499] : memref<10240x128xf32, #tpu.memory_space<vmem_shared>> -> memref<10240x128xf32, #tpu.memory_space<vmem_shared>>
        tpu.wait_indirect_dma semaphore(%run_scoped3A_488 : memref<!tpu.dma_semaphore, #tpu.memory_space<semaphore_mem>>) src(%arg12 : memref<125x128xf32, #tpu.memory_space<vmem>>) dst(%dma_wait3A_500 : memref<10240x128xf32, #tpu.memory_space<vmem_shared>>)
        tpu.yield
      }) : () -> ()
      %add3A_202 = arith.constant 2 : i32
      %add3A_203 = arith.addi %add3A_193, %add3A_202 : i32
      %lt3A_204 = arith.constant 80 : i32
      %lt3A_205 = arith.cmpi slt, %add3A_203, %lt3A_204 : i32
      %convert_element_type3A_206 = arith.extui %lt3A_205 : i1 to i32
      %cond3A_207 = arith.constant 0 : i32
      %cond3A_208 = arith.cmpi ne, %convert_element_type3A_206, %cond3A_207 : i32
      scf.if %cond3A_208 {
        %dma_start3A_488 = arith.constant 8 : i32
        %dma_start3A_489 = arith.constant 0 : i32
        %dma_start3A_490 = tpu.memref_slice %arg8[%dma_start3A_488, %dma_start3A_489] : memref<10x125xi32, #tpu.memory_space<vmem>> -> memref<1x125xi32, #tpu.memory_space<vmem>>
        %dma_start3A_491 = tpu.memref_squeeze %dma_start3A_490 : memref<1x125xi32, #tpu.memory_space<vmem>> -> memref<125xi32, #tpu.memory_space<vmem>>
        %dma_start3A_492 = arith.constant 0 : i32
        %dma_start3A_493 = arith.constant 0 : i32
        %dma_start3A_494 = tpu.memref_slice %arg2[%dma_start3A_492, %dma_start3A_493] : memref<10240x128xf32, #tpu.memory_space<hbm>> -> memref<10240x128xf32, #tpu.memory_space<hbm>>
        tpu.enqueue_indirect_dma source(%dma_start3A_494 : memref<10240x128xf32, #tpu.memory_space<hbm>>) target(%arg12 : memref<125x128xf32, #tpu.memory_space<vmem>>) offsets(%dma_start3A_491 : memref<125xi32, #tpu.memory_space<vmem>>) semaphore(%arg14 : memref<!tpu.dma_semaphore, #tpu.memory_space<semaphore_mem>>)
      } else {
      }
      %mul3A_209 = arith.constant 10 : i32
      %mul3A_210 = arith.muli %add3A_79, %mul3A_209 : i32
      %add3A_211 = arith.constant 7 : i32
      %add3A_212 = arith.addi %mul3A_210, %add3A_211 : i32
      %dma_wait3A_213 = arith.constant 7 : i32
      %dma_wait3A_214 = arith.constant 0 : i32
      %dma_wait3A_215 = tpu.memref_slice %arg8[%dma_wait3A_213, %dma_wait3A_214] : memref<10x125xi32, #tpu.memory_space<vmem>> -> memref<1x125xi32, #tpu.memory_space<vmem>>
      %dma_wait3A_216 = tpu.memref_squeeze %dma_wait3A_215 : memref<1x125xi32, #tpu.memory_space<vmem>> -> memref<125xi32, #tpu.memory_space<vmem>>
      %dma_wait3A_217 = arith.constant 0 : i32
      %dma_wait3A_218 = arith.constant 0 : i32
      %dma_wait3A_219 = tpu.memref_slice %arg2[%dma_wait3A_217, %dma_wait3A_218] : memref<10240x128xf32, #tpu.memory_space<hbm>> -> memref<10240x128xf32, #tpu.memory_space<hbm>>
      tpu.wait_indirect_dma semaphore(%arg15 : memref<!tpu.dma_semaphore, #tpu.memory_space<semaphore_mem>>) src(%dma_wait3A_219 : memref<10240x128xf32, #tpu.memory_space<hbm>>) dst(%arg13 : memref<125x128xf32, #tpu.memory_space<vmem>>)
      %run_scoped3A_220 = arith.constant 7 : i32
      "tpu.region"() ({
        %run_scoped3A_488 = tpu.sem_alloc : memref<!tpu.dma_semaphore, #tpu.memory_space<semaphore_mem>>
        %dma_start3A_489 = arith.constant 0 : i32
        %dma_start3A_490 = tpu.memref_slice %arg9[%run_scoped3A_220, %dma_start3A_489] : memref<10x125xi32, #tpu.memory_space<vmem>> -> memref<1x125xi32, #tpu.memory_space<vmem>>
        %dma_start3A_491 = tpu.memref_squeeze %dma_start3A_490 : memref<1x125xi32, #tpu.memory_space<vmem>> -> memref<125xi32, #tpu.memory_space<vmem>>
        %dma_start3A_492 = arith.constant 0 : i32
        %dma_start3A_493 = arith.constant 0 : i32
        %dma_start3A_494 = tpu.memref_slice %arg7[%dma_start3A_492, %dma_start3A_493] : memref<10240x128xf32, #tpu.memory_space<vmem_shared>> -> memref<10240x128xf32, #tpu.memory_space<vmem_shared>>
        tpu.enqueue_indirect_dma source(%arg13 : memref<125x128xf32, #tpu.memory_space<vmem>>) target(%dma_start3A_494 : memref<10240x128xf32, #tpu.memory_space<vmem_shared>>) offsets(%dma_start3A_491 : memref<125xi32, #tpu.memory_space<vmem>>) semaphore(%run_scoped3A_488 : memref<!tpu.dma_semaphore, #tpu.memory_space<semaphore_mem>>) {add = true}
        %dma_wait3A_495 = arith.constant 0 : i32
        %dma_wait3A_496 = tpu.memref_slice %arg9[%run_scoped3A_220, %dma_wait3A_495] : memref<10x125xi32, #tpu.memory_space<vmem>> -> memref<1x125xi32, #tpu.memory_space<vmem>>
        %dma_wait3A_497 = tpu.memref_squeeze %dma_wait3A_496 : memref<1x125xi32, #tpu.memory_space<vmem>> -> memref<125xi32, #tpu.memory_space<vmem>>
        %dma_wait3A_498 = arith.constant 0 : i32
        %dma_wait3A_499 = arith.constant 0 : i32
        %dma_wait3A_500 = tpu.memref_slice %arg7[%dma_wait3A_498, %dma_wait3A_499] : memref<10240x128xf32, #tpu.memory_space<vmem_shared>> -> memref<10240x128xf32, #tpu.memory_space<vmem_shared>>
        tpu.wait_indirect_dma semaphore(%run_scoped3A_488 : memref<!tpu.dma_semaphore, #tpu.memory_space<semaphore_mem>>) src(%arg13 : memref<125x128xf32, #tpu.memory_space<vmem>>) dst(%dma_wait3A_500 : memref<10240x128xf32, #tpu.memory_space<vmem_shared>>)
        tpu.yield
      }) : () -> ()
      %add3A_221 = arith.constant 2 : i32
      %add3A_222 = arith.addi %add3A_212, %add3A_221 : i32
      %lt3A_223 = arith.constant 80 : i32
      %lt3A_224 = arith.cmpi slt, %add3A_222, %lt3A_223 : i32
      %convert_element_type3A_225 = arith.extui %lt3A_224 : i1 to i32
      %cond3A_226 = arith.constant 0 : i32
      %cond3A_227 = arith.cmpi ne, %convert_element_type3A_225, %cond3A_226 : i32
      scf.if %cond3A_227 {
        %dma_start3A_488 = arith.constant 9 : i32
        %dma_start3A_489 = arith.constant 0 : i32
        %dma_start3A_490 = tpu.memref_slice %arg8[%dma_start3A_488, %dma_start3A_489] : memref<10x125xi32, #tpu.memory_space<vmem>> -> memref<1x125xi32, #tpu.memory_space<vmem>>
        %dma_start3A_491 = tpu.memref_squeeze %dma_start3A_490 : memref<1x125xi32, #tpu.memory_space<vmem>> -> memref<125xi32, #tpu.memory_space<vmem>>
        %dma_start3A_492 = arith.constant 0 : i32
        %dma_start3A_493 = arith.constant 0 : i32
        %dma_start3A_494 = tpu.memref_slice %arg2[%dma_start3A_492, %dma_start3A_493] : memref<10240x128xf32, #tpu.memory_space<hbm>> -> memref<10240x128xf32, #tpu.memory_space<hbm>>
        tpu.enqueue_indirect_dma source(%dma_start3A_494 : memref<10240x128xf32, #tpu.memory_space<hbm>>) target(%arg13 : memref<125x128xf32, #tpu.memory_space<vmem>>) offsets(%dma_start3A_491 : memref<125xi32, #tpu.memory_space<vmem>>) semaphore(%arg15 : memref<!tpu.dma_semaphore, #tpu.memory_space<semaphore_mem>>)
      } else {
      }
      %mul3A_228 = arith.constant 10 : i32
      %mul3A_229 = arith.muli %add3A_79, %mul3A_228 : i32
      %add3A_230 = arith.constant 8 : i32
      %add3A_231 = arith.addi %mul3A_229, %add3A_230 : i32
      %dma_wait3A_232 = arith.constant 8 : i32
      %dma_wait3A_233 = arith.constant 0 : i32
      %dma_wait3A_234 = tpu.memref_slice %arg8[%dma_wait3A_232, %dma_wait3A_233] : memref<10x125xi32, #tpu.memory_space<vmem>> -> memref<1x125xi32, #tpu.memory_space<vmem>>
      %dma_wait3A_235 = tpu.memref_squeeze %dma_wait3A_234 : memref<1x125xi32, #tpu.memory_space<vmem>> -> memref<125xi32, #tpu.memory_space<vmem>>
      %dma_wait3A_236 = arith.constant 0 : i32
      %dma_wait3A_237 = arith.constant 0 : i32
      %dma_wait3A_238 = tpu.memref_slice %arg2[%dma_wait3A_236, %dma_wait3A_237] : memref<10240x128xf32, #tpu.memory_space<hbm>> -> memref<10240x128xf32, #tpu.memory_space<hbm>>
      tpu.wait_indirect_dma semaphore(%arg14 : memref<!tpu.dma_semaphore, #tpu.memory_space<semaphore_mem>>) src(%dma_wait3A_238 : memref<10240x128xf32, #tpu.memory_space<hbm>>) dst(%arg12 : memref<125x128xf32, #tpu.memory_space<vmem>>)
      %run_scoped3A_239 = arith.constant 8 : i32
      "tpu.region"() ({
        %run_scoped3A_488 = tpu.sem_alloc : memref<!tpu.dma_semaphore, #tpu.memory_space<semaphore_mem>>
        %dma_start3A_489 = arith.constant 0 : i32
        %dma_start3A_490 = tpu.memref_slice %arg9[%run_scoped3A_239, %dma_start3A_489] : memref<10x125xi32, #tpu.memory_space<vmem>> -> memref<1x125xi32, #tpu.memory_space<vmem>>
        %dma_start3A_491 = tpu.memref_squeeze %dma_start3A_490 : memref<1x125xi32, #tpu.memory_space<vmem>> -> memref<125xi32, #tpu.memory_space<vmem>>
        %dma_start3A_492 = arith.constant 0 : i32
        %dma_start3A_493 = arith.constant 0 : i32
        %dma_start3A_494 = tpu.memref_slice %arg7[%dma_start3A_492, %dma_start3A_493] : memref<10240x128xf32, #tpu.memory_space<vmem_shared>> -> memref<10240x128xf32, #tpu.memory_space<vmem_shared>>
        tpu.enqueue_indirect_dma source(%arg12 : memref<125x128xf32, #tpu.memory_space<vmem>>) target(%dma_start3A_494 : memref<10240x128xf32, #tpu.memory_space<vmem_shared>>) offsets(%dma_start3A_491 : memref<125xi32, #tpu.memory_space<vmem>>) semaphore(%run_scoped3A_488 : memref<!tpu.dma_semaphore, #tpu.memory_space<semaphore_mem>>) {add = true}
        %dma_wait3A_495 = arith.constant 0 : i32
        %dma_wait3A_496 = tpu.memref_slice %arg9[%run_scoped3A_239, %dma_wait3A_495] : memref<10x125xi32, #tpu.memory_space<vmem>> -> memref<1x125xi32, #tpu.memory_space<vmem>>
        %dma_wait3A_497 = tpu.memref_squeeze %dma_wait3A_496 : memref<1x125xi32, #tpu.memory_space<vmem>> -> memref<125xi32, #tpu.memory_space<vmem>>
        %dma_wait3A_498 = arith.constant 0 : i32
        %dma_wait3A_499 = arith.constant 0 : i32
        %dma_wait3A_500 = tpu.memref_slice %arg7[%dma_wait3A_498, %dma_wait3A_499] : memref<10240x128xf32, #tpu.memory_space<vmem_shared>> -> memref<10240x128xf32, #tpu.memory_space<vmem_shared>>
        tpu.wait_indirect_dma semaphore(%run_scoped3A_488 : memref<!tpu.dma_semaphore, #tpu.memory_space<semaphore_mem>>) src(%arg12 : memref<125x128xf32, #tpu.memory_space<vmem>>) dst(%dma_wait3A_500 : memref<10240x128xf32, #tpu.memory_space<vmem_shared>>)
        tpu.yield
      }) : () -> ()
      %add3A_240 = arith.constant 1 : i32
      %add3A_241 = arith.addi %add3A_79, %add3A_240 : i32
      %lt3A_242 = arith.constant 8 : i32
      %lt3A_243 = arith.cmpi slt, %add3A_241, %lt3A_242 : i32
      %convert_element_type3A_244 = arith.extui %lt3A_243 : i1 to i32
      %cond3A_245 = arith.constant 0 : i32
      %cond3A_246 = arith.cmpi ne, %convert_element_type3A_244, %cond3A_245 : i32
      scf.if %cond3A_246 {
        %add3A_488 = arith.constant 1 : i32
        %add3A_489 = arith.addi %add3A_79, %add3A_488 : i32
        %dma_wait3A_490 = arith.constant 0 : i32
        %dma_wait3A_491 = arith.constant 0 : i32
        %dma_wait3A_492 = tpu.memref_slice %arg3[%add3A, %add3A_489, %dma_wait3A_490, %dma_wait3A_491] : memref<32x8x10x125xi32, #tpu.memory_space<hbm>> -> memref<1x1x10x125xi32, #tpu.memory_space<hbm>>
        %dma_wait3A_493 = tpu.memref_squeeze %dma_wait3A_492 : memref<1x1x10x125xi32, #tpu.memory_space<hbm>> -> memref<10x125xi32, #tpu.memory_space<hbm>>
        %dma_wait3A_494 = arith.constant 0 : i32
        %dma_wait3A_495 = arith.constant 0 : i32
        %dma_wait3A_496 = tpu.memref_slice %arg3[%add3A, %add3A_489, %dma_wait3A_494, %dma_wait3A_495] : memref<32x8x10x125xi32, #tpu.memory_space<hbm>> -> memref<1x1x10x125xi32, #tpu.memory_space<hbm>>
        %dma_wait3A_497 = tpu.memref_squeeze %dma_wait3A_496 : memref<1x1x10x125xi32, #tpu.memory_space<hbm>> -> memref<10x125xi32, #tpu.memory_space<hbm>>
        tpu.wait_dma2 semaphore(%arg16 : memref<!tpu.dma_semaphore, #tpu.memory_space<semaphore_mem>>) src(%dma_wait3A_497 : memref<10x125xi32, #tpu.memory_space<hbm>>) dst(%arg10 : memref<10x125xi32, #tpu.memory_space<vmem>>)
        %dma_wait3A_498 = arith.constant 0 : i32
        %dma_wait3A_499 = arith.constant 0 : i32
        %dma_wait3A_500 = tpu.memref_slice %arg4[%add3A, %add3A_489, %dma_wait3A_498, %dma_wait3A_499] : memref<32x8x10x125xi32, #tpu.memory_space<hbm>> -> memref<1x1x10x125xi32, #tpu.memory_space<hbm>>
        %dma_wait3A_501 = tpu.memref_squeeze %dma_wait3A_500 : memref<1x1x10x125xi32, #tpu.memory_space<hbm>> -> memref<10x125xi32, #tpu.memory_space<hbm>>
        %dma_wait3A_502 = arith.constant 0 : i32
        %dma_wait3A_503 = arith.constant 0 : i32
        %dma_wait3A_504 = tpu.memref_slice %arg4[%add3A, %add3A_489, %dma_wait3A_502, %dma_wait3A_503] : memref<32x8x10x125xi32, #tpu.memory_space<hbm>> -> memref<1x1x10x125xi32, #tpu.memory_space<hbm>>
        %dma_wait3A_505 = tpu.memref_squeeze %dma_wait3A_504 : memref<1x1x10x125xi32, #tpu.memory_space<hbm>> -> memref<10x125xi32, #tpu.memory_space<hbm>>
        tpu.wait_dma2 semaphore(%arg16 : memref<!tpu.dma_semaphore, #tpu.memory_space<semaphore_mem>>) src(%dma_wait3A_505 : memref<10x125xi32, #tpu.memory_space<hbm>>) dst(%arg11 : memref<10x125xi32, #tpu.memory_space<vmem>>)
      } else {
      }
      %add3A_247 = arith.constant 2 : i32
      %add3A_248 = arith.addi %add3A_231, %add3A_247 : i32
      %lt3A_249 = arith.constant 80 : i32
      %lt3A_250 = arith.cmpi slt, %add3A_248, %lt3A_249 : i32
      %convert_element_type3A_251 = arith.extui %lt3A_250 : i1 to i32
      %cond3A_252 = arith.constant 0 : i32
      %cond3A_253 = arith.cmpi ne, %convert_element_type3A_251, %cond3A_252 : i32
      scf.if %cond3A_253 {
        %dma_start3A_488 = arith.constant 0 : i32
        %dma_start3A_489 = arith.constant 0 : i32
        %dma_start3A_490 = tpu.memref_slice %arg10[%dma_start3A_488, %dma_start3A_489] : memref<10x125xi32, #tpu.memory_space<vmem>> -> memref<1x125xi32, #tpu.memory_space<vmem>>
        %dma_start3A_491 = tpu.memref_squeeze %dma_start3A_490 : memref<1x125xi32, #tpu.memory_space<vmem>> -> memref<125xi32, #tpu.memory_space<vmem>>
        %dma_start3A_492 = arith.constant 0 : i32
        %dma_start3A_493 = arith.constant 0 : i32
        %dma_start3A_494 = tpu.memref_slice %arg2[%dma_start3A_492, %dma_start3A_493] : memref<10240x128xf32, #tpu.memory_space<hbm>> -> memref<10240x128xf32, #tpu.memory_space<hbm>>
        tpu.enqueue_indirect_dma source(%dma_start3A_494 : memref<10240x128xf32, #tpu.memory_space<hbm>>) target(%arg12 : memref<125x128xf32, #tpu.memory_space<vmem>>) offsets(%dma_start3A_491 : memref<125xi32, #tpu.memory_space<vmem>>) semaphore(%arg14 : memref<!tpu.dma_semaphore, #tpu.memory_space<semaphore_mem>>)
      } else {
      }
      %mul3A_254 = arith.constant 10 : i32
      %mul3A_255 = arith.muli %add3A_79, %mul3A_254 : i32
      %add3A_256 = arith.constant 9 : i32
      %add3A_257 = arith.addi %mul3A_255, %add3A_256 : i32
      %dma_wait3A_258 = arith.constant 9 : i32
      %dma_wait3A_259 = arith.constant 0 : i32
      %dma_wait3A_260 = tpu.memref_slice %arg8[%dma_wait3A_258, %dma_wait3A_259] : memref<10x125xi32, #tpu.memory_space<vmem>> -> memref<1x125xi32, #tpu.memory_space<vmem>>
      %dma_wait3A_261 = tpu.memref_squeeze %dma_wait3A_260 : memref<1x125xi32, #tpu.memory_space<vmem>> -> memref<125xi32, #tpu.memory_space<vmem>>
      %dma_wait3A_262 = arith.constant 0 : i32
      %dma_wait3A_263 = arith.constant 0 : i32
      %dma_wait3A_264 = tpu.memref_slice %arg2[%dma_wait3A_262, %dma_wait3A_263] : memref<10240x128xf32, #tpu.memory_space<hbm>> -> memref<10240x128xf32, #tpu.memory_space<hbm>>
      tpu.wait_indirect_dma semaphore(%arg15 : memref<!tpu.dma_semaphore, #tpu.memory_space<semaphore_mem>>) src(%dma_wait3A_264 : memref<10240x128xf32, #tpu.memory_space<hbm>>) dst(%arg13 : memref<125x128xf32, #tpu.memory_space<vmem>>)
      %run_scoped3A_265 = arith.constant 9 : i32
      "tpu.region"() ({
        %run_scoped3A_488 = tpu.sem_alloc : memref<!tpu.dma_semaphore, #tpu.memory_space<semaphore_mem>>
        %dma_start3A_489 = arith.constant 0 : i32
        %dma_start3A_490 = tpu.memref_slice %arg9[%run_scoped3A_265, %dma_start3A_489] : memref<10x125xi32, #tpu.memory_space<vmem>> -> memref<1x125xi32, #tpu.memory_space<vmem>>
        %dma_start3A_491 = tpu.memref_squeeze %dma_start3A_490 : memref<1x125xi32, #tpu.memory_space<vmem>> -> memref<125xi32, #tpu.memory_space<vmem>>
        %dma_start3A_492 = arith.constant 0 : i32
        %dma_start3A_493 = arith.constant 0 : i32
        %dma_start3A_494 = tpu.memref_slice %arg7[%dma_start3A_492, %dma_start3A_493] : memref<10240x128xf32, #tpu.memory_space<vmem_shared>> -> memref<10240x128xf32, #tpu.memory_space<vmem_shared>>
        tpu.enqueue_indirect_dma source(%arg13 : memref<125x128xf32, #tpu.memory_space<vmem>>) target(%dma_start3A_494 : memref<10240x128xf32, #tpu.memory_space<vmem_shared>>) offsets(%dma_start3A_491 : memref<125xi32, #tpu.memory_space<vmem>>) semaphore(%run_scoped3A_488 : memref<!tpu.dma_semaphore, #tpu.memory_space<semaphore_mem>>) {add = true}
        %dma_wait3A_495 = arith.constant 0 : i32
        %dma_wait3A_496 = tpu.memref_slice %arg9[%run_scoped3A_265, %dma_wait3A_495] : memref<10x125xi32, #tpu.memory_space<vmem>> -> memref<1x125xi32, #tpu.memory_space<vmem>>
        %dma_wait3A_497 = tpu.memref_squeeze %dma_wait3A_496 : memref<1x125xi32, #tpu.memory_space<vmem>> -> memref<125xi32, #tpu.memory_space<vmem>>
        %dma_wait3A_498 = arith.constant 0 : i32
        %dma_wait3A_499 = arith.constant 0 : i32
        %dma_wait3A_500 = tpu.memref_slice %arg7[%dma_wait3A_498, %dma_wait3A_499] : memref<10240x128xf32, #tpu.memory_space<vmem_shared>> -> memref<10240x128xf32, #tpu.memory_space<vmem_shared>>
        tpu.wait_indirect_dma semaphore(%run_scoped3A_488 : memref<!tpu.dma_semaphore, #tpu.memory_space<semaphore_mem>>) src(%arg13 : memref<125x128xf32, #tpu.memory_space<vmem>>) dst(%dma_wait3A_500 : memref<10240x128xf32, #tpu.memory_space<vmem_shared>>)
        tpu.yield
      }) : () -> ()
      %add3A_266 = arith.constant 2 : i32
      %add3A_267 = arith.addi %add3A_257, %add3A_266 : i32
      %lt3A_268 = arith.constant 80 : i32
      %lt3A_269 = arith.cmpi slt, %add3A_267, %lt3A_268 : i32
      %convert_element_type3A_270 = arith.extui %lt3A_269 : i1 to i32
      %cond3A_271 = arith.constant 0 : i32
      %cond3A_272 = arith.cmpi ne, %convert_element_type3A_270, %cond3A_271 : i32
      scf.if %cond3A_272 {
        %dma_start3A_488 = arith.constant 1 : i32
        %dma_start3A_489 = arith.constant 0 : i32
        %dma_start3A_490 = tpu.memref_slice %arg10[%dma_start3A_488, %dma_start3A_489] : memref<10x125xi32, #tpu.memory_space<vmem>> -> memref<1x125xi32, #tpu.memory_space<vmem>>
        %dma_start3A_491 = tpu.memref_squeeze %dma_start3A_490 : memref<1x125xi32, #tpu.memory_space<vmem>> -> memref<125xi32, #tpu.memory_space<vmem>>
        %dma_start3A_492 = arith.constant 0 : i32
        %dma_start3A_493 = arith.constant 0 : i32
        %dma_start3A_494 = tpu.memref_slice %arg2[%dma_start3A_492, %dma_start3A_493] : memref<10240x128xf32, #tpu.memory_space<hbm>> -> memref<10240x128xf32, #tpu.memory_space<hbm>>
        tpu.enqueue_indirect_dma source(%dma_start3A_494 : memref<10240x128xf32, #tpu.memory_space<hbm>>) target(%arg13 : memref<125x128xf32, #tpu.memory_space<vmem>>) offsets(%dma_start3A_491 : memref<125xi32, #tpu.memory_space<vmem>>) semaphore(%arg15 : memref<!tpu.dma_semaphore, #tpu.memory_space<semaphore_mem>>)
      } else {
      }
      %add3A_273 = arith.constant 2 : i32
      %add3A_274 = arith.addi %add3A_79, %add3A_273 : i32
      %lt3A_275 = arith.constant 8 : i32
      %lt3A_276 = arith.cmpi slt, %add3A_274, %lt3A_275 : i32
      %convert_element_type3A_277 = arith.extui %lt3A_276 : i1 to i32
      %cond3A_278 = arith.constant 0 : i32
      %cond3A_279 = arith.cmpi ne, %convert_element_type3A_277, %cond3A_278 : i32
      scf.if %cond3A_279 {
        %add3A_488 = arith.constant 2 : i32
        %add3A_489 = arith.addi %add3A_79, %add3A_488 : i32
        %dma_start3A_490 = arith.constant 0 : i32
        %dma_start3A_491 = arith.constant 0 : i32
        %dma_start3A_492 = tpu.memref_slice %arg3[%add3A, %add3A_489, %dma_start3A_490, %dma_start3A_491] : memref<32x8x10x125xi32, #tpu.memory_space<hbm>> -> memref<1x1x10x125xi32, #tpu.memory_space<hbm>>
        %dma_start3A_493 = tpu.memref_squeeze %dma_start3A_492 : memref<1x1x10x125xi32, #tpu.memory_space<hbm>> -> memref<10x125xi32, #tpu.memory_space<hbm>>
        %dma_start3A_494 = arith.constant 0 : i32
        %dma_start3A_495 = arith.constant 0 : i32
        %dma_start3A_496 = tpu.memref_slice %arg3[%add3A, %add3A_489, %dma_start3A_494, %dma_start3A_495] : memref<32x8x10x125xi32, #tpu.memory_space<hbm>> -> memref<1x1x10x125xi32, #tpu.memory_space<hbm>>
        %dma_start3A_497 = tpu.memref_squeeze %dma_start3A_496 : memref<1x1x10x125xi32, #tpu.memory_space<hbm>> -> memref<10x125xi32, #tpu.memory_space<hbm>>
        tpu.enqueue_dma source(%dma_start3A_497 : memref<10x125xi32, #tpu.memory_space<hbm>>) target(%arg8 : memref<10x125xi32, #tpu.memory_space<vmem>>) target_semaphore(%arg16 : memref<!tpu.dma_semaphore, #tpu.memory_space<semaphore_mem>>)
        %dma_start3A_498 = arith.constant 0 : i32
        %dma_start3A_499 = arith.constant 0 : i32
        %dma_start3A_500 = tpu.memref_slice %arg4[%add3A, %add3A_489, %dma_start3A_498, %dma_start3A_499] : memref<32x8x10x125xi32, #tpu.memory_space<hbm>> -> memref<1x1x10x125xi32, #tpu.memory_space<hbm>>
        %dma_start3A_501 = tpu.memref_squeeze %dma_start3A_500 : memref<1x1x10x125xi32, #tpu.memory_space<hbm>> -> memref<10x125xi32, #tpu.memory_space<hbm>>
        %dma_start3A_502 = arith.constant 0 : i32
        %dma_start3A_503 = arith.constant 0 : i32
        %dma_start3A_504 = tpu.memref_slice %arg4[%add3A, %add3A_489, %dma_start3A_502, %dma_start3A_503] : memref<32x8x10x125xi32, #tpu.memory_space<hbm>> -> memref<1x1x10x125xi32, #tpu.memory_space<hbm>>
        %dma_start3A_505 = tpu.memref_squeeze %dma_start3A_504 : memref<1x1x10x125xi32, #tpu.memory_space<hbm>> -> memref<10x125xi32, #tpu.memory_space<hbm>>
        tpu.enqueue_dma source(%dma_start3A_505 : memref<10x125xi32, #tpu.memory_space<hbm>>) target(%arg9 : memref<10x125xi32, #tpu.memory_space<vmem>>) target_semaphore(%arg16 : memref<!tpu.dma_semaphore, #tpu.memory_space<semaphore_mem>>)
      } else {
      }
      %mul3A_280 = arith.constant 2 : i32
      %mul3A_281 = arith.muli %mul3A_280, %scan3A_75 : i32
      %add3A_282 = arith.constant 1 : i32
      %add3A_283 = arith.addi %mul3A_281, %add3A_282 : i32
      %mul3A_284 = arith.constant 10 : i32
      %mul3A_285 = arith.muli %add3A_283, %mul3A_284 : i32
      %add3A_286 = arith.constant 0 : i32
      %add3A_287 = arith.addi %mul3A_285, %add3A_286 : i32
      %dma_wait3A_288 = arith.constant 0 : i32
      %dma_wait3A_289 = arith.constant 0 : i32
      %dma_wait3A_290 = tpu.memref_slice %arg10[%dma_wait3A_288, %dma_wait3A_289] : memref<10x125xi32, #tpu.memory_space<vmem>> -> memref<1x125xi32, #tpu.memory_space<vmem>>
      %dma_wait3A_291 = tpu.memref_squeeze %dma_wait3A_290 : memref<1x125xi32, #tpu.memory_space<vmem>> -> memref<125xi32, #tpu.memory_space<vmem>>
      %dma_wait3A_292 = arith.constant 0 : i32
      %dma_wait3A_293 = arith.constant 0 : i32
      %dma_wait3A_294 = tpu.memref_slice %arg2[%dma_wait3A_292, %dma_wait3A_293] : memref<10240x128xf32, #tpu.memory_space<hbm>> -> memref<10240x128xf32, #tpu.memory_space<hbm>>
      tpu.wait_indirect_dma semaphore(%arg14 : memref<!tpu.dma_semaphore, #tpu.memory_space<semaphore_mem>>) src(%dma_wait3A_294 : memref<10240x128xf32, #tpu.memory_space<hbm>>) dst(%arg12 : memref<125x128xf32, #tpu.memory_space<vmem>>)
      %run_scoped3A_295 = arith.constant 0 : i32
      "tpu.region"() ({
        %run_scoped3A_488 = tpu.sem_alloc : memref<!tpu.dma_semaphore, #tpu.memory_space<semaphore_mem>>
        %dma_start3A_489 = arith.constant 0 : i32
        %dma_start3A_490 = tpu.memref_slice %arg11[%run_scoped3A_295, %dma_start3A_489] : memref<10x125xi32, #tpu.memory_space<vmem>> -> memref<1x125xi32, #tpu.memory_space<vmem>>
        %dma_start3A_491 = tpu.memref_squeeze %dma_start3A_490 : memref<1x125xi32, #tpu.memory_space<vmem>> -> memref<125xi32, #tpu.memory_space<vmem>>
        %dma_start3A_492 = arith.constant 0 : i32
        %dma_start3A_493 = arith.constant 0 : i32
        %dma_start3A_494 = tpu.memref_slice %arg7[%dma_start3A_492, %dma_start3A_493] : memref<10240x128xf32, #tpu.memory_space<vmem_shared>> -> memref<10240x128xf32, #tpu.memory_space<vmem_shared>>
        tpu.enqueue_indirect_dma source(%arg12 : memref<125x128xf32, #tpu.memory_space<vmem>>) target(%dma_start3A_494 : memref<10240x128xf32, #tpu.memory_space<vmem_shared>>) offsets(%dma_start3A_491 : memref<125xi32, #tpu.memory_space<vmem>>) semaphore(%run_scoped3A_488 : memref<!tpu.dma_semaphore, #tpu.memory_space<semaphore_mem>>) {add = true}
        %dma_wait3A_495 = arith.constant 0 : i32
        %dma_wait3A_496 = tpu.memref_slice %arg11[%run_scoped3A_295, %dma_wait3A_495] : memref<10x125xi32, #tpu.memory_space<vmem>> -> memref<1x125xi32, #tpu.memory_space<vmem>>
        %dma_wait3A_497 = tpu.memref_squeeze %dma_wait3A_496 : memref<1x125xi32, #tpu.memory_space<vmem>> -> memref<125xi32, #tpu.memory_space<vmem>>
        %dma_wait3A_498 = arith.constant 0 : i32
        %dma_wait3A_499 = arith.constant 0 : i32
        %dma_wait3A_500 = tpu.memref_slice %arg7[%dma_wait3A_498, %dma_wait3A_499] : memref<10240x128xf32, #tpu.memory_space<vmem_shared>> -> memref<10240x128xf32, #tpu.memory_space<vmem_shared>>
        tpu.wait_indirect_dma semaphore(%run_scoped3A_488 : memref<!tpu.dma_semaphore, #tpu.memory_space<semaphore_mem>>) src(%arg12 : memref<125x128xf32, #tpu.memory_space<vmem>>) dst(%dma_wait3A_500 : memref<10240x128xf32, #tpu.memory_space<vmem_shared>>)
        tpu.yield
      }) : () -> ()
      %add3A_296 = arith.constant 2 : i32
      %add3A_297 = arith.addi %add3A_287, %add3A_296 : i32
      %lt3A_298 = arith.constant 80 : i32
      %lt3A_299 = arith.cmpi slt, %add3A_297, %lt3A_298 : i32
      %convert_element_type3A_300 = arith.extui %lt3A_299 : i1 to i32
      %cond3A_301 = arith.constant 0 : i32
      %cond3A_302 = arith.cmpi ne, %convert_element_type3A_300, %cond3A_301 : i32
      scf.if %cond3A_302 {
        %dma_start3A_488 = arith.constant 2 : i32
        %dma_start3A_489 = arith.constant 0 : i32
        %dma_start3A_490 = tpu.memref_slice %arg10[%dma_start3A_488, %dma_start3A_489] : memref<10x125xi32, #tpu.memory_space<vmem>> -> memref<1x125xi32, #tpu.memory_space<vmem>>
        %dma_start3A_491 = tpu.memref_squeeze %dma_start3A_490 : memref<1x125xi32, #tpu.memory_space<vmem>> -> memref<125xi32, #tpu.memory_space<vmem>>
        %dma_start3A_492 = arith.constant 0 : i32
        %dma_start3A_493 = arith.constant 0 : i32
        %dma_start3A_494 = tpu.memref_slice %arg2[%dma_start3A_492, %dma_start3A_493] : memref<10240x128xf32, #tpu.memory_space<hbm>> -> memref<10240x128xf32, #tpu.memory_space<hbm>>
        tpu.enqueue_indirect_dma source(%dma_start3A_494 : memref<10240x128xf32, #tpu.memory_space<hbm>>) target(%arg12 : memref<125x128xf32, #tpu.memory_space<vmem>>) offsets(%dma_start3A_491 : memref<125xi32, #tpu.memory_space<vmem>>) semaphore(%arg14 : memref<!tpu.dma_semaphore, #tpu.memory_space<semaphore_mem>>)
      } else {
      }
      %mul3A_303 = arith.constant 10 : i32
      %mul3A_304 = arith.muli %add3A_283, %mul3A_303 : i32
      %add3A_305 = arith.constant 1 : i32
      %add3A_306 = arith.addi %mul3A_304, %add3A_305 : i32
      %dma_wait3A_307 = arith.constant 1 : i32
      %dma_wait3A_308 = arith.constant 0 : i32
      %dma_wait3A_309 = tpu.memref_slice %arg10[%dma_wait3A_307, %dma_wait3A_308] : memref<10x125xi32, #tpu.memory_space<vmem>> -> memref<1x125xi32, #tpu.memory_space<vmem>>
      %dma_wait3A_310 = tpu.memref_squeeze %dma_wait3A_309 : memref<1x125xi32, #tpu.memory_space<vmem>> -> memref<125xi32, #tpu.memory_space<vmem>>
      %dma_wait3A_311 = arith.constant 0 : i32
      %dma_wait3A_312 = arith.constant 0 : i32
      %dma_wait3A_313 = tpu.memref_slice %arg2[%dma_wait3A_311, %dma_wait3A_312] : memref<10240x128xf32, #tpu.memory_space<hbm>> -> memref<10240x128xf32, #tpu.memory_space<hbm>>
      tpu.wait_indirect_dma semaphore(%arg15 : memref<!tpu.dma_semaphore, #tpu.memory_space<semaphore_mem>>) src(%dma_wait3A_313 : memref<10240x128xf32, #tpu.memory_space<hbm>>) dst(%arg13 : memref<125x128xf32, #tpu.memory_space<vmem>>)
      %run_scoped3A_314 = arith.constant 1 : i32
      "tpu.region"() ({
        %run_scoped3A_488 = tpu.sem_alloc : memref<!tpu.dma_semaphore, #tpu.memory_space<semaphore_mem>>
        %dma_start3A_489 = arith.constant 0 : i32
        %dma_start3A_490 = tpu.memref_slice %arg11[%run_scoped3A_314, %dma_start3A_489] : memref<10x125xi32, #tpu.memory_space<vmem>> -> memref<1x125xi32, #tpu.memory_space<vmem>>
        %dma_start3A_491 = tpu.memref_squeeze %dma_start3A_490 : memref<1x125xi32, #tpu.memory_space<vmem>> -> memref<125xi32, #tpu.memory_space<vmem>>
        %dma_start3A_492 = arith.constant 0 : i32
        %dma_start3A_493 = arith.constant 0 : i32
        %dma_start3A_494 = tpu.memref_slice %arg7[%dma_start3A_492, %dma_start3A_493] : memref<10240x128xf32, #tpu.memory_space<vmem_shared>> -> memref<10240x128xf32, #tpu.memory_space<vmem_shared>>
        tpu.enqueue_indirect_dma source(%arg13 : memref<125x128xf32, #tpu.memory_space<vmem>>) target(%dma_start3A_494 : memref<10240x128xf32, #tpu.memory_space<vmem_shared>>) offsets(%dma_start3A_491 : memref<125xi32, #tpu.memory_space<vmem>>) semaphore(%run_scoped3A_488 : memref<!tpu.dma_semaphore, #tpu.memory_space<semaphore_mem>>) {add = true}
        %dma_wait3A_495 = arith.constant 0 : i32
        %dma_wait3A_496 = tpu.memref_slice %arg11[%run_scoped3A_314, %dma_wait3A_495] : memref<10x125xi32, #tpu.memory_space<vmem>> -> memref<1x125xi32, #tpu.memory_space<vmem>>
        %dma_wait3A_497 = tpu.memref_squeeze %dma_wait3A_496 : memref<1x125xi32, #tpu.memory_space<vmem>> -> memref<125xi32, #tpu.memory_space<vmem>>
        %dma_wait3A_498 = arith.constant 0 : i32
        %dma_wait3A_499 = arith.constant 0 : i32
        %dma_wait3A_500 = tpu.memref_slice %arg7[%dma_wait3A_498, %dma_wait3A_499] : memref<10240x128xf32, #tpu.memory_space<vmem_shared>> -> memref<10240x128xf32, #tpu.memory_space<vmem_shared>>
        tpu.wait_indirect_dma semaphore(%run_scoped3A_488 : memref<!tpu.dma_semaphore, #tpu.memory_space<semaphore_mem>>) src(%arg13 : memref<125x128xf32, #tpu.memory_space<vmem>>) dst(%dma_wait3A_500 : memref<10240x128xf32, #tpu.memory_space<vmem_shared>>)
        tpu.yield
      }) : () -> ()
      %add3A_315 = arith.constant 2 : i32
      %add3A_316 = arith.addi %add3A_306, %add3A_315 : i32
      %lt3A_317 = arith.constant 80 : i32
      %lt3A_318 = arith.cmpi slt, %add3A_316, %lt3A_317 : i32
      %convert_element_type3A_319 = arith.extui %lt3A_318 : i1 to i32
      %cond3A_320 = arith.constant 0 : i32
      %cond3A_321 = arith.cmpi ne, %convert_element_type3A_319, %cond3A_320 : i32
      scf.if %cond3A_321 {
        %dma_start3A_488 = arith.constant 3 : i32
        %dma_start3A_489 = arith.constant 0 : i32
        %dma_start3A_490 = tpu.memref_slice %arg10[%dma_start3A_488, %dma_start3A_489] : memref<10x125xi32, #tpu.memory_space<vmem>> -> memref<1x125xi32, #tpu.memory_space<vmem>>
        %dma_start3A_491 = tpu.memref_squeeze %dma_start3A_490 : memref<1x125xi32, #tpu.memory_space<vmem>> -> memref<125xi32, #tpu.memory_space<vmem>>
        %dma_start3A_492 = arith.constant 0 : i32
        %dma_start3A_493 = arith.constant 0 : i32
        %dma_start3A_494 = tpu.memref_slice %arg2[%dma_start3A_492, %dma_start3A_493] : memref<10240x128xf32, #tpu.memory_space<hbm>> -> memref<10240x128xf32, #tpu.memory_space<hbm>>
        tpu.enqueue_indirect_dma source(%dma_start3A_494 : memref<10240x128xf32, #tpu.memory_space<hbm>>) target(%arg13 : memref<125x128xf32, #tpu.memory_space<vmem>>) offsets(%dma_start3A_491 : memref<125xi32, #tpu.memory_space<vmem>>) semaphore(%arg15 : memref<!tpu.dma_semaphore, #tpu.memory_space<semaphore_mem>>)
      } else {
      }
      %mul3A_322 = arith.constant 10 : i32
      %mul3A_323 = arith.muli %add3A_283, %mul3A_322 : i32
      %add3A_324 = arith.constant 2 : i32
      %add3A_325 = arith.addi %mul3A_323, %add3A_324 : i32
      %dma_wait3A_326 = arith.constant 2 : i32
      %dma_wait3A_327 = arith.constant 0 : i32
      %dma_wait3A_328 = tpu.memref_slice %arg10[%dma_wait3A_326, %dma_wait3A_327] : memref<10x125xi32, #tpu.memory_space<vmem>> -> memref<1x125xi32, #tpu.memory_space<vmem>>
      %dma_wait3A_329 = tpu.memref_squeeze %dma_wait3A_328 : memref<1x125xi32, #tpu.memory_space<vmem>> -> memref<125xi32, #tpu.memory_space<vmem>>
      %dma_wait3A_330 = arith.constant 0 : i32
      %dma_wait3A_331 = arith.constant 0 : i32
      %dma_wait3A_332 = tpu.memref_slice %arg2[%dma_wait3A_330, %dma_wait3A_331] : memref<10240x128xf32, #tpu.memory_space<hbm>> -> memref<10240x128xf32, #tpu.memory_space<hbm>>
      tpu.wait_indirect_dma semaphore(%arg14 : memref<!tpu.dma_semaphore, #tpu.memory_space<semaphore_mem>>) src(%dma_wait3A_332 : memref<10240x128xf32, #tpu.memory_space<hbm>>) dst(%arg12 : memref<125x128xf32, #tpu.memory_space<vmem>>)
      %run_scoped3A_333 = arith.constant 2 : i32
      "tpu.region"() ({
        %run_scoped3A_488 = tpu.sem_alloc : memref<!tpu.dma_semaphore, #tpu.memory_space<semaphore_mem>>
        %dma_start3A_489 = arith.constant 0 : i32
        %dma_start3A_490 = tpu.memref_slice %arg11[%run_scoped3A_333, %dma_start3A_489] : memref<10x125xi32, #tpu.memory_space<vmem>> -> memref<1x125xi32, #tpu.memory_space<vmem>>
        %dma_start3A_491 = tpu.memref_squeeze %dma_start3A_490 : memref<1x125xi32, #tpu.memory_space<vmem>> -> memref<125xi32, #tpu.memory_space<vmem>>
        %dma_start3A_492 = arith.constant 0 : i32
        %dma_start3A_493 = arith.constant 0 : i32
        %dma_start3A_494 = tpu.memref_slice %arg7[%dma_start3A_492, %dma_start3A_493] : memref<10240x128xf32, #tpu.memory_space<vmem_shared>> -> memref<10240x128xf32, #tpu.memory_space<vmem_shared>>
        tpu.enqueue_indirect_dma source(%arg12 : memref<125x128xf32, #tpu.memory_space<vmem>>) target(%dma_start3A_494 : memref<10240x128xf32, #tpu.memory_space<vmem_shared>>) offsets(%dma_start3A_491 : memref<125xi32, #tpu.memory_space<vmem>>) semaphore(%run_scoped3A_488 : memref<!tpu.dma_semaphore, #tpu.memory_space<semaphore_mem>>) {add = true}
        %dma_wait3A_495 = arith.constant 0 : i32
        %dma_wait3A_496 = tpu.memref_slice %arg11[%run_scoped3A_333, %dma_wait3A_495] : memref<10x125xi32, #tpu.memory_space<vmem>> -> memref<1x125xi32, #tpu.memory_space<vmem>>
        %dma_wait3A_497 = tpu.memref_squeeze %dma_wait3A_496 : memref<1x125xi32, #tpu.memory_space<vmem>> -> memref<125xi32, #tpu.memory_space<vmem>>
        %dma_wait3A_498 = arith.constant 0 : i32
        %dma_wait3A_499 = arith.constant 0 : i32
        %dma_wait3A_500 = tpu.memref_slice %arg7[%dma_wait3A_498, %dma_wait3A_499] : memref<10240x128xf32, #tpu.memory_space<vmem_shared>> -> memref<10240x128xf32, #tpu.memory_space<vmem_shared>>
        tpu.wait_indirect_dma semaphore(%run_scoped3A_488 : memref<!tpu.dma_semaphore, #tpu.memory_space<semaphore_mem>>) src(%arg12 : memref<125x128xf32, #tpu.memory_space<vmem>>) dst(%dma_wait3A_500 : memref<10240x128xf32, #tpu.memory_space<vmem_shared>>)
        tpu.yield
      }) : () -> ()
      %add3A_334 = arith.constant 2 : i32
      %add3A_335 = arith.addi %add3A_325, %add3A_334 : i32
      %lt3A_336 = arith.constant 80 : i32
      %lt3A_337 = arith.cmpi slt, %add3A_335, %lt3A_336 : i32
      %convert_element_type3A_338 = arith.extui %lt3A_337 : i1 to i32
      %cond3A_339 = arith.constant 0 : i32
      %cond3A_340 = arith.cmpi ne, %convert_element_type3A_338, %cond3A_339 : i32
      scf.if %cond3A_340 {
        %dma_start3A_488 = arith.constant 4 : i32
        %dma_start3A_489 = arith.constant 0 : i32
        %dma_start3A_490 = tpu.memref_slice %arg10[%dma_start3A_488, %dma_start3A_489] : memref<10x125xi32, #tpu.memory_space<vmem>> -> memref<1x125xi32, #tpu.memory_space<vmem>>
        %dma_start3A_491 = tpu.memref_squeeze %dma_start3A_490 : memref<1x125xi32, #tpu.memory_space<vmem>> -> memref<125xi32, #tpu.memory_space<vmem>>
        %dma_start3A_492 = arith.constant 0 : i32
        %dma_start3A_493 = arith.constant 0 : i32
        %dma_start3A_494 = tpu.memref_slice %arg2[%dma_start3A_492, %dma_start3A_493] : memref<10240x128xf32, #tpu.memory_space<hbm>> -> memref<10240x128xf32, #tpu.memory_space<hbm>>
        tpu.enqueue_indirect_dma source(%dma_start3A_494 : memref<10240x128xf32, #tpu.memory_space<hbm>>) target(%arg12 : memref<125x128xf32, #tpu.memory_space<vmem>>) offsets(%dma_start3A_491 : memref<125xi32, #tpu.memory_space<vmem>>) semaphore(%arg14 : memref<!tpu.dma_semaphore, #tpu.memory_space<semaphore_mem>>)
      } else {
      }
      %mul3A_341 = arith.constant 10 : i32
      %mul3A_342 = arith.muli %add3A_283, %mul3A_341 : i32
      %add3A_343 = arith.constant 3 : i32
      %add3A_344 = arith.addi %mul3A_342, %add3A_343 : i32
      %dma_wait3A_345 = arith.constant 3 : i32
      %dma_wait3A_346 = arith.constant 0 : i32
      %dma_wait3A_347 = tpu.memref_slice %arg10[%dma_wait3A_345, %dma_wait3A_346] : memref<10x125xi32, #tpu.memory_space<vmem>> -> memref<1x125xi32, #tpu.memory_space<vmem>>
      %dma_wait3A_348 = tpu.memref_squeeze %dma_wait3A_347 : memref<1x125xi32, #tpu.memory_space<vmem>> -> memref<125xi32, #tpu.memory_space<vmem>>
      %dma_wait3A_349 = arith.constant 0 : i32
      %dma_wait3A_350 = arith.constant 0 : i32
      %dma_wait3A_351 = tpu.memref_slice %arg2[%dma_wait3A_349, %dma_wait3A_350] : memref<10240x128xf32, #tpu.memory_space<hbm>> -> memref<10240x128xf32, #tpu.memory_space<hbm>>
      tpu.wait_indirect_dma semaphore(%arg15 : memref<!tpu.dma_semaphore, #tpu.memory_space<semaphore_mem>>) src(%dma_wait3A_351 : memref<10240x128xf32, #tpu.memory_space<hbm>>) dst(%arg13 : memref<125x128xf32, #tpu.memory_space<vmem>>)
      %run_scoped3A_352 = arith.constant 3 : i32
      "tpu.region"() ({
        %run_scoped3A_488 = tpu.sem_alloc : memref<!tpu.dma_semaphore, #tpu.memory_space<semaphore_mem>>
        %dma_start3A_489 = arith.constant 0 : i32
        %dma_start3A_490 = tpu.memref_slice %arg11[%run_scoped3A_352, %dma_start3A_489] : memref<10x125xi32, #tpu.memory_space<vmem>> -> memref<1x125xi32, #tpu.memory_space<vmem>>
        %dma_start3A_491 = tpu.memref_squeeze %dma_start3A_490 : memref<1x125xi32, #tpu.memory_space<vmem>> -> memref<125xi32, #tpu.memory_space<vmem>>
        %dma_start3A_492 = arith.constant 0 : i32
        %dma_start3A_493 = arith.constant 0 : i32
        %dma_start3A_494 = tpu.memref_slice %arg7[%dma_start3A_492, %dma_start3A_493] : memref<10240x128xf32, #tpu.memory_space<vmem_shared>> -> memref<10240x128xf32, #tpu.memory_space<vmem_shared>>
        tpu.enqueue_indirect_dma source(%arg13 : memref<125x128xf32, #tpu.memory_space<vmem>>) target(%dma_start3A_494 : memref<10240x128xf32, #tpu.memory_space<vmem_shared>>) offsets(%dma_start3A_491 : memref<125xi32, #tpu.memory_space<vmem>>) semaphore(%run_scoped3A_488 : memref<!tpu.dma_semaphore, #tpu.memory_space<semaphore_mem>>) {add = true}
        %dma_wait3A_495 = arith.constant 0 : i32
        %dma_wait3A_496 = tpu.memref_slice %arg11[%run_scoped3A_352, %dma_wait3A_495] : memref<10x125xi32, #tpu.memory_space<vmem>> -> memref<1x125xi32, #tpu.memory_space<vmem>>
        %dma_wait3A_497 = tpu.memref_squeeze %dma_wait3A_496 : memref<1x125xi32, #tpu.memory_space<vmem>> -> memref<125xi32, #tpu.memory_space<vmem>>
        %dma_wait3A_498 = arith.constant 0 : i32
        %dma_wait3A_499 = arith.constant 0 : i32
        %dma_wait3A_500 = tpu.memref_slice %arg7[%dma_wait3A_498, %dma_wait3A_499] : memref<10240x128xf32, #tpu.memory_space<vmem_shared>> -> memref<10240x128xf32, #tpu.memory_space<vmem_shared>>
        tpu.wait_indirect_dma semaphore(%run_scoped3A_488 : memref<!tpu.dma_semaphore, #tpu.memory_space<semaphore_mem>>) src(%arg13 : memref<125x128xf32, #tpu.memory_space<vmem>>) dst(%dma_wait3A_500 : memref<10240x128xf32, #tpu.memory_space<vmem_shared>>)
        tpu.yield
      }) : () -> ()
      %add3A_353 = arith.constant 2 : i32
      %add3A_354 = arith.addi %add3A_344, %add3A_353 : i32
      %lt3A_355 = arith.constant 80 : i32
      %lt3A_356 = arith.cmpi slt, %add3A_354, %lt3A_355 : i32
      %convert_element_type3A_357 = arith.extui %lt3A_356 : i1 to i32
      %cond3A_358 = arith.constant 0 : i32
      %cond3A_359 = arith.cmpi ne, %convert_element_type3A_357, %cond3A_358 : i32
      scf.if %cond3A_359 {
        %dma_start3A_488 = arith.constant 5 : i32
        %dma_start3A_489 = arith.constant 0 : i32
        %dma_start3A_490 = tpu.memref_slice %arg10[%dma_start3A_488, %dma_start3A_489] : memref<10x125xi32, #tpu.memory_space<vmem>> -> memref<1x125xi32, #tpu.memory_space<vmem>>
        %dma_start3A_491 = tpu.memref_squeeze %dma_start3A_490 : memref<1x125xi32, #tpu.memory_space<vmem>> -> memref<125xi32, #tpu.memory_space<vmem>>
        %dma_start3A_492 = arith.constant 0 : i32
        %dma_start3A_493 = arith.constant 0 : i32
        %dma_start3A_494 = tpu.memref_slice %arg2[%dma_start3A_492, %dma_start3A_493] : memref<10240x128xf32, #tpu.memory_space<hbm>> -> memref<10240x128xf32, #tpu.memory_space<hbm>>
        tpu.enqueue_indirect_dma source(%dma_start3A_494 : memref<10240x128xf32, #tpu.memory_space<hbm>>) target(%arg13 : memref<125x128xf32, #tpu.memory_space<vmem>>) offsets(%dma_start3A_491 : memref<125xi32, #tpu.memory_space<vmem>>) semaphore(%arg15 : memref<!tpu.dma_semaphore, #tpu.memory_space<semaphore_mem>>)
      } else {
      }
      %mul3A_360 = arith.constant 10 : i32
      %mul3A_361 = arith.muli %add3A_283, %mul3A_360 : i32
      %add3A_362 = arith.constant 4 : i32
      %add3A_363 = arith.addi %mul3A_361, %add3A_362 : i32
      %dma_wait3A_364 = arith.constant 4 : i32
      %dma_wait3A_365 = arith.constant 0 : i32
      %dma_wait3A_366 = tpu.memref_slice %arg10[%dma_wait3A_364, %dma_wait3A_365] : memref<10x125xi32, #tpu.memory_space<vmem>> -> memref<1x125xi32, #tpu.memory_space<vmem>>
      %dma_wait3A_367 = tpu.memref_squeeze %dma_wait3A_366 : memref<1x125xi32, #tpu.memory_space<vmem>> -> memref<125xi32, #tpu.memory_space<vmem>>
      %dma_wait3A_368 = arith.constant 0 : i32
      %dma_wait3A_369 = arith.constant 0 : i32
      %dma_wait3A_370 = tpu.memref_slice %arg2[%dma_wait3A_368, %dma_wait3A_369] : memref<10240x128xf32, #tpu.memory_space<hbm>> -> memref<10240x128xf32, #tpu.memory_space<hbm>>
      tpu.wait_indirect_dma semaphore(%arg14 : memref<!tpu.dma_semaphore, #tpu.memory_space<semaphore_mem>>) src(%dma_wait3A_370 : memref<10240x128xf32, #tpu.memory_space<hbm>>) dst(%arg12 : memref<125x128xf32, #tpu.memory_space<vmem>>)
      %run_scoped3A_371 = arith.constant 4 : i32
      "tpu.region"() ({
        %run_scoped3A_488 = tpu.sem_alloc : memref<!tpu.dma_semaphore, #tpu.memory_space<semaphore_mem>>
        %dma_start3A_489 = arith.constant 0 : i32
        %dma_start3A_490 = tpu.memref_slice %arg11[%run_scoped3A_371, %dma_start3A_489] : memref<10x125xi32, #tpu.memory_space<vmem>> -> memref<1x125xi32, #tpu.memory_space<vmem>>
        %dma_start3A_491 = tpu.memref_squeeze %dma_start3A_490 : memref<1x125xi32, #tpu.memory_space<vmem>> -> memref<125xi32, #tpu.memory_space<vmem>>
        %dma_start3A_492 = arith.constant 0 : i32
        %dma_start3A_493 = arith.constant 0 : i32
        %dma_start3A_494 = tpu.memref_slice %arg7[%dma_start3A_492, %dma_start3A_493] : memref<10240x128xf32, #tpu.memory_space<vmem_shared>> -> memref<10240x128xf32, #tpu.memory_space<vmem_shared>>
        tpu.enqueue_indirect_dma source(%arg12 : memref<125x128xf32, #tpu.memory_space<vmem>>) target(%dma_start3A_494 : memref<10240x128xf32, #tpu.memory_space<vmem_shared>>) offsets(%dma_start3A_491 : memref<125xi32, #tpu.memory_space<vmem>>) semaphore(%run_scoped3A_488 : memref<!tpu.dma_semaphore, #tpu.memory_space<semaphore_mem>>) {add = true}
        %dma_wait3A_495 = arith.constant 0 : i32
        %dma_wait3A_496 = tpu.memref_slice %arg11[%run_scoped3A_371, %dma_wait3A_495] : memref<10x125xi32, #tpu.memory_space<vmem>> -> memref<1x125xi32, #tpu.memory_space<vmem>>
        %dma_wait3A_497 = tpu.memref_squeeze %dma_wait3A_496 : memref<1x125xi32, #tpu.memory_space<vmem>> -> memref<125xi32, #tpu.memory_space<vmem>>
        %dma_wait3A_498 = arith.constant 0 : i32
        %dma_wait3A_499 = arith.constant 0 : i32
        %dma_wait3A_500 = tpu.memref_slice %arg7[%dma_wait3A_498, %dma_wait3A_499] : memref<10240x128xf32, #tpu.memory_space<vmem_shared>> -> memref<10240x128xf32, #tpu.memory_space<vmem_shared>>
        tpu.wait_indirect_dma semaphore(%run_scoped3A_488 : memref<!tpu.dma_semaphore, #tpu.memory_space<semaphore_mem>>) src(%arg12 : memref<125x128xf32, #tpu.memory_space<vmem>>) dst(%dma_wait3A_500 : memref<10240x128xf32, #tpu.memory_space<vmem_shared>>)
        tpu.yield
      }) : () -> ()
      %add3A_372 = arith.constant 2 : i32
      %add3A_373 = arith.addi %add3A_363, %add3A_372 : i32
      %lt3A_374 = arith.constant 80 : i32
      %lt3A_375 = arith.cmpi slt, %add3A_373, %lt3A_374 : i32
      %convert_element_type3A_376 = arith.extui %lt3A_375 : i1 to i32
      %cond3A_377 = arith.constant 0 : i32
      %cond3A_378 = arith.cmpi ne, %convert_element_type3A_376, %cond3A_377 : i32
      scf.if %cond3A_378 {
        %dma_start3A_488 = arith.constant 6 : i32
        %dma_start3A_489 = arith.constant 0 : i32
        %dma_start3A_490 = tpu.memref_slice %arg10[%dma_start3A_488, %dma_start3A_489] : memref<10x125xi32, #tpu.memory_space<vmem>> -> memref<1x125xi32, #tpu.memory_space<vmem>>
        %dma_start3A_491 = tpu.memref_squeeze %dma_start3A_490 : memref<1x125xi32, #tpu.memory_space<vmem>> -> memref<125xi32, #tpu.memory_space<vmem>>
        %dma_start3A_492 = arith.constant 0 : i32
        %dma_start3A_493 = arith.constant 0 : i32
        %dma_start3A_494 = tpu.memref_slice %arg2[%dma_start3A_492, %dma_start3A_493] : memref<10240x128xf32, #tpu.memory_space<hbm>> -> memref<10240x128xf32, #tpu.memory_space<hbm>>
        tpu.enqueue_indirect_dma source(%dma_start3A_494 : memref<10240x128xf32, #tpu.memory_space<hbm>>) target(%arg12 : memref<125x128xf32, #tpu.memory_space<vmem>>) offsets(%dma_start3A_491 : memref<125xi32, #tpu.memory_space<vmem>>) semaphore(%arg14 : memref<!tpu.dma_semaphore, #tpu.memory_space<semaphore_mem>>)
      } else {
      }
      %mul3A_379 = arith.constant 10 : i32
      %mul3A_380 = arith.muli %add3A_283, %mul3A_379 : i32
      %add3A_381 = arith.constant 5 : i32
      %add3A_382 = arith.addi %mul3A_380, %add3A_381 : i32
      %dma_wait3A_383 = arith.constant 5 : i32
      %dma_wait3A_384 = arith.constant 0 : i32
      %dma_wait3A_385 = tpu.memref_slice %arg10[%dma_wait3A_383, %dma_wait3A_384] : memref<10x125xi32, #tpu.memory_space<vmem>> -> memref<1x125xi32, #tpu.memory_space<vmem>>
      %dma_wait3A_386 = tpu.memref_squeeze %dma_wait3A_385 : memref<1x125xi32, #tpu.memory_space<vmem>> -> memref<125xi32, #tpu.memory_space<vmem>>
      %dma_wait3A_387 = arith.constant 0 : i32
      %dma_wait3A_388 = arith.constant 0 : i32
      %dma_wait3A_389 = tpu.memref_slice %arg2[%dma_wait3A_387, %dma_wait3A_388] : memref<10240x128xf32, #tpu.memory_space<hbm>> -> memref<10240x128xf32, #tpu.memory_space<hbm>>
      tpu.wait_indirect_dma semaphore(%arg15 : memref<!tpu.dma_semaphore, #tpu.memory_space<semaphore_mem>>) src(%dma_wait3A_389 : memref<10240x128xf32, #tpu.memory_space<hbm>>) dst(%arg13 : memref<125x128xf32, #tpu.memory_space<vmem>>)
      %run_scoped3A_390 = arith.constant 5 : i32
      "tpu.region"() ({
        %run_scoped3A_488 = tpu.sem_alloc : memref<!tpu.dma_semaphore, #tpu.memory_space<semaphore_mem>>
        %dma_start3A_489 = arith.constant 0 : i32
        %dma_start3A_490 = tpu.memref_slice %arg11[%run_scoped3A_390, %dma_start3A_489] : memref<10x125xi32, #tpu.memory_space<vmem>> -> memref<1x125xi32, #tpu.memory_space<vmem>>
        %dma_start3A_491 = tpu.memref_squeeze %dma_start3A_490 : memref<1x125xi32, #tpu.memory_space<vmem>> -> memref<125xi32, #tpu.memory_space<vmem>>
        %dma_start3A_492 = arith.constant 0 : i32
        %dma_start3A_493 = arith.constant 0 : i32
        %dma_start3A_494 = tpu.memref_slice %arg7[%dma_start3A_492, %dma_start3A_493] : memref<10240x128xf32, #tpu.memory_space<vmem_shared>> -> memref<10240x128xf32, #tpu.memory_space<vmem_shared>>
        tpu.enqueue_indirect_dma source(%arg13 : memref<125x128xf32, #tpu.memory_space<vmem>>) target(%dma_start3A_494 : memref<10240x128xf32, #tpu.memory_space<vmem_shared>>) offsets(%dma_start3A_491 : memref<125xi32, #tpu.memory_space<vmem>>) semaphore(%run_scoped3A_488 : memref<!tpu.dma_semaphore, #tpu.memory_space<semaphore_mem>>) {add = true}
        %dma_wait3A_495 = arith.constant 0 : i32
        %dma_wait3A_496 = tpu.memref_slice %arg11[%run_scoped3A_390, %dma_wait3A_495] : memref<10x125xi32, #tpu.memory_space<vmem>> -> memref<1x125xi32, #tpu.memory_space<vmem>>
        %dma_wait3A_497 = tpu.memref_squeeze %dma_wait3A_496 : memref<1x125xi32, #tpu.memory_space<vmem>> -> memref<125xi32, #tpu.memory_space<vmem>>
        %dma_wait3A_498 = arith.constant 0 : i32
        %dma_wait3A_499 = arith.constant 0 : i32
        %dma_wait3A_500 = tpu.memref_slice %arg7[%dma_wait3A_498, %dma_wait3A_499] : memref<10240x128xf32, #tpu.memory_space<vmem_shared>> -> memref<10240x128xf32, #tpu.memory_space<vmem_shared>>
        tpu.wait_indirect_dma semaphore(%run_scoped3A_488 : memref<!tpu.dma_semaphore, #tpu.memory_space<semaphore_mem>>) src(%arg13 : memref<125x128xf32, #tpu.memory_space<vmem>>) dst(%dma_wait3A_500 : memref<10240x128xf32, #tpu.memory_space<vmem_shared>>)
        tpu.yield
      }) : () -> ()
      %add3A_391 = arith.constant 2 : i32
      %add3A_392 = arith.addi %add3A_382, %add3A_391 : i32
      %lt3A_393 = arith.constant 80 : i32
      %lt3A_394 = arith.cmpi slt, %add3A_392, %lt3A_393 : i32
      %convert_element_type3A_395 = arith.extui %lt3A_394 : i1 to i32
      %cond3A_396 = arith.constant 0 : i32
      %cond3A_397 = arith.cmpi ne, %convert_element_type3A_395, %cond3A_396 : i32
      scf.if %cond3A_397 {
        %dma_start3A_488 = arith.constant 7 : i32
        %dma_start3A_489 = arith.constant 0 : i32
        %dma_start3A_490 = tpu.memref_slice %arg10[%dma_start3A_488, %dma_start3A_489] : memref<10x125xi32, #tpu.memory_space<vmem>> -> memref<1x125xi32, #tpu.memory_space<vmem>>
        %dma_start3A_491 = tpu.memref_squeeze %dma_start3A_490 : memref<1x125xi32, #tpu.memory_space<vmem>> -> memref<125xi32, #tpu.memory_space<vmem>>
        %dma_start3A_492 = arith.constant 0 : i32
        %dma_start3A_493 = arith.constant 0 : i32
        %dma_start3A_494 = tpu.memref_slice %arg2[%dma_start3A_492, %dma_start3A_493] : memref<10240x128xf32, #tpu.memory_space<hbm>> -> memref<10240x128xf32, #tpu.memory_space<hbm>>
        tpu.enqueue_indirect_dma source(%dma_start3A_494 : memref<10240x128xf32, #tpu.memory_space<hbm>>) target(%arg13 : memref<125x128xf32, #tpu.memory_space<vmem>>) offsets(%dma_start3A_491 : memref<125xi32, #tpu.memory_space<vmem>>) semaphore(%arg15 : memref<!tpu.dma_semaphore, #tpu.memory_space<semaphore_mem>>)
      } else {
      }
      %mul3A_398 = arith.constant 10 : i32
      %mul3A_399 = arith.muli %add3A_283, %mul3A_398 : i32
      %add3A_400 = arith.constant 6 : i32
      %add3A_401 = arith.addi %mul3A_399, %add3A_400 : i32
      %dma_wait3A_402 = arith.constant 6 : i32
      %dma_wait3A_403 = arith.constant 0 : i32
      %dma_wait3A_404 = tpu.memref_slice %arg10[%dma_wait3A_402, %dma_wait3A_403] : memref<10x125xi32, #tpu.memory_space<vmem>> -> memref<1x125xi32, #tpu.memory_space<vmem>>
      %dma_wait3A_405 = tpu.memref_squeeze %dma_wait3A_404 : memref<1x125xi32, #tpu.memory_space<vmem>> -> memref<125xi32, #tpu.memory_space<vmem>>
      %dma_wait3A_406 = arith.constant 0 : i32
      %dma_wait3A_407 = arith.constant 0 : i32
      %dma_wait3A_408 = tpu.memref_slice %arg2[%dma_wait3A_406, %dma_wait3A_407] : memref<10240x128xf32, #tpu.memory_space<hbm>> -> memref<10240x128xf32, #tpu.memory_space<hbm>>
      tpu.wait_indirect_dma semaphore(%arg14 : memref<!tpu.dma_semaphore, #tpu.memory_space<semaphore_mem>>) src(%dma_wait3A_408 : memref<10240x128xf32, #tpu.memory_space<hbm>>) dst(%arg12 : memref<125x128xf32, #tpu.memory_space<vmem>>)
      %run_scoped3A_409 = arith.constant 6 : i32
      "tpu.region"() ({
        %run_scoped3A_488 = tpu.sem_alloc : memref<!tpu.dma_semaphore, #tpu.memory_space<semaphore_mem>>
        %dma_start3A_489 = arith.constant 0 : i32
        %dma_start3A_490 = tpu.memref_slice %arg11[%run_scoped3A_409, %dma_start3A_489] : memref<10x125xi32, #tpu.memory_space<vmem>> -> memref<1x125xi32, #tpu.memory_space<vmem>>
        %dma_start3A_491 = tpu.memref_squeeze %dma_start3A_490 : memref<1x125xi32, #tpu.memory_space<vmem>> -> memref<125xi32, #tpu.memory_space<vmem>>
        %dma_start3A_492 = arith.constant 0 : i32
        %dma_start3A_493 = arith.constant 0 : i32
        %dma_start3A_494 = tpu.memref_slice %arg7[%dma_start3A_492, %dma_start3A_493] : memref<10240x128xf32, #tpu.memory_space<vmem_shared>> -> memref<10240x128xf32, #tpu.memory_space<vmem_shared>>
        tpu.enqueue_indirect_dma source(%arg12 : memref<125x128xf32, #tpu.memory_space<vmem>>) target(%dma_start3A_494 : memref<10240x128xf32, #tpu.memory_space<vmem_shared>>) offsets(%dma_start3A_491 : memref<125xi32, #tpu.memory_space<vmem>>) semaphore(%run_scoped3A_488 : memref<!tpu.dma_semaphore, #tpu.memory_space<semaphore_mem>>) {add = true}
        %dma_wait3A_495 = arith.constant 0 : i32
        %dma_wait3A_496 = tpu.memref_slice %arg11[%run_scoped3A_409, %dma_wait3A_495] : memref<10x125xi32, #tpu.memory_space<vmem>> -> memref<1x125xi32, #tpu.memory_space<vmem>>
        %dma_wait3A_497 = tpu.memref_squeeze %dma_wait3A_496 : memref<1x125xi32, #tpu.memory_space<vmem>> -> memref<125xi32, #tpu.memory_space<vmem>>
        %dma_wait3A_498 = arith.constant 0 : i32
        %dma_wait3A_499 = arith.constant 0 : i32
        %dma_wait3A_500 = tpu.memref_slice %arg7[%dma_wait3A_498, %dma_wait3A_499] : memref<10240x128xf32, #tpu.memory_space<vmem_shared>> -> memref<10240x128xf32, #tpu.memory_space<vmem_shared>>
        tpu.wait_indirect_dma semaphore(%run_scoped3A_488 : memref<!tpu.dma_semaphore, #tpu.memory_space<semaphore_mem>>) src(%arg12 : memref<125x128xf32, #tpu.memory_space<vmem>>) dst(%dma_wait3A_500 : memref<10240x128xf32, #tpu.memory_space<vmem_shared>>)
        tpu.yield
      }) : () -> ()
      %add3A_410 = arith.constant 2 : i32
      %add3A_411 = arith.addi %add3A_401, %add3A_410 : i32
      %lt3A_412 = arith.constant 80 : i32
      %lt3A_413 = arith.cmpi slt, %add3A_411, %lt3A_412 : i32
      %convert_element_type3A_414 = arith.extui %lt3A_413 : i1 to i32
      %cond3A_415 = arith.constant 0 : i32
      %cond3A_416 = arith.cmpi ne, %convert_element_type3A_414, %cond3A_415 : i32
      scf.if %cond3A_416 {
        %dma_start3A_488 = arith.constant 8 : i32
        %dma_start3A_489 = arith.constant 0 : i32
        %dma_start3A_490 = tpu.memref_slice %arg10[%dma_start3A_488, %dma_start3A_489] : memref<10x125xi32, #tpu.memory_space<vmem>> -> memref<1x125xi32, #tpu.memory_space<vmem>>
        %dma_start3A_491 = tpu.memref_squeeze %dma_start3A_490 : memref<1x125xi32, #tpu.memory_space<vmem>> -> memref<125xi32, #tpu.memory_space<vmem>>
        %dma_start3A_492 = arith.constant 0 : i32
        %dma_start3A_493 = arith.constant 0 : i32
        %dma_start3A_494 = tpu.memref_slice %arg2[%dma_start3A_492, %dma_start3A_493] : memref<10240x128xf32, #tpu.memory_space<hbm>> -> memref<10240x128xf32, #tpu.memory_space<hbm>>
        tpu.enqueue_indirect_dma source(%dma_start3A_494 : memref<10240x128xf32, #tpu.memory_space<hbm>>) target(%arg12 : memref<125x128xf32, #tpu.memory_space<vmem>>) offsets(%dma_start3A_491 : memref<125xi32, #tpu.memory_space<vmem>>) semaphore(%arg14 : memref<!tpu.dma_semaphore, #tpu.memory_space<semaphore_mem>>)
      } else {
      }
      %mul3A_417 = arith.constant 10 : i32
      %mul3A_418 = arith.muli %add3A_283, %mul3A_417 : i32
      %add3A_419 = arith.constant 7 : i32
      %add3A_420 = arith.addi %mul3A_418, %add3A_419 : i32
      %dma_wait3A_421 = arith.constant 7 : i32
      %dma_wait3A_422 = arith.constant 0 : i32
      %dma_wait3A_423 = tpu.memref_slice %arg10[%dma_wait3A_421, %dma_wait3A_422] : memref<10x125xi32, #tpu.memory_space<vmem>> -> memref<1x125xi32, #tpu.memory_space<vmem>>
      %dma_wait3A_424 = tpu.memref_squeeze %dma_wait3A_423 : memref<1x125xi32, #tpu.memory_space<vmem>> -> memref<125xi32, #tpu.memory_space<vmem>>
      %dma_wait3A_425 = arith.constant 0 : i32
      %dma_wait3A_426 = arith.constant 0 : i32
      %dma_wait3A_427 = tpu.memref_slice %arg2[%dma_wait3A_425, %dma_wait3A_426] : memref<10240x128xf32, #tpu.memory_space<hbm>> -> memref<10240x128xf32, #tpu.memory_space<hbm>>
      tpu.wait_indirect_dma semaphore(%arg15 : memref<!tpu.dma_semaphore, #tpu.memory_space<semaphore_mem>>) src(%dma_wait3A_427 : memref<10240x128xf32, #tpu.memory_space<hbm>>) dst(%arg13 : memref<125x128xf32, #tpu.memory_space<vmem>>)
      %run_scoped3A_428 = arith.constant 7 : i32
      "tpu.region"() ({
        %run_scoped3A_488 = tpu.sem_alloc : memref<!tpu.dma_semaphore, #tpu.memory_space<semaphore_mem>>
        %dma_start3A_489 = arith.constant 0 : i32
        %dma_start3A_490 = tpu.memref_slice %arg11[%run_scoped3A_428, %dma_start3A_489] : memref<10x125xi32, #tpu.memory_space<vmem>> -> memref<1x125xi32, #tpu.memory_space<vmem>>
        %dma_start3A_491 = tpu.memref_squeeze %dma_start3A_490 : memref<1x125xi32, #tpu.memory_space<vmem>> -> memref<125xi32, #tpu.memory_space<vmem>>
        %dma_start3A_492 = arith.constant 0 : i32
        %dma_start3A_493 = arith.constant 0 : i32
        %dma_start3A_494 = tpu.memref_slice %arg7[%dma_start3A_492, %dma_start3A_493] : memref<10240x128xf32, #tpu.memory_space<vmem_shared>> -> memref<10240x128xf32, #tpu.memory_space<vmem_shared>>
        tpu.enqueue_indirect_dma source(%arg13 : memref<125x128xf32, #tpu.memory_space<vmem>>) target(%dma_start3A_494 : memref<10240x128xf32, #tpu.memory_space<vmem_shared>>) offsets(%dma_start3A_491 : memref<125xi32, #tpu.memory_space<vmem>>) semaphore(%run_scoped3A_488 : memref<!tpu.dma_semaphore, #tpu.memory_space<semaphore_mem>>) {add = true}
        %dma_wait3A_495 = arith.constant 0 : i32
        %dma_wait3A_496 = tpu.memref_slice %arg11[%run_scoped3A_428, %dma_wait3A_495] : memref<10x125xi32, #tpu.memory_space<vmem>> -> memref<1x125xi32, #tpu.memory_space<vmem>>
        %dma_wait3A_497 = tpu.memref_squeeze %dma_wait3A_496 : memref<1x125xi32, #tpu.memory_space<vmem>> -> memref<125xi32, #tpu.memory_space<vmem>>
        %dma_wait3A_498 = arith.constant 0 : i32
        %dma_wait3A_499 = arith.constant 0 : i32
        %dma_wait3A_500 = tpu.memref_slice %arg7[%dma_wait3A_498, %dma_wait3A_499] : memref<10240x128xf32, #tpu.memory_space<vmem_shared>> -> memref<10240x128xf32, #tpu.memory_space<vmem_shared>>
        tpu.wait_indirect_dma semaphore(%run_scoped3A_488 : memref<!tpu.dma_semaphore, #tpu.memory_space<semaphore_mem>>) src(%arg13 : memref<125x128xf32, #tpu.memory_space<vmem>>) dst(%dma_wait3A_500 : memref<10240x128xf32, #tpu.memory_space<vmem_shared>>)
        tpu.yield
      }) : () -> ()
      %add3A_429 = arith.constant 2 : i32
      %add3A_430 = arith.addi %add3A_420, %add3A_429 : i32
      %lt3A_431 = arith.constant 80 : i32
      %lt3A_432 = arith.cmpi slt, %add3A_430, %lt3A_431 : i32
      %convert_element_type3A_433 = arith.extui %lt3A_432 : i1 to i32
      %cond3A_434 = arith.constant 0 : i32
      %cond3A_435 = arith.cmpi ne, %convert_element_type3A_433, %cond3A_434 : i32
      scf.if %cond3A_435 {
        %dma_start3A_488 = arith.constant 9 : i32
        %dma_start3A_489 = arith.constant 0 : i32
        %dma_start3A_490 = tpu.memref_slice %arg10[%dma_start3A_488, %dma_start3A_489] : memref<10x125xi32, #tpu.memory_space<vmem>> -> memref<1x125xi32, #tpu.memory_space<vmem>>
        %dma_start3A_491 = tpu.memref_squeeze %dma_start3A_490 : memref<1x125xi32, #tpu.memory_space<vmem>> -> memref<125xi32, #tpu.memory_space<vmem>>
        %dma_start3A_492 = arith.constant 0 : i32
        %dma_start3A_493 = arith.constant 0 : i32
        %dma_start3A_494 = tpu.memref_slice %arg2[%dma_start3A_492, %dma_start3A_493] : memref<10240x128xf32, #tpu.memory_space<hbm>> -> memref<10240x128xf32, #tpu.memory_space<hbm>>
        tpu.enqueue_indirect_dma source(%dma_start3A_494 : memref<10240x128xf32, #tpu.memory_space<hbm>>) target(%arg13 : memref<125x128xf32, #tpu.memory_space<vmem>>) offsets(%dma_start3A_491 : memref<125xi32, #tpu.memory_space<vmem>>) semaphore(%arg15 : memref<!tpu.dma_semaphore, #tpu.memory_space<semaphore_mem>>)
      } else {
      }
      %mul3A_436 = arith.constant 10 : i32
      %mul3A_437 = arith.muli %add3A_283, %mul3A_436 : i32
      %add3A_438 = arith.constant 8 : i32
      %add3A_439 = arith.addi %mul3A_437, %add3A_438 : i32
      %dma_wait3A_440 = arith.constant 8 : i32
      %dma_wait3A_441 = arith.constant 0 : i32
      %dma_wait3A_442 = tpu.memref_slice %arg10[%dma_wait3A_440, %dma_wait3A_441] : memref<10x125xi32, #tpu.memory_space<vmem>> -> memref<1x125xi32, #tpu.memory_space<vmem>>
      %dma_wait3A_443 = tpu.memref_squeeze %dma_wait3A_442 : memref<1x125xi32, #tpu.memory_space<vmem>> -> memref<125xi32, #tpu.memory_space<vmem>>
      %dma_wait3A_444 = arith.constant 0 : i32
      %dma_wait3A_445 = arith.constant 0 : i32
      %dma_wait3A_446 = tpu.memref_slice %arg2[%dma_wait3A_444, %dma_wait3A_445] : memref<10240x128xf32, #tpu.memory_space<hbm>> -> memref<10240x128xf32, #tpu.memory_space<hbm>>
      tpu.wait_indirect_dma semaphore(%arg14 : memref<!tpu.dma_semaphore, #tpu.memory_space<semaphore_mem>>) src(%dma_wait3A_446 : memref<10240x128xf32, #tpu.memory_space<hbm>>) dst(%arg12 : memref<125x128xf32, #tpu.memory_space<vmem>>)
      %run_scoped3A_447 = arith.constant 8 : i32
      "tpu.region"() ({
        %run_scoped3A_488 = tpu.sem_alloc : memref<!tpu.dma_semaphore, #tpu.memory_space<semaphore_mem>>
        %dma_start3A_489 = arith.constant 0 : i32
        %dma_start3A_490 = tpu.memref_slice %arg11[%run_scoped3A_447, %dma_start3A_489] : memref<10x125xi32, #tpu.memory_space<vmem>> -> memref<1x125xi32, #tpu.memory_space<vmem>>
        %dma_start3A_491 = tpu.memref_squeeze %dma_start3A_490 : memref<1x125xi32, #tpu.memory_space<vmem>> -> memref<125xi32, #tpu.memory_space<vmem>>
        %dma_start3A_492 = arith.constant 0 : i32
        %dma_start3A_493 = arith.constant 0 : i32
        %dma_start3A_494 = tpu.memref_slice %arg7[%dma_start3A_492, %dma_start3A_493] : memref<10240x128xf32, #tpu.memory_space<vmem_shared>> -> memref<10240x128xf32, #tpu.memory_space<vmem_shared>>
        tpu.enqueue_indirect_dma source(%arg12 : memref<125x128xf32, #tpu.memory_space<vmem>>) target(%dma_start3A_494 : memref<10240x128xf32, #tpu.memory_space<vmem_shared>>) offsets(%dma_start3A_491 : memref<125xi32, #tpu.memory_space<vmem>>) semaphore(%run_scoped3A_488 : memref<!tpu.dma_semaphore, #tpu.memory_space<semaphore_mem>>) {add = true}
        %dma_wait3A_495 = arith.constant 0 : i32
        %dma_wait3A_496 = tpu.memref_slice %arg11[%run_scoped3A_447, %dma_wait3A_495] : memref<10x125xi32, #tpu.memory_space<vmem>> -> memref<1x125xi32, #tpu.memory_space<vmem>>
        %dma_wait3A_497 = tpu.memref_squeeze %dma_wait3A_496 : memref<1x125xi32, #tpu.memory_space<vmem>> -> memref<125xi32, #tpu.memory_space<vmem>>
        %dma_wait3A_498 = arith.constant 0 : i32
        %dma_wait3A_499 = arith.constant 0 : i32
        %dma_wait3A_500 = tpu.memref_slice %arg7[%dma_wait3A_498, %dma_wait3A_499] : memref<10240x128xf32, #tpu.memory_space<vmem_shared>> -> memref<10240x128xf32, #tpu.memory_space<vmem_shared>>
        tpu.wait_indirect_dma semaphore(%run_scoped3A_488 : memref<!tpu.dma_semaphore, #tpu.memory_space<semaphore_mem>>) src(%arg12 : memref<125x128xf32, #tpu.memory_space<vmem>>) dst(%dma_wait3A_500 : memref<10240x128xf32, #tpu.memory_space<vmem_shared>>)
        tpu.yield
      }) : () -> ()
      %add3A_448 = arith.constant 1 : i32
      %add3A_449 = arith.addi %add3A_283, %add3A_448 : i32
      %lt3A_450 = arith.constant 8 : i32
      %lt3A_451 = arith.cmpi slt, %add3A_449, %lt3A_450 : i32
      %convert_element_type3A_452 = arith.extui %lt3A_451 : i1 to i32
      %cond3A_453 = arith.constant 0 : i32
      %cond3A_454 = arith.cmpi ne, %convert_element_type3A_452, %cond3A_453 : i32
      scf.if %cond3A_454 {
        %add3A_488 = arith.constant 1 : i32
        %add3A_489 = arith.addi %add3A_283, %add3A_488 : i32
        %dma_wait3A_490 = arith.constant 0 : i32
        %dma_wait3A_491 = arith.constant 0 : i32
        %dma_wait3A_492 = tpu.memref_slice %arg3[%add3A, %add3A_489, %dma_wait3A_490, %dma_wait3A_491] : memref<32x8x10x125xi32, #tpu.memory_space<hbm>> -> memref<1x1x10x125xi32, #tpu.memory_space<hbm>>
        %dma_wait3A_493 = tpu.memref_squeeze %dma_wait3A_492 : memref<1x1x10x125xi32, #tpu.memory_space<hbm>> -> memref<10x125xi32, #tpu.memory_space<hbm>>
        %dma_wait3A_494 = arith.constant 0 : i32
        %dma_wait3A_495 = arith.constant 0 : i32
        %dma_wait3A_496 = tpu.memref_slice %arg3[%add3A, %add3A_489, %dma_wait3A_494, %dma_wait3A_495] : memref<32x8x10x125xi32, #tpu.memory_space<hbm>> -> memref<1x1x10x125xi32, #tpu.memory_space<hbm>>
        %dma_wait3A_497 = tpu.memref_squeeze %dma_wait3A_496 : memref<1x1x10x125xi32, #tpu.memory_space<hbm>> -> memref<10x125xi32, #tpu.memory_space<hbm>>
        tpu.wait_dma2 semaphore(%arg16 : memref<!tpu.dma_semaphore, #tpu.memory_space<semaphore_mem>>) src(%dma_wait3A_497 : memref<10x125xi32, #tpu.memory_space<hbm>>) dst(%arg8 : memref<10x125xi32, #tpu.memory_space<vmem>>)
        %dma_wait3A_498 = arith.constant 0 : i32
        %dma_wait3A_499 = arith.constant 0 : i32
        %dma_wait3A_500 = tpu.memref_slice %arg4[%add3A, %add3A_489, %dma_wait3A_498, %dma_wait3A_499] : memref<32x8x10x125xi32, #tpu.memory_space<hbm>> -> memref<1x1x10x125xi32, #tpu.memory_space<hbm>>
        %dma_wait3A_501 = tpu.memref_squeeze %dma_wait3A_500 : memref<1x1x10x125xi32, #tpu.memory_space<hbm>> -> memref<10x125xi32, #tpu.memory_space<hbm>>
        %dma_wait3A_502 = arith.constant 0 : i32
        %dma_wait3A_503 = arith.constant 0 : i32
        %dma_wait3A_504 = tpu.memref_slice %arg4[%add3A, %add3A_489, %dma_wait3A_502, %dma_wait3A_503] : memref<32x8x10x125xi32, #tpu.memory_space<hbm>> -> memref<1x1x10x125xi32, #tpu.memory_space<hbm>>
        %dma_wait3A_505 = tpu.memref_squeeze %dma_wait3A_504 : memref<1x1x10x125xi32, #tpu.memory_space<hbm>> -> memref<10x125xi32, #tpu.memory_space<hbm>>
        tpu.wait_dma2 semaphore(%arg16 : memref<!tpu.dma_semaphore, #tpu.memory_space<semaphore_mem>>) src(%dma_wait3A_505 : memref<10x125xi32, #tpu.memory_space<hbm>>) dst(%arg9 : memref<10x125xi32, #tpu.memory_space<vmem>>)
      } else {
      }
      %add3A_455 = arith.constant 2 : i32
      %add3A_456 = arith.addi %add3A_439, %add3A_455 : i32
      %lt3A_457 = arith.constant 80 : i32
      %lt3A_458 = arith.cmpi slt, %add3A_456, %lt3A_457 : i32
      %convert_element_type3A_459 = arith.extui %lt3A_458 : i1 to i32
      %cond3A_460 = arith.constant 0 : i32
      %cond3A_461 = arith.cmpi ne, %convert_element_type3A_459, %cond3A_460 : i32
      scf.if %cond3A_461 {
        %dma_start3A_488 = arith.constant 0 : i32
        %dma_start3A_489 = arith.constant 0 : i32
        %dma_start3A_490 = tpu.memref_slice %arg8[%dma_start3A_488, %dma_start3A_489] : memref<10x125xi32, #tpu.memory_space<vmem>> -> memref<1x125xi32, #tpu.memory_space<vmem>>
        %dma_start3A_491 = tpu.memref_squeeze %dma_start3A_490 : memref<1x125xi32, #tpu.memory_space<vmem>> -> memref<125xi32, #tpu.memory_space<vmem>>
        %dma_start3A_492 = arith.constant 0 : i32
        %dma_start3A_493 = arith.constant 0 : i32
        %dma_start3A_494 = tpu.memref_slice %arg2[%dma_start3A_492, %dma_start3A_493] : memref<10240x128xf32, #tpu.memory_space<hbm>> -> memref<10240x128xf32, #tpu.memory_space<hbm>>
        tpu.enqueue_indirect_dma source(%dma_start3A_494 : memref<10240x128xf32, #tpu.memory_space<hbm>>) target(%arg12 : memref<125x128xf32, #tpu.memory_space<vmem>>) offsets(%dma_start3A_491 : memref<125xi32, #tpu.memory_space<vmem>>) semaphore(%arg14 : memref<!tpu.dma_semaphore, #tpu.memory_space<semaphore_mem>>)
      } else {
      }
      %mul3A_462 = arith.constant 10 : i32
      %mul3A_463 = arith.muli %add3A_283, %mul3A_462 : i32
      %add3A_464 = arith.constant 9 : i32
      %add3A_465 = arith.addi %mul3A_463, %add3A_464 : i32
      %dma_wait3A_466 = arith.constant 9 : i32
      %dma_wait3A_467 = arith.constant 0 : i32
      %dma_wait3A_468 = tpu.memref_slice %arg10[%dma_wait3A_466, %dma_wait3A_467] : memref<10x125xi32, #tpu.memory_space<vmem>> -> memref<1x125xi32, #tpu.memory_space<vmem>>
      %dma_wait3A_469 = tpu.memref_squeeze %dma_wait3A_468 : memref<1x125xi32, #tpu.memory_space<vmem>> -> memref<125xi32, #tpu.memory_space<vmem>>
      %dma_wait3A_470 = arith.constant 0 : i32
      %dma_wait3A_471 = arith.constant 0 : i32
      %dma_wait3A_472 = tpu.memref_slice %arg2[%dma_wait3A_470, %dma_wait3A_471] : memref<10240x128xf32, #tpu.memory_space<hbm>> -> memref<10240x128xf32, #tpu.memory_space<hbm>>
      tpu.wait_indirect_dma semaphore(%arg15 : memref<!tpu.dma_semaphore, #tpu.memory_space<semaphore_mem>>) src(%dma_wait3A_472 : memref<10240x128xf32, #tpu.memory_space<hbm>>) dst(%arg13 : memref<125x128xf32, #tpu.memory_space<vmem>>)
      %run_scoped3A_473 = arith.constant 9 : i32
      "tpu.region"() ({
        %run_scoped3A_488 = tpu.sem_alloc : memref<!tpu.dma_semaphore, #tpu.memory_space<semaphore_mem>>
        %dma_start3A_489 = arith.constant 0 : i32
        %dma_start3A_490 = tpu.memref_slice %arg11[%run_scoped3A_473, %dma_start3A_489] : memref<10x125xi32, #tpu.memory_space<vmem>> -> memref<1x125xi32, #tpu.memory_space<vmem>>
        %dma_start3A_491 = tpu.memref_squeeze %dma_start3A_490 : memref<1x125xi32, #tpu.memory_space<vmem>> -> memref<125xi32, #tpu.memory_space<vmem>>
        %dma_start3A_492 = arith.constant 0 : i32
        %dma_start3A_493 = arith.constant 0 : i32
        %dma_start3A_494 = tpu.memref_slice %arg7[%dma_start3A_492, %dma_start3A_493] : memref<10240x128xf32, #tpu.memory_space<vmem_shared>> -> memref<10240x128xf32, #tpu.memory_space<vmem_shared>>
        tpu.enqueue_indirect_dma source(%arg13 : memref<125x128xf32, #tpu.memory_space<vmem>>) target(%dma_start3A_494 : memref<10240x128xf32, #tpu.memory_space<vmem_shared>>) offsets(%dma_start3A_491 : memref<125xi32, #tpu.memory_space<vmem>>) semaphore(%run_scoped3A_488 : memref<!tpu.dma_semaphore, #tpu.memory_space<semaphore_mem>>) {add = true}
        %dma_wait3A_495 = arith.constant 0 : i32
        %dma_wait3A_496 = tpu.memref_slice %arg11[%run_scoped3A_473, %dma_wait3A_495] : memref<10x125xi32, #tpu.memory_space<vmem>> -> memref<1x125xi32, #tpu.memory_space<vmem>>
        %dma_wait3A_497 = tpu.memref_squeeze %dma_wait3A_496 : memref<1x125xi32, #tpu.memory_space<vmem>> -> memref<125xi32, #tpu.memory_space<vmem>>
        %dma_wait3A_498 = arith.constant 0 : i32
        %dma_wait3A_499 = arith.constant 0 : i32
        %dma_wait3A_500 = tpu.memref_slice %arg7[%dma_wait3A_498, %dma_wait3A_499] : memref<10240x128xf32, #tpu.memory_space<vmem_shared>> -> memref<10240x128xf32, #tpu.memory_space<vmem_shared>>
        tpu.wait_indirect_dma semaphore(%run_scoped3A_488 : memref<!tpu.dma_semaphore, #tpu.memory_space<semaphore_mem>>) src(%arg13 : memref<125x128xf32, #tpu.memory_space<vmem>>) dst(%dma_wait3A_500 : memref<10240x128xf32, #tpu.memory_space<vmem_shared>>)
        tpu.yield
      }) : () -> ()
      %add3A_474 = arith.constant 2 : i32
      %add3A_475 = arith.addi %add3A_465, %add3A_474 : i32
      %lt3A_476 = arith.constant 80 : i32
      %lt3A_477 = arith.cmpi slt, %add3A_475, %lt3A_476 : i32
      %convert_element_type3A_478 = arith.extui %lt3A_477 : i1 to i32
      %cond3A_479 = arith.constant 0 : i32
      %cond3A_480 = arith.cmpi ne, %convert_element_type3A_478, %cond3A_479 : i32
      scf.if %cond3A_480 {
        %dma_start3A_488 = arith.constant 1 : i32
        %dma_start3A_489 = arith.constant 0 : i32
        %dma_start3A_490 = tpu.memref_slice %arg8[%dma_start3A_488, %dma_start3A_489] : memref<10x125xi32, #tpu.memory_space<vmem>> -> memref<1x125xi32, #tpu.memory_space<vmem>>
        %dma_start3A_491 = tpu.memref_squeeze %dma_start3A_490 : memref<1x125xi32, #tpu.memory_space<vmem>> -> memref<125xi32, #tpu.memory_space<vmem>>
        %dma_start3A_492 = arith.constant 0 : i32
        %dma_start3A_493 = arith.constant 0 : i32
        %dma_start3A_494 = tpu.memref_slice %arg2[%dma_start3A_492, %dma_start3A_493] : memref<10240x128xf32, #tpu.memory_space<hbm>> -> memref<10240x128xf32, #tpu.memory_space<hbm>>
        tpu.enqueue_indirect_dma source(%dma_start3A_494 : memref<10240x128xf32, #tpu.memory_space<hbm>>) target(%arg13 : memref<125x128xf32, #tpu.memory_space<vmem>>) offsets(%dma_start3A_491 : memref<125xi32, #tpu.memory_space<vmem>>) semaphore(%arg15 : memref<!tpu.dma_semaphore, #tpu.memory_space<semaphore_mem>>)
      } else {
      }
      %add3A_481 = arith.constant 2 : i32
      %add3A_482 = arith.addi %add3A_283, %add3A_481 : i32
      %lt3A_483 = arith.constant 8 : i32
      %lt3A_484 = arith.cmpi slt, %add3A_482, %lt3A_483 : i32
      %convert_element_type3A_485 = arith.extui %lt3A_484 : i1 to i32
      %cond3A_486 = arith.constant 0 : i32
      %cond3A_487 = arith.cmpi ne, %convert_element_type3A_485, %cond3A_486 : i32
      scf.if %cond3A_487 {
        %add3A_488 = arith.constant 2 : i32
        %add3A_489 = arith.addi %add3A_283, %add3A_488 : i32
        %dma_start3A_490 = arith.constant 0 : i32
        %dma_start3A_491 = arith.constant 0 : i32
        %dma_start3A_492 = tpu.memref_slice %arg3[%add3A, %add3A_489, %dma_start3A_490, %dma_start3A_491] : memref<32x8x10x125xi32, #tpu.memory_space<hbm>> -> memref<1x1x10x125xi32, #tpu.memory_space<hbm>>
        %dma_start3A_493 = tpu.memref_squeeze %dma_start3A_492 : memref<1x1x10x125xi32, #tpu.memory_space<hbm>> -> memref<10x125xi32, #tpu.memory_space<hbm>>
        %dma_start3A_494 = arith.constant 0 : i32
        %dma_start3A_495 = arith.constant 0 : i32
        %dma_start3A_496 = tpu.memref_slice %arg3[%add3A, %add3A_489, %dma_start3A_494, %dma_start3A_495] : memref<32x8x10x125xi32, #tpu.memory_space<hbm>> -> memref<1x1x10x125xi32, #tpu.memory_space<hbm>>
        %dma_start3A_497 = tpu.memref_squeeze %dma_start3A_496 : memref<1x1x10x125xi32, #tpu.memory_space<hbm>> -> memref<10x125xi32, #tpu.memory_space<hbm>>
        tpu.enqueue_dma source(%dma_start3A_497 : memref<10x125xi32, #tpu.memory_space<hbm>>) target(%arg10 : memref<10x125xi32, #tpu.memory_space<vmem>>) target_semaphore(%arg16 : memref<!tpu.dma_semaphore, #tpu.memory_space<semaphore_mem>>)
        %dma_start3A_498 = arith.constant 0 : i32
        %dma_start3A_499 = arith.constant 0 : i32
        %dma_start3A_500 = tpu.memref_slice %arg4[%add3A, %add3A_489, %dma_start3A_498, %dma_start3A_499] : memref<32x8x10x125xi32, #tpu.memory_space<hbm>> -> memref<1x1x10x125xi32, #tpu.memory_space<hbm>>
        %dma_start3A_501 = tpu.memref_squeeze %dma_start3A_500 : memref<1x1x10x125xi32, #tpu.memory_space<hbm>> -> memref<10x125xi32, #tpu.memory_space<hbm>>
        %dma_start3A_502 = arith.constant 0 : i32
        %dma_start3A_503 = arith.constant 0 : i32
        %dma_start3A_504 = tpu.memref_slice %arg4[%add3A, %add3A_489, %dma_start3A_502, %dma_start3A_503] : memref<32x8x10x125xi32, #tpu.memory_space<hbm>> -> memref<1x1x10x125xi32, #tpu.memory_space<hbm>>
        %dma_start3A_505 = tpu.memref_squeeze %dma_start3A_504 : memref<1x1x10x125xi32, #tpu.memory_space<hbm>> -> memref<10x125xi32, #tpu.memory_space<hbm>>
        tpu.enqueue_dma source(%dma_start3A_505 : memref<10x125xi32, #tpu.memory_space<hbm>>) target(%arg11 : memref<10x125xi32, #tpu.memory_space<vmem>>) target_semaphore(%arg16 : memref<!tpu.dma_semaphore, #tpu.memory_space<semaphore_mem>>)
      } else {
      }
    }
    %scan3A_73 = arith.constant 4 : i32
    %barrier3A_74 = arith.constant 0 : index
    tpu.barrier barrier_id(%barrier3A_74)
    "tpu.region"() ({
      %run_scoped3A = tpu.sem_alloc : memref<!tpu.dma_semaphore, #tpu.memory_space<semaphore_mem>>
      %dma_start3A_75 = arith.constant 0 : i32
      %dma_start3A_76 = tpu.memref_slice %arg6[%arg0, %mul3A_68, %dma_start3A_75] : memref<2x10240x128xf32, #tpu.memory_space<hbm>> -> memref<1x640x128xf32, #tpu.memory_space<hbm>>
      %dma_start3A_77 = tpu.memref_squeeze %dma_start3A_76 : memref<1x640x128xf32, #tpu.memory_space<hbm>> -> memref<640x128xf32, #tpu.memory_space<hbm>>
      %dma_start3A_78 = arith.constant 0 : i32
      %dma_start3A_79 = tpu.memref_slice %arg7[%mul3A_68, %dma_start3A_78] : memref<10240x128xf32, #tpu.memory_space<vmem_shared>> -> memref<640x128xf32, #tpu.memory_space<vmem_shared>>
      tpu.enqueue_dma source(%dma_start3A_79 : memref<640x128xf32, #tpu.memory_space<vmem_shared>>) target(%dma_start3A_77 : memref<640x128xf32, #tpu.memory_space<hbm>>) target_semaphore(%run_scoped3A : memref<!tpu.dma_semaphore, #tpu.memory_space<semaphore_mem>>)
      %dma_wait3A_80 = arith.constant 0 : i32
      %dma_wait3A_81 = tpu.memref_slice %arg6[%arg0, %mul3A_68, %dma_wait3A_80] : memref<2x10240x128xf32, #tpu.memory_space<hbm>> -> memref<1x640x128xf32, #tpu.memory_space<hbm>>
      %dma_wait3A_82 = tpu.memref_squeeze %dma_wait3A_81 : memref<1x640x128xf32, #tpu.memory_space<hbm>> -> memref<640x128xf32, #tpu.memory_space<hbm>>
      %dma_wait3A_83 = arith.constant 0 : i32
      %dma_wait3A_84 = tpu.memref_slice %arg7[%mul3A_68, %dma_wait3A_83] : memref<10240x128xf32, #tpu.memory_space<vmem_shared>> -> memref<640x128xf32, #tpu.memory_space<vmem_shared>>
      tpu.wait_dma2 semaphore(%run_scoped3A : memref<!tpu.dma_semaphore, #tpu.memory_space<semaphore_mem>>) src(%dma_wait3A_84 : memref<640x128xf32, #tpu.memory_space<vmem_shared>>) dst(%dma_wait3A_82 : memref<640x128xf32, #tpu.memory_space<hbm>>)
      tpu.yield
    }) : () -> ()
    return
  }
}

#map = affine_map<(d0, d1) -> (0, 0)>
#map1 = affine_map<(d0, d1) -> (0, 0, 0, 0)>
#map2 = affine_map<(d0, d1) -> (0, 0, 0)>
module attributes {stable_mosaic.version = 14 : i64} {
  func.func @_sc_agg_body(%arg0: i32, %arg1: i32, %arg2: memref<10240x128xf32, #tpu.memory_space<hbm>>, %arg3: memref<32x8x10x125xi32, #tpu.memory_space<hbm>>, %arg4: memref<32x8x10x125xi32, #tpu.memory_space<hbm>>, %arg5: memref<10240x128xf32, #tpu.memory_space<hbm>>, %arg6: memref<2x10240x128xf32, #tpu.memory_space<hbm>>, %arg7: memref<10240x128xf32, #tpu.memory_space<vmem_shared>>, %arg8: memref<10x125xi32, #tpu.memory_space<vmem>>, %arg9: memref<10x125xi32, #tpu.memory_space<vmem>>, %arg10: memref<10x125xi32, #tpu.memory_space<vmem>>, %arg11: memref<10x125xi32, #tpu.memory_space<vmem>>, %arg12: memref<125x128xf32, #tpu.memory_space<vmem>>, %arg13: memref<125x128xf32, #tpu.memory_space<vmem>>, %arg14: memref<!tpu.dma_semaphore, #tpu.memory_space<semaphore_mem>>, %arg15: memref<!tpu.dma_semaphore, #tpu.memory_space<semaphore_mem>>, %arg16: memref<!tpu.dma_semaphore, #tpu.memory_space<semaphore_mem>>) attributes {dimension_semantics = [#tpu.dimension_semantics<core_parallel>, #tpu.dimension_semantics<subcore_parallel>], iteration_bounds = array<i64: 2, 16>, scalar_prefetch = 0 : i64, scratch_operands = 10 : i64, tpu.core_type = #tpu.core_type<sc_vector_subcore>, window_params = [{transform_indices = #map}, {transform_indices = #map1}, {transform_indices = #map1}, {transform_indices = #map}, {transform_indices = #map2}]} {
    %mul3A = arith.constant 16 : i32
    %mul3A_0 = arith.muli %arg0, %mul3A : i32
    %add3A = arith.addi %mul3A_0, %arg1 : i32
    %dma_start3A = arith.constant 0 : i32
    %dma_start3A_1 = arith.constant 0 : i32
    %dma_start3A_2 = arith.constant 0 : i32
    %dma_start3A_3 = tpu.memref_slice %arg3[%add3A, %dma_start3A, %dma_start3A_1, %dma_start3A_2] : memref<32x8x10x125xi32, #tpu.memory_space<hbm>> -> memref<1x1x10x125xi32, #tpu.memory_space<hbm>>
    %dma_start3A_4 = tpu.memref_squeeze %dma_start3A_3 : memref<1x1x10x125xi32, #tpu.memory_space<hbm>> -> memref<10x125xi32, #tpu.memory_space<hbm>>
    %dma_start3A_5 = arith.constant 0 : i32
    %dma_start3A_6 = arith.constant 0 : i32
    %dma_start3A_7 = tpu.memref_slice %arg3[%add3A, %dma_start3A, %dma_start3A_5, %dma_start3A_6] : memref<32x8x10x125xi32, #tpu.memory_space<hbm>> -> memref<1x1x10x125xi32, #tpu.memory_space<hbm>>
    %dma_start3A_8 = tpu.memref_squeeze %dma_start3A_7 : memref<1x1x10x125xi32, #tpu.memory_space<hbm>> -> memref<10x125xi32, #tpu.memory_space<hbm>>
    tpu.enqueue_dma source(%dma_start3A_8 : memref<10x125xi32, #tpu.memory_space<hbm>>) target(%arg8 : memref<10x125xi32, #tpu.memory_space<vmem>>) target_semaphore(%arg16 : memref<!tpu.dma_semaphore, #tpu.memory_space<semaphore_mem>>)
    %dma_start3A_9 = arith.constant 0 : i32
    %dma_start3A_10 = arith.constant 0 : i32
    %dma_start3A_11 = arith.constant 0 : i32
    %dma_start3A_12 = tpu.memref_slice %arg4[%add3A, %dma_start3A_9, %dma_start3A_10, %dma_start3A_11] : memref<32x8x10x125xi32, #tpu.memory_space<hbm>> -> memref<1x1x10x125xi32, #tpu.memory_space<hbm>>
    %dma_start3A_13 = tpu.memref_squeeze %dma_start3A_12 : memref<1x1x10x125xi32, #tpu.memory_space<hbm>> -> memref<10x125xi32, #tpu.memory_space<hbm>>
    %dma_start3A_14 = arith.constant 0 : i32
    %dma_start3A_15 = arith.constant 0 : i32
    %dma_start3A_16 = tpu.memref_slice %arg4[%add3A, %dma_start3A_9, %dma_start3A_14, %dma_start3A_15] : memref<32x8x10x125xi32, #tpu.memory_space<hbm>> -> memref<1x1x10x125xi32, #tpu.memory_space<hbm>>
    %dma_start3A_17 = tpu.memref_squeeze %dma_start3A_16 : memref<1x1x10x125xi32, #tpu.memory_space<hbm>> -> memref<10x125xi32, #tpu.memory_space<hbm>>
    tpu.enqueue_dma source(%dma_start3A_17 : memref<10x125xi32, #tpu.memory_space<hbm>>) target(%arg9 : memref<10x125xi32, #tpu.memory_space<vmem>>) target_semaphore(%arg16 : memref<!tpu.dma_semaphore, #tpu.memory_space<semaphore_mem>>)
    %dma_wait3A = arith.constant 0 : i32
    %dma_wait3A_18 = arith.constant 0 : i32
    %dma_wait3A_19 = arith.constant 0 : i32
    %dma_wait3A_20 = tpu.memref_slice %arg3[%add3A, %dma_wait3A, %dma_wait3A_18, %dma_wait3A_19] : memref<32x8x10x125xi32, #tpu.memory_space<hbm>> -> memref<1x1x10x125xi32, #tpu.memory_space<hbm>>
    %dma_wait3A_21 = tpu.memref_squeeze %dma_wait3A_20 : memref<1x1x10x125xi32, #tpu.memory_space<hbm>> -> memref<10x125xi32, #tpu.memory_space<hbm>>
    %dma_wait3A_22 = arith.constant 0 : i32
    %dma_wait3A_23 = arith.constant 0 : i32
    %dma_wait3A_24 = tpu.memref_slice %arg3[%add3A, %dma_wait3A, %dma_wait3A_22, %dma_wait3A_23] : memref<32x8x10x125xi32, #tpu.memory_space<hbm>> -> memref<1x1x10x125xi32, #tpu.memory_space<hbm>>
    %dma_wait3A_25 = tpu.memref_squeeze %dma_wait3A_24 : memref<1x1x10x125xi32, #tpu.memory_space<hbm>> -> memref<10x125xi32, #tpu.memory_space<hbm>>
    tpu.wait_dma2 semaphore(%arg16 : memref<!tpu.dma_semaphore, #tpu.memory_space<semaphore_mem>>) src(%dma_wait3A_25 : memref<10x125xi32, #tpu.memory_space<hbm>>) dst(%arg8 : memref<10x125xi32, #tpu.memory_space<vmem>>)
    %dma_wait3A_26 = arith.constant 0 : i32
    %dma_wait3A_27 = arith.constant 0 : i32
    %dma_wait3A_28 = arith.constant 0 : i32
    %dma_wait3A_29 = tpu.memref_slice %arg4[%add3A, %dma_wait3A_26, %dma_wait3A_27, %dma_wait3A_28] : memref<32x8x10x125xi32, #tpu.memory_space<hbm>> -> memref<1x1x10x125xi32, #tpu.memory_space<hbm>>
    %dma_wait3A_30 = tpu.memref_squeeze %dma_wait3A_29 : memref<1x1x10x125xi32, #tpu.memory_space<hbm>> -> memref<10x125xi32, #tpu.memory_space<hbm>>
    %dma_wait3A_31 = arith.constant 0 : i32
    %dma_wait3A_32 = arith.constant 0 : i32
    %dma_wait3A_33 = tpu.memref_slice %arg4[%add3A, %dma_wait3A_26, %dma_wait3A_31, %dma_wait3A_32] : memref<32x8x10x125xi32, #tpu.memory_space<hbm>> -> memref<1x1x10x125xi32, #tpu.memory_space<hbm>>
    %dma_wait3A_34 = tpu.memref_squeeze %dma_wait3A_33 : memref<1x1x10x125xi32, #tpu.memory_space<hbm>> -> memref<10x125xi32, #tpu.memory_space<hbm>>
    tpu.wait_dma2 semaphore(%arg16 : memref<!tpu.dma_semaphore, #tpu.memory_space<semaphore_mem>>) src(%dma_wait3A_34 : memref<10x125xi32, #tpu.memory_space<hbm>>) dst(%arg9 : memref<10x125xi32, #tpu.memory_space<vmem>>)
    %dma_start3A_35 = arith.constant 0 : i32
    %dma_start3A_36 = arith.constant 0 : i32
    %dma_start3A_37 = tpu.memref_slice %arg8[%dma_start3A_35, %dma_start3A_36] : memref<10x125xi32, #tpu.memory_space<vmem>> -> memref<1x125xi32, #tpu.memory_space<vmem>>
    %dma_start3A_38 = tpu.memref_squeeze %dma_start3A_37 : memref<1x125xi32, #tpu.memory_space<vmem>> -> memref<125xi32, #tpu.memory_space<vmem>>
    %dma_start3A_39 = arith.constant 0 : i32
    %dma_start3A_40 = arith.constant 0 : i32
    %dma_start3A_41 = tpu.memref_slice %arg2[%dma_start3A_39, %dma_start3A_40] : memref<10240x128xf32, #tpu.memory_space<hbm>> -> memref<10240x128xf32, #tpu.memory_space<hbm>>
    tpu.enqueue_indirect_dma source(%dma_start3A_41 : memref<10240x128xf32, #tpu.memory_space<hbm>>) target(%arg12 : memref<125x128xf32, #tpu.memory_space<vmem>>) offsets(%dma_start3A_38 : memref<125xi32, #tpu.memory_space<vmem>>) semaphore(%arg14 : memref<!tpu.dma_semaphore, #tpu.memory_space<semaphore_mem>>)
    %dma_start3A_42 = arith.constant 1 : i32
    %dma_start3A_43 = arith.constant 0 : i32
    %dma_start3A_44 = tpu.memref_slice %arg8[%dma_start3A_42, %dma_start3A_43] : memref<10x125xi32, #tpu.memory_space<vmem>> -> memref<1x125xi32, #tpu.memory_space<vmem>>
    %dma_start3A_45 = tpu.memref_squeeze %dma_start3A_44 : memref<1x125xi32, #tpu.memory_space<vmem>> -> memref<125xi32, #tpu.memory_space<vmem>>
    %dma_start3A_46 = arith.constant 0 : i32
    %dma_start3A_47 = arith.constant 0 : i32
    %dma_start3A_48 = tpu.memref_slice %arg2[%dma_start3A_46, %dma_start3A_47] : memref<10240x128xf32, #tpu.memory_space<hbm>> -> memref<10240x128xf32, #tpu.memory_space<hbm>>
    tpu.enqueue_indirect_dma source(%dma_start3A_48 : memref<10240x128xf32, #tpu.memory_space<hbm>>) target(%arg13 : memref<125x128xf32, #tpu.memory_space<vmem>>) offsets(%dma_start3A_45 : memref<125xi32, #tpu.memory_space<vmem>>) semaphore(%arg15 : memref<!tpu.dma_semaphore, #tpu.memory_space<semaphore_mem>>)
    %dma_start3A_49 = arith.constant 1 : i32
    %dma_start3A_50 = arith.constant 0 : i32
    %dma_start3A_51 = arith.constant 0 : i32
    %dma_start3A_52 = tpu.memref_slice %arg3[%add3A, %dma_start3A_49, %dma_start3A_50, %dma_start3A_51] : memref<32x8x10x125xi32, #tpu.memory_space<hbm>> -> memref<1x1x10x125xi32, #tpu.memory_space<hbm>>
    %dma_start3A_53 = tpu.memref_squeeze %dma_start3A_52 : memref<1x1x10x125xi32, #tpu.memory_space<hbm>> -> memref<10x125xi32, #tpu.memory_space<hbm>>
    %dma_start3A_54 = arith.constant 0 : i32
    %dma_start3A_55 = arith.constant 0 : i32
    %dma_start3A_56 = tpu.memref_slice %arg3[%add3A, %dma_start3A_49, %dma_start3A_54, %dma_start3A_55] : memref<32x8x10x125xi32, #tpu.memory_space<hbm>> -> memref<1x1x10x125xi32, #tpu.memory_space<hbm>>
    %dma_start3A_57 = tpu.memref_squeeze %dma_start3A_56 : memref<1x1x10x125xi32, #tpu.memory_space<hbm>> -> memref<10x125xi32, #tpu.memory_space<hbm>>
    tpu.enqueue_dma source(%dma_start3A_57 : memref<10x125xi32, #tpu.memory_space<hbm>>) target(%arg10 : memref<10x125xi32, #tpu.memory_space<vmem>>) target_semaphore(%arg16 : memref<!tpu.dma_semaphore, #tpu.memory_space<semaphore_mem>>)
    %dma_start3A_58 = arith.constant 1 : i32
    %dma_start3A_59 = arith.constant 0 : i32
    %dma_start3A_60 = arith.constant 0 : i32
    %dma_start3A_61 = tpu.memref_slice %arg4[%add3A, %dma_start3A_58, %dma_start3A_59, %dma_start3A_60] : memref<32x8x10x125xi32, #tpu.memory_space<hbm>> -> memref<1x1x10x125xi32, #tpu.memory_space<hbm>>
    %dma_start3A_62 = tpu.memref_squeeze %dma_start3A_61 : memref<1x1x10x125xi32, #tpu.memory_space<hbm>> -> memref<10x125xi32, #tpu.memory_space<hbm>>
    %dma_start3A_63 = arith.constant 0 : i32
    %dma_start3A_64 = arith.constant 0 : i32
    %dma_start3A_65 = tpu.memref_slice %arg4[%add3A, %dma_start3A_58, %dma_start3A_63, %dma_start3A_64] : memref<32x8x10x125xi32, #tpu.memory_space<hbm>> -> memref<1x1x10x125xi32, #tpu.memory_space<hbm>>
    %dma_start3A_66 = tpu.memref_squeeze %dma_start3A_65 : memref<1x1x10x125xi32, #tpu.memory_space<hbm>> -> memref<10x125xi32, #tpu.memory_space<hbm>>
    tpu.enqueue_dma source(%dma_start3A_66 : memref<10x125xi32, #tpu.memory_space<hbm>>) target(%arg11 : memref<10x125xi32, #tpu.memory_space<vmem>>) target_semaphore(%arg16 : memref<!tpu.dma_semaphore, #tpu.memory_space<semaphore_mem>>)
    %mul3A_67 = arith.constant 640 : i32
    %mul3A_68 = arith.muli %arg1, %mul3A_67 : i32
    "tpu.region"() ({
      %run_scoped3A = tpu.sem_alloc : memref<!tpu.dma_semaphore, #tpu.memory_space<semaphore_mem>>
      %dma_start3A_75 = arith.constant 0 : i32
      %dma_start3A_76 = tpu.memref_slice %arg7[%mul3A_68, %dma_start3A_75] : memref<10240x128xf32, #tpu.memory_space<vmem_shared>> -> memref<640x128xf32, #tpu.memory_space<vmem_shared>>
      %dma_start3A_77 = arith.constant 0 : i32
      %dma_start3A_78 = tpu.memref_slice %arg5[%mul3A_68, %dma_start3A_77] : memref<10240x128xf32, #tpu.memory_space<hbm>> -> memref<640x128xf32, #tpu.memory_space<hbm>>
      tpu.enqueue_dma source(%dma_start3A_78 : memref<640x128xf32, #tpu.memory_space<hbm>>) target(%dma_start3A_76 : memref<640x128xf32, #tpu.memory_space<vmem_shared>>) target_semaphore(%run_scoped3A : memref<!tpu.dma_semaphore, #tpu.memory_space<semaphore_mem>>)
      %dma_wait3A_79 = arith.constant 0 : i32
      %dma_wait3A_80 = tpu.memref_slice %arg7[%mul3A_68, %dma_wait3A_79] : memref<10240x128xf32, #tpu.memory_space<vmem_shared>> -> memref<640x128xf32, #tpu.memory_space<vmem_shared>>
      %dma_wait3A_81 = arith.constant 0 : i32
      %dma_wait3A_82 = tpu.memref_slice %arg5[%mul3A_68, %dma_wait3A_81] : memref<10240x128xf32, #tpu.memory_space<hbm>> -> memref<640x128xf32, #tpu.memory_space<hbm>>
      tpu.wait_dma2 semaphore(%run_scoped3A : memref<!tpu.dma_semaphore, #tpu.memory_space<semaphore_mem>>) src(%dma_wait3A_82 : memref<640x128xf32, #tpu.memory_space<hbm>>) dst(%dma_wait3A_80 : memref<640x128xf32, #tpu.memory_space<vmem_shared>>)
      tpu.yield
    }) : () -> ()
    %barrier3A = arith.constant 0 : index
    tpu.barrier barrier_id(%barrier3A)
    %scan3A = arith.constant 0 : i32
    %scan3A_69 = arith.constant 0 : i32
    %scan3A_70 = arith.constant 4 : i32
    %scan3A_71 = arith.addi %scan3A_69, %scan3A_70 : i32
    %scan3A_72 = arith.constant 1 : i32
    scf.for %scan3A_75 = %scan3A_69 to %scan3A_71 step %scan3A_72  : i32 {
      %mul3A_76 = arith.constant 2 : i32
      %mul3A_77 = arith.muli %mul3A_76, %scan3A_75 : i32
      %add3A_78 = arith.constant 0 : i32
      %add3A_79 = arith.addi %mul3A_77, %add3A_78 : i32
      %mul3A_80 = arith.constant 10 : i32
      %mul3A_81 = arith.muli %add3A_79, %mul3A_80 : i32
      %add3A_82 = arith.constant 0 : i32
      %add3A_83 = arith.addi %mul3A_81, %add3A_82 : i32
      %dma_wait3A_84 = arith.constant 0 : i32
      %dma_wait3A_85 = arith.constant 0 : i32
      %dma_wait3A_86 = tpu.memref_slice %arg8[%dma_wait3A_84, %dma_wait3A_85] : memref<10x125xi32, #tpu.memory_space<vmem>> -> memref<1x125xi32, #tpu.memory_space<vmem>>
      %dma_wait3A_87 = tpu.memref_squeeze %dma_wait3A_86 : memref<1x125xi32, #tpu.memory_space<vmem>> -> memref<125xi32, #tpu.memory_space<vmem>>
      %dma_wait3A_88 = arith.constant 0 : i32
      %dma_wait3A_89 = arith.constant 0 : i32
      %dma_wait3A_90 = tpu.memref_slice %arg2[%dma_wait3A_88, %dma_wait3A_89] : memref<10240x128xf32, #tpu.memory_space<hbm>> -> memref<10240x128xf32, #tpu.memory_space<hbm>>
      tpu.wait_indirect_dma semaphore(%arg14 : memref<!tpu.dma_semaphore, #tpu.memory_space<semaphore_mem>>) src(%dma_wait3A_90 : memref<10240x128xf32, #tpu.memory_space<hbm>>) dst(%arg12 : memref<125x128xf32, #tpu.memory_space<vmem>>)
      %run_scoped3A = arith.constant 0 : i32
      "tpu.region"() ({
        %run_scoped3A_488 = tpu.sem_alloc : memref<!tpu.dma_semaphore, #tpu.memory_space<semaphore_mem>>
        %dma_start3A_489 = arith.constant 0 : i32
        %dma_start3A_490 = tpu.memref_slice %arg9[%run_scoped3A, %dma_start3A_489] : memref<10x125xi32, #tpu.memory_space<vmem>> -> memref<1x125xi32, #tpu.memory_space<vmem>>
        %dma_start3A_491 = tpu.memref_squeeze %dma_start3A_490 : memref<1x125xi32, #tpu.memory_space<vmem>> -> memref<125xi32, #tpu.memory_space<vmem>>
        %dma_start3A_492 = arith.constant 0 : i32
        %dma_start3A_493 = arith.constant 0 : i32
        %dma_start3A_494 = tpu.memref_slice %arg7[%dma_start3A_492, %dma_start3A_493] : memref<10240x128xf32, #tpu.memory_space<vmem_shared>> -> memref<10240x128xf32, #tpu.memory_space<vmem_shared>>
        tpu.enqueue_indirect_dma source(%arg12 : memref<125x128xf32, #tpu.memory_space<vmem>>) target(%dma_start3A_494 : memref<10240x128xf32, #tpu.memory_space<vmem_shared>>) offsets(%dma_start3A_491 : memref<125xi32, #tpu.memory_space<vmem>>) semaphore(%run_scoped3A_488 : memref<!tpu.dma_semaphore, #tpu.memory_space<semaphore_mem>>) {add = true}
        %dma_wait3A_495 = arith.constant 0 : i32
        %dma_wait3A_496 = tpu.memref_slice %arg9[%run_scoped3A, %dma_wait3A_495] : memref<10x125xi32, #tpu.memory_space<vmem>> -> memref<1x125xi32, #tpu.memory_space<vmem>>
        %dma_wait3A_497 = tpu.memref_squeeze %dma_wait3A_496 : memref<1x125xi32, #tpu.memory_space<vmem>> -> memref<125xi32, #tpu.memory_space<vmem>>
        %dma_wait3A_498 = arith.constant 0 : i32
        %dma_wait3A_499 = arith.constant 0 : i32
        %dma_wait3A_500 = tpu.memref_slice %arg7[%dma_wait3A_498, %dma_wait3A_499] : memref<10240x128xf32, #tpu.memory_space<vmem_shared>> -> memref<10240x128xf32, #tpu.memory_space<vmem_shared>>
        tpu.wait_indirect_dma semaphore(%run_scoped3A_488 : memref<!tpu.dma_semaphore, #tpu.memory_space<semaphore_mem>>) src(%arg12 : memref<125x128xf32, #tpu.memory_space<vmem>>) dst(%dma_wait3A_500 : memref<10240x128xf32, #tpu.memory_space<vmem_shared>>)
        tpu.yield
      }) : () -> ()
      %add3A_91 = arith.constant 2 : i32
      %add3A_92 = arith.addi %add3A_83, %add3A_91 : i32
      %lt3A = arith.constant 80 : i32
      %lt3A_93 = arith.cmpi slt, %add3A_92, %lt3A : i32
      %convert_element_type3A = arith.extui %lt3A_93 : i1 to i32
      %cond3A = arith.constant 0 : i32
      %cond3A_94 = arith.cmpi ne, %convert_element_type3A, %cond3A : i32
      scf.if %cond3A_94 {
        %dma_start3A_488 = arith.constant 2 : i32
        %dma_start3A_489 = arith.constant 0 : i32
        %dma_start3A_490 = tpu.memref_slice %arg8[%dma_start3A_488, %dma_start3A_489] : memref<10x125xi32, #tpu.memory_space<vmem>> -> memref<1x125xi32, #tpu.memory_space<vmem>>
        %dma_start3A_491 = tpu.memref_squeeze %dma_start3A_490 : memref<1x125xi32, #tpu.memory_space<vmem>> -> memref<125xi32, #tpu.memory_space<vmem>>
        %dma_start3A_492 = arith.constant 0 : i32
        %dma_start3A_493 = arith.constant 0 : i32
        %dma_start3A_494 = tpu.memref_slice %arg2[%dma_start3A_492, %dma_start3A_493] : memref<10240x128xf32, #tpu.memory_space<hbm>> -> memref<10240x128xf32, #tpu.memory_space<hbm>>
        tpu.enqueue_indirect_dma source(%dma_start3A_494 : memref<10240x128xf32, #tpu.memory_space<hbm>>) target(%arg12 : memref<125x128xf32, #tpu.memory_space<vmem>>) offsets(%dma_start3A_491 : memref<125xi32, #tpu.memory_space<vmem>>) semaphore(%arg14 : memref<!tpu.dma_semaphore, #tpu.memory_space<semaphore_mem>>)
      } else {
      }
      %mul3A_95 = arith.constant 10 : i32
      %mul3A_96 = arith.muli %add3A_79, %mul3A_95 : i32
      %add3A_97 = arith.constant 1 : i32
      %add3A_98 = arith.addi %mul3A_96, %add3A_97 : i32
      %dma_wait3A_99 = arith.constant 1 : i32
      %dma_wait3A_100 = arith.constant 0 : i32
      %dma_wait3A_101 = tpu.memref_slice %arg8[%dma_wait3A_99, %dma_wait3A_100] : memref<10x125xi32, #tpu.memory_space<vmem>> -> memref<1x125xi32, #tpu.memory_space<vmem>>
      %dma_wait3A_102 = tpu.memref_squeeze %dma_wait3A_101 : memref<1x125xi32, #tpu.memory_space<vmem>> -> memref<125xi32, #tpu.memory_space<vmem>>
      %dma_wait3A_103 = arith.constant 0 : i32
      %dma_wait3A_104 = arith.constant 0 : i32
      %dma_wait3A_105 = tpu.memref_slice %arg2[%dma_wait3A_103, %dma_wait3A_104] : memref<10240x128xf32, #tpu.memory_space<hbm>> -> memref<10240x128xf32, #tpu.memory_space<hbm>>
      tpu.wait_indirect_dma semaphore(%arg15 : memref<!tpu.dma_semaphore, #tpu.memory_space<semaphore_mem>>) src(%dma_wait3A_105 : memref<10240x128xf32, #tpu.memory_space<hbm>>) dst(%arg13 : memref<125x128xf32, #tpu.memory_space<vmem>>)
      %run_scoped3A_106 = arith.constant 1 : i32
      "tpu.region"() ({
        %run_scoped3A_488 = tpu.sem_alloc : memref<!tpu.dma_semaphore, #tpu.memory_space<semaphore_mem>>
        %dma_start3A_489 = arith.constant 0 : i32
        %dma_start3A_490 = tpu.memref_slice %arg9[%run_scoped3A_106, %dma_start3A_489] : memref<10x125xi32, #tpu.memory_space<vmem>> -> memref<1x125xi32, #tpu.memory_space<vmem>>
        %dma_start3A_491 = tpu.memref_squeeze %dma_start3A_490 : memref<1x125xi32, #tpu.memory_space<vmem>> -> memref<125xi32, #tpu.memory_space<vmem>>
        %dma_start3A_492 = arith.constant 0 : i32
        %dma_start3A_493 = arith.constant 0 : i32
        %dma_start3A_494 = tpu.memref_slice %arg7[%dma_start3A_492, %dma_start3A_493] : memref<10240x128xf32, #tpu.memory_space<vmem_shared>> -> memref<10240x128xf32, #tpu.memory_space<vmem_shared>>
        tpu.enqueue_indirect_dma source(%arg13 : memref<125x128xf32, #tpu.memory_space<vmem>>) target(%dma_start3A_494 : memref<10240x128xf32, #tpu.memory_space<vmem_shared>>) offsets(%dma_start3A_491 : memref<125xi32, #tpu.memory_space<vmem>>) semaphore(%run_scoped3A_488 : memref<!tpu.dma_semaphore, #tpu.memory_space<semaphore_mem>>) {add = true}
        %dma_wait3A_495 = arith.constant 0 : i32
        %dma_wait3A_496 = tpu.memref_slice %arg9[%run_scoped3A_106, %dma_wait3A_495] : memref<10x125xi32, #tpu.memory_space<vmem>> -> memref<1x125xi32, #tpu.memory_space<vmem>>
        %dma_wait3A_497 = tpu.memref_squeeze %dma_wait3A_496 : memref<1x125xi32, #tpu.memory_space<vmem>> -> memref<125xi32, #tpu.memory_space<vmem>>
        %dma_wait3A_498 = arith.constant 0 : i32
        %dma_wait3A_499 = arith.constant 0 : i32
        %dma_wait3A_500 = tpu.memref_slice %arg7[%dma_wait3A_498, %dma_wait3A_499] : memref<10240x128xf32, #tpu.memory_space<vmem_shared>> -> memref<10240x128xf32, #tpu.memory_space<vmem_shared>>
        tpu.wait_indirect_dma semaphore(%run_scoped3A_488 : memref<!tpu.dma_semaphore, #tpu.memory_space<semaphore_mem>>) src(%arg13 : memref<125x128xf32, #tpu.memory_space<vmem>>) dst(%dma_wait3A_500 : memref<10240x128xf32, #tpu.memory_space<vmem_shared>>)
        tpu.yield
      }) : () -> ()
      %add3A_107 = arith.constant 2 : i32
      %add3A_108 = arith.addi %add3A_98, %add3A_107 : i32
      %lt3A_109 = arith.constant 80 : i32
      %lt3A_110 = arith.cmpi slt, %add3A_108, %lt3A_109 : i32
      %convert_element_type3A_111 = arith.extui %lt3A_110 : i1 to i32
      %cond3A_112 = arith.constant 0 : i32
      %cond3A_113 = arith.cmpi ne, %convert_element_type3A_111, %cond3A_112 : i32
      scf.if %cond3A_113 {
        %dma_start3A_488 = arith.constant 3 : i32
        %dma_start3A_489 = arith.constant 0 : i32
        %dma_start3A_490 = tpu.memref_slice %arg8[%dma_start3A_488, %dma_start3A_489] : memref<10x125xi32, #tpu.memory_space<vmem>> -> memref<1x125xi32, #tpu.memory_space<vmem>>
        %dma_start3A_491 = tpu.memref_squeeze %dma_start3A_490 : memref<1x125xi32, #tpu.memory_space<vmem>> -> memref<125xi32, #tpu.memory_space<vmem>>
        %dma_start3A_492 = arith.constant 0 : i32
        %dma_start3A_493 = arith.constant 0 : i32
        %dma_start3A_494 = tpu.memref_slice %arg2[%dma_start3A_492, %dma_start3A_493] : memref<10240x128xf32, #tpu.memory_space<hbm>> -> memref<10240x128xf32, #tpu.memory_space<hbm>>
        tpu.enqueue_indirect_dma source(%dma_start3A_494 : memref<10240x128xf32, #tpu.memory_space<hbm>>) target(%arg13 : memref<125x128xf32, #tpu.memory_space<vmem>>) offsets(%dma_start3A_491 : memref<125xi32, #tpu.memory_space<vmem>>) semaphore(%arg15 : memref<!tpu.dma_semaphore, #tpu.memory_space<semaphore_mem>>)
      } else {
      }
      %mul3A_114 = arith.constant 10 : i32
      %mul3A_115 = arith.muli %add3A_79, %mul3A_114 : i32
      %add3A_116 = arith.constant 2 : i32
      %add3A_117 = arith.addi %mul3A_115, %add3A_116 : i32
      %dma_wait3A_118 = arith.constant 2 : i32
      %dma_wait3A_119 = arith.constant 0 : i32
      %dma_wait3A_120 = tpu.memref_slice %arg8[%dma_wait3A_118, %dma_wait3A_119] : memref<10x125xi32, #tpu.memory_space<vmem>> -> memref<1x125xi32, #tpu.memory_space<vmem>>
      %dma_wait3A_121 = tpu.memref_squeeze %dma_wait3A_120 : memref<1x125xi32, #tpu.memory_space<vmem>> -> memref<125xi32, #tpu.memory_space<vmem>>
      %dma_wait3A_122 = arith.constant 0 : i32
      %dma_wait3A_123 = arith.constant 0 : i32
      %dma_wait3A_124 = tpu.memref_slice %arg2[%dma_wait3A_122, %dma_wait3A_123] : memref<10240x128xf32, #tpu.memory_space<hbm>> -> memref<10240x128xf32, #tpu.memory_space<hbm>>
      tpu.wait_indirect_dma semaphore(%arg14 : memref<!tpu.dma_semaphore, #tpu.memory_space<semaphore_mem>>) src(%dma_wait3A_124 : memref<10240x128xf32, #tpu.memory_space<hbm>>) dst(%arg12 : memref<125x128xf32, #tpu.memory_space<vmem>>)
      %run_scoped3A_125 = arith.constant 2 : i32
      "tpu.region"() ({
        %run_scoped3A_488 = tpu.sem_alloc : memref<!tpu.dma_semaphore, #tpu.memory_space<semaphore_mem>>
        %dma_start3A_489 = arith.constant 0 : i32
        %dma_start3A_490 = tpu.memref_slice %arg9[%run_scoped3A_125, %dma_start3A_489] : memref<10x125xi32, #tpu.memory_space<vmem>> -> memref<1x125xi32, #tpu.memory_space<vmem>>
        %dma_start3A_491 = tpu.memref_squeeze %dma_start3A_490 : memref<1x125xi32, #tpu.memory_space<vmem>> -> memref<125xi32, #tpu.memory_space<vmem>>
        %dma_start3A_492 = arith.constant 0 : i32
        %dma_start3A_493 = arith.constant 0 : i32
        %dma_start3A_494 = tpu.memref_slice %arg7[%dma_start3A_492, %dma_start3A_493] : memref<10240x128xf32, #tpu.memory_space<vmem_shared>> -> memref<10240x128xf32, #tpu.memory_space<vmem_shared>>
        tpu.enqueue_indirect_dma source(%arg12 : memref<125x128xf32, #tpu.memory_space<vmem>>) target(%dma_start3A_494 : memref<10240x128xf32, #tpu.memory_space<vmem_shared>>) offsets(%dma_start3A_491 : memref<125xi32, #tpu.memory_space<vmem>>) semaphore(%run_scoped3A_488 : memref<!tpu.dma_semaphore, #tpu.memory_space<semaphore_mem>>) {add = true}
        %dma_wait3A_495 = arith.constant 0 : i32
        %dma_wait3A_496 = tpu.memref_slice %arg9[%run_scoped3A_125, %dma_wait3A_495] : memref<10x125xi32, #tpu.memory_space<vmem>> -> memref<1x125xi32, #tpu.memory_space<vmem>>
        %dma_wait3A_497 = tpu.memref_squeeze %dma_wait3A_496 : memref<1x125xi32, #tpu.memory_space<vmem>> -> memref<125xi32, #tpu.memory_space<vmem>>
        %dma_wait3A_498 = arith.constant 0 : i32
        %dma_wait3A_499 = arith.constant 0 : i32
        %dma_wait3A_500 = tpu.memref_slice %arg7[%dma_wait3A_498, %dma_wait3A_499] : memref<10240x128xf32, #tpu.memory_space<vmem_shared>> -> memref<10240x128xf32, #tpu.memory_space<vmem_shared>>
        tpu.wait_indirect_dma semaphore(%run_scoped3A_488 : memref<!tpu.dma_semaphore, #tpu.memory_space<semaphore_mem>>) src(%arg12 : memref<125x128xf32, #tpu.memory_space<vmem>>) dst(%dma_wait3A_500 : memref<10240x128xf32, #tpu.memory_space<vmem_shared>>)
        tpu.yield
      }) : () -> ()
      %add3A_126 = arith.constant 2 : i32
      %add3A_127 = arith.addi %add3A_117, %add3A_126 : i32
      %lt3A_128 = arith.constant 80 : i32
      %lt3A_129 = arith.cmpi slt, %add3A_127, %lt3A_128 : i32
      %convert_element_type3A_130 = arith.extui %lt3A_129 : i1 to i32
      %cond3A_131 = arith.constant 0 : i32
      %cond3A_132 = arith.cmpi ne, %convert_element_type3A_130, %cond3A_131 : i32
      scf.if %cond3A_132 {
        %dma_start3A_488 = arith.constant 4 : i32
        %dma_start3A_489 = arith.constant 0 : i32
        %dma_start3A_490 = tpu.memref_slice %arg8[%dma_start3A_488, %dma_start3A_489] : memref<10x125xi32, #tpu.memory_space<vmem>> -> memref<1x125xi32, #tpu.memory_space<vmem>>
        %dma_start3A_491 = tpu.memref_squeeze %dma_start3A_490 : memref<1x125xi32, #tpu.memory_space<vmem>> -> memref<125xi32, #tpu.memory_space<vmem>>
        %dma_start3A_492 = arith.constant 0 : i32
        %dma_start3A_493 = arith.constant 0 : i32
        %dma_start3A_494 = tpu.memref_slice %arg2[%dma_start3A_492, %dma_start3A_493] : memref<10240x128xf32, #tpu.memory_space<hbm>> -> memref<10240x128xf32, #tpu.memory_space<hbm>>
        tpu.enqueue_indirect_dma source(%dma_start3A_494 : memref<10240x128xf32, #tpu.memory_space<hbm>>) target(%arg12 : memref<125x128xf32, #tpu.memory_space<vmem>>) offsets(%dma_start3A_491 : memref<125xi32, #tpu.memory_space<vmem>>) semaphore(%arg14 : memref<!tpu.dma_semaphore, #tpu.memory_space<semaphore_mem>>)
      } else {
      }
      %mul3A_133 = arith.constant 10 : i32
      %mul3A_134 = arith.muli %add3A_79, %mul3A_133 : i32
      %add3A_135 = arith.constant 3 : i32
      %add3A_136 = arith.addi %mul3A_134, %add3A_135 : i32
      %dma_wait3A_137 = arith.constant 3 : i32
      %dma_wait3A_138 = arith.constant 0 : i32
      %dma_wait3A_139 = tpu.memref_slice %arg8[%dma_wait3A_137, %dma_wait3A_138] : memref<10x125xi32, #tpu.memory_space<vmem>> -> memref<1x125xi32, #tpu.memory_space<vmem>>
      %dma_wait3A_140 = tpu.memref_squeeze %dma_wait3A_139 : memref<1x125xi32, #tpu.memory_space<vmem>> -> memref<125xi32, #tpu.memory_space<vmem>>
      %dma_wait3A_141 = arith.constant 0 : i32
      %dma_wait3A_142 = arith.constant 0 : i32
      %dma_wait3A_143 = tpu.memref_slice %arg2[%dma_wait3A_141, %dma_wait3A_142] : memref<10240x128xf32, #tpu.memory_space<hbm>> -> memref<10240x128xf32, #tpu.memory_space<hbm>>
      tpu.wait_indirect_dma semaphore(%arg15 : memref<!tpu.dma_semaphore, #tpu.memory_space<semaphore_mem>>) src(%dma_wait3A_143 : memref<10240x128xf32, #tpu.memory_space<hbm>>) dst(%arg13 : memref<125x128xf32, #tpu.memory_space<vmem>>)
      %run_scoped3A_144 = arith.constant 3 : i32
      "tpu.region"() ({
        %run_scoped3A_488 = tpu.sem_alloc : memref<!tpu.dma_semaphore, #tpu.memory_space<semaphore_mem>>
        %dma_start3A_489 = arith.constant 0 : i32
        %dma_start3A_490 = tpu.memref_slice %arg9[%run_scoped3A_144, %dma_start3A_489] : memref<10x125xi32, #tpu.memory_space<vmem>> -> memref<1x125xi32, #tpu.memory_space<vmem>>
        %dma_start3A_491 = tpu.memref_squeeze %dma_start3A_490 : memref<1x125xi32, #tpu.memory_space<vmem>> -> memref<125xi32, #tpu.memory_space<vmem>>
        %dma_start3A_492 = arith.constant 0 : i32
        %dma_start3A_493 = arith.constant 0 : i32
        %dma_start3A_494 = tpu.memref_slice %arg7[%dma_start3A_492, %dma_start3A_493] : memref<10240x128xf32, #tpu.memory_space<vmem_shared>> -> memref<10240x128xf32, #tpu.memory_space<vmem_shared>>
        tpu.enqueue_indirect_dma source(%arg13 : memref<125x128xf32, #tpu.memory_space<vmem>>) target(%dma_start3A_494 : memref<10240x128xf32, #tpu.memory_space<vmem_shared>>) offsets(%dma_start3A_491 : memref<125xi32, #tpu.memory_space<vmem>>) semaphore(%run_scoped3A_488 : memref<!tpu.dma_semaphore, #tpu.memory_space<semaphore_mem>>) {add = true}
        %dma_wait3A_495 = arith.constant 0 : i32
        %dma_wait3A_496 = tpu.memref_slice %arg9[%run_scoped3A_144, %dma_wait3A_495] : memref<10x125xi32, #tpu.memory_space<vmem>> -> memref<1x125xi32, #tpu.memory_space<vmem>>
        %dma_wait3A_497 = tpu.memref_squeeze %dma_wait3A_496 : memref<1x125xi32, #tpu.memory_space<vmem>> -> memref<125xi32, #tpu.memory_space<vmem>>
        %dma_wait3A_498 = arith.constant 0 : i32
        %dma_wait3A_499 = arith.constant 0 : i32
        %dma_wait3A_500 = tpu.memref_slice %arg7[%dma_wait3A_498, %dma_wait3A_499] : memref<10240x128xf32, #tpu.memory_space<vmem_shared>> -> memref<10240x128xf32, #tpu.memory_space<vmem_shared>>
        tpu.wait_indirect_dma semaphore(%run_scoped3A_488 : memref<!tpu.dma_semaphore, #tpu.memory_space<semaphore_mem>>) src(%arg13 : memref<125x128xf32, #tpu.memory_space<vmem>>) dst(%dma_wait3A_500 : memref<10240x128xf32, #tpu.memory_space<vmem_shared>>)
        tpu.yield
      }) : () -> ()
      %add3A_145 = arith.constant 2 : i32
      %add3A_146 = arith.addi %add3A_136, %add3A_145 : i32
      %lt3A_147 = arith.constant 80 : i32
      %lt3A_148 = arith.cmpi slt, %add3A_146, %lt3A_147 : i32
      %convert_element_type3A_149 = arith.extui %lt3A_148 : i1 to i32
      %cond3A_150 = arith.constant 0 : i32
      %cond3A_151 = arith.cmpi ne, %convert_element_type3A_149, %cond3A_150 : i32
      scf.if %cond3A_151 {
        %dma_start3A_488 = arith.constant 5 : i32
        %dma_start3A_489 = arith.constant 0 : i32
        %dma_start3A_490 = tpu.memref_slice %arg8[%dma_start3A_488, %dma_start3A_489] : memref<10x125xi32, #tpu.memory_space<vmem>> -> memref<1x125xi32, #tpu.memory_space<vmem>>
        %dma_start3A_491 = tpu.memref_squeeze %dma_start3A_490 : memref<1x125xi32, #tpu.memory_space<vmem>> -> memref<125xi32, #tpu.memory_space<vmem>>
        %dma_start3A_492 = arith.constant 0 : i32
        %dma_start3A_493 = arith.constant 0 : i32
        %dma_start3A_494 = tpu.memref_slice %arg2[%dma_start3A_492, %dma_start3A_493] : memref<10240x128xf32, #tpu.memory_space<hbm>> -> memref<10240x128xf32, #tpu.memory_space<hbm>>
        tpu.enqueue_indirect_dma source(%dma_start3A_494 : memref<10240x128xf32, #tpu.memory_space<hbm>>) target(%arg13 : memref<125x128xf32, #tpu.memory_space<vmem>>) offsets(%dma_start3A_491 : memref<125xi32, #tpu.memory_space<vmem>>) semaphore(%arg15 : memref<!tpu.dma_semaphore, #tpu.memory_space<semaphore_mem>>)
      } else {
      }
      %mul3A_152 = arith.constant 10 : i32
      %mul3A_153 = arith.muli %add3A_79, %mul3A_152 : i32
      %add3A_154 = arith.constant 4 : i32
      %add3A_155 = arith.addi %mul3A_153, %add3A_154 : i32
      %dma_wait3A_156 = arith.constant 4 : i32
      %dma_wait3A_157 = arith.constant 0 : i32
      %dma_wait3A_158 = tpu.memref_slice %arg8[%dma_wait3A_156, %dma_wait3A_157] : memref<10x125xi32, #tpu.memory_space<vmem>> -> memref<1x125xi32, #tpu.memory_space<vmem>>
      %dma_wait3A_159 = tpu.memref_squeeze %dma_wait3A_158 : memref<1x125xi32, #tpu.memory_space<vmem>> -> memref<125xi32, #tpu.memory_space<vmem>>
      %dma_wait3A_160 = arith.constant 0 : i32
      %dma_wait3A_161 = arith.constant 0 : i32
      %dma_wait3A_162 = tpu.memref_slice %arg2[%dma_wait3A_160, %dma_wait3A_161] : memref<10240x128xf32, #tpu.memory_space<hbm>> -> memref<10240x128xf32, #tpu.memory_space<hbm>>
      tpu.wait_indirect_dma semaphore(%arg14 : memref<!tpu.dma_semaphore, #tpu.memory_space<semaphore_mem>>) src(%dma_wait3A_162 : memref<10240x128xf32, #tpu.memory_space<hbm>>) dst(%arg12 : memref<125x128xf32, #tpu.memory_space<vmem>>)
      %run_scoped3A_163 = arith.constant 4 : i32
      "tpu.region"() ({
        %run_scoped3A_488 = tpu.sem_alloc : memref<!tpu.dma_semaphore, #tpu.memory_space<semaphore_mem>>
        %dma_start3A_489 = arith.constant 0 : i32
        %dma_start3A_490 = tpu.memref_slice %arg9[%run_scoped3A_163, %dma_start3A_489] : memref<10x125xi32, #tpu.memory_space<vmem>> -> memref<1x125xi32, #tpu.memory_space<vmem>>
        %dma_start3A_491 = tpu.memref_squeeze %dma_start3A_490 : memref<1x125xi32, #tpu.memory_space<vmem>> -> memref<125xi32, #tpu.memory_space<vmem>>
        %dma_start3A_492 = arith.constant 0 : i32
        %dma_start3A_493 = arith.constant 0 : i32
        %dma_start3A_494 = tpu.memref_slice %arg7[%dma_start3A_492, %dma_start3A_493] : memref<10240x128xf32, #tpu.memory_space<vmem_shared>> -> memref<10240x128xf32, #tpu.memory_space<vmem_shared>>
        tpu.enqueue_indirect_dma source(%arg12 : memref<125x128xf32, #tpu.memory_space<vmem>>) target(%dma_start3A_494 : memref<10240x128xf32, #tpu.memory_space<vmem_shared>>) offsets(%dma_start3A_491 : memref<125xi32, #tpu.memory_space<vmem>>) semaphore(%run_scoped3A_488 : memref<!tpu.dma_semaphore, #tpu.memory_space<semaphore_mem>>) {add = true}
        %dma_wait3A_495 = arith.constant 0 : i32
        %dma_wait3A_496 = tpu.memref_slice %arg9[%run_scoped3A_163, %dma_wait3A_495] : memref<10x125xi32, #tpu.memory_space<vmem>> -> memref<1x125xi32, #tpu.memory_space<vmem>>
        %dma_wait3A_497 = tpu.memref_squeeze %dma_wait3A_496 : memref<1x125xi32, #tpu.memory_space<vmem>> -> memref<125xi32, #tpu.memory_space<vmem>>
        %dma_wait3A_498 = arith.constant 0 : i32
        %dma_wait3A_499 = arith.constant 0 : i32
        %dma_wait3A_500 = tpu.memref_slice %arg7[%dma_wait3A_498, %dma_wait3A_499] : memref<10240x128xf32, #tpu.memory_space<vmem_shared>> -> memref<10240x128xf32, #tpu.memory_space<vmem_shared>>
        tpu.wait_indirect_dma semaphore(%run_scoped3A_488 : memref<!tpu.dma_semaphore, #tpu.memory_space<semaphore_mem>>) src(%arg12 : memref<125x128xf32, #tpu.memory_space<vmem>>) dst(%dma_wait3A_500 : memref<10240x128xf32, #tpu.memory_space<vmem_shared>>)
        tpu.yield
      }) : () -> ()
      %add3A_164 = arith.constant 2 : i32
      %add3A_165 = arith.addi %add3A_155, %add3A_164 : i32
      %lt3A_166 = arith.constant 80 : i32
      %lt3A_167 = arith.cmpi slt, %add3A_165, %lt3A_166 : i32
      %convert_element_type3A_168 = arith.extui %lt3A_167 : i1 to i32
      %cond3A_169 = arith.constant 0 : i32
      %cond3A_170 = arith.cmpi ne, %convert_element_type3A_168, %cond3A_169 : i32
      scf.if %cond3A_170 {
        %dma_start3A_488 = arith.constant 6 : i32
        %dma_start3A_489 = arith.constant 0 : i32
        %dma_start3A_490 = tpu.memref_slice %arg8[%dma_start3A_488, %dma_start3A_489] : memref<10x125xi32, #tpu.memory_space<vmem>> -> memref<1x125xi32, #tpu.memory_space<vmem>>
        %dma_start3A_491 = tpu.memref_squeeze %dma_start3A_490 : memref<1x125xi32, #tpu.memory_space<vmem>> -> memref<125xi32, #tpu.memory_space<vmem>>
        %dma_start3A_492 = arith.constant 0 : i32
        %dma_start3A_493 = arith.constant 0 : i32
        %dma_start3A_494 = tpu.memref_slice %arg2[%dma_start3A_492, %dma_start3A_493] : memref<10240x128xf32, #tpu.memory_space<hbm>> -> memref<10240x128xf32, #tpu.memory_space<hbm>>
        tpu.enqueue_indirect_dma source(%dma_start3A_494 : memref<10240x128xf32, #tpu.memory_space<hbm>>) target(%arg12 : memref<125x128xf32, #tpu.memory_space<vmem>>) offsets(%dma_start3A_491 : memref<125xi32, #tpu.memory_space<vmem>>) semaphore(%arg14 : memref<!tpu.dma_semaphore, #tpu.memory_space<semaphore_mem>>)
      } else {
      }
      %mul3A_171 = arith.constant 10 : i32
      %mul3A_172 = arith.muli %add3A_79, %mul3A_171 : i32
      %add3A_173 = arith.constant 5 : i32
      %add3A_174 = arith.addi %mul3A_172, %add3A_173 : i32
      %dma_wait3A_175 = arith.constant 5 : i32
      %dma_wait3A_176 = arith.constant 0 : i32
      %dma_wait3A_177 = tpu.memref_slice %arg8[%dma_wait3A_175, %dma_wait3A_176] : memref<10x125xi32, #tpu.memory_space<vmem>> -> memref<1x125xi32, #tpu.memory_space<vmem>>
      %dma_wait3A_178 = tpu.memref_squeeze %dma_wait3A_177 : memref<1x125xi32, #tpu.memory_space<vmem>> -> memref<125xi32, #tpu.memory_space<vmem>>
      %dma_wait3A_179 = arith.constant 0 : i32
      %dma_wait3A_180 = arith.constant 0 : i32
      %dma_wait3A_181 = tpu.memref_slice %arg2[%dma_wait3A_179, %dma_wait3A_180] : memref<10240x128xf32, #tpu.memory_space<hbm>> -> memref<10240x128xf32, #tpu.memory_space<hbm>>
      tpu.wait_indirect_dma semaphore(%arg15 : memref<!tpu.dma_semaphore, #tpu.memory_space<semaphore_mem>>) src(%dma_wait3A_181 : memref<10240x128xf32, #tpu.memory_space<hbm>>) dst(%arg13 : memref<125x128xf32, #tpu.memory_space<vmem>>)
      %run_scoped3A_182 = arith.constant 5 : i32
      "tpu.region"() ({
        %run_scoped3A_488 = tpu.sem_alloc : memref<!tpu.dma_semaphore, #tpu.memory_space<semaphore_mem>>
        %dma_start3A_489 = arith.constant 0 : i32
        %dma_start3A_490 = tpu.memref_slice %arg9[%run_scoped3A_182, %dma_start3A_489] : memref<10x125xi32, #tpu.memory_space<vmem>> -> memref<1x125xi32, #tpu.memory_space<vmem>>
        %dma_start3A_491 = tpu.memref_squeeze %dma_start3A_490 : memref<1x125xi32, #tpu.memory_space<vmem>> -> memref<125xi32, #tpu.memory_space<vmem>>
        %dma_start3A_492 = arith.constant 0 : i32
        %dma_start3A_493 = arith.constant 0 : i32
        %dma_start3A_494 = tpu.memref_slice %arg7[%dma_start3A_492, %dma_start3A_493] : memref<10240x128xf32, #tpu.memory_space<vmem_shared>> -> memref<10240x128xf32, #tpu.memory_space<vmem_shared>>
        tpu.enqueue_indirect_dma source(%arg13 : memref<125x128xf32, #tpu.memory_space<vmem>>) target(%dma_start3A_494 : memref<10240x128xf32, #tpu.memory_space<vmem_shared>>) offsets(%dma_start3A_491 : memref<125xi32, #tpu.memory_space<vmem>>) semaphore(%run_scoped3A_488 : memref<!tpu.dma_semaphore, #tpu.memory_space<semaphore_mem>>) {add = true}
        %dma_wait3A_495 = arith.constant 0 : i32
        %dma_wait3A_496 = tpu.memref_slice %arg9[%run_scoped3A_182, %dma_wait3A_495] : memref<10x125xi32, #tpu.memory_space<vmem>> -> memref<1x125xi32, #tpu.memory_space<vmem>>
        %dma_wait3A_497 = tpu.memref_squeeze %dma_wait3A_496 : memref<1x125xi32, #tpu.memory_space<vmem>> -> memref<125xi32, #tpu.memory_space<vmem>>
        %dma_wait3A_498 = arith.constant 0 : i32
        %dma_wait3A_499 = arith.constant 0 : i32
        %dma_wait3A_500 = tpu.memref_slice %arg7[%dma_wait3A_498, %dma_wait3A_499] : memref<10240x128xf32, #tpu.memory_space<vmem_shared>> -> memref<10240x128xf32, #tpu.memory_space<vmem_shared>>
        tpu.wait_indirect_dma semaphore(%run_scoped3A_488 : memref<!tpu.dma_semaphore, #tpu.memory_space<semaphore_mem>>) src(%arg13 : memref<125x128xf32, #tpu.memory_space<vmem>>) dst(%dma_wait3A_500 : memref<10240x128xf32, #tpu.memory_space<vmem_shared>>)
        tpu.yield
      }) : () -> ()
      %add3A_183 = arith.constant 2 : i32
      %add3A_184 = arith.addi %add3A_174, %add3A_183 : i32
      %lt3A_185 = arith.constant 80 : i32
      %lt3A_186 = arith.cmpi slt, %add3A_184, %lt3A_185 : i32
      %convert_element_type3A_187 = arith.extui %lt3A_186 : i1 to i32
      %cond3A_188 = arith.constant 0 : i32
      %cond3A_189 = arith.cmpi ne, %convert_element_type3A_187, %cond3A_188 : i32
      scf.if %cond3A_189 {
        %dma_start3A_488 = arith.constant 7 : i32
        %dma_start3A_489 = arith.constant 0 : i32
        %dma_start3A_490 = tpu.memref_slice %arg8[%dma_start3A_488, %dma_start3A_489] : memref<10x125xi32, #tpu.memory_space<vmem>> -> memref<1x125xi32, #tpu.memory_space<vmem>>
        %dma_start3A_491 = tpu.memref_squeeze %dma_start3A_490 : memref<1x125xi32, #tpu.memory_space<vmem>> -> memref<125xi32, #tpu.memory_space<vmem>>
        %dma_start3A_492 = arith.constant 0 : i32
        %dma_start3A_493 = arith.constant 0 : i32
        %dma_start3A_494 = tpu.memref_slice %arg2[%dma_start3A_492, %dma_start3A_493] : memref<10240x128xf32, #tpu.memory_space<hbm>> -> memref<10240x128xf32, #tpu.memory_space<hbm>>
        tpu.enqueue_indirect_dma source(%dma_start3A_494 : memref<10240x128xf32, #tpu.memory_space<hbm>>) target(%arg13 : memref<125x128xf32, #tpu.memory_space<vmem>>) offsets(%dma_start3A_491 : memref<125xi32, #tpu.memory_space<vmem>>) semaphore(%arg15 : memref<!tpu.dma_semaphore, #tpu.memory_space<semaphore_mem>>)
      } else {
      }
      %mul3A_190 = arith.constant 10 : i32
      %mul3A_191 = arith.muli %add3A_79, %mul3A_190 : i32
      %add3A_192 = arith.constant 6 : i32
      %add3A_193 = arith.addi %mul3A_191, %add3A_192 : i32
      %dma_wait3A_194 = arith.constant 6 : i32
      %dma_wait3A_195 = arith.constant 0 : i32
      %dma_wait3A_196 = tpu.memref_slice %arg8[%dma_wait3A_194, %dma_wait3A_195] : memref<10x125xi32, #tpu.memory_space<vmem>> -> memref<1x125xi32, #tpu.memory_space<vmem>>
      %dma_wait3A_197 = tpu.memref_squeeze %dma_wait3A_196 : memref<1x125xi32, #tpu.memory_space<vmem>> -> memref<125xi32, #tpu.memory_space<vmem>>
      %dma_wait3A_198 = arith.constant 0 : i32
      %dma_wait3A_199 = arith.constant 0 : i32
      %dma_wait3A_200 = tpu.memref_slice %arg2[%dma_wait3A_198, %dma_wait3A_199] : memref<10240x128xf32, #tpu.memory_space<hbm>> -> memref<10240x128xf32, #tpu.memory_space<hbm>>
      tpu.wait_indirect_dma semaphore(%arg14 : memref<!tpu.dma_semaphore, #tpu.memory_space<semaphore_mem>>) src(%dma_wait3A_200 : memref<10240x128xf32, #tpu.memory_space<hbm>>) dst(%arg12 : memref<125x128xf32, #tpu.memory_space<vmem>>)
      %run_scoped3A_201 = arith.constant 6 : i32
      "tpu.region"() ({
        %run_scoped3A_488 = tpu.sem_alloc : memref<!tpu.dma_semaphore, #tpu.memory_space<semaphore_mem>>
        %dma_start3A_489 = arith.constant 0 : i32
        %dma_start3A_490 = tpu.memref_slice %arg9[%run_scoped3A_201, %dma_start3A_489] : memref<10x125xi32, #tpu.memory_space<vmem>> -> memref<1x125xi32, #tpu.memory_space<vmem>>
        %dma_start3A_491 = tpu.memref_squeeze %dma_start3A_490 : memref<1x125xi32, #tpu.memory_space<vmem>> -> memref<125xi32, #tpu.memory_space<vmem>>
        %dma_start3A_492 = arith.constant 0 : i32
        %dma_start3A_493 = arith.constant 0 : i32
        %dma_start3A_494 = tpu.memref_slice %arg7[%dma_start3A_492, %dma_start3A_493] : memref<10240x128xf32, #tpu.memory_space<vmem_shared>> -> memref<10240x128xf32, #tpu.memory_space<vmem_shared>>
        tpu.enqueue_indirect_dma source(%arg12 : memref<125x128xf32, #tpu.memory_space<vmem>>) target(%dma_start3A_494 : memref<10240x128xf32, #tpu.memory_space<vmem_shared>>) offsets(%dma_start3A_491 : memref<125xi32, #tpu.memory_space<vmem>>) semaphore(%run_scoped3A_488 : memref<!tpu.dma_semaphore, #tpu.memory_space<semaphore_mem>>) {add = true}
        %dma_wait3A_495 = arith.constant 0 : i32
        %dma_wait3A_496 = tpu.memref_slice %arg9[%run_scoped3A_201, %dma_wait3A_495] : memref<10x125xi32, #tpu.memory_space<vmem>> -> memref<1x125xi32, #tpu.memory_space<vmem>>
        %dma_wait3A_497 = tpu.memref_squeeze %dma_wait3A_496 : memref<1x125xi32, #tpu.memory_space<vmem>> -> memref<125xi32, #tpu.memory_space<vmem>>
        %dma_wait3A_498 = arith.constant 0 : i32
        %dma_wait3A_499 = arith.constant 0 : i32
        %dma_wait3A_500 = tpu.memref_slice %arg7[%dma_wait3A_498, %dma_wait3A_499] : memref<10240x128xf32, #tpu.memory_space<vmem_shared>> -> memref<10240x128xf32, #tpu.memory_space<vmem_shared>>
        tpu.wait_indirect_dma semaphore(%run_scoped3A_488 : memref<!tpu.dma_semaphore, #tpu.memory_space<semaphore_mem>>) src(%arg12 : memref<125x128xf32, #tpu.memory_space<vmem>>) dst(%dma_wait3A_500 : memref<10240x128xf32, #tpu.memory_space<vmem_shared>>)
        tpu.yield
      }) : () -> ()
      %add3A_202 = arith.constant 2 : i32
      %add3A_203 = arith.addi %add3A_193, %add3A_202 : i32
      %lt3A_204 = arith.constant 80 : i32
      %lt3A_205 = arith.cmpi slt, %add3A_203, %lt3A_204 : i32
      %convert_element_type3A_206 = arith.extui %lt3A_205 : i1 to i32
      %cond3A_207 = arith.constant 0 : i32
      %cond3A_208 = arith.cmpi ne, %convert_element_type3A_206, %cond3A_207 : i32
      scf.if %cond3A_208 {
        %dma_start3A_488 = arith.constant 8 : i32
        %dma_start3A_489 = arith.constant 0 : i32
        %dma_start3A_490 = tpu.memref_slice %arg8[%dma_start3A_488, %dma_start3A_489] : memref<10x125xi32, #tpu.memory_space<vmem>> -> memref<1x125xi32, #tpu.memory_space<vmem>>
        %dma_start3A_491 = tpu.memref_squeeze %dma_start3A_490 : memref<1x125xi32, #tpu.memory_space<vmem>> -> memref<125xi32, #tpu.memory_space<vmem>>
        %dma_start3A_492 = arith.constant 0 : i32
        %dma_start3A_493 = arith.constant 0 : i32
        %dma_start3A_494 = tpu.memref_slice %arg2[%dma_start3A_492, %dma_start3A_493] : memref<10240x128xf32, #tpu.memory_space<hbm>> -> memref<10240x128xf32, #tpu.memory_space<hbm>>
        tpu.enqueue_indirect_dma source(%dma_start3A_494 : memref<10240x128xf32, #tpu.memory_space<hbm>>) target(%arg12 : memref<125x128xf32, #tpu.memory_space<vmem>>) offsets(%dma_start3A_491 : memref<125xi32, #tpu.memory_space<vmem>>) semaphore(%arg14 : memref<!tpu.dma_semaphore, #tpu.memory_space<semaphore_mem>>)
      } else {
      }
      %mul3A_209 = arith.constant 10 : i32
      %mul3A_210 = arith.muli %add3A_79, %mul3A_209 : i32
      %add3A_211 = arith.constant 7 : i32
      %add3A_212 = arith.addi %mul3A_210, %add3A_211 : i32
      %dma_wait3A_213 = arith.constant 7 : i32
      %dma_wait3A_214 = arith.constant 0 : i32
      %dma_wait3A_215 = tpu.memref_slice %arg8[%dma_wait3A_213, %dma_wait3A_214] : memref<10x125xi32, #tpu.memory_space<vmem>> -> memref<1x125xi32, #tpu.memory_space<vmem>>
      %dma_wait3A_216 = tpu.memref_squeeze %dma_wait3A_215 : memref<1x125xi32, #tpu.memory_space<vmem>> -> memref<125xi32, #tpu.memory_space<vmem>>
      %dma_wait3A_217 = arith.constant 0 : i32
      %dma_wait3A_218 = arith.constant 0 : i32
      %dma_wait3A_219 = tpu.memref_slice %arg2[%dma_wait3A_217, %dma_wait3A_218] : memref<10240x128xf32, #tpu.memory_space<hbm>> -> memref<10240x128xf32, #tpu.memory_space<hbm>>
      tpu.wait_indirect_dma semaphore(%arg15 : memref<!tpu.dma_semaphore, #tpu.memory_space<semaphore_mem>>) src(%dma_wait3A_219 : memref<10240x128xf32, #tpu.memory_space<hbm>>) dst(%arg13 : memref<125x128xf32, #tpu.memory_space<vmem>>)
      %run_scoped3A_220 = arith.constant 7 : i32
      "tpu.region"() ({
        %run_scoped3A_488 = tpu.sem_alloc : memref<!tpu.dma_semaphore, #tpu.memory_space<semaphore_mem>>
        %dma_start3A_489 = arith.constant 0 : i32
        %dma_start3A_490 = tpu.memref_slice %arg9[%run_scoped3A_220, %dma_start3A_489] : memref<10x125xi32, #tpu.memory_space<vmem>> -> memref<1x125xi32, #tpu.memory_space<vmem>>
        %dma_start3A_491 = tpu.memref_squeeze %dma_start3A_490 : memref<1x125xi32, #tpu.memory_space<vmem>> -> memref<125xi32, #tpu.memory_space<vmem>>
        %dma_start3A_492 = arith.constant 0 : i32
        %dma_start3A_493 = arith.constant 0 : i32
        %dma_start3A_494 = tpu.memref_slice %arg7[%dma_start3A_492, %dma_start3A_493] : memref<10240x128xf32, #tpu.memory_space<vmem_shared>> -> memref<10240x128xf32, #tpu.memory_space<vmem_shared>>
        tpu.enqueue_indirect_dma source(%arg13 : memref<125x128xf32, #tpu.memory_space<vmem>>) target(%dma_start3A_494 : memref<10240x128xf32, #tpu.memory_space<vmem_shared>>) offsets(%dma_start3A_491 : memref<125xi32, #tpu.memory_space<vmem>>) semaphore(%run_scoped3A_488 : memref<!tpu.dma_semaphore, #tpu.memory_space<semaphore_mem>>) {add = true}
        %dma_wait3A_495 = arith.constant 0 : i32
        %dma_wait3A_496 = tpu.memref_slice %arg9[%run_scoped3A_220, %dma_wait3A_495] : memref<10x125xi32, #tpu.memory_space<vmem>> -> memref<1x125xi32, #tpu.memory_space<vmem>>
        %dma_wait3A_497 = tpu.memref_squeeze %dma_wait3A_496 : memref<1x125xi32, #tpu.memory_space<vmem>> -> memref<125xi32, #tpu.memory_space<vmem>>
        %dma_wait3A_498 = arith.constant 0 : i32
        %dma_wait3A_499 = arith.constant 0 : i32
        %dma_wait3A_500 = tpu.memref_slice %arg7[%dma_wait3A_498, %dma_wait3A_499] : memref<10240x128xf32, #tpu.memory_space<vmem_shared>> -> memref<10240x128xf32, #tpu.memory_space<vmem_shared>>
        tpu.wait_indirect_dma semaphore(%run_scoped3A_488 : memref<!tpu.dma_semaphore, #tpu.memory_space<semaphore_mem>>) src(%arg13 : memref<125x128xf32, #tpu.memory_space<vmem>>) dst(%dma_wait3A_500 : memref<10240x128xf32, #tpu.memory_space<vmem_shared>>)
        tpu.yield
      }) : () -> ()
      %add3A_221 = arith.constant 2 : i32
      %add3A_222 = arith.addi %add3A_212, %add3A_221 : i32
      %lt3A_223 = arith.constant 80 : i32
      %lt3A_224 = arith.cmpi slt, %add3A_222, %lt3A_223 : i32
      %convert_element_type3A_225 = arith.extui %lt3A_224 : i1 to i32
      %cond3A_226 = arith.constant 0 : i32
      %cond3A_227 = arith.cmpi ne, %convert_element_type3A_225, %cond3A_226 : i32
      scf.if %cond3A_227 {
        %dma_start3A_488 = arith.constant 9 : i32
        %dma_start3A_489 = arith.constant 0 : i32
        %dma_start3A_490 = tpu.memref_slice %arg8[%dma_start3A_488, %dma_start3A_489] : memref<10x125xi32, #tpu.memory_space<vmem>> -> memref<1x125xi32, #tpu.memory_space<vmem>>
        %dma_start3A_491 = tpu.memref_squeeze %dma_start3A_490 : memref<1x125xi32, #tpu.memory_space<vmem>> -> memref<125xi32, #tpu.memory_space<vmem>>
        %dma_start3A_492 = arith.constant 0 : i32
        %dma_start3A_493 = arith.constant 0 : i32
        %dma_start3A_494 = tpu.memref_slice %arg2[%dma_start3A_492, %dma_start3A_493] : memref<10240x128xf32, #tpu.memory_space<hbm>> -> memref<10240x128xf32, #tpu.memory_space<hbm>>
        tpu.enqueue_indirect_dma source(%dma_start3A_494 : memref<10240x128xf32, #tpu.memory_space<hbm>>) target(%arg13 : memref<125x128xf32, #tpu.memory_space<vmem>>) offsets(%dma_start3A_491 : memref<125xi32, #tpu.memory_space<vmem>>) semaphore(%arg15 : memref<!tpu.dma_semaphore, #tpu.memory_space<semaphore_mem>>)
      } else {
      }
      %mul3A_228 = arith.constant 10 : i32
      %mul3A_229 = arith.muli %add3A_79, %mul3A_228 : i32
      %add3A_230 = arith.constant 8 : i32
      %add3A_231 = arith.addi %mul3A_229, %add3A_230 : i32
      %dma_wait3A_232 = arith.constant 8 : i32
      %dma_wait3A_233 = arith.constant 0 : i32
      %dma_wait3A_234 = tpu.memref_slice %arg8[%dma_wait3A_232, %dma_wait3A_233] : memref<10x125xi32, #tpu.memory_space<vmem>> -> memref<1x125xi32, #tpu.memory_space<vmem>>
      %dma_wait3A_235 = tpu.memref_squeeze %dma_wait3A_234 : memref<1x125xi32, #tpu.memory_space<vmem>> -> memref<125xi32, #tpu.memory_space<vmem>>
      %dma_wait3A_236 = arith.constant 0 : i32
      %dma_wait3A_237 = arith.constant 0 : i32
      %dma_wait3A_238 = tpu.memref_slice %arg2[%dma_wait3A_236, %dma_wait3A_237] : memref<10240x128xf32, #tpu.memory_space<hbm>> -> memref<10240x128xf32, #tpu.memory_space<hbm>>
      tpu.wait_indirect_dma semaphore(%arg14 : memref<!tpu.dma_semaphore, #tpu.memory_space<semaphore_mem>>) src(%dma_wait3A_238 : memref<10240x128xf32, #tpu.memory_space<hbm>>) dst(%arg12 : memref<125x128xf32, #tpu.memory_space<vmem>>)
      %run_scoped3A_239 = arith.constant 8 : i32
      "tpu.region"() ({
        %run_scoped3A_488 = tpu.sem_alloc : memref<!tpu.dma_semaphore, #tpu.memory_space<semaphore_mem>>
        %dma_start3A_489 = arith.constant 0 : i32
        %dma_start3A_490 = tpu.memref_slice %arg9[%run_scoped3A_239, %dma_start3A_489] : memref<10x125xi32, #tpu.memory_space<vmem>> -> memref<1x125xi32, #tpu.memory_space<vmem>>
        %dma_start3A_491 = tpu.memref_squeeze %dma_start3A_490 : memref<1x125xi32, #tpu.memory_space<vmem>> -> memref<125xi32, #tpu.memory_space<vmem>>
        %dma_start3A_492 = arith.constant 0 : i32
        %dma_start3A_493 = arith.constant 0 : i32
        %dma_start3A_494 = tpu.memref_slice %arg7[%dma_start3A_492, %dma_start3A_493] : memref<10240x128xf32, #tpu.memory_space<vmem_shared>> -> memref<10240x128xf32, #tpu.memory_space<vmem_shared>>
        tpu.enqueue_indirect_dma source(%arg12 : memref<125x128xf32, #tpu.memory_space<vmem>>) target(%dma_start3A_494 : memref<10240x128xf32, #tpu.memory_space<vmem_shared>>) offsets(%dma_start3A_491 : memref<125xi32, #tpu.memory_space<vmem>>) semaphore(%run_scoped3A_488 : memref<!tpu.dma_semaphore, #tpu.memory_space<semaphore_mem>>) {add = true}
        %dma_wait3A_495 = arith.constant 0 : i32
        %dma_wait3A_496 = tpu.memref_slice %arg9[%run_scoped3A_239, %dma_wait3A_495] : memref<10x125xi32, #tpu.memory_space<vmem>> -> memref<1x125xi32, #tpu.memory_space<vmem>>
        %dma_wait3A_497 = tpu.memref_squeeze %dma_wait3A_496 : memref<1x125xi32, #tpu.memory_space<vmem>> -> memref<125xi32, #tpu.memory_space<vmem>>
        %dma_wait3A_498 = arith.constant 0 : i32
        %dma_wait3A_499 = arith.constant 0 : i32
        %dma_wait3A_500 = tpu.memref_slice %arg7[%dma_wait3A_498, %dma_wait3A_499] : memref<10240x128xf32, #tpu.memory_space<vmem_shared>> -> memref<10240x128xf32, #tpu.memory_space<vmem_shared>>
        tpu.wait_indirect_dma semaphore(%run_scoped3A_488 : memref<!tpu.dma_semaphore, #tpu.memory_space<semaphore_mem>>) src(%arg12 : memref<125x128xf32, #tpu.memory_space<vmem>>) dst(%dma_wait3A_500 : memref<10240x128xf32, #tpu.memory_space<vmem_shared>>)
        tpu.yield
      }) : () -> ()
      %add3A_240 = arith.constant 1 : i32
      %add3A_241 = arith.addi %add3A_79, %add3A_240 : i32
      %lt3A_242 = arith.constant 8 : i32
      %lt3A_243 = arith.cmpi slt, %add3A_241, %lt3A_242 : i32
      %convert_element_type3A_244 = arith.extui %lt3A_243 : i1 to i32
      %cond3A_245 = arith.constant 0 : i32
      %cond3A_246 = arith.cmpi ne, %convert_element_type3A_244, %cond3A_245 : i32
      scf.if %cond3A_246 {
        %add3A_488 = arith.constant 1 : i32
        %add3A_489 = arith.addi %add3A_79, %add3A_488 : i32
        %dma_wait3A_490 = arith.constant 0 : i32
        %dma_wait3A_491 = arith.constant 0 : i32
        %dma_wait3A_492 = tpu.memref_slice %arg3[%add3A, %add3A_489, %dma_wait3A_490, %dma_wait3A_491] : memref<32x8x10x125xi32, #tpu.memory_space<hbm>> -> memref<1x1x10x125xi32, #tpu.memory_space<hbm>>
        %dma_wait3A_493 = tpu.memref_squeeze %dma_wait3A_492 : memref<1x1x10x125xi32, #tpu.memory_space<hbm>> -> memref<10x125xi32, #tpu.memory_space<hbm>>
        %dma_wait3A_494 = arith.constant 0 : i32
        %dma_wait3A_495 = arith.constant 0 : i32
        %dma_wait3A_496 = tpu.memref_slice %arg3[%add3A, %add3A_489, %dma_wait3A_494, %dma_wait3A_495] : memref<32x8x10x125xi32, #tpu.memory_space<hbm>> -> memref<1x1x10x125xi32, #tpu.memory_space<hbm>>
        %dma_wait3A_497 = tpu.memref_squeeze %dma_wait3A_496 : memref<1x1x10x125xi32, #tpu.memory_space<hbm>> -> memref<10x125xi32, #tpu.memory_space<hbm>>
        tpu.wait_dma2 semaphore(%arg16 : memref<!tpu.dma_semaphore, #tpu.memory_space<semaphore_mem>>) src(%dma_wait3A_497 : memref<10x125xi32, #tpu.memory_space<hbm>>) dst(%arg10 : memref<10x125xi32, #tpu.memory_space<vmem>>)
        %dma_wait3A_498 = arith.constant 0 : i32
        %dma_wait3A_499 = arith.constant 0 : i32
        %dma_wait3A_500 = tpu.memref_slice %arg4[%add3A, %add3A_489, %dma_wait3A_498, %dma_wait3A_499] : memref<32x8x10x125xi32, #tpu.memory_space<hbm>> -> memref<1x1x10x125xi32, #tpu.memory_space<hbm>>
        %dma_wait3A_501 = tpu.memref_squeeze %dma_wait3A_500 : memref<1x1x10x125xi32, #tpu.memory_space<hbm>> -> memref<10x125xi32, #tpu.memory_space<hbm>>
        %dma_wait3A_502 = arith.constant 0 : i32
        %dma_wait3A_503 = arith.constant 0 : i32
        %dma_wait3A_504 = tpu.memref_slice %arg4[%add3A, %add3A_489, %dma_wait3A_502, %dma_wait3A_503] : memref<32x8x10x125xi32, #tpu.memory_space<hbm>> -> memref<1x1x10x125xi32, #tpu.memory_space<hbm>>
        %dma_wait3A_505 = tpu.memref_squeeze %dma_wait3A_504 : memref<1x1x10x125xi32, #tpu.memory_space<hbm>> -> memref<10x125xi32, #tpu.memory_space<hbm>>
        tpu.wait_dma2 semaphore(%arg16 : memref<!tpu.dma_semaphore, #tpu.memory_space<semaphore_mem>>) src(%dma_wait3A_505 : memref<10x125xi32, #tpu.memory_space<hbm>>) dst(%arg11 : memref<10x125xi32, #tpu.memory_space<vmem>>)
      } else {
      }
      %add3A_247 = arith.constant 2 : i32
      %add3A_248 = arith.addi %add3A_231, %add3A_247 : i32
      %lt3A_249 = arith.constant 80 : i32
      %lt3A_250 = arith.cmpi slt, %add3A_248, %lt3A_249 : i32
      %convert_element_type3A_251 = arith.extui %lt3A_250 : i1 to i32
      %cond3A_252 = arith.constant 0 : i32
      %cond3A_253 = arith.cmpi ne, %convert_element_type3A_251, %cond3A_252 : i32
      scf.if %cond3A_253 {
        %dma_start3A_488 = arith.constant 0 : i32
        %dma_start3A_489 = arith.constant 0 : i32
        %dma_start3A_490 = tpu.memref_slice %arg10[%dma_start3A_488, %dma_start3A_489] : memref<10x125xi32, #tpu.memory_space<vmem>> -> memref<1x125xi32, #tpu.memory_space<vmem>>
        %dma_start3A_491 = tpu.memref_squeeze %dma_start3A_490 : memref<1x125xi32, #tpu.memory_space<vmem>> -> memref<125xi32, #tpu.memory_space<vmem>>
        %dma_start3A_492 = arith.constant 0 : i32
        %dma_start3A_493 = arith.constant 0 : i32
        %dma_start3A_494 = tpu.memref_slice %arg2[%dma_start3A_492, %dma_start3A_493] : memref<10240x128xf32, #tpu.memory_space<hbm>> -> memref<10240x128xf32, #tpu.memory_space<hbm>>
        tpu.enqueue_indirect_dma source(%dma_start3A_494 : memref<10240x128xf32, #tpu.memory_space<hbm>>) target(%arg12 : memref<125x128xf32, #tpu.memory_space<vmem>>) offsets(%dma_start3A_491 : memref<125xi32, #tpu.memory_space<vmem>>) semaphore(%arg14 : memref<!tpu.dma_semaphore, #tpu.memory_space<semaphore_mem>>)
      } else {
      }
      %mul3A_254 = arith.constant 10 : i32
      %mul3A_255 = arith.muli %add3A_79, %mul3A_254 : i32
      %add3A_256 = arith.constant 9 : i32
      %add3A_257 = arith.addi %mul3A_255, %add3A_256 : i32
      %dma_wait3A_258 = arith.constant 9 : i32
      %dma_wait3A_259 = arith.constant 0 : i32
      %dma_wait3A_260 = tpu.memref_slice %arg8[%dma_wait3A_258, %dma_wait3A_259] : memref<10x125xi32, #tpu.memory_space<vmem>> -> memref<1x125xi32, #tpu.memory_space<vmem>>
      %dma_wait3A_261 = tpu.memref_squeeze %dma_wait3A_260 : memref<1x125xi32, #tpu.memory_space<vmem>> -> memref<125xi32, #tpu.memory_space<vmem>>
      %dma_wait3A_262 = arith.constant 0 : i32
      %dma_wait3A_263 = arith.constant 0 : i32
      %dma_wait3A_264 = tpu.memref_slice %arg2[%dma_wait3A_262, %dma_wait3A_263] : memref<10240x128xf32, #tpu.memory_space<hbm>> -> memref<10240x128xf32, #tpu.memory_space<hbm>>
      tpu.wait_indirect_dma semaphore(%arg15 : memref<!tpu.dma_semaphore, #tpu.memory_space<semaphore_mem>>) src(%dma_wait3A_264 : memref<10240x128xf32, #tpu.memory_space<hbm>>) dst(%arg13 : memref<125x128xf32, #tpu.memory_space<vmem>>)
      %run_scoped3A_265 = arith.constant 9 : i32
      "tpu.region"() ({
        %run_scoped3A_488 = tpu.sem_alloc : memref<!tpu.dma_semaphore, #tpu.memory_space<semaphore_mem>>
        %dma_start3A_489 = arith.constant 0 : i32
        %dma_start3A_490 = tpu.memref_slice %arg9[%run_scoped3A_265, %dma_start3A_489] : memref<10x125xi32, #tpu.memory_space<vmem>> -> memref<1x125xi32, #tpu.memory_space<vmem>>
        %dma_start3A_491 = tpu.memref_squeeze %dma_start3A_490 : memref<1x125xi32, #tpu.memory_space<vmem>> -> memref<125xi32, #tpu.memory_space<vmem>>
        %dma_start3A_492 = arith.constant 0 : i32
        %dma_start3A_493 = arith.constant 0 : i32
        %dma_start3A_494 = tpu.memref_slice %arg7[%dma_start3A_492, %dma_start3A_493] : memref<10240x128xf32, #tpu.memory_space<vmem_shared>> -> memref<10240x128xf32, #tpu.memory_space<vmem_shared>>
        tpu.enqueue_indirect_dma source(%arg13 : memref<125x128xf32, #tpu.memory_space<vmem>>) target(%dma_start3A_494 : memref<10240x128xf32, #tpu.memory_space<vmem_shared>>) offsets(%dma_start3A_491 : memref<125xi32, #tpu.memory_space<vmem>>) semaphore(%run_scoped3A_488 : memref<!tpu.dma_semaphore, #tpu.memory_space<semaphore_mem>>) {add = true}
        %dma_wait3A_495 = arith.constant 0 : i32
        %dma_wait3A_496 = tpu.memref_slice %arg9[%run_scoped3A_265, %dma_wait3A_495] : memref<10x125xi32, #tpu.memory_space<vmem>> -> memref<1x125xi32, #tpu.memory_space<vmem>>
        %dma_wait3A_497 = tpu.memref_squeeze %dma_wait3A_496 : memref<1x125xi32, #tpu.memory_space<vmem>> -> memref<125xi32, #tpu.memory_space<vmem>>
        %dma_wait3A_498 = arith.constant 0 : i32
        %dma_wait3A_499 = arith.constant 0 : i32
        %dma_wait3A_500 = tpu.memref_slice %arg7[%dma_wait3A_498, %dma_wait3A_499] : memref<10240x128xf32, #tpu.memory_space<vmem_shared>> -> memref<10240x128xf32, #tpu.memory_space<vmem_shared>>
        tpu.wait_indirect_dma semaphore(%run_scoped3A_488 : memref<!tpu.dma_semaphore, #tpu.memory_space<semaphore_mem>>) src(%arg13 : memref<125x128xf32, #tpu.memory_space<vmem>>) dst(%dma_wait3A_500 : memref<10240x128xf32, #tpu.memory_space<vmem_shared>>)
        tpu.yield
      }) : () -> ()
      %add3A_266 = arith.constant 2 : i32
      %add3A_267 = arith.addi %add3A_257, %add3A_266 : i32
      %lt3A_268 = arith.constant 80 : i32
      %lt3A_269 = arith.cmpi slt, %add3A_267, %lt3A_268 : i32
      %convert_element_type3A_270 = arith.extui %lt3A_269 : i1 to i32
      %cond3A_271 = arith.constant 0 : i32
      %cond3A_272 = arith.cmpi ne, %convert_element_type3A_270, %cond3A_271 : i32
      scf.if %cond3A_272 {
        %dma_start3A_488 = arith.constant 1 : i32
        %dma_start3A_489 = arith.constant 0 : i32
        %dma_start3A_490 = tpu.memref_slice %arg10[%dma_start3A_488, %dma_start3A_489] : memref<10x125xi32, #tpu.memory_space<vmem>> -> memref<1x125xi32, #tpu.memory_space<vmem>>
        %dma_start3A_491 = tpu.memref_squeeze %dma_start3A_490 : memref<1x125xi32, #tpu.memory_space<vmem>> -> memref<125xi32, #tpu.memory_space<vmem>>
        %dma_start3A_492 = arith.constant 0 : i32
        %dma_start3A_493 = arith.constant 0 : i32
        %dma_start3A_494 = tpu.memref_slice %arg2[%dma_start3A_492, %dma_start3A_493] : memref<10240x128xf32, #tpu.memory_space<hbm>> -> memref<10240x128xf32, #tpu.memory_space<hbm>>
        tpu.enqueue_indirect_dma source(%dma_start3A_494 : memref<10240x128xf32, #tpu.memory_space<hbm>>) target(%arg13 : memref<125x128xf32, #tpu.memory_space<vmem>>) offsets(%dma_start3A_491 : memref<125xi32, #tpu.memory_space<vmem>>) semaphore(%arg15 : memref<!tpu.dma_semaphore, #tpu.memory_space<semaphore_mem>>)
      } else {
      }
      %add3A_273 = arith.constant 2 : i32
      %add3A_274 = arith.addi %add3A_79, %add3A_273 : i32
      %lt3A_275 = arith.constant 8 : i32
      %lt3A_276 = arith.cmpi slt, %add3A_274, %lt3A_275 : i32
      %convert_element_type3A_277 = arith.extui %lt3A_276 : i1 to i32
      %cond3A_278 = arith.constant 0 : i32
      %cond3A_279 = arith.cmpi ne, %convert_element_type3A_277, %cond3A_278 : i32
      scf.if %cond3A_279 {
        %add3A_488 = arith.constant 2 : i32
        %add3A_489 = arith.addi %add3A_79, %add3A_488 : i32
        %dma_start3A_490 = arith.constant 0 : i32
        %dma_start3A_491 = arith.constant 0 : i32
        %dma_start3A_492 = tpu.memref_slice %arg3[%add3A, %add3A_489, %dma_start3A_490, %dma_start3A_491] : memref<32x8x10x125xi32, #tpu.memory_space<hbm>> -> memref<1x1x10x125xi32, #tpu.memory_space<hbm>>
        %dma_start3A_493 = tpu.memref_squeeze %dma_start3A_492 : memref<1x1x10x125xi32, #tpu.memory_space<hbm>> -> memref<10x125xi32, #tpu.memory_space<hbm>>
        %dma_start3A_494 = arith.constant 0 : i32
        %dma_start3A_495 = arith.constant 0 : i32
        %dma_start3A_496 = tpu.memref_slice %arg3[%add3A, %add3A_489, %dma_start3A_494, %dma_start3A_495] : memref<32x8x10x125xi32, #tpu.memory_space<hbm>> -> memref<1x1x10x125xi32, #tpu.memory_space<hbm>>
        %dma_start3A_497 = tpu.memref_squeeze %dma_start3A_496 : memref<1x1x10x125xi32, #tpu.memory_space<hbm>> -> memref<10x125xi32, #tpu.memory_space<hbm>>
        tpu.enqueue_dma source(%dma_start3A_497 : memref<10x125xi32, #tpu.memory_space<hbm>>) target(%arg8 : memref<10x125xi32, #tpu.memory_space<vmem>>) target_semaphore(%arg16 : memref<!tpu.dma_semaphore, #tpu.memory_space<semaphore_mem>>)
        %dma_start3A_498 = arith.constant 0 : i32
        %dma_start3A_499 = arith.constant 0 : i32
        %dma_start3A_500 = tpu.memref_slice %arg4[%add3A, %add3A_489, %dma_start3A_498, %dma_start3A_499] : memref<32x8x10x125xi32, #tpu.memory_space<hbm>> -> memref<1x1x10x125xi32, #tpu.memory_space<hbm>>
        %dma_start3A_501 = tpu.memref_squeeze %dma_start3A_500 : memref<1x1x10x125xi32, #tpu.memory_space<hbm>> -> memref<10x125xi32, #tpu.memory_space<hbm>>
        %dma_start3A_502 = arith.constant 0 : i32
        %dma_start3A_503 = arith.constant 0 : i32
        %dma_start3A_504 = tpu.memref_slice %arg4[%add3A, %add3A_489, %dma_start3A_502, %dma_start3A_503] : memref<32x8x10x125xi32, #tpu.memory_space<hbm>> -> memref<1x1x10x125xi32, #tpu.memory_space<hbm>>
        %dma_start3A_505 = tpu.memref_squeeze %dma_start3A_504 : memref<1x1x10x125xi32, #tpu.memory_space<hbm>> -> memref<10x125xi32, #tpu.memory_space<hbm>>
        tpu.enqueue_dma source(%dma_start3A_505 : memref<10x125xi32, #tpu.memory_space<hbm>>) target(%arg9 : memref<10x125xi32, #tpu.memory_space<vmem>>) target_semaphore(%arg16 : memref<!tpu.dma_semaphore, #tpu.memory_space<semaphore_mem>>)
      } else {
      }
      %mul3A_280 = arith.constant 2 : i32
      %mul3A_281 = arith.muli %mul3A_280, %scan3A_75 : i32
      %add3A_282 = arith.constant 1 : i32
      %add3A_283 = arith.addi %mul3A_281, %add3A_282 : i32
      %mul3A_284 = arith.constant 10 : i32
      %mul3A_285 = arith.muli %add3A_283, %mul3A_284 : i32
      %add3A_286 = arith.constant 0 : i32
      %add3A_287 = arith.addi %mul3A_285, %add3A_286 : i32
      %dma_wait3A_288 = arith.constant 0 : i32
      %dma_wait3A_289 = arith.constant 0 : i32
      %dma_wait3A_290 = tpu.memref_slice %arg10[%dma_wait3A_288, %dma_wait3A_289] : memref<10x125xi32, #tpu.memory_space<vmem>> -> memref<1x125xi32, #tpu.memory_space<vmem>>
      %dma_wait3A_291 = tpu.memref_squeeze %dma_wait3A_290 : memref<1x125xi32, #tpu.memory_space<vmem>> -> memref<125xi32, #tpu.memory_space<vmem>>
      %dma_wait3A_292 = arith.constant 0 : i32
      %dma_wait3A_293 = arith.constant 0 : i32
      %dma_wait3A_294 = tpu.memref_slice %arg2[%dma_wait3A_292, %dma_wait3A_293] : memref<10240x128xf32, #tpu.memory_space<hbm>> -> memref<10240x128xf32, #tpu.memory_space<hbm>>
      tpu.wait_indirect_dma semaphore(%arg14 : memref<!tpu.dma_semaphore, #tpu.memory_space<semaphore_mem>>) src(%dma_wait3A_294 : memref<10240x128xf32, #tpu.memory_space<hbm>>) dst(%arg12 : memref<125x128xf32, #tpu.memory_space<vmem>>)
      %run_scoped3A_295 = arith.constant 0 : i32
      "tpu.region"() ({
        %run_scoped3A_488 = tpu.sem_alloc : memref<!tpu.dma_semaphore, #tpu.memory_space<semaphore_mem>>
        %dma_start3A_489 = arith.constant 0 : i32
        %dma_start3A_490 = tpu.memref_slice %arg11[%run_scoped3A_295, %dma_start3A_489] : memref<10x125xi32, #tpu.memory_space<vmem>> -> memref<1x125xi32, #tpu.memory_space<vmem>>
        %dma_start3A_491 = tpu.memref_squeeze %dma_start3A_490 : memref<1x125xi32, #tpu.memory_space<vmem>> -> memref<125xi32, #tpu.memory_space<vmem>>
        %dma_start3A_492 = arith.constant 0 : i32
        %dma_start3A_493 = arith.constant 0 : i32
        %dma_start3A_494 = tpu.memref_slice %arg7[%dma_start3A_492, %dma_start3A_493] : memref<10240x128xf32, #tpu.memory_space<vmem_shared>> -> memref<10240x128xf32, #tpu.memory_space<vmem_shared>>
        tpu.enqueue_indirect_dma source(%arg12 : memref<125x128xf32, #tpu.memory_space<vmem>>) target(%dma_start3A_494 : memref<10240x128xf32, #tpu.memory_space<vmem_shared>>) offsets(%dma_start3A_491 : memref<125xi32, #tpu.memory_space<vmem>>) semaphore(%run_scoped3A_488 : memref<!tpu.dma_semaphore, #tpu.memory_space<semaphore_mem>>) {add = true}
        %dma_wait3A_495 = arith.constant 0 : i32
        %dma_wait3A_496 = tpu.memref_slice %arg11[%run_scoped3A_295, %dma_wait3A_495] : memref<10x125xi32, #tpu.memory_space<vmem>> -> memref<1x125xi32, #tpu.memory_space<vmem>>
        %dma_wait3A_497 = tpu.memref_squeeze %dma_wait3A_496 : memref<1x125xi32, #tpu.memory_space<vmem>> -> memref<125xi32, #tpu.memory_space<vmem>>
        %dma_wait3A_498 = arith.constant 0 : i32
        %dma_wait3A_499 = arith.constant 0 : i32
        %dma_wait3A_500 = tpu.memref_slice %arg7[%dma_wait3A_498, %dma_wait3A_499] : memref<10240x128xf32, #tpu.memory_space<vmem_shared>> -> memref<10240x128xf32, #tpu.memory_space<vmem_shared>>
        tpu.wait_indirect_dma semaphore(%run_scoped3A_488 : memref<!tpu.dma_semaphore, #tpu.memory_space<semaphore_mem>>) src(%arg12 : memref<125x128xf32, #tpu.memory_space<vmem>>) dst(%dma_wait3A_500 : memref<10240x128xf32, #tpu.memory_space<vmem_shared>>)
        tpu.yield
      }) : () -> ()
      %add3A_296 = arith.constant 2 : i32
      %add3A_297 = arith.addi %add3A_287, %add3A_296 : i32
      %lt3A_298 = arith.constant 80 : i32
      %lt3A_299 = arith.cmpi slt, %add3A_297, %lt3A_298 : i32
      %convert_element_type3A_300 = arith.extui %lt3A_299 : i1 to i32
      %cond3A_301 = arith.constant 0 : i32
      %cond3A_302 = arith.cmpi ne, %convert_element_type3A_300, %cond3A_301 : i32
      scf.if %cond3A_302 {
        %dma_start3A_488 = arith.constant 2 : i32
        %dma_start3A_489 = arith.constant 0 : i32
        %dma_start3A_490 = tpu.memref_slice %arg10[%dma_start3A_488, %dma_start3A_489] : memref<10x125xi32, #tpu.memory_space<vmem>> -> memref<1x125xi32, #tpu.memory_space<vmem>>
        %dma_start3A_491 = tpu.memref_squeeze %dma_start3A_490 : memref<1x125xi32, #tpu.memory_space<vmem>> -> memref<125xi32, #tpu.memory_space<vmem>>
        %dma_start3A_492 = arith.constant 0 : i32
        %dma_start3A_493 = arith.constant 0 : i32
        %dma_start3A_494 = tpu.memref_slice %arg2[%dma_start3A_492, %dma_start3A_493] : memref<10240x128xf32, #tpu.memory_space<hbm>> -> memref<10240x128xf32, #tpu.memory_space<hbm>>
        tpu.enqueue_indirect_dma source(%dma_start3A_494 : memref<10240x128xf32, #tpu.memory_space<hbm>>) target(%arg12 : memref<125x128xf32, #tpu.memory_space<vmem>>) offsets(%dma_start3A_491 : memref<125xi32, #tpu.memory_space<vmem>>) semaphore(%arg14 : memref<!tpu.dma_semaphore, #tpu.memory_space<semaphore_mem>>)
      } else {
      }
      %mul3A_303 = arith.constant 10 : i32
      %mul3A_304 = arith.muli %add3A_283, %mul3A_303 : i32
      %add3A_305 = arith.constant 1 : i32
      %add3A_306 = arith.addi %mul3A_304, %add3A_305 : i32
      %dma_wait3A_307 = arith.constant 1 : i32
      %dma_wait3A_308 = arith.constant 0 : i32
      %dma_wait3A_309 = tpu.memref_slice %arg10[%dma_wait3A_307, %dma_wait3A_308] : memref<10x125xi32, #tpu.memory_space<vmem>> -> memref<1x125xi32, #tpu.memory_space<vmem>>
      %dma_wait3A_310 = tpu.memref_squeeze %dma_wait3A_309 : memref<1x125xi32, #tpu.memory_space<vmem>> -> memref<125xi32, #tpu.memory_space<vmem>>
      %dma_wait3A_311 = arith.constant 0 : i32
      %dma_wait3A_312 = arith.constant 0 : i32
      %dma_wait3A_313 = tpu.memref_slice %arg2[%dma_wait3A_311, %dma_wait3A_312] : memref<10240x128xf32, #tpu.memory_space<hbm>> -> memref<10240x128xf32, #tpu.memory_space<hbm>>
      tpu.wait_indirect_dma semaphore(%arg15 : memref<!tpu.dma_semaphore, #tpu.memory_space<semaphore_mem>>) src(%dma_wait3A_313 : memref<10240x128xf32, #tpu.memory_space<hbm>>) dst(%arg13 : memref<125x128xf32, #tpu.memory_space<vmem>>)
      %run_scoped3A_314 = arith.constant 1 : i32
      "tpu.region"() ({
        %run_scoped3A_488 = tpu.sem_alloc : memref<!tpu.dma_semaphore, #tpu.memory_space<semaphore_mem>>
        %dma_start3A_489 = arith.constant 0 : i32
        %dma_start3A_490 = tpu.memref_slice %arg11[%run_scoped3A_314, %dma_start3A_489] : memref<10x125xi32, #tpu.memory_space<vmem>> -> memref<1x125xi32, #tpu.memory_space<vmem>>
        %dma_start3A_491 = tpu.memref_squeeze %dma_start3A_490 : memref<1x125xi32, #tpu.memory_space<vmem>> -> memref<125xi32, #tpu.memory_space<vmem>>
        %dma_start3A_492 = arith.constant 0 : i32
        %dma_start3A_493 = arith.constant 0 : i32
        %dma_start3A_494 = tpu.memref_slice %arg7[%dma_start3A_492, %dma_start3A_493] : memref<10240x128xf32, #tpu.memory_space<vmem_shared>> -> memref<10240x128xf32, #tpu.memory_space<vmem_shared>>
        tpu.enqueue_indirect_dma source(%arg13 : memref<125x128xf32, #tpu.memory_space<vmem>>) target(%dma_start3A_494 : memref<10240x128xf32, #tpu.memory_space<vmem_shared>>) offsets(%dma_start3A_491 : memref<125xi32, #tpu.memory_space<vmem>>) semaphore(%run_scoped3A_488 : memref<!tpu.dma_semaphore, #tpu.memory_space<semaphore_mem>>) {add = true}
        %dma_wait3A_495 = arith.constant 0 : i32
        %dma_wait3A_496 = tpu.memref_slice %arg11[%run_scoped3A_314, %dma_wait3A_495] : memref<10x125xi32, #tpu.memory_space<vmem>> -> memref<1x125xi32, #tpu.memory_space<vmem>>
        %dma_wait3A_497 = tpu.memref_squeeze %dma_wait3A_496 : memref<1x125xi32, #tpu.memory_space<vmem>> -> memref<125xi32, #tpu.memory_space<vmem>>
        %dma_wait3A_498 = arith.constant 0 : i32
        %dma_wait3A_499 = arith.constant 0 : i32
        %dma_wait3A_500 = tpu.memref_slice %arg7[%dma_wait3A_498, %dma_wait3A_499] : memref<10240x128xf32, #tpu.memory_space<vmem_shared>> -> memref<10240x128xf32, #tpu.memory_space<vmem_shared>>
        tpu.wait_indirect_dma semaphore(%run_scoped3A_488 : memref<!tpu.dma_semaphore, #tpu.memory_space<semaphore_mem>>) src(%arg13 : memref<125x128xf32, #tpu.memory_space<vmem>>) dst(%dma_wait3A_500 : memref<10240x128xf32, #tpu.memory_space<vmem_shared>>)
        tpu.yield
      }) : () -> ()
      %add3A_315 = arith.constant 2 : i32
      %add3A_316 = arith.addi %add3A_306, %add3A_315 : i32
      %lt3A_317 = arith.constant 80 : i32
      %lt3A_318 = arith.cmpi slt, %add3A_316, %lt3A_317 : i32
      %convert_element_type3A_319 = arith.extui %lt3A_318 : i1 to i32
      %cond3A_320 = arith.constant 0 : i32
      %cond3A_321 = arith.cmpi ne, %convert_element_type3A_319, %cond3A_320 : i32
      scf.if %cond3A_321 {
        %dma_start3A_488 = arith.constant 3 : i32
        %dma_start3A_489 = arith.constant 0 : i32
        %dma_start3A_490 = tpu.memref_slice %arg10[%dma_start3A_488, %dma_start3A_489] : memref<10x125xi32, #tpu.memory_space<vmem>> -> memref<1x125xi32, #tpu.memory_space<vmem>>
        %dma_start3A_491 = tpu.memref_squeeze %dma_start3A_490 : memref<1x125xi32, #tpu.memory_space<vmem>> -> memref<125xi32, #tpu.memory_space<vmem>>
        %dma_start3A_492 = arith.constant 0 : i32
        %dma_start3A_493 = arith.constant 0 : i32
        %dma_start3A_494 = tpu.memref_slice %arg2[%dma_start3A_492, %dma_start3A_493] : memref<10240x128xf32, #tpu.memory_space<hbm>> -> memref<10240x128xf32, #tpu.memory_space<hbm>>
        tpu.enqueue_indirect_dma source(%dma_start3A_494 : memref<10240x128xf32, #tpu.memory_space<hbm>>) target(%arg13 : memref<125x128xf32, #tpu.memory_space<vmem>>) offsets(%dma_start3A_491 : memref<125xi32, #tpu.memory_space<vmem>>) semaphore(%arg15 : memref<!tpu.dma_semaphore, #tpu.memory_space<semaphore_mem>>)
      } else {
      }
      %mul3A_322 = arith.constant 10 : i32
      %mul3A_323 = arith.muli %add3A_283, %mul3A_322 : i32
      %add3A_324 = arith.constant 2 : i32
      %add3A_325 = arith.addi %mul3A_323, %add3A_324 : i32
      %dma_wait3A_326 = arith.constant 2 : i32
      %dma_wait3A_327 = arith.constant 0 : i32
      %dma_wait3A_328 = tpu.memref_slice %arg10[%dma_wait3A_326, %dma_wait3A_327] : memref<10x125xi32, #tpu.memory_space<vmem>> -> memref<1x125xi32, #tpu.memory_space<vmem>>
      %dma_wait3A_329 = tpu.memref_squeeze %dma_wait3A_328 : memref<1x125xi32, #tpu.memory_space<vmem>> -> memref<125xi32, #tpu.memory_space<vmem>>
      %dma_wait3A_330 = arith.constant 0 : i32
      %dma_wait3A_331 = arith.constant 0 : i32
      %dma_wait3A_332 = tpu.memref_slice %arg2[%dma_wait3A_330, %dma_wait3A_331] : memref<10240x128xf32, #tpu.memory_space<hbm>> -> memref<10240x128xf32, #tpu.memory_space<hbm>>
      tpu.wait_indirect_dma semaphore(%arg14 : memref<!tpu.dma_semaphore, #tpu.memory_space<semaphore_mem>>) src(%dma_wait3A_332 : memref<10240x128xf32, #tpu.memory_space<hbm>>) dst(%arg12 : memref<125x128xf32, #tpu.memory_space<vmem>>)
      %run_scoped3A_333 = arith.constant 2 : i32
      "tpu.region"() ({
        %run_scoped3A_488 = tpu.sem_alloc : memref<!tpu.dma_semaphore, #tpu.memory_space<semaphore_mem>>
        %dma_start3A_489 = arith.constant 0 : i32
        %dma_start3A_490 = tpu.memref_slice %arg11[%run_scoped3A_333, %dma_start3A_489] : memref<10x125xi32, #tpu.memory_space<vmem>> -> memref<1x125xi32, #tpu.memory_space<vmem>>
        %dma_start3A_491 = tpu.memref_squeeze %dma_start3A_490 : memref<1x125xi32, #tpu.memory_space<vmem>> -> memref<125xi32, #tpu.memory_space<vmem>>
        %dma_start3A_492 = arith.constant 0 : i32
        %dma_start3A_493 = arith.constant 0 : i32
        %dma_start3A_494 = tpu.memref_slice %arg7[%dma_start3A_492, %dma_start3A_493] : memref<10240x128xf32, #tpu.memory_space<vmem_shared>> -> memref<10240x128xf32, #tpu.memory_space<vmem_shared>>
        tpu.enqueue_indirect_dma source(%arg12 : memref<125x128xf32, #tpu.memory_space<vmem>>) target(%dma_start3A_494 : memref<10240x128xf32, #tpu.memory_space<vmem_shared>>) offsets(%dma_start3A_491 : memref<125xi32, #tpu.memory_space<vmem>>) semaphore(%run_scoped3A_488 : memref<!tpu.dma_semaphore, #tpu.memory_space<semaphore_mem>>) {add = true}
        %dma_wait3A_495 = arith.constant 0 : i32
        %dma_wait3A_496 = tpu.memref_slice %arg11[%run_scoped3A_333, %dma_wait3A_495] : memref<10x125xi32, #tpu.memory_space<vmem>> -> memref<1x125xi32, #tpu.memory_space<vmem>>
        %dma_wait3A_497 = tpu.memref_squeeze %dma_wait3A_496 : memref<1x125xi32, #tpu.memory_space<vmem>> -> memref<125xi32, #tpu.memory_space<vmem>>
        %dma_wait3A_498 = arith.constant 0 : i32
        %dma_wait3A_499 = arith.constant 0 : i32
        %dma_wait3A_500 = tpu.memref_slice %arg7[%dma_wait3A_498, %dma_wait3A_499] : memref<10240x128xf32, #tpu.memory_space<vmem_shared>> -> memref<10240x128xf32, #tpu.memory_space<vmem_shared>>
        tpu.wait_indirect_dma semaphore(%run_scoped3A_488 : memref<!tpu.dma_semaphore, #tpu.memory_space<semaphore_mem>>) src(%arg12 : memref<125x128xf32, #tpu.memory_space<vmem>>) dst(%dma_wait3A_500 : memref<10240x128xf32, #tpu.memory_space<vmem_shared>>)
        tpu.yield
      }) : () -> ()
      %add3A_334 = arith.constant 2 : i32
      %add3A_335 = arith.addi %add3A_325, %add3A_334 : i32
      %lt3A_336 = arith.constant 80 : i32
      %lt3A_337 = arith.cmpi slt, %add3A_335, %lt3A_336 : i32
      %convert_element_type3A_338 = arith.extui %lt3A_337 : i1 to i32
      %cond3A_339 = arith.constant 0 : i32
      %cond3A_340 = arith.cmpi ne, %convert_element_type3A_338, %cond3A_339 : i32
      scf.if %cond3A_340 {
        %dma_start3A_488 = arith.constant 4 : i32
        %dma_start3A_489 = arith.constant 0 : i32
        %dma_start3A_490 = tpu.memref_slice %arg10[%dma_start3A_488, %dma_start3A_489] : memref<10x125xi32, #tpu.memory_space<vmem>> -> memref<1x125xi32, #tpu.memory_space<vmem>>
        %dma_start3A_491 = tpu.memref_squeeze %dma_start3A_490 : memref<1x125xi32, #tpu.memory_space<vmem>> -> memref<125xi32, #tpu.memory_space<vmem>>
        %dma_start3A_492 = arith.constant 0 : i32
        %dma_start3A_493 = arith.constant 0 : i32
        %dma_start3A_494 = tpu.memref_slice %arg2[%dma_start3A_492, %dma_start3A_493] : memref<10240x128xf32, #tpu.memory_space<hbm>> -> memref<10240x128xf32, #tpu.memory_space<hbm>>
        tpu.enqueue_indirect_dma source(%dma_start3A_494 : memref<10240x128xf32, #tpu.memory_space<hbm>>) target(%arg12 : memref<125x128xf32, #tpu.memory_space<vmem>>) offsets(%dma_start3A_491 : memref<125xi32, #tpu.memory_space<vmem>>) semaphore(%arg14 : memref<!tpu.dma_semaphore, #tpu.memory_space<semaphore_mem>>)
      } else {
      }
      %mul3A_341 = arith.constant 10 : i32
      %mul3A_342 = arith.muli %add3A_283, %mul3A_341 : i32
      %add3A_343 = arith.constant 3 : i32
      %add3A_344 = arith.addi %mul3A_342, %add3A_343 : i32
      %dma_wait3A_345 = arith.constant 3 : i32
      %dma_wait3A_346 = arith.constant 0 : i32
      %dma_wait3A_347 = tpu.memref_slice %arg10[%dma_wait3A_345, %dma_wait3A_346] : memref<10x125xi32, #tpu.memory_space<vmem>> -> memref<1x125xi32, #tpu.memory_space<vmem>>
      %dma_wait3A_348 = tpu.memref_squeeze %dma_wait3A_347 : memref<1x125xi32, #tpu.memory_space<vmem>> -> memref<125xi32, #tpu.memory_space<vmem>>
      %dma_wait3A_349 = arith.constant 0 : i32
      %dma_wait3A_350 = arith.constant 0 : i32
      %dma_wait3A_351 = tpu.memref_slice %arg2[%dma_wait3A_349, %dma_wait3A_350] : memref<10240x128xf32, #tpu.memory_space<hbm>> -> memref<10240x128xf32, #tpu.memory_space<hbm>>
      tpu.wait_indirect_dma semaphore(%arg15 : memref<!tpu.dma_semaphore, #tpu.memory_space<semaphore_mem>>) src(%dma_wait3A_351 : memref<10240x128xf32, #tpu.memory_space<hbm>>) dst(%arg13 : memref<125x128xf32, #tpu.memory_space<vmem>>)
      %run_scoped3A_352 = arith.constant 3 : i32
      "tpu.region"() ({
        %run_scoped3A_488 = tpu.sem_alloc : memref<!tpu.dma_semaphore, #tpu.memory_space<semaphore_mem>>
        %dma_start3A_489 = arith.constant 0 : i32
        %dma_start3A_490 = tpu.memref_slice %arg11[%run_scoped3A_352, %dma_start3A_489] : memref<10x125xi32, #tpu.memory_space<vmem>> -> memref<1x125xi32, #tpu.memory_space<vmem>>
        %dma_start3A_491 = tpu.memref_squeeze %dma_start3A_490 : memref<1x125xi32, #tpu.memory_space<vmem>> -> memref<125xi32, #tpu.memory_space<vmem>>
        %dma_start3A_492 = arith.constant 0 : i32
        %dma_start3A_493 = arith.constant 0 : i32
        %dma_start3A_494 = tpu.memref_slice %arg7[%dma_start3A_492, %dma_start3A_493] : memref<10240x128xf32, #tpu.memory_space<vmem_shared>> -> memref<10240x128xf32, #tpu.memory_space<vmem_shared>>
        tpu.enqueue_indirect_dma source(%arg13 : memref<125x128xf32, #tpu.memory_space<vmem>>) target(%dma_start3A_494 : memref<10240x128xf32, #tpu.memory_space<vmem_shared>>) offsets(%dma_start3A_491 : memref<125xi32, #tpu.memory_space<vmem>>) semaphore(%run_scoped3A_488 : memref<!tpu.dma_semaphore, #tpu.memory_space<semaphore_mem>>) {add = true}
        %dma_wait3A_495 = arith.constant 0 : i32
        %dma_wait3A_496 = tpu.memref_slice %arg11[%run_scoped3A_352, %dma_wait3A_495] : memref<10x125xi32, #tpu.memory_space<vmem>> -> memref<1x125xi32, #tpu.memory_space<vmem>>
        %dma_wait3A_497 = tpu.memref_squeeze %dma_wait3A_496 : memref<1x125xi32, #tpu.memory_space<vmem>> -> memref<125xi32, #tpu.memory_space<vmem>>
        %dma_wait3A_498 = arith.constant 0 : i32
        %dma_wait3A_499 = arith.constant 0 : i32
        %dma_wait3A_500 = tpu.memref_slice %arg7[%dma_wait3A_498, %dma_wait3A_499] : memref<10240x128xf32, #tpu.memory_space<vmem_shared>> -> memref<10240x128xf32, #tpu.memory_space<vmem_shared>>
        tpu.wait_indirect_dma semaphore(%run_scoped3A_488 : memref<!tpu.dma_semaphore, #tpu.memory_space<semaphore_mem>>) src(%arg13 : memref<125x128xf32, #tpu.memory_space<vmem>>) dst(%dma_wait3A_500 : memref<10240x128xf32, #tpu.memory_space<vmem_shared>>)
        tpu.yield
      }) : () -> ()
      %add3A_353 = arith.constant 2 : i32
      %add3A_354 = arith.addi %add3A_344, %add3A_353 : i32
      %lt3A_355 = arith.constant 80 : i32
      %lt3A_356 = arith.cmpi slt, %add3A_354, %lt3A_355 : i32
      %convert_element_type3A_357 = arith.extui %lt3A_356 : i1 to i32
      %cond3A_358 = arith.constant 0 : i32
      %cond3A_359 = arith.cmpi ne, %convert_element_type3A_357, %cond3A_358 : i32
      scf.if %cond3A_359 {
        %dma_start3A_488 = arith.constant 5 : i32
        %dma_start3A_489 = arith.constant 0 : i32
        %dma_start3A_490 = tpu.memref_slice %arg10[%dma_start3A_488, %dma_start3A_489] : memref<10x125xi32, #tpu.memory_space<vmem>> -> memref<1x125xi32, #tpu.memory_space<vmem>>
        %dma_start3A_491 = tpu.memref_squeeze %dma_start3A_490 : memref<1x125xi32, #tpu.memory_space<vmem>> -> memref<125xi32, #tpu.memory_space<vmem>>
        %dma_start3A_492 = arith.constant 0 : i32
        %dma_start3A_493 = arith.constant 0 : i32
        %dma_start3A_494 = tpu.memref_slice %arg2[%dma_start3A_492, %dma_start3A_493] : memref<10240x128xf32, #tpu.memory_space<hbm>> -> memref<10240x128xf32, #tpu.memory_space<hbm>>
        tpu.enqueue_indirect_dma source(%dma_start3A_494 : memref<10240x128xf32, #tpu.memory_space<hbm>>) target(%arg13 : memref<125x128xf32, #tpu.memory_space<vmem>>) offsets(%dma_start3A_491 : memref<125xi32, #tpu.memory_space<vmem>>) semaphore(%arg15 : memref<!tpu.dma_semaphore, #tpu.memory_space<semaphore_mem>>)
      } else {
      }
      %mul3A_360 = arith.constant 10 : i32
      %mul3A_361 = arith.muli %add3A_283, %mul3A_360 : i32
      %add3A_362 = arith.constant 4 : i32
      %add3A_363 = arith.addi %mul3A_361, %add3A_362 : i32
      %dma_wait3A_364 = arith.constant 4 : i32
      %dma_wait3A_365 = arith.constant 0 : i32
      %dma_wait3A_366 = tpu.memref_slice %arg10[%dma_wait3A_364, %dma_wait3A_365] : memref<10x125xi32, #tpu.memory_space<vmem>> -> memref<1x125xi32, #tpu.memory_space<vmem>>
      %dma_wait3A_367 = tpu.memref_squeeze %dma_wait3A_366 : memref<1x125xi32, #tpu.memory_space<vmem>> -> memref<125xi32, #tpu.memory_space<vmem>>
      %dma_wait3A_368 = arith.constant 0 : i32
      %dma_wait3A_369 = arith.constant 0 : i32
      %dma_wait3A_370 = tpu.memref_slice %arg2[%dma_wait3A_368, %dma_wait3A_369] : memref<10240x128xf32, #tpu.memory_space<hbm>> -> memref<10240x128xf32, #tpu.memory_space<hbm>>
      tpu.wait_indirect_dma semaphore(%arg14 : memref<!tpu.dma_semaphore, #tpu.memory_space<semaphore_mem>>) src(%dma_wait3A_370 : memref<10240x128xf32, #tpu.memory_space<hbm>>) dst(%arg12 : memref<125x128xf32, #tpu.memory_space<vmem>>)
      %run_scoped3A_371 = arith.constant 4 : i32
      "tpu.region"() ({
        %run_scoped3A_488 = tpu.sem_alloc : memref<!tpu.dma_semaphore, #tpu.memory_space<semaphore_mem>>
        %dma_start3A_489 = arith.constant 0 : i32
        %dma_start3A_490 = tpu.memref_slice %arg11[%run_scoped3A_371, %dma_start3A_489] : memref<10x125xi32, #tpu.memory_space<vmem>> -> memref<1x125xi32, #tpu.memory_space<vmem>>
        %dma_start3A_491 = tpu.memref_squeeze %dma_start3A_490 : memref<1x125xi32, #tpu.memory_space<vmem>> -> memref<125xi32, #tpu.memory_space<vmem>>
        %dma_start3A_492 = arith.constant 0 : i32
        %dma_start3A_493 = arith.constant 0 : i32
        %dma_start3A_494 = tpu.memref_slice %arg7[%dma_start3A_492, %dma_start3A_493] : memref<10240x128xf32, #tpu.memory_space<vmem_shared>> -> memref<10240x128xf32, #tpu.memory_space<vmem_shared>>
        tpu.enqueue_indirect_dma source(%arg12 : memref<125x128xf32, #tpu.memory_space<vmem>>) target(%dma_start3A_494 : memref<10240x128xf32, #tpu.memory_space<vmem_shared>>) offsets(%dma_start3A_491 : memref<125xi32, #tpu.memory_space<vmem>>) semaphore(%run_scoped3A_488 : memref<!tpu.dma_semaphore, #tpu.memory_space<semaphore_mem>>) {add = true}
        %dma_wait3A_495 = arith.constant 0 : i32
        %dma_wait3A_496 = tpu.memref_slice %arg11[%run_scoped3A_371, %dma_wait3A_495] : memref<10x125xi32, #tpu.memory_space<vmem>> -> memref<1x125xi32, #tpu.memory_space<vmem>>
        %dma_wait3A_497 = tpu.memref_squeeze %dma_wait3A_496 : memref<1x125xi32, #tpu.memory_space<vmem>> -> memref<125xi32, #tpu.memory_space<vmem>>
        %dma_wait3A_498 = arith.constant 0 : i32
        %dma_wait3A_499 = arith.constant 0 : i32
        %dma_wait3A_500 = tpu.memref_slice %arg7[%dma_wait3A_498, %dma_wait3A_499] : memref<10240x128xf32, #tpu.memory_space<vmem_shared>> -> memref<10240x128xf32, #tpu.memory_space<vmem_shared>>
        tpu.wait_indirect_dma semaphore(%run_scoped3A_488 : memref<!tpu.dma_semaphore, #tpu.memory_space<semaphore_mem>>) src(%arg12 : memref<125x128xf32, #tpu.memory_space<vmem>>) dst(%dma_wait3A_500 : memref<10240x128xf32, #tpu.memory_space<vmem_shared>>)
        tpu.yield
      }) : () -> ()
      %add3A_372 = arith.constant 2 : i32
      %add3A_373 = arith.addi %add3A_363, %add3A_372 : i32
      %lt3A_374 = arith.constant 80 : i32
      %lt3A_375 = arith.cmpi slt, %add3A_373, %lt3A_374 : i32
      %convert_element_type3A_376 = arith.extui %lt3A_375 : i1 to i32
      %cond3A_377 = arith.constant 0 : i32
      %cond3A_378 = arith.cmpi ne, %convert_element_type3A_376, %cond3A_377 : i32
      scf.if %cond3A_378 {
        %dma_start3A_488 = arith.constant 6 : i32
        %dma_start3A_489 = arith.constant 0 : i32
        %dma_start3A_490 = tpu.memref_slice %arg10[%dma_start3A_488, %dma_start3A_489] : memref<10x125xi32, #tpu.memory_space<vmem>> -> memref<1x125xi32, #tpu.memory_space<vmem>>
        %dma_start3A_491 = tpu.memref_squeeze %dma_start3A_490 : memref<1x125xi32, #tpu.memory_space<vmem>> -> memref<125xi32, #tpu.memory_space<vmem>>
        %dma_start3A_492 = arith.constant 0 : i32
        %dma_start3A_493 = arith.constant 0 : i32
        %dma_start3A_494 = tpu.memref_slice %arg2[%dma_start3A_492, %dma_start3A_493] : memref<10240x128xf32, #tpu.memory_space<hbm>> -> memref<10240x128xf32, #tpu.memory_space<hbm>>
        tpu.enqueue_indirect_dma source(%dma_start3A_494 : memref<10240x128xf32, #tpu.memory_space<hbm>>) target(%arg12 : memref<125x128xf32, #tpu.memory_space<vmem>>) offsets(%dma_start3A_491 : memref<125xi32, #tpu.memory_space<vmem>>) semaphore(%arg14 : memref<!tpu.dma_semaphore, #tpu.memory_space<semaphore_mem>>)
      } else {
      }
      %mul3A_379 = arith.constant 10 : i32
      %mul3A_380 = arith.muli %add3A_283, %mul3A_379 : i32
      %add3A_381 = arith.constant 5 : i32
      %add3A_382 = arith.addi %mul3A_380, %add3A_381 : i32
      %dma_wait3A_383 = arith.constant 5 : i32
      %dma_wait3A_384 = arith.constant 0 : i32
      %dma_wait3A_385 = tpu.memref_slice %arg10[%dma_wait3A_383, %dma_wait3A_384] : memref<10x125xi32, #tpu.memory_space<vmem>> -> memref<1x125xi32, #tpu.memory_space<vmem>>
      %dma_wait3A_386 = tpu.memref_squeeze %dma_wait3A_385 : memref<1x125xi32, #tpu.memory_space<vmem>> -> memref<125xi32, #tpu.memory_space<vmem>>
      %dma_wait3A_387 = arith.constant 0 : i32
      %dma_wait3A_388 = arith.constant 0 : i32
      %dma_wait3A_389 = tpu.memref_slice %arg2[%dma_wait3A_387, %dma_wait3A_388] : memref<10240x128xf32, #tpu.memory_space<hbm>> -> memref<10240x128xf32, #tpu.memory_space<hbm>>
      tpu.wait_indirect_dma semaphore(%arg15 : memref<!tpu.dma_semaphore, #tpu.memory_space<semaphore_mem>>) src(%dma_wait3A_389 : memref<10240x128xf32, #tpu.memory_space<hbm>>) dst(%arg13 : memref<125x128xf32, #tpu.memory_space<vmem>>)
      %run_scoped3A_390 = arith.constant 5 : i32
      "tpu.region"() ({
        %run_scoped3A_488 = tpu.sem_alloc : memref<!tpu.dma_semaphore, #tpu.memory_space<semaphore_mem>>
        %dma_start3A_489 = arith.constant 0 : i32
        %dma_start3A_490 = tpu.memref_slice %arg11[%run_scoped3A_390, %dma_start3A_489] : memref<10x125xi32, #tpu.memory_space<vmem>> -> memref<1x125xi32, #tpu.memory_space<vmem>>
        %dma_start3A_491 = tpu.memref_squeeze %dma_start3A_490 : memref<1x125xi32, #tpu.memory_space<vmem>> -> memref<125xi32, #tpu.memory_space<vmem>>
        %dma_start3A_492 = arith.constant 0 : i32
        %dma_start3A_493 = arith.constant 0 : i32
        %dma_start3A_494 = tpu.memref_slice %arg7[%dma_start3A_492, %dma_start3A_493] : memref<10240x128xf32, #tpu.memory_space<vmem_shared>> -> memref<10240x128xf32, #tpu.memory_space<vmem_shared>>
        tpu.enqueue_indirect_dma source(%arg13 : memref<125x128xf32, #tpu.memory_space<vmem>>) target(%dma_start3A_494 : memref<10240x128xf32, #tpu.memory_space<vmem_shared>>) offsets(%dma_start3A_491 : memref<125xi32, #tpu.memory_space<vmem>>) semaphore(%run_scoped3A_488 : memref<!tpu.dma_semaphore, #tpu.memory_space<semaphore_mem>>) {add = true}
        %dma_wait3A_495 = arith.constant 0 : i32
        %dma_wait3A_496 = tpu.memref_slice %arg11[%run_scoped3A_390, %dma_wait3A_495] : memref<10x125xi32, #tpu.memory_space<vmem>> -> memref<1x125xi32, #tpu.memory_space<vmem>>
        %dma_wait3A_497 = tpu.memref_squeeze %dma_wait3A_496 : memref<1x125xi32, #tpu.memory_space<vmem>> -> memref<125xi32, #tpu.memory_space<vmem>>
        %dma_wait3A_498 = arith.constant 0 : i32
        %dma_wait3A_499 = arith.constant 0 : i32
        %dma_wait3A_500 = tpu.memref_slice %arg7[%dma_wait3A_498, %dma_wait3A_499] : memref<10240x128xf32, #tpu.memory_space<vmem_shared>> -> memref<10240x128xf32, #tpu.memory_space<vmem_shared>>
        tpu.wait_indirect_dma semaphore(%run_scoped3A_488 : memref<!tpu.dma_semaphore, #tpu.memory_space<semaphore_mem>>) src(%arg13 : memref<125x128xf32, #tpu.memory_space<vmem>>) dst(%dma_wait3A_500 : memref<10240x128xf32, #tpu.memory_space<vmem_shared>>)
        tpu.yield
      }) : () -> ()
      %add3A_391 = arith.constant 2 : i32
      %add3A_392 = arith.addi %add3A_382, %add3A_391 : i32
      %lt3A_393 = arith.constant 80 : i32
      %lt3A_394 = arith.cmpi slt, %add3A_392, %lt3A_393 : i32
      %convert_element_type3A_395 = arith.extui %lt3A_394 : i1 to i32
      %cond3A_396 = arith.constant 0 : i32
      %cond3A_397 = arith.cmpi ne, %convert_element_type3A_395, %cond3A_396 : i32
      scf.if %cond3A_397 {
        %dma_start3A_488 = arith.constant 7 : i32
        %dma_start3A_489 = arith.constant 0 : i32
        %dma_start3A_490 = tpu.memref_slice %arg10[%dma_start3A_488, %dma_start3A_489] : memref<10x125xi32, #tpu.memory_space<vmem>> -> memref<1x125xi32, #tpu.memory_space<vmem>>
        %dma_start3A_491 = tpu.memref_squeeze %dma_start3A_490 : memref<1x125xi32, #tpu.memory_space<vmem>> -> memref<125xi32, #tpu.memory_space<vmem>>
        %dma_start3A_492 = arith.constant 0 : i32
        %dma_start3A_493 = arith.constant 0 : i32
        %dma_start3A_494 = tpu.memref_slice %arg2[%dma_start3A_492, %dma_start3A_493] : memref<10240x128xf32, #tpu.memory_space<hbm>> -> memref<10240x128xf32, #tpu.memory_space<hbm>>
        tpu.enqueue_indirect_dma source(%dma_start3A_494 : memref<10240x128xf32, #tpu.memory_space<hbm>>) target(%arg13 : memref<125x128xf32, #tpu.memory_space<vmem>>) offsets(%dma_start3A_491 : memref<125xi32, #tpu.memory_space<vmem>>) semaphore(%arg15 : memref<!tpu.dma_semaphore, #tpu.memory_space<semaphore_mem>>)
      } else {
      }
      %mul3A_398 = arith.constant 10 : i32
      %mul3A_399 = arith.muli %add3A_283, %mul3A_398 : i32
      %add3A_400 = arith.constant 6 : i32
      %add3A_401 = arith.addi %mul3A_399, %add3A_400 : i32
      %dma_wait3A_402 = arith.constant 6 : i32
      %dma_wait3A_403 = arith.constant 0 : i32
      %dma_wait3A_404 = tpu.memref_slice %arg10[%dma_wait3A_402, %dma_wait3A_403] : memref<10x125xi32, #tpu.memory_space<vmem>> -> memref<1x125xi32, #tpu.memory_space<vmem>>
      %dma_wait3A_405 = tpu.memref_squeeze %dma_wait3A_404 : memref<1x125xi32, #tpu.memory_space<vmem>> -> memref<125xi32, #tpu.memory_space<vmem>>
      %dma_wait3A_406 = arith.constant 0 : i32
      %dma_wait3A_407 = arith.constant 0 : i32
      %dma_wait3A_408 = tpu.memref_slice %arg2[%dma_wait3A_406, %dma_wait3A_407] : memref<10240x128xf32, #tpu.memory_space<hbm>> -> memref<10240x128xf32, #tpu.memory_space<hbm>>
      tpu.wait_indirect_dma semaphore(%arg14 : memref<!tpu.dma_semaphore, #tpu.memory_space<semaphore_mem>>) src(%dma_wait3A_408 : memref<10240x128xf32, #tpu.memory_space<hbm>>) dst(%arg12 : memref<125x128xf32, #tpu.memory_space<vmem>>)
      %run_scoped3A_409 = arith.constant 6 : i32
      "tpu.region"() ({
        %run_scoped3A_488 = tpu.sem_alloc : memref<!tpu.dma_semaphore, #tpu.memory_space<semaphore_mem>>
        %dma_start3A_489 = arith.constant 0 : i32
        %dma_start3A_490 = tpu.memref_slice %arg11[%run_scoped3A_409, %dma_start3A_489] : memref<10x125xi32, #tpu.memory_space<vmem>> -> memref<1x125xi32, #tpu.memory_space<vmem>>
        %dma_start3A_491 = tpu.memref_squeeze %dma_start3A_490 : memref<1x125xi32, #tpu.memory_space<vmem>> -> memref<125xi32, #tpu.memory_space<vmem>>
        %dma_start3A_492 = arith.constant 0 : i32
        %dma_start3A_493 = arith.constant 0 : i32
        %dma_start3A_494 = tpu.memref_slice %arg7[%dma_start3A_492, %dma_start3A_493] : memref<10240x128xf32, #tpu.memory_space<vmem_shared>> -> memref<10240x128xf32, #tpu.memory_space<vmem_shared>>
        tpu.enqueue_indirect_dma source(%arg12 : memref<125x128xf32, #tpu.memory_space<vmem>>) target(%dma_start3A_494 : memref<10240x128xf32, #tpu.memory_space<vmem_shared>>) offsets(%dma_start3A_491 : memref<125xi32, #tpu.memory_space<vmem>>) semaphore(%run_scoped3A_488 : memref<!tpu.dma_semaphore, #tpu.memory_space<semaphore_mem>>) {add = true}
        %dma_wait3A_495 = arith.constant 0 : i32
        %dma_wait3A_496 = tpu.memref_slice %arg11[%run_scoped3A_409, %dma_wait3A_495] : memref<10x125xi32, #tpu.memory_space<vmem>> -> memref<1x125xi32, #tpu.memory_space<vmem>>
        %dma_wait3A_497 = tpu.memref_squeeze %dma_wait3A_496 : memref<1x125xi32, #tpu.memory_space<vmem>> -> memref<125xi32, #tpu.memory_space<vmem>>
        %dma_wait3A_498 = arith.constant 0 : i32
        %dma_wait3A_499 = arith.constant 0 : i32
        %dma_wait3A_500 = tpu.memref_slice %arg7[%dma_wait3A_498, %dma_wait3A_499] : memref<10240x128xf32, #tpu.memory_space<vmem_shared>> -> memref<10240x128xf32, #tpu.memory_space<vmem_shared>>
        tpu.wait_indirect_dma semaphore(%run_scoped3A_488 : memref<!tpu.dma_semaphore, #tpu.memory_space<semaphore_mem>>) src(%arg12 : memref<125x128xf32, #tpu.memory_space<vmem>>) dst(%dma_wait3A_500 : memref<10240x128xf32, #tpu.memory_space<vmem_shared>>)
        tpu.yield
      }) : () -> ()
      %add3A_410 = arith.constant 2 : i32
      %add3A_411 = arith.addi %add3A_401, %add3A_410 : i32
      %lt3A_412 = arith.constant 80 : i32
      %lt3A_413 = arith.cmpi slt, %add3A_411, %lt3A_412 : i32
      %convert_element_type3A_414 = arith.extui %lt3A_413 : i1 to i32
      %cond3A_415 = arith.constant 0 : i32
      %cond3A_416 = arith.cmpi ne, %convert_element_type3A_414, %cond3A_415 : i32
      scf.if %cond3A_416 {
        %dma_start3A_488 = arith.constant 8 : i32
        %dma_start3A_489 = arith.constant 0 : i32
        %dma_start3A_490 = tpu.memref_slice %arg10[%dma_start3A_488, %dma_start3A_489] : memref<10x125xi32, #tpu.memory_space<vmem>> -> memref<1x125xi32, #tpu.memory_space<vmem>>
        %dma_start3A_491 = tpu.memref_squeeze %dma_start3A_490 : memref<1x125xi32, #tpu.memory_space<vmem>> -> memref<125xi32, #tpu.memory_space<vmem>>
        %dma_start3A_492 = arith.constant 0 : i32
        %dma_start3A_493 = arith.constant 0 : i32
        %dma_start3A_494 = tpu.memref_slice %arg2[%dma_start3A_492, %dma_start3A_493] : memref<10240x128xf32, #tpu.memory_space<hbm>> -> memref<10240x128xf32, #tpu.memory_space<hbm>>
        tpu.enqueue_indirect_dma source(%dma_start3A_494 : memref<10240x128xf32, #tpu.memory_space<hbm>>) target(%arg12 : memref<125x128xf32, #tpu.memory_space<vmem>>) offsets(%dma_start3A_491 : memref<125xi32, #tpu.memory_space<vmem>>) semaphore(%arg14 : memref<!tpu.dma_semaphore, #tpu.memory_space<semaphore_mem>>)
      } else {
      }
      %mul3A_417 = arith.constant 10 : i32
      %mul3A_418 = arith.muli %add3A_283, %mul3A_417 : i32
      %add3A_419 = arith.constant 7 : i32
      %add3A_420 = arith.addi %mul3A_418, %add3A_419 : i32
      %dma_wait3A_421 = arith.constant 7 : i32
      %dma_wait3A_422 = arith.constant 0 : i32
      %dma_wait3A_423 = tpu.memref_slice %arg10[%dma_wait3A_421, %dma_wait3A_422] : memref<10x125xi32, #tpu.memory_space<vmem>> -> memref<1x125xi32, #tpu.memory_space<vmem>>
      %dma_wait3A_424 = tpu.memref_squeeze %dma_wait3A_423 : memref<1x125xi32, #tpu.memory_space<vmem>> -> memref<125xi32, #tpu.memory_space<vmem>>
      %dma_wait3A_425 = arith.constant 0 : i32
      %dma_wait3A_426 = arith.constant 0 : i32
      %dma_wait3A_427 = tpu.memref_slice %arg2[%dma_wait3A_425, %dma_wait3A_426] : memref<10240x128xf32, #tpu.memory_space<hbm>> -> memref<10240x128xf32, #tpu.memory_space<hbm>>
      tpu.wait_indirect_dma semaphore(%arg15 : memref<!tpu.dma_semaphore, #tpu.memory_space<semaphore_mem>>) src(%dma_wait3A_427 : memref<10240x128xf32, #tpu.memory_space<hbm>>) dst(%arg13 : memref<125x128xf32, #tpu.memory_space<vmem>>)
      %run_scoped3A_428 = arith.constant 7 : i32
      "tpu.region"() ({
        %run_scoped3A_488 = tpu.sem_alloc : memref<!tpu.dma_semaphore, #tpu.memory_space<semaphore_mem>>
        %dma_start3A_489 = arith.constant 0 : i32
        %dma_start3A_490 = tpu.memref_slice %arg11[%run_scoped3A_428, %dma_start3A_489] : memref<10x125xi32, #tpu.memory_space<vmem>> -> memref<1x125xi32, #tpu.memory_space<vmem>>
        %dma_start3A_491 = tpu.memref_squeeze %dma_start3A_490 : memref<1x125xi32, #tpu.memory_space<vmem>> -> memref<125xi32, #tpu.memory_space<vmem>>
        %dma_start3A_492 = arith.constant 0 : i32
        %dma_start3A_493 = arith.constant 0 : i32
        %dma_start3A_494 = tpu.memref_slice %arg7[%dma_start3A_492, %dma_start3A_493] : memref<10240x128xf32, #tpu.memory_space<vmem_shared>> -> memref<10240x128xf32, #tpu.memory_space<vmem_shared>>
        tpu.enqueue_indirect_dma source(%arg13 : memref<125x128xf32, #tpu.memory_space<vmem>>) target(%dma_start3A_494 : memref<10240x128xf32, #tpu.memory_space<vmem_shared>>) offsets(%dma_start3A_491 : memref<125xi32, #tpu.memory_space<vmem>>) semaphore(%run_scoped3A_488 : memref<!tpu.dma_semaphore, #tpu.memory_space<semaphore_mem>>) {add = true}
        %dma_wait3A_495 = arith.constant 0 : i32
        %dma_wait3A_496 = tpu.memref_slice %arg11[%run_scoped3A_428, %dma_wait3A_495] : memref<10x125xi32, #tpu.memory_space<vmem>> -> memref<1x125xi32, #tpu.memory_space<vmem>>
        %dma_wait3A_497 = tpu.memref_squeeze %dma_wait3A_496 : memref<1x125xi32, #tpu.memory_space<vmem>> -> memref<125xi32, #tpu.memory_space<vmem>>
        %dma_wait3A_498 = arith.constant 0 : i32
        %dma_wait3A_499 = arith.constant 0 : i32
        %dma_wait3A_500 = tpu.memref_slice %arg7[%dma_wait3A_498, %dma_wait3A_499] : memref<10240x128xf32, #tpu.memory_space<vmem_shared>> -> memref<10240x128xf32, #tpu.memory_space<vmem_shared>>
        tpu.wait_indirect_dma semaphore(%run_scoped3A_488 : memref<!tpu.dma_semaphore, #tpu.memory_space<semaphore_mem>>) src(%arg13 : memref<125x128xf32, #tpu.memory_space<vmem>>) dst(%dma_wait3A_500 : memref<10240x128xf32, #tpu.memory_space<vmem_shared>>)
        tpu.yield
      }) : () -> ()
      %add3A_429 = arith.constant 2 : i32
      %add3A_430 = arith.addi %add3A_420, %add3A_429 : i32
      %lt3A_431 = arith.constant 80 : i32
      %lt3A_432 = arith.cmpi slt, %add3A_430, %lt3A_431 : i32
      %convert_element_type3A_433 = arith.extui %lt3A_432 : i1 to i32
      %cond3A_434 = arith.constant 0 : i32
      %cond3A_435 = arith.cmpi ne, %convert_element_type3A_433, %cond3A_434 : i32
      scf.if %cond3A_435 {
        %dma_start3A_488 = arith.constant 9 : i32
        %dma_start3A_489 = arith.constant 0 : i32
        %dma_start3A_490 = tpu.memref_slice %arg10[%dma_start3A_488, %dma_start3A_489] : memref<10x125xi32, #tpu.memory_space<vmem>> -> memref<1x125xi32, #tpu.memory_space<vmem>>
        %dma_start3A_491 = tpu.memref_squeeze %dma_start3A_490 : memref<1x125xi32, #tpu.memory_space<vmem>> -> memref<125xi32, #tpu.memory_space<vmem>>
        %dma_start3A_492 = arith.constant 0 : i32
        %dma_start3A_493 = arith.constant 0 : i32
        %dma_start3A_494 = tpu.memref_slice %arg2[%dma_start3A_492, %dma_start3A_493] : memref<10240x128xf32, #tpu.memory_space<hbm>> -> memref<10240x128xf32, #tpu.memory_space<hbm>>
        tpu.enqueue_indirect_dma source(%dma_start3A_494 : memref<10240x128xf32, #tpu.memory_space<hbm>>) target(%arg13 : memref<125x128xf32, #tpu.memory_space<vmem>>) offsets(%dma_start3A_491 : memref<125xi32, #tpu.memory_space<vmem>>) semaphore(%arg15 : memref<!tpu.dma_semaphore, #tpu.memory_space<semaphore_mem>>)
      } else {
      }
      %mul3A_436 = arith.constant 10 : i32
      %mul3A_437 = arith.muli %add3A_283, %mul3A_436 : i32
      %add3A_438 = arith.constant 8 : i32
      %add3A_439 = arith.addi %mul3A_437, %add3A_438 : i32
      %dma_wait3A_440 = arith.constant 8 : i32
      %dma_wait3A_441 = arith.constant 0 : i32
      %dma_wait3A_442 = tpu.memref_slice %arg10[%dma_wait3A_440, %dma_wait3A_441] : memref<10x125xi32, #tpu.memory_space<vmem>> -> memref<1x125xi32, #tpu.memory_space<vmem>>
      %dma_wait3A_443 = tpu.memref_squeeze %dma_wait3A_442 : memref<1x125xi32, #tpu.memory_space<vmem>> -> memref<125xi32, #tpu.memory_space<vmem>>
      %dma_wait3A_444 = arith.constant 0 : i32
      %dma_wait3A_445 = arith.constant 0 : i32
      %dma_wait3A_446 = tpu.memref_slice %arg2[%dma_wait3A_444, %dma_wait3A_445] : memref<10240x128xf32, #tpu.memory_space<hbm>> -> memref<10240x128xf32, #tpu.memory_space<hbm>>
      tpu.wait_indirect_dma semaphore(%arg14 : memref<!tpu.dma_semaphore, #tpu.memory_space<semaphore_mem>>) src(%dma_wait3A_446 : memref<10240x128xf32, #tpu.memory_space<hbm>>) dst(%arg12 : memref<125x128xf32, #tpu.memory_space<vmem>>)
      %run_scoped3A_447 = arith.constant 8 : i32
      "tpu.region"() ({
        %run_scoped3A_488 = tpu.sem_alloc : memref<!tpu.dma_semaphore, #tpu.memory_space<semaphore_mem>>
        %dma_start3A_489 = arith.constant 0 : i32
        %dma_start3A_490 = tpu.memref_slice %arg11[%run_scoped3A_447, %dma_start3A_489] : memref<10x125xi32, #tpu.memory_space<vmem>> -> memref<1x125xi32, #tpu.memory_space<vmem>>
        %dma_start3A_491 = tpu.memref_squeeze %dma_start3A_490 : memref<1x125xi32, #tpu.memory_space<vmem>> -> memref<125xi32, #tpu.memory_space<vmem>>
        %dma_start3A_492 = arith.constant 0 : i32
        %dma_start3A_493 = arith.constant 0 : i32
        %dma_start3A_494 = tpu.memref_slice %arg7[%dma_start3A_492, %dma_start3A_493] : memref<10240x128xf32, #tpu.memory_space<vmem_shared>> -> memref<10240x128xf32, #tpu.memory_space<vmem_shared>>
        tpu.enqueue_indirect_dma source(%arg12 : memref<125x128xf32, #tpu.memory_space<vmem>>) target(%dma_start3A_494 : memref<10240x128xf32, #tpu.memory_space<vmem_shared>>) offsets(%dma_start3A_491 : memref<125xi32, #tpu.memory_space<vmem>>) semaphore(%run_scoped3A_488 : memref<!tpu.dma_semaphore, #tpu.memory_space<semaphore_mem>>) {add = true}
        %dma_wait3A_495 = arith.constant 0 : i32
        %dma_wait3A_496 = tpu.memref_slice %arg11[%run_scoped3A_447, %dma_wait3A_495] : memref<10x125xi32, #tpu.memory_space<vmem>> -> memref<1x125xi32, #tpu.memory_space<vmem>>
        %dma_wait3A_497 = tpu.memref_squeeze %dma_wait3A_496 : memref<1x125xi32, #tpu.memory_space<vmem>> -> memref<125xi32, #tpu.memory_space<vmem>>
        %dma_wait3A_498 = arith.constant 0 : i32
        %dma_wait3A_499 = arith.constant 0 : i32
        %dma_wait3A_500 = tpu.memref_slice %arg7[%dma_wait3A_498, %dma_wait3A_499] : memref<10240x128xf32, #tpu.memory_space<vmem_shared>> -> memref<10240x128xf32, #tpu.memory_space<vmem_shared>>
        tpu.wait_indirect_dma semaphore(%run_scoped3A_488 : memref<!tpu.dma_semaphore, #tpu.memory_space<semaphore_mem>>) src(%arg12 : memref<125x128xf32, #tpu.memory_space<vmem>>) dst(%dma_wait3A_500 : memref<10240x128xf32, #tpu.memory_space<vmem_shared>>)
        tpu.yield
      }) : () -> ()
      %add3A_448 = arith.constant 1 : i32
      %add3A_449 = arith.addi %add3A_283, %add3A_448 : i32
      %lt3A_450 = arith.constant 8 : i32
      %lt3A_451 = arith.cmpi slt, %add3A_449, %lt3A_450 : i32
      %convert_element_type3A_452 = arith.extui %lt3A_451 : i1 to i32
      %cond3A_453 = arith.constant 0 : i32
      %cond3A_454 = arith.cmpi ne, %convert_element_type3A_452, %cond3A_453 : i32
      scf.if %cond3A_454 {
        %add3A_488 = arith.constant 1 : i32
        %add3A_489 = arith.addi %add3A_283, %add3A_488 : i32
        %dma_wait3A_490 = arith.constant 0 : i32
        %dma_wait3A_491 = arith.constant 0 : i32
        %dma_wait3A_492 = tpu.memref_slice %arg3[%add3A, %add3A_489, %dma_wait3A_490, %dma_wait3A_491] : memref<32x8x10x125xi32, #tpu.memory_space<hbm>> -> memref<1x1x10x125xi32, #tpu.memory_space<hbm>>
        %dma_wait3A_493 = tpu.memref_squeeze %dma_wait3A_492 : memref<1x1x10x125xi32, #tpu.memory_space<hbm>> -> memref<10x125xi32, #tpu.memory_space<hbm>>
        %dma_wait3A_494 = arith.constant 0 : i32
        %dma_wait3A_495 = arith.constant 0 : i32
        %dma_wait3A_496 = tpu.memref_slice %arg3[%add3A, %add3A_489, %dma_wait3A_494, %dma_wait3A_495] : memref<32x8x10x125xi32, #tpu.memory_space<hbm>> -> memref<1x1x10x125xi32, #tpu.memory_space<hbm>>
        %dma_wait3A_497 = tpu.memref_squeeze %dma_wait3A_496 : memref<1x1x10x125xi32, #tpu.memory_space<hbm>> -> memref<10x125xi32, #tpu.memory_space<hbm>>
        tpu.wait_dma2 semaphore(%arg16 : memref<!tpu.dma_semaphore, #tpu.memory_space<semaphore_mem>>) src(%dma_wait3A_497 : memref<10x125xi32, #tpu.memory_space<hbm>>) dst(%arg8 : memref<10x125xi32, #tpu.memory_space<vmem>>)
        %dma_wait3A_498 = arith.constant 0 : i32
        %dma_wait3A_499 = arith.constant 0 : i32
        %dma_wait3A_500 = tpu.memref_slice %arg4[%add3A, %add3A_489, %dma_wait3A_498, %dma_wait3A_499] : memref<32x8x10x125xi32, #tpu.memory_space<hbm>> -> memref<1x1x10x125xi32, #tpu.memory_space<hbm>>
        %dma_wait3A_501 = tpu.memref_squeeze %dma_wait3A_500 : memref<1x1x10x125xi32, #tpu.memory_space<hbm>> -> memref<10x125xi32, #tpu.memory_space<hbm>>
        %dma_wait3A_502 = arith.constant 0 : i32
        %dma_wait3A_503 = arith.constant 0 : i32
        %dma_wait3A_504 = tpu.memref_slice %arg4[%add3A, %add3A_489, %dma_wait3A_502, %dma_wait3A_503] : memref<32x8x10x125xi32, #tpu.memory_space<hbm>> -> memref<1x1x10x125xi32, #tpu.memory_space<hbm>>
        %dma_wait3A_505 = tpu.memref_squeeze %dma_wait3A_504 : memref<1x1x10x125xi32, #tpu.memory_space<hbm>> -> memref<10x125xi32, #tpu.memory_space<hbm>>
        tpu.wait_dma2 semaphore(%arg16 : memref<!tpu.dma_semaphore, #tpu.memory_space<semaphore_mem>>) src(%dma_wait3A_505 : memref<10x125xi32, #tpu.memory_space<hbm>>) dst(%arg9 : memref<10x125xi32, #tpu.memory_space<vmem>>)
      } else {
      }
      %add3A_455 = arith.constant 2 : i32
      %add3A_456 = arith.addi %add3A_439, %add3A_455 : i32
      %lt3A_457 = arith.constant 80 : i32
      %lt3A_458 = arith.cmpi slt, %add3A_456, %lt3A_457 : i32
      %convert_element_type3A_459 = arith.extui %lt3A_458 : i1 to i32
      %cond3A_460 = arith.constant 0 : i32
      %cond3A_461 = arith.cmpi ne, %convert_element_type3A_459, %cond3A_460 : i32
      scf.if %cond3A_461 {
        %dma_start3A_488 = arith.constant 0 : i32
        %dma_start3A_489 = arith.constant 0 : i32
        %dma_start3A_490 = tpu.memref_slice %arg8[%dma_start3A_488, %dma_start3A_489] : memref<10x125xi32, #tpu.memory_space<vmem>> -> memref<1x125xi32, #tpu.memory_space<vmem>>
        %dma_start3A_491 = tpu.memref_squeeze %dma_start3A_490 : memref<1x125xi32, #tpu.memory_space<vmem>> -> memref<125xi32, #tpu.memory_space<vmem>>
        %dma_start3A_492 = arith.constant 0 : i32
        %dma_start3A_493 = arith.constant 0 : i32
        %dma_start3A_494 = tpu.memref_slice %arg2[%dma_start3A_492, %dma_start3A_493] : memref<10240x128xf32, #tpu.memory_space<hbm>> -> memref<10240x128xf32, #tpu.memory_space<hbm>>
        tpu.enqueue_indirect_dma source(%dma_start3A_494 : memref<10240x128xf32, #tpu.memory_space<hbm>>) target(%arg12 : memref<125x128xf32, #tpu.memory_space<vmem>>) offsets(%dma_start3A_491 : memref<125xi32, #tpu.memory_space<vmem>>) semaphore(%arg14 : memref<!tpu.dma_semaphore, #tpu.memory_space<semaphore_mem>>)
      } else {
      }
      %mul3A_462 = arith.constant 10 : i32
      %mul3A_463 = arith.muli %add3A_283, %mul3A_462 : i32
      %add3A_464 = arith.constant 9 : i32
      %add3A_465 = arith.addi %mul3A_463, %add3A_464 : i32
      %dma_wait3A_466 = arith.constant 9 : i32
      %dma_wait3A_467 = arith.constant 0 : i32
      %dma_wait3A_468 = tpu.memref_slice %arg10[%dma_wait3A_466, %dma_wait3A_467] : memref<10x125xi32, #tpu.memory_space<vmem>> -> memref<1x125xi32, #tpu.memory_space<vmem>>
      %dma_wait3A_469 = tpu.memref_squeeze %dma_wait3A_468 : memref<1x125xi32, #tpu.memory_space<vmem>> -> memref<125xi32, #tpu.memory_space<vmem>>
      %dma_wait3A_470 = arith.constant 0 : i32
      %dma_wait3A_471 = arith.constant 0 : i32
      %dma_wait3A_472 = tpu.memref_slice %arg2[%dma_wait3A_470, %dma_wait3A_471] : memref<10240x128xf32, #tpu.memory_space<hbm>> -> memref<10240x128xf32, #tpu.memory_space<hbm>>
      tpu.wait_indirect_dma semaphore(%arg15 : memref<!tpu.dma_semaphore, #tpu.memory_space<semaphore_mem>>) src(%dma_wait3A_472 : memref<10240x128xf32, #tpu.memory_space<hbm>>) dst(%arg13 : memref<125x128xf32, #tpu.memory_space<vmem>>)
      %run_scoped3A_473 = arith.constant 9 : i32
      "tpu.region"() ({
        %run_scoped3A_488 = tpu.sem_alloc : memref<!tpu.dma_semaphore, #tpu.memory_space<semaphore_mem>>
        %dma_start3A_489 = arith.constant 0 : i32
        %dma_start3A_490 = tpu.memref_slice %arg11[%run_scoped3A_473, %dma_start3A_489] : memref<10x125xi32, #tpu.memory_space<vmem>> -> memref<1x125xi32, #tpu.memory_space<vmem>>
        %dma_start3A_491 = tpu.memref_squeeze %dma_start3A_490 : memref<1x125xi32, #tpu.memory_space<vmem>> -> memref<125xi32, #tpu.memory_space<vmem>>
        %dma_start3A_492 = arith.constant 0 : i32
        %dma_start3A_493 = arith.constant 0 : i32
        %dma_start3A_494 = tpu.memref_slice %arg7[%dma_start3A_492, %dma_start3A_493] : memref<10240x128xf32, #tpu.memory_space<vmem_shared>> -> memref<10240x128xf32, #tpu.memory_space<vmem_shared>>
        tpu.enqueue_indirect_dma source(%arg13 : memref<125x128xf32, #tpu.memory_space<vmem>>) target(%dma_start3A_494 : memref<10240x128xf32, #tpu.memory_space<vmem_shared>>) offsets(%dma_start3A_491 : memref<125xi32, #tpu.memory_space<vmem>>) semaphore(%run_scoped3A_488 : memref<!tpu.dma_semaphore, #tpu.memory_space<semaphore_mem>>) {add = true}
        %dma_wait3A_495 = arith.constant 0 : i32
        %dma_wait3A_496 = tpu.memref_slice %arg11[%run_scoped3A_473, %dma_wait3A_495] : memref<10x125xi32, #tpu.memory_space<vmem>> -> memref<1x125xi32, #tpu.memory_space<vmem>>
        %dma_wait3A_497 = tpu.memref_squeeze %dma_wait3A_496 : memref<1x125xi32, #tpu.memory_space<vmem>> -> memref<125xi32, #tpu.memory_space<vmem>>
        %dma_wait3A_498 = arith.constant 0 : i32
        %dma_wait3A_499 = arith.constant 0 : i32
        %dma_wait3A_500 = tpu.memref_slice %arg7[%dma_wait3A_498, %dma_wait3A_499] : memref<10240x128xf32, #tpu.memory_space<vmem_shared>> -> memref<10240x128xf32, #tpu.memory_space<vmem_shared>>
        tpu.wait_indirect_dma semaphore(%run_scoped3A_488 : memref<!tpu.dma_semaphore, #tpu.memory_space<semaphore_mem>>) src(%arg13 : memref<125x128xf32, #tpu.memory_space<vmem>>) dst(%dma_wait3A_500 : memref<10240x128xf32, #tpu.memory_space<vmem_shared>>)
        tpu.yield
      }) : () -> ()
      %add3A_474 = arith.constant 2 : i32
      %add3A_475 = arith.addi %add3A_465, %add3A_474 : i32
      %lt3A_476 = arith.constant 80 : i32
      %lt3A_477 = arith.cmpi slt, %add3A_475, %lt3A_476 : i32
      %convert_element_type3A_478 = arith.extui %lt3A_477 : i1 to i32
      %cond3A_479 = arith.constant 0 : i32
      %cond3A_480 = arith.cmpi ne, %convert_element_type3A_478, %cond3A_479 : i32
      scf.if %cond3A_480 {
        %dma_start3A_488 = arith.constant 1 : i32
        %dma_start3A_489 = arith.constant 0 : i32
        %dma_start3A_490 = tpu.memref_slice %arg8[%dma_start3A_488, %dma_start3A_489] : memref<10x125xi32, #tpu.memory_space<vmem>> -> memref<1x125xi32, #tpu.memory_space<vmem>>
        %dma_start3A_491 = tpu.memref_squeeze %dma_start3A_490 : memref<1x125xi32, #tpu.memory_space<vmem>> -> memref<125xi32, #tpu.memory_space<vmem>>
        %dma_start3A_492 = arith.constant 0 : i32
        %dma_start3A_493 = arith.constant 0 : i32
        %dma_start3A_494 = tpu.memref_slice %arg2[%dma_start3A_492, %dma_start3A_493] : memref<10240x128xf32, #tpu.memory_space<hbm>> -> memref<10240x128xf32, #tpu.memory_space<hbm>>
        tpu.enqueue_indirect_dma source(%dma_start3A_494 : memref<10240x128xf32, #tpu.memory_space<hbm>>) target(%arg13 : memref<125x128xf32, #tpu.memory_space<vmem>>) offsets(%dma_start3A_491 : memref<125xi32, #tpu.memory_space<vmem>>) semaphore(%arg15 : memref<!tpu.dma_semaphore, #tpu.memory_space<semaphore_mem>>)
      } else {
      }
      %add3A_481 = arith.constant 2 : i32
      %add3A_482 = arith.addi %add3A_283, %add3A_481 : i32
      %lt3A_483 = arith.constant 8 : i32
      %lt3A_484 = arith.cmpi slt, %add3A_482, %lt3A_483 : i32
      %convert_element_type3A_485 = arith.extui %lt3A_484 : i1 to i32
      %cond3A_486 = arith.constant 0 : i32
      %cond3A_487 = arith.cmpi ne, %convert_element_type3A_485, %cond3A_486 : i32
      scf.if %cond3A_487 {
        %add3A_488 = arith.constant 2 : i32
        %add3A_489 = arith.addi %add3A_283, %add3A_488 : i32
        %dma_start3A_490 = arith.constant 0 : i32
        %dma_start3A_491 = arith.constant 0 : i32
        %dma_start3A_492 = tpu.memref_slice %arg3[%add3A, %add3A_489, %dma_start3A_490, %dma_start3A_491] : memref<32x8x10x125xi32, #tpu.memory_space<hbm>> -> memref<1x1x10x125xi32, #tpu.memory_space<hbm>>
        %dma_start3A_493 = tpu.memref_squeeze %dma_start3A_492 : memref<1x1x10x125xi32, #tpu.memory_space<hbm>> -> memref<10x125xi32, #tpu.memory_space<hbm>>
        %dma_start3A_494 = arith.constant 0 : i32
        %dma_start3A_495 = arith.constant 0 : i32
        %dma_start3A_496 = tpu.memref_slice %arg3[%add3A, %add3A_489, %dma_start3A_494, %dma_start3A_495] : memref<32x8x10x125xi32, #tpu.memory_space<hbm>> -> memref<1x1x10x125xi32, #tpu.memory_space<hbm>>
        %dma_start3A_497 = tpu.memref_squeeze %dma_start3A_496 : memref<1x1x10x125xi32, #tpu.memory_space<hbm>> -> memref<10x125xi32, #tpu.memory_space<hbm>>
        tpu.enqueue_dma source(%dma_start3A_497 : memref<10x125xi32, #tpu.memory_space<hbm>>) target(%arg10 : memref<10x125xi32, #tpu.memory_space<vmem>>) target_semaphore(%arg16 : memref<!tpu.dma_semaphore, #tpu.memory_space<semaphore_mem>>)
        %dma_start3A_498 = arith.constant 0 : i32
        %dma_start3A_499 = arith.constant 0 : i32
        %dma_start3A_500 = tpu.memref_slice %arg4[%add3A, %add3A_489, %dma_start3A_498, %dma_start3A_499] : memref<32x8x10x125xi32, #tpu.memory_space<hbm>> -> memref<1x1x10x125xi32, #tpu.memory_space<hbm>>
        %dma_start3A_501 = tpu.memref_squeeze %dma_start3A_500 : memref<1x1x10x125xi32, #tpu.memory_space<hbm>> -> memref<10x125xi32, #tpu.memory_space<hbm>>
        %dma_start3A_502 = arith.constant 0 : i32
        %dma_start3A_503 = arith.constant 0 : i32
        %dma_start3A_504 = tpu.memref_slice %arg4[%add3A, %add3A_489, %dma_start3A_502, %dma_start3A_503] : memref<32x8x10x125xi32, #tpu.memory_space<hbm>> -> memref<1x1x10x125xi32, #tpu.memory_space<hbm>>
        %dma_start3A_505 = tpu.memref_squeeze %dma_start3A_504 : memref<1x1x10x125xi32, #tpu.memory_space<hbm>> -> memref<10x125xi32, #tpu.memory_space<hbm>>
        tpu.enqueue_dma source(%dma_start3A_505 : memref<10x125xi32, #tpu.memory_space<hbm>>) target(%arg11 : memref<10x125xi32, #tpu.memory_space<vmem>>) target_semaphore(%arg16 : memref<!tpu.dma_semaphore, #tpu.memory_space<semaphore_mem>>)
      } else {
      }
    }
    %scan3A_73 = arith.constant 4 : i32
    %barrier3A_74 = arith.constant 0 : index
    tpu.barrier barrier_id(%barrier3A_74)
    "tpu.region"() ({
      %run_scoped3A = tpu.sem_alloc : memref<!tpu.dma_semaphore, #tpu.memory_space<semaphore_mem>>
      %dma_start3A_75 = arith.constant 0 : i32
      %dma_start3A_76 = tpu.memref_slice %arg6[%arg0, %mul3A_68, %dma_start3A_75] : memref<2x10240x128xf32, #tpu.memory_space<hbm>> -> memref<1x640x128xf32, #tpu.memory_space<hbm>>
      %dma_start3A_77 = tpu.memref_squeeze %dma_start3A_76 : memref<1x640x128xf32, #tpu.memory_space<hbm>> -> memref<640x128xf32, #tpu.memory_space<hbm>>
      %dma_start3A_78 = arith.constant 0 : i32
      %dma_start3A_79 = tpu.memref_slice %arg7[%mul3A_68, %dma_start3A_78] : memref<10240x128xf32, #tpu.memory_space<vmem_shared>> -> memref<640x128xf32, #tpu.memory_space<vmem_shared>>
      tpu.enqueue_dma source(%dma_start3A_79 : memref<640x128xf32, #tpu.memory_space<vmem_shared>>) target(%dma_start3A_77 : memref<640x128xf32, #tpu.memory_space<hbm>>) target_semaphore(%run_scoped3A : memref<!tpu.dma_semaphore, #tpu.memory_space<semaphore_mem>>)
      %dma_wait3A_80 = arith.constant 0 : i32
      %dma_wait3A_81 = tpu.memref_slice %arg6[%arg0, %mul3A_68, %dma_wait3A_80] : memref<2x10240x128xf32, #tpu.memory_space<hbm>> -> memref<1x640x128xf32, #tpu.memory_space<hbm>>
      %dma_wait3A_82 = tpu.memref_squeeze %dma_wait3A_81 : memref<1x640x128xf32, #tpu.memory_space<hbm>> -> memref<640x128xf32, #tpu.memory_space<hbm>>
      %dma_wait3A_83 = arith.constant 0 : i32
      %dma_wait3A_84 = tpu.memref_slice %arg7[%mul3A_68, %dma_wait3A_83] : memref<10240x128xf32, #tpu.memory_space<vmem_shared>> -> memref<640x128xf32, #tpu.memory_space<vmem_shared>>
      tpu.wait_dma2 semaphore(%run_scoped3A : memref<!tpu.dma_semaphore, #tpu.memory_space<semaphore_mem>>) src(%dma_wait3A_84 : memref<640x128xf32, #tpu.memory_space<vmem_shared>>) dst(%dma_wait3A_82 : memref<640x128xf32, #tpu.memory_space<hbm>>)
      tpu.yield
    }) : () -> ()
    return
  }
}

#map = affine_map<(d0, d1) -> (0, 0, 0, 0)>
#map1 = affine_map<(d0, d1) -> (0)>
module attributes {stable_mosaic.version = 14 : i64} {
  func.func @_sc_cnt_body(%arg0: i32, %arg1: i32, %arg2: memref<32x8x10x125xi32, #tpu.memory_space<hbm>>, %arg3: memref<10240xf32, #tpu.memory_space<hbm>>, %arg4: memref<125xf32, #tpu.memory_space<hbm>>, %arg5: memref<20480xf32, #tpu.memory_space<hbm>>, %arg6: memref<10240xf32, #tpu.memory_space<vmem_shared>>, %arg7: memref<8x10x125xi32, #tpu.memory_space<vmem>>, %arg8: memref<125xf32, #tpu.memory_space<vmem>>, %arg9: memref<!tpu.dma_semaphore, #tpu.memory_space<semaphore_mem>>) attributes {dimension_semantics = [#tpu.dimension_semantics<core_parallel>, #tpu.dimension_semantics<subcore_parallel>], iteration_bounds = array<i64: 2, 16>, scalar_prefetch = 0 : i64, scratch_operands = 4 : i64, tpu.core_type = #tpu.core_type<sc_vector_subcore>, window_params = [{transform_indices = #map}, {transform_indices = #map1}, {transform_indices = #map1}, {transform_indices = #map1}]} {
    %mul3A = arith.constant 16 : i32
    %mul3A_0 = arith.muli %arg0, %mul3A : i32
    %add3A = arith.addi %mul3A_0, %arg1 : i32
    "tpu.region"() ({
      %run_scoped3A = tpu.sem_alloc : memref<!tpu.dma_semaphore, #tpu.memory_space<semaphore_mem>>
      %dma_start3A = arith.constant 0 : i32
      %dma_start3A_12 = arith.constant 0 : i32
      %dma_start3A_13 = arith.constant 0 : i32
      %dma_start3A_14 = tpu.memref_slice %arg2[%add3A, %dma_start3A, %dma_start3A_12, %dma_start3A_13] : memref<32x8x10x125xi32, #tpu.memory_space<hbm>> -> memref<1x8x10x125xi32, #tpu.memory_space<hbm>>
      %dma_start3A_15 = tpu.memref_squeeze %dma_start3A_14 : memref<1x8x10x125xi32, #tpu.memory_space<hbm>> -> memref<8x10x125xi32, #tpu.memory_space<hbm>>
      %dma_start3A_16 = arith.constant 0 : i32
      %dma_start3A_17 = arith.constant 0 : i32
      %dma_start3A_18 = arith.constant 0 : i32
      %dma_start3A_19 = tpu.memref_slice %arg2[%add3A, %dma_start3A_16, %dma_start3A_17, %dma_start3A_18] : memref<32x8x10x125xi32, #tpu.memory_space<hbm>> -> memref<1x8x10x125xi32, #tpu.memory_space<hbm>>
      %dma_start3A_20 = tpu.memref_squeeze %dma_start3A_19 : memref<1x8x10x125xi32, #tpu.memory_space<hbm>> -> memref<8x10x125xi32, #tpu.memory_space<hbm>>
      tpu.enqueue_dma source(%dma_start3A_20 : memref<8x10x125xi32, #tpu.memory_space<hbm>>) target(%arg7 : memref<8x10x125xi32, #tpu.memory_space<vmem>>) target_semaphore(%run_scoped3A : memref<!tpu.dma_semaphore, #tpu.memory_space<semaphore_mem>>)
      %dma_wait3A = arith.constant 0 : i32
      %dma_wait3A_21 = arith.constant 0 : i32
      %dma_wait3A_22 = arith.constant 0 : i32
      %dma_wait3A_23 = tpu.memref_slice %arg2[%add3A, %dma_wait3A, %dma_wait3A_21, %dma_wait3A_22] : memref<32x8x10x125xi32, #tpu.memory_space<hbm>> -> memref<1x8x10x125xi32, #tpu.memory_space<hbm>>
      %dma_wait3A_24 = tpu.memref_squeeze %dma_wait3A_23 : memref<1x8x10x125xi32, #tpu.memory_space<hbm>> -> memref<8x10x125xi32, #tpu.memory_space<hbm>>
      %dma_wait3A_25 = arith.constant 0 : i32
      %dma_wait3A_26 = arith.constant 0 : i32
      %dma_wait3A_27 = arith.constant 0 : i32
      %dma_wait3A_28 = tpu.memref_slice %arg2[%add3A, %dma_wait3A_25, %dma_wait3A_26, %dma_wait3A_27] : memref<32x8x10x125xi32, #tpu.memory_space<hbm>> -> memref<1x8x10x125xi32, #tpu.memory_space<hbm>>
      %dma_wait3A_29 = tpu.memref_squeeze %dma_wait3A_28 : memref<1x8x10x125xi32, #tpu.memory_space<hbm>> -> memref<8x10x125xi32, #tpu.memory_space<hbm>>
      tpu.wait_dma2 semaphore(%run_scoped3A : memref<!tpu.dma_semaphore, #tpu.memory_space<semaphore_mem>>) src(%dma_wait3A_29 : memref<8x10x125xi32, #tpu.memory_space<hbm>>) dst(%arg7 : memref<8x10x125xi32, #tpu.memory_space<vmem>>)
      tpu.yield
    }) : () -> ()
    "tpu.region"() ({
      %run_scoped3A = tpu.sem_alloc : memref<!tpu.dma_semaphore, #tpu.memory_space<semaphore_mem>>
      tpu.enqueue_dma source(%arg4 : memref<125xf32, #tpu.memory_space<hbm>>) target(%arg8 : memref<125xf32, #tpu.memory_space<vmem>>) target_semaphore(%run_scoped3A : memref<!tpu.dma_semaphore, #tpu.memory_space<semaphore_mem>>)
      tpu.wait_dma2 semaphore(%run_scoped3A : memref<!tpu.dma_semaphore, #tpu.memory_space<semaphore_mem>>) src(%arg4 : memref<125xf32, #tpu.memory_space<hbm>>) dst(%arg8 : memref<125xf32, #tpu.memory_space<vmem>>)
      tpu.yield
    }) : () -> ()
    %mul3A_1 = arith.constant 640 : i32
    %mul3A_2 = arith.muli %arg1, %mul3A_1 : i32
    "tpu.region"() ({
      %run_scoped3A = tpu.sem_alloc : memref<!tpu.dma_semaphore, #tpu.memory_space<semaphore_mem>>
      %dma_start3A = tpu.memref_slice %arg6[%mul3A_2] : memref<10240xf32, #tpu.memory_space<vmem_shared>> -> memref<640xf32, #tpu.memory_space<vmem_shared>>
      %dma_start3A_12 = tpu.memref_slice %arg3[%mul3A_2] : memref<10240xf32, #tpu.memory_space<hbm>> -> memref<640xf32, #tpu.memory_space<hbm>>
      tpu.enqueue_dma source(%dma_start3A_12 : memref<640xf32, #tpu.memory_space<hbm>>) target(%dma_start3A : memref<640xf32, #tpu.memory_space<vmem_shared>>) target_semaphore(%run_scoped3A : memref<!tpu.dma_semaphore, #tpu.memory_space<semaphore_mem>>)
      %dma_wait3A = tpu.memref_slice %arg6[%mul3A_2] : memref<10240xf32, #tpu.memory_space<vmem_shared>> -> memref<640xf32, #tpu.memory_space<vmem_shared>>
      %dma_wait3A_13 = tpu.memref_slice %arg3[%mul3A_2] : memref<10240xf32, #tpu.memory_space<hbm>> -> memref<640xf32, #tpu.memory_space<hbm>>
      tpu.wait_dma2 semaphore(%run_scoped3A : memref<!tpu.dma_semaphore, #tpu.memory_space<semaphore_mem>>) src(%dma_wait3A_13 : memref<640xf32, #tpu.memory_space<hbm>>) dst(%dma_wait3A : memref<640xf32, #tpu.memory_space<vmem_shared>>)
      tpu.yield
    }) : () -> ()
    %barrier3A = arith.constant 0 : index
    tpu.barrier barrier_id(%barrier3A)
    %scan3A = arith.constant 0 : i32
    %scan3A_3 = arith.constant 0 : i32
    %scan3A_4 = arith.constant 8 : i32
    %scan3A_5 = arith.addi %scan3A_3, %scan3A_4 : i32
    %scan3A_6 = arith.constant 1 : i32
    scf.for %scan3A_12 = %scan3A_3 to %scan3A_5 step %scan3A_6  : i32 {
      %dma_start3A = arith.constant 0 : i32
      %dma_start3A_13 = arith.constant 0 : i32
      %dma_start3A_14 = tpu.memref_slice %arg7[%scan3A_12, %dma_start3A, %dma_start3A_13] : memref<8x10x125xi32, #tpu.memory_space<vmem>> -> memref<1x1x125xi32, #tpu.memory_space<vmem>>
      %dma_start3A_15 = tpu.memref_squeeze %dma_start3A_14 : memref<1x1x125xi32, #tpu.memory_space<vmem>> -> memref<125xi32, #tpu.memory_space<vmem>>
      %dma_start3A_16 = arith.constant 0 : i32
      %dma_start3A_17 = tpu.memref_slice %arg6[%dma_start3A_16] : memref<10240xf32, #tpu.memory_space<vmem_shared>> -> memref<10240xf32, #tpu.memory_space<vmem_shared>>
      tpu.enqueue_indirect_dma source(%arg8 : memref<125xf32, #tpu.memory_space<vmem>>) target(%dma_start3A_17 : memref<10240xf32, #tpu.memory_space<vmem_shared>>) offsets(%dma_start3A_15 : memref<125xi32, #tpu.memory_space<vmem>>) semaphore(%arg9 : memref<!tpu.dma_semaphore, #tpu.memory_space<semaphore_mem>>) {add = true}
      %dma_start3A_18 = arith.constant 1 : i32
      %dma_start3A_19 = arith.constant 0 : i32
      %dma_start3A_20 = tpu.memref_slice %arg7[%scan3A_12, %dma_start3A_18, %dma_start3A_19] : memref<8x10x125xi32, #tpu.memory_space<vmem>> -> memref<1x1x125xi32, #tpu.memory_space<vmem>>
      %dma_start3A_21 = tpu.memref_squeeze %dma_start3A_20 : memref<1x1x125xi32, #tpu.memory_space<vmem>> -> memref<125xi32, #tpu.memory_space<vmem>>
      %dma_start3A_22 = arith.constant 0 : i32
      %dma_start3A_23 = tpu.memref_slice %arg6[%dma_start3A_22] : memref<10240xf32, #tpu.memory_space<vmem_shared>> -> memref<10240xf32, #tpu.memory_space<vmem_shared>>
      tpu.enqueue_indirect_dma source(%arg8 : memref<125xf32, #tpu.memory_space<vmem>>) target(%dma_start3A_23 : memref<10240xf32, #tpu.memory_space<vmem_shared>>) offsets(%dma_start3A_21 : memref<125xi32, #tpu.memory_space<vmem>>) semaphore(%arg9 : memref<!tpu.dma_semaphore, #tpu.memory_space<semaphore_mem>>) {add = true}
      %dma_start3A_24 = arith.constant 2 : i32
      %dma_start3A_25 = arith.constant 0 : i32
      %dma_start3A_26 = tpu.memref_slice %arg7[%scan3A_12, %dma_start3A_24, %dma_start3A_25] : memref<8x10x125xi32, #tpu.memory_space<vmem>> -> memref<1x1x125xi32, #tpu.memory_space<vmem>>
      %dma_start3A_27 = tpu.memref_squeeze %dma_start3A_26 : memref<1x1x125xi32, #tpu.memory_space<vmem>> -> memref<125xi32, #tpu.memory_space<vmem>>
      %dma_start3A_28 = arith.constant 0 : i32
      %dma_start3A_29 = tpu.memref_slice %arg6[%dma_start3A_28] : memref<10240xf32, #tpu.memory_space<vmem_shared>> -> memref<10240xf32, #tpu.memory_space<vmem_shared>>
      tpu.enqueue_indirect_dma source(%arg8 : memref<125xf32, #tpu.memory_space<vmem>>) target(%dma_start3A_29 : memref<10240xf32, #tpu.memory_space<vmem_shared>>) offsets(%dma_start3A_27 : memref<125xi32, #tpu.memory_space<vmem>>) semaphore(%arg9 : memref<!tpu.dma_semaphore, #tpu.memory_space<semaphore_mem>>) {add = true}
      %dma_start3A_30 = arith.constant 3 : i32
      %dma_start3A_31 = arith.constant 0 : i32
      %dma_start3A_32 = tpu.memref_slice %arg7[%scan3A_12, %dma_start3A_30, %dma_start3A_31] : memref<8x10x125xi32, #tpu.memory_space<vmem>> -> memref<1x1x125xi32, #tpu.memory_space<vmem>>
      %dma_start3A_33 = tpu.memref_squeeze %dma_start3A_32 : memref<1x1x125xi32, #tpu.memory_space<vmem>> -> memref<125xi32, #tpu.memory_space<vmem>>
      %dma_start3A_34 = arith.constant 0 : i32
      %dma_start3A_35 = tpu.memref_slice %arg6[%dma_start3A_34] : memref<10240xf32, #tpu.memory_space<vmem_shared>> -> memref<10240xf32, #tpu.memory_space<vmem_shared>>
      tpu.enqueue_indirect_dma source(%arg8 : memref<125xf32, #tpu.memory_space<vmem>>) target(%dma_start3A_35 : memref<10240xf32, #tpu.memory_space<vmem_shared>>) offsets(%dma_start3A_33 : memref<125xi32, #tpu.memory_space<vmem>>) semaphore(%arg9 : memref<!tpu.dma_semaphore, #tpu.memory_space<semaphore_mem>>) {add = true}
      %dma_start3A_36 = arith.constant 4 : i32
      %dma_start3A_37 = arith.constant 0 : i32
      %dma_start3A_38 = tpu.memref_slice %arg7[%scan3A_12, %dma_start3A_36, %dma_start3A_37] : memref<8x10x125xi32, #tpu.memory_space<vmem>> -> memref<1x1x125xi32, #tpu.memory_space<vmem>>
      %dma_start3A_39 = tpu.memref_squeeze %dma_start3A_38 : memref<1x1x125xi32, #tpu.memory_space<vmem>> -> memref<125xi32, #tpu.memory_space<vmem>>
      %dma_start3A_40 = arith.constant 0 : i32
      %dma_start3A_41 = tpu.memref_slice %arg6[%dma_start3A_40] : memref<10240xf32, #tpu.memory_space<vmem_shared>> -> memref<10240xf32, #tpu.memory_space<vmem_shared>>
      tpu.enqueue_indirect_dma source(%arg8 : memref<125xf32, #tpu.memory_space<vmem>>) target(%dma_start3A_41 : memref<10240xf32, #tpu.memory_space<vmem_shared>>) offsets(%dma_start3A_39 : memref<125xi32, #tpu.memory_space<vmem>>) semaphore(%arg9 : memref<!tpu.dma_semaphore, #tpu.memory_space<semaphore_mem>>) {add = true}
      %dma_start3A_42 = arith.constant 5 : i32
      %dma_start3A_43 = arith.constant 0 : i32
      %dma_start3A_44 = tpu.memref_slice %arg7[%scan3A_12, %dma_start3A_42, %dma_start3A_43] : memref<8x10x125xi32, #tpu.memory_space<vmem>> -> memref<1x1x125xi32, #tpu.memory_space<vmem>>
      %dma_start3A_45 = tpu.memref_squeeze %dma_start3A_44 : memref<1x1x125xi32, #tpu.memory_space<vmem>> -> memref<125xi32, #tpu.memory_space<vmem>>
      %dma_start3A_46 = arith.constant 0 : i32
      %dma_start3A_47 = tpu.memref_slice %arg6[%dma_start3A_46] : memref<10240xf32, #tpu.memory_space<vmem_shared>> -> memref<10240xf32, #tpu.memory_space<vmem_shared>>
      tpu.enqueue_indirect_dma source(%arg8 : memref<125xf32, #tpu.memory_space<vmem>>) target(%dma_start3A_47 : memref<10240xf32, #tpu.memory_space<vmem_shared>>) offsets(%dma_start3A_45 : memref<125xi32, #tpu.memory_space<vmem>>) semaphore(%arg9 : memref<!tpu.dma_semaphore, #tpu.memory_space<semaphore_mem>>) {add = true}
      %dma_start3A_48 = arith.constant 6 : i32
      %dma_start3A_49 = arith.constant 0 : i32
      %dma_start3A_50 = tpu.memref_slice %arg7[%scan3A_12, %dma_start3A_48, %dma_start3A_49] : memref<8x10x125xi32, #tpu.memory_space<vmem>> -> memref<1x1x125xi32, #tpu.memory_space<vmem>>
      %dma_start3A_51 = tpu.memref_squeeze %dma_start3A_50 : memref<1x1x125xi32, #tpu.memory_space<vmem>> -> memref<125xi32, #tpu.memory_space<vmem>>
      %dma_start3A_52 = arith.constant 0 : i32
      %dma_start3A_53 = tpu.memref_slice %arg6[%dma_start3A_52] : memref<10240xf32, #tpu.memory_space<vmem_shared>> -> memref<10240xf32, #tpu.memory_space<vmem_shared>>
      tpu.enqueue_indirect_dma source(%arg8 : memref<125xf32, #tpu.memory_space<vmem>>) target(%dma_start3A_53 : memref<10240xf32, #tpu.memory_space<vmem_shared>>) offsets(%dma_start3A_51 : memref<125xi32, #tpu.memory_space<vmem>>) semaphore(%arg9 : memref<!tpu.dma_semaphore, #tpu.memory_space<semaphore_mem>>) {add = true}
      %dma_start3A_54 = arith.constant 7 : i32
      %dma_start3A_55 = arith.constant 0 : i32
      %dma_start3A_56 = tpu.memref_slice %arg7[%scan3A_12, %dma_start3A_54, %dma_start3A_55] : memref<8x10x125xi32, #tpu.memory_space<vmem>> -> memref<1x1x125xi32, #tpu.memory_space<vmem>>
      %dma_start3A_57 = tpu.memref_squeeze %dma_start3A_56 : memref<1x1x125xi32, #tpu.memory_space<vmem>> -> memref<125xi32, #tpu.memory_space<vmem>>
      %dma_start3A_58 = arith.constant 0 : i32
      %dma_start3A_59 = tpu.memref_slice %arg6[%dma_start3A_58] : memref<10240xf32, #tpu.memory_space<vmem_shared>> -> memref<10240xf32, #tpu.memory_space<vmem_shared>>
      tpu.enqueue_indirect_dma source(%arg8 : memref<125xf32, #tpu.memory_space<vmem>>) target(%dma_start3A_59 : memref<10240xf32, #tpu.memory_space<vmem_shared>>) offsets(%dma_start3A_57 : memref<125xi32, #tpu.memory_space<vmem>>) semaphore(%arg9 : memref<!tpu.dma_semaphore, #tpu.memory_space<semaphore_mem>>) {add = true}
      %dma_start3A_60 = arith.constant 8 : i32
      %dma_start3A_61 = arith.constant 0 : i32
      %dma_start3A_62 = tpu.memref_slice %arg7[%scan3A_12, %dma_start3A_60, %dma_start3A_61] : memref<8x10x125xi32, #tpu.memory_space<vmem>> -> memref<1x1x125xi32, #tpu.memory_space<vmem>>
      %dma_start3A_63 = tpu.memref_squeeze %dma_start3A_62 : memref<1x1x125xi32, #tpu.memory_space<vmem>> -> memref<125xi32, #tpu.memory_space<vmem>>
      %dma_start3A_64 = arith.constant 0 : i32
      %dma_start3A_65 = tpu.memref_slice %arg6[%dma_start3A_64] : memref<10240xf32, #tpu.memory_space<vmem_shared>> -> memref<10240xf32, #tpu.memory_space<vmem_shared>>
      tpu.enqueue_indirect_dma source(%arg8 : memref<125xf32, #tpu.memory_space<vmem>>) target(%dma_start3A_65 : memref<10240xf32, #tpu.memory_space<vmem_shared>>) offsets(%dma_start3A_63 : memref<125xi32, #tpu.memory_space<vmem>>) semaphore(%arg9 : memref<!tpu.dma_semaphore, #tpu.memory_space<semaphore_mem>>) {add = true}
      %dma_start3A_66 = arith.constant 9 : i32
      %dma_start3A_67 = arith.constant 0 : i32
      %dma_start3A_68 = tpu.memref_slice %arg7[%scan3A_12, %dma_start3A_66, %dma_start3A_67] : memref<8x10x125xi32, #tpu.memory_space<vmem>> -> memref<1x1x125xi32, #tpu.memory_space<vmem>>
      %dma_start3A_69 = tpu.memref_squeeze %dma_start3A_68 : memref<1x1x125xi32, #tpu.memory_space<vmem>> -> memref<125xi32, #tpu.memory_space<vmem>>
      %dma_start3A_70 = arith.constant 0 : i32
      %dma_start3A_71 = tpu.memref_slice %arg6[%dma_start3A_70] : memref<10240xf32, #tpu.memory_space<vmem_shared>> -> memref<10240xf32, #tpu.memory_space<vmem_shared>>
      tpu.enqueue_indirect_dma source(%arg8 : memref<125xf32, #tpu.memory_space<vmem>>) target(%dma_start3A_71 : memref<10240xf32, #tpu.memory_space<vmem_shared>>) offsets(%dma_start3A_69 : memref<125xi32, #tpu.memory_space<vmem>>) semaphore(%arg9 : memref<!tpu.dma_semaphore, #tpu.memory_space<semaphore_mem>>) {add = true}
      %dma_wait3A = arith.constant 0 : i32
      %dma_wait3A_72 = arith.constant 0 : i32
      %dma_wait3A_73 = tpu.memref_slice %arg7[%scan3A_12, %dma_wait3A, %dma_wait3A_72] : memref<8x10x125xi32, #tpu.memory_space<vmem>> -> memref<1x1x125xi32, #tpu.memory_space<vmem>>
      %dma_wait3A_74 = tpu.memref_squeeze %dma_wait3A_73 : memref<1x1x125xi32, #tpu.memory_space<vmem>> -> memref<125xi32, #tpu.memory_space<vmem>>
      %dma_wait3A_75 = arith.constant 0 : i32
      %dma_wait3A_76 = tpu.memref_slice %arg6[%dma_wait3A_75] : memref<10240xf32, #tpu.memory_space<vmem_shared>> -> memref<10240xf32, #tpu.memory_space<vmem_shared>>
      tpu.wait_indirect_dma semaphore(%arg9 : memref<!tpu.dma_semaphore, #tpu.memory_space<semaphore_mem>>) src(%arg8 : memref<125xf32, #tpu.memory_space<vmem>>) dst(%dma_wait3A_76 : memref<10240xf32, #tpu.memory_space<vmem_shared>>)
      %dma_wait3A_77 = arith.constant 1 : i32
      %dma_wait3A_78 = arith.constant 0 : i32
      %dma_wait3A_79 = tpu.memref_slice %arg7[%scan3A_12, %dma_wait3A_77, %dma_wait3A_78] : memref<8x10x125xi32, #tpu.memory_space<vmem>> -> memref<1x1x125xi32, #tpu.memory_space<vmem>>
      %dma_wait3A_80 = tpu.memref_squeeze %dma_wait3A_79 : memref<1x1x125xi32, #tpu.memory_space<vmem>> -> memref<125xi32, #tpu.memory_space<vmem>>
      %dma_wait3A_81 = arith.constant 0 : i32
      %dma_wait3A_82 = tpu.memref_slice %arg6[%dma_wait3A_81] : memref<10240xf32, #tpu.memory_space<vmem_shared>> -> memref<10240xf32, #tpu.memory_space<vmem_shared>>
      tpu.wait_indirect_dma semaphore(%arg9 : memref<!tpu.dma_semaphore, #tpu.memory_space<semaphore_mem>>) src(%arg8 : memref<125xf32, #tpu.memory_space<vmem>>) dst(%dma_wait3A_82 : memref<10240xf32, #tpu.memory_space<vmem_shared>>)
      %dma_wait3A_83 = arith.constant 2 : i32
      %dma_wait3A_84 = arith.constant 0 : i32
      %dma_wait3A_85 = tpu.memref_slice %arg7[%scan3A_12, %dma_wait3A_83, %dma_wait3A_84] : memref<8x10x125xi32, #tpu.memory_space<vmem>> -> memref<1x1x125xi32, #tpu.memory_space<vmem>>
      %dma_wait3A_86 = tpu.memref_squeeze %dma_wait3A_85 : memref<1x1x125xi32, #tpu.memory_space<vmem>> -> memref<125xi32, #tpu.memory_space<vmem>>
      %dma_wait3A_87 = arith.constant 0 : i32
      %dma_wait3A_88 = tpu.memref_slice %arg6[%dma_wait3A_87] : memref<10240xf32, #tpu.memory_space<vmem_shared>> -> memref<10240xf32, #tpu.memory_space<vmem_shared>>
      tpu.wait_indirect_dma semaphore(%arg9 : memref<!tpu.dma_semaphore, #tpu.memory_space<semaphore_mem>>) src(%arg8 : memref<125xf32, #tpu.memory_space<vmem>>) dst(%dma_wait3A_88 : memref<10240xf32, #tpu.memory_space<vmem_shared>>)
      %dma_wait3A_89 = arith.constant 3 : i32
      %dma_wait3A_90 = arith.constant 0 : i32
      %dma_wait3A_91 = tpu.memref_slice %arg7[%scan3A_12, %dma_wait3A_89, %dma_wait3A_90] : memref<8x10x125xi32, #tpu.memory_space<vmem>> -> memref<1x1x125xi32, #tpu.memory_space<vmem>>
      %dma_wait3A_92 = tpu.memref_squeeze %dma_wait3A_91 : memref<1x1x125xi32, #tpu.memory_space<vmem>> -> memref<125xi32, #tpu.memory_space<vmem>>
      %dma_wait3A_93 = arith.constant 0 : i32
      %dma_wait3A_94 = tpu.memref_slice %arg6[%dma_wait3A_93] : memref<10240xf32, #tpu.memory_space<vmem_shared>> -> memref<10240xf32, #tpu.memory_space<vmem_shared>>
      tpu.wait_indirect_dma semaphore(%arg9 : memref<!tpu.dma_semaphore, #tpu.memory_space<semaphore_mem>>) src(%arg8 : memref<125xf32, #tpu.memory_space<vmem>>) dst(%dma_wait3A_94 : memref<10240xf32, #tpu.memory_space<vmem_shared>>)
      %dma_wait3A_95 = arith.constant 4 : i32
      %dma_wait3A_96 = arith.constant 0 : i32
      %dma_wait3A_97 = tpu.memref_slice %arg7[%scan3A_12, %dma_wait3A_95, %dma_wait3A_96] : memref<8x10x125xi32, #tpu.memory_space<vmem>> -> memref<1x1x125xi32, #tpu.memory_space<vmem>>
      %dma_wait3A_98 = tpu.memref_squeeze %dma_wait3A_97 : memref<1x1x125xi32, #tpu.memory_space<vmem>> -> memref<125xi32, #tpu.memory_space<vmem>>
      %dma_wait3A_99 = arith.constant 0 : i32
      %dma_wait3A_100 = tpu.memref_slice %arg6[%dma_wait3A_99] : memref<10240xf32, #tpu.memory_space<vmem_shared>> -> memref<10240xf32, #tpu.memory_space<vmem_shared>>
      tpu.wait_indirect_dma semaphore(%arg9 : memref<!tpu.dma_semaphore, #tpu.memory_space<semaphore_mem>>) src(%arg8 : memref<125xf32, #tpu.memory_space<vmem>>) dst(%dma_wait3A_100 : memref<10240xf32, #tpu.memory_space<vmem_shared>>)
      %dma_wait3A_101 = arith.constant 5 : i32
      %dma_wait3A_102 = arith.constant 0 : i32
      %dma_wait3A_103 = tpu.memref_slice %arg7[%scan3A_12, %dma_wait3A_101, %dma_wait3A_102] : memref<8x10x125xi32, #tpu.memory_space<vmem>> -> memref<1x1x125xi32, #tpu.memory_space<vmem>>
      %dma_wait3A_104 = tpu.memref_squeeze %dma_wait3A_103 : memref<1x1x125xi32, #tpu.memory_space<vmem>> -> memref<125xi32, #tpu.memory_space<vmem>>
      %dma_wait3A_105 = arith.constant 0 : i32
      %dma_wait3A_106 = tpu.memref_slice %arg6[%dma_wait3A_105] : memref<10240xf32, #tpu.memory_space<vmem_shared>> -> memref<10240xf32, #tpu.memory_space<vmem_shared>>
      tpu.wait_indirect_dma semaphore(%arg9 : memref<!tpu.dma_semaphore, #tpu.memory_space<semaphore_mem>>) src(%arg8 : memref<125xf32, #tpu.memory_space<vmem>>) dst(%dma_wait3A_106 : memref<10240xf32, #tpu.memory_space<vmem_shared>>)
      %dma_wait3A_107 = arith.constant 6 : i32
      %dma_wait3A_108 = arith.constant 0 : i32
      %dma_wait3A_109 = tpu.memref_slice %arg7[%scan3A_12, %dma_wait3A_107, %dma_wait3A_108] : memref<8x10x125xi32, #tpu.memory_space<vmem>> -> memref<1x1x125xi32, #tpu.memory_space<vmem>>
      %dma_wait3A_110 = tpu.memref_squeeze %dma_wait3A_109 : memref<1x1x125xi32, #tpu.memory_space<vmem>> -> memref<125xi32, #tpu.memory_space<vmem>>
      %dma_wait3A_111 = arith.constant 0 : i32
      %dma_wait3A_112 = tpu.memref_slice %arg6[%dma_wait3A_111] : memref<10240xf32, #tpu.memory_space<vmem_shared>> -> memref<10240xf32, #tpu.memory_space<vmem_shared>>
      tpu.wait_indirect_dma semaphore(%arg9 : memref<!tpu.dma_semaphore, #tpu.memory_space<semaphore_mem>>) src(%arg8 : memref<125xf32, #tpu.memory_space<vmem>>) dst(%dma_wait3A_112 : memref<10240xf32, #tpu.memory_space<vmem_shared>>)
      %dma_wait3A_113 = arith.constant 7 : i32
      %dma_wait3A_114 = arith.constant 0 : i32
      %dma_wait3A_115 = tpu.memref_slice %arg7[%scan3A_12, %dma_wait3A_113, %dma_wait3A_114] : memref<8x10x125xi32, #tpu.memory_space<vmem>> -> memref<1x1x125xi32, #tpu.memory_space<vmem>>
      %dma_wait3A_116 = tpu.memref_squeeze %dma_wait3A_115 : memref<1x1x125xi32, #tpu.memory_space<vmem>> -> memref<125xi32, #tpu.memory_space<vmem>>
      %dma_wait3A_117 = arith.constant 0 : i32
      %dma_wait3A_118 = tpu.memref_slice %arg6[%dma_wait3A_117] : memref<10240xf32, #tpu.memory_space<vmem_shared>> -> memref<10240xf32, #tpu.memory_space<vmem_shared>>
      tpu.wait_indirect_dma semaphore(%arg9 : memref<!tpu.dma_semaphore, #tpu.memory_space<semaphore_mem>>) src(%arg8 : memref<125xf32, #tpu.memory_space<vmem>>) dst(%dma_wait3A_118 : memref<10240xf32, #tpu.memory_space<vmem_shared>>)
      %dma_wait3A_119 = arith.constant 8 : i32
      %dma_wait3A_120 = arith.constant 0 : i32
      %dma_wait3A_121 = tpu.memref_slice %arg7[%scan3A_12, %dma_wait3A_119, %dma_wait3A_120] : memref<8x10x125xi32, #tpu.memory_space<vmem>> -> memref<1x1x125xi32, #tpu.memory_space<vmem>>
      %dma_wait3A_122 = tpu.memref_squeeze %dma_wait3A_121 : memref<1x1x125xi32, #tpu.memory_space<vmem>> -> memref<125xi32, #tpu.memory_space<vmem>>
      %dma_wait3A_123 = arith.constant 0 : i32
      %dma_wait3A_124 = tpu.memref_slice %arg6[%dma_wait3A_123] : memref<10240xf32, #tpu.memory_space<vmem_shared>> -> memref<10240xf32, #tpu.memory_space<vmem_shared>>
      tpu.wait_indirect_dma semaphore(%arg9 : memref<!tpu.dma_semaphore, #tpu.memory_space<semaphore_mem>>) src(%arg8 : memref<125xf32, #tpu.memory_space<vmem>>) dst(%dma_wait3A_124 : memref<10240xf32, #tpu.memory_space<vmem_shared>>)
      %dma_wait3A_125 = arith.constant 9 : i32
      %dma_wait3A_126 = arith.constant 0 : i32
      %dma_wait3A_127 = tpu.memref_slice %arg7[%scan3A_12, %dma_wait3A_125, %dma_wait3A_126] : memref<8x10x125xi32, #tpu.memory_space<vmem>> -> memref<1x1x125xi32, #tpu.memory_space<vmem>>
      %dma_wait3A_128 = tpu.memref_squeeze %dma_wait3A_127 : memref<1x1x125xi32, #tpu.memory_space<vmem>> -> memref<125xi32, #tpu.memory_space<vmem>>
      %dma_wait3A_129 = arith.constant 0 : i32
      %dma_wait3A_130 = tpu.memref_slice %arg6[%dma_wait3A_129] : memref<10240xf32, #tpu.memory_space<vmem_shared>> -> memref<10240xf32, #tpu.memory_space<vmem_shared>>
      tpu.wait_indirect_dma semaphore(%arg9 : memref<!tpu.dma_semaphore, #tpu.memory_space<semaphore_mem>>) src(%arg8 : memref<125xf32, #tpu.memory_space<vmem>>) dst(%dma_wait3A_130 : memref<10240xf32, #tpu.memory_space<vmem_shared>>)
    }
    %scan3A_7 = arith.constant 8 : i32
    %barrier3A_8 = arith.constant 0 : index
    tpu.barrier barrier_id(%barrier3A_8)
    %mul3A_9 = arith.constant 10240 : i32
    %mul3A_10 = arith.muli %arg0, %mul3A_9 : i32
    %add3A_11 = arith.addi %mul3A_10, %mul3A_2 : i32
    "tpu.region"() ({
      %run_scoped3A = tpu.sem_alloc : memref<!tpu.dma_semaphore, #tpu.memory_space<semaphore_mem>>
      %dma_start3A = tpu.memref_slice %arg5[%add3A_11] : memref<20480xf32, #tpu.memory_space<hbm>> -> memref<640xf32, #tpu.memory_space<hbm>>
      %dma_start3A_12 = tpu.memref_slice %arg6[%mul3A_2] : memref<10240xf32, #tpu.memory_space<vmem_shared>> -> memref<640xf32, #tpu.memory_space<vmem_shared>>
      tpu.enqueue_dma source(%dma_start3A_12 : memref<640xf32, #tpu.memory_space<vmem_shared>>) target(%dma_start3A : memref<640xf32, #tpu.memory_space<hbm>>) target_semaphore(%run_scoped3A : memref<!tpu.dma_semaphore, #tpu.memory_space<semaphore_mem>>)
      %dma_wait3A = tpu.memref_slice %arg5[%add3A_11] : memref<20480xf32, #tpu.memory_space<hbm>> -> memref<640xf32, #tpu.memory_space<hbm>>
      %dma_wait3A_13 = tpu.memref_slice %arg6[%mul3A_2] : memref<10240xf32, #tpu.memory_space<vmem_shared>> -> memref<640xf32, #tpu.memory_space<vmem_shared>>
      tpu.wait_dma2 semaphore(%run_scoped3A : memref<!tpu.dma_semaphore, #tpu.memory_space<semaphore_mem>>) src(%dma_wait3A_13 : memref<640xf32, #tpu.memory_space<vmem_shared>>) dst(%dma_wait3A : memref<640xf32, #tpu.memory_space<hbm>>)
      tpu.yield
    }) : () -> ()
    return
  }
}

module attributes {stable_mosaic.version = 14 : i64} {
  func.func @_tc_pre_body(%arg0: memref<10000x128xf32, #tpu.memory_space<vmem>>, %arg1: memref<128x128xf32, #tpu.memory_space<vmem>>, %arg2: memref<128x128xf32, #tpu.memory_space<vmem>>, %arg3: memref<1x128xf32, #tpu.memory_space<vmem>>, %arg4: memref<10240x128xf32, #tpu.memory_space<vmem>>, %arg5: memref<10240x128xf32, #tpu.memory_space<vmem>>) attributes {dimension_semantics = [], scalar_prefetch = 0 : i64, scratch_operands = 0 : i64, tpu.core_type = #tpu.core_type<tc>} {
    %get3A = arith.constant 0 : index
    %get3A_0 = arith.constant 0 : index
    %get3A_1 = vector.load %arg0[%get3A, %get3A_0] : memref<10000x128xf32, #tpu.memory_space<vmem>>, vector<10000x128xf32>
    %get3A_2 = arith.constant 0 : index
    %get3A_3 = arith.constant 0 : index
    %get3A_4 = vector.load %arg1[%get3A_2, %get3A_3] : memref<128x128xf32, #tpu.memory_space<vmem>>, vector<128x128xf32>
    %dot_general3A = arith.constant dense<0.000000e+00> : vector<10000x128xf32>
    %dot_general3A_5 = tpu.matmul %get3A_1, %get3A_4, %dot_general3A {dimension_numbers = #tpu.dot_dimension_numbers<[1], [1], [0], [0], [0, 0, 1, 0], [], []>, transpose_lhs_hint = false} : vector<10000x128xf32>, vector<128x128xf32>, vector<10000x128xf32> -> vector<10000x128xf32>
    %swap3A = arith.constant 0 : index
    %swap3A_6 = arith.constant 0 : index
    %swap3A_7 = vector.load %arg4[%swap3A, %swap3A_6] : memref<10240x128xf32, #tpu.memory_space<vmem>>, vector<10000x128xf32>
    tpu.vector_store %arg4[%swap3A, %swap3A_6], %dot_general3A_5 {strides = array<i32>} : memref<10240x128xf32, #tpu.memory_space<vmem>>, vector<10000x128xf32>,
    %get3A_8 = arith.constant 0 : index
    %get3A_9 = arith.constant 0 : index
    %get3A_10 = vector.load %arg2[%get3A_8, %get3A_9] : memref<128x128xf32, #tpu.memory_space<vmem>>, vector<128x128xf32>
    %dot_general3A_11 = arith.constant dense<0.000000e+00> : vector<10000x128xf32>
    %dot_general3A_12 = tpu.matmul %get3A_1, %get3A_10, %dot_general3A_11 {dimension_numbers = #tpu.dot_dimension_numbers<[1], [1], [0], [0], [0, 0, 1, 0], [], []>, transpose_lhs_hint = false} : vector<10000x128xf32>, vector<128x128xf32>, vector<10000x128xf32> -> vector<10000x128xf32>
    %get3A_13 = arith.constant 0 : index
    %get3A_14 = arith.constant 0 : index
    %get3A_15 = vector.load %arg3[%get3A_13, %get3A_14] : memref<1x128xf32, #tpu.memory_space<vmem>>, vector<1x128xf32>
    %add3A = vector.broadcast %get3A_15 : vector<1x128xf32> to vector<10000x128xf32>
    %add3A_16 = arith.addf %dot_general3A_12, %add3A : vector<10000x128xf32>
    %swap3A_17 = arith.constant 0 : index
    %swap3A_18 = arith.constant 0 : index
    %swap3A_19 = vector.load %arg5[%swap3A_17, %swap3A_18] : memref<10240x128xf32, #tpu.memory_space<vmem>>, vector<10000x128xf32>
    tpu.vector_store %arg5[%swap3A_17, %swap3A_18], %add3A_16 {strides = array<i32>} : memref<10240x128xf32, #tpu.memory_space<vmem>>, vector<10000x128xf32>,
    return
  }
}

module attributes {stable_mosaic.version = 14 : i64} {
  func.func @_tc_mid_body(%arg0: memref<2x10240x128xf32, #tpu.memory_space<vmem>>, %arg1: memref<10000x1xf32, #tpu.memory_space<vmem>>, %arg2: memref<10240x128xf32, #tpu.memory_space<vmem>>, %arg3: memref<128x128xf32, #tpu.memory_space<vmem>>, %arg4: memref<128x128xf32, #tpu.memory_space<vmem>>, %arg5: memref<1x128xf32, #tpu.memory_space<vmem>>, %arg6: memref<10240x128xf32, #tpu.memory_space<vmem>>, %arg7: memref<10240x128xf32, #tpu.memory_space<vmem>>) attributes {dimension_semantics = [], scalar_prefetch = 0 : i64, scratch_operands = 0 : i64, tpu.core_type = #tpu.core_type<tc>} {
    %get3A = arith.constant 0 : index
    %get3A_0 = arith.constant 0 : index
    %get3A_1 = arith.constant 0 : index
    %get3A_2 = vector.load %arg0[%get3A, %get3A_0, %get3A_1] : memref<2x10240x128xf32, #tpu.memory_space<vmem>>, vector<1x10000x128xf32>
    %get3A_3 = vector.shape_cast %get3A_2 : vector<1x10000x128xf32> to vector<10000x128xf32>
    %get3A_4 = arith.constant 1 : index
    %get3A_5 = arith.constant 0 : index
    %get3A_6 = arith.constant 0 : index
    %get3A_7 = vector.load %arg0[%get3A_4, %get3A_5, %get3A_6] : memref<2x10240x128xf32, #tpu.memory_space<vmem>>, vector<1x10000x128xf32>
    %get3A_8 = vector.shape_cast %get3A_7 : vector<1x10000x128xf32> to vector<10000x128xf32>
    %add3A = arith.addf %get3A_3, %get3A_8 : vector<10000x128xf32>
    %get3A_9 = arith.constant 0 : index
    %get3A_10 = arith.constant 0 : index
    %get3A_11 = vector.load %arg1[%get3A_9, %get3A_10] : memref<10000x1xf32, #tpu.memory_space<vmem>>, vector<10000x1xf32>
    %mul3A = vector.broadcast %get3A_11 : vector<10000x1xf32> to vector<10000x128xf32>
    %mul3A_12 = arith.mulf %add3A, %mul3A : vector<10000x128xf32>
    %get3A_13 = arith.constant 0 : index
    %get3A_14 = arith.constant 0 : index
    %get3A_15 = vector.load %arg2[%get3A_13, %get3A_14] : memref<10240x128xf32, #tpu.memory_space<vmem>>, vector<10000x128xf32>
    %add3A_16 = arith.addf %mul3A_12, %get3A_15 : vector<10000x128xf32>
    %max3A = arith.constant 0.000000e+00 : f32
    %max3A_17 = vector.broadcast %max3A : f32 to vector<10000x128xf32>
    %max3A_18 = arith.maximumf %add3A_16, %max3A_17 : vector<10000x128xf32>
    %get3A_19 = arith.constant 0 : index
    %get3A_20 = arith.constant 0 : index
    %get3A_21 = vector.load %arg3[%get3A_19, %get3A_20] : memref<128x128xf32, #tpu.memory_space<vmem>>, vector<128x128xf32>
    %dot_general3A = arith.constant dense<0.000000e+00> : vector<10000x128xf32>
    %dot_general3A_22 = tpu.matmul %max3A_18, %get3A_21, %dot_general3A {dimension_numbers = #tpu.dot_dimension_numbers<[1], [1], [0], [0], [0, 0, 1, 0], [], []>, transpose_lhs_hint = false} : vector<10000x128xf32>, vector<128x128xf32>, vector<10000x128xf32> -> vector<10000x128xf32>
    %swap3A = arith.constant 0 : index
    %swap3A_23 = arith.constant 0 : index
    %swap3A_24 = vector.load %arg6[%swap3A, %swap3A_23] : memref<10240x128xf32, #tpu.memory_space<vmem>>, vector<10000x128xf32>
    tpu.vector_store %arg6[%swap3A, %swap3A_23], %dot_general3A_22 {strides = array<i32>} : memref<10240x128xf32, #tpu.memory_space<vmem>>, vector<10000x128xf32>,
    %get3A_25 = arith.constant 0 : index
    %get3A_26 = arith.constant 0 : index
    %get3A_27 = vector.load %arg4[%get3A_25, %get3A_26] : memref<128x128xf32, #tpu.memory_space<vmem>>, vector<128x128xf32>
    %dot_general3A_28 = arith.constant dense<0.000000e+00> : vector<10000x128xf32>
    %dot_general3A_29 = tpu.matmul %max3A_18, %get3A_27, %dot_general3A_28 {dimension_numbers = #tpu.dot_dimension_numbers<[1], [1], [0], [0], [0, 0, 1, 0], [], []>, transpose_lhs_hint = false} : vector<10000x128xf32>, vector<128x128xf32>, vector<10000x128xf32> -> vector<10000x128xf32>
    %get3A_30 = arith.constant 0 : index
    %get3A_31 = arith.constant 0 : index
    %get3A_32 = vector.load %arg5[%get3A_30, %get3A_31] : memref<1x128xf32, #tpu.memory_space<vmem>>, vector<1x128xf32>
    %add3A_33 = vector.broadcast %get3A_32 : vector<1x128xf32> to vector<10000x128xf32>
    %add3A_34 = arith.addf %dot_general3A_29, %add3A_33 : vector<10000x128xf32>
    %swap3A_35 = arith.constant 0 : index
    %swap3A_36 = arith.constant 0 : index
    %swap3A_37 = vector.load %arg7[%swap3A_35, %swap3A_36] : memref<10240x128xf32, #tpu.memory_space<vmem>>, vector<10000x128xf32>
    tpu.vector_store %arg7[%swap3A_35, %swap3A_36], %add3A_34 {strides = array<i32>} : memref<10240x128xf32, #tpu.memory_space<vmem>>, vector<10000x128xf32>,
    return
  }
}

module attributes {stable_mosaic.version = 14 : i64} {
  func.func @_tc_out_body(%arg0: memref<2x10240x128xf32, #tpu.memory_space<vmem>>, %arg1: memref<10000x1xf32, #tpu.memory_space<vmem>>, %arg2: memref<10240x128xf32, #tpu.memory_space<vmem>>, %arg3: memref<10000x128xf32, #tpu.memory_space<vmem>>) attributes {dimension_semantics = [], scalar_prefetch = 0 : i64, scratch_operands = 0 : i64, tpu.core_type = #tpu.core_type<tc>} {
    %get3A = arith.constant 0 : index
    %get3A_0 = arith.constant 0 : index
    %get3A_1 = arith.constant 0 : index
    %get3A_2 = vector.load %arg0[%get3A, %get3A_0, %get3A_1] : memref<2x10240x128xf32, #tpu.memory_space<vmem>>, vector<1x10000x128xf32>
    %get3A_3 = vector.shape_cast %get3A_2 : vector<1x10000x128xf32> to vector<10000x128xf32>
    %get3A_4 = arith.constant 1 : index
    %get3A_5 = arith.constant 0 : index
    %get3A_6 = arith.constant 0 : index
    %get3A_7 = vector.load %arg0[%get3A_4, %get3A_5, %get3A_6] : memref<2x10240x128xf32, #tpu.memory_space<vmem>>, vector<1x10000x128xf32>
    %get3A_8 = vector.shape_cast %get3A_7 : vector<1x10000x128xf32> to vector<10000x128xf32>
    %add3A = arith.addf %get3A_3, %get3A_8 : vector<10000x128xf32>
    %get3A_9 = arith.constant 0 : index
    %get3A_10 = arith.constant 0 : index
    %get3A_11 = vector.load %arg1[%get3A_9, %get3A_10] : memref<10000x1xf32, #tpu.memory_space<vmem>>, vector<10000x1xf32>
    %mul3A = vector.broadcast %get3A_11 : vector<10000x1xf32> to vector<10000x128xf32>
    %mul3A_12 = arith.mulf %add3A, %mul3A : vector<10000x128xf32>
    %get3A_13 = arith.constant 0 : index
    %get3A_14 = arith.constant 0 : index
    %get3A_15 = vector.load %arg2[%get3A_13, %get3A_14] : memref<10240x128xf32, #tpu.memory_space<vmem>>, vector<10000x128xf32>
    %add3A_16 = arith.addf %mul3A_12, %get3A_15 : vector<10000x128xf32>
    %swap3A = arith.constant 0 : index
    %swap3A_17 = arith.constant 0 : index
    %swap3A_18 = vector.load %arg3[%swap3A, %swap3A_17] : memref<10000x128xf32, #tpu.memory_space<vmem>>, vector<10000x128xf32>
    tpu.vector_store %arg3[%swap3A, %swap3A_17], %add3A_16 {strides = array<i32>} : memref<10000x128xf32, #tpu.memory_space<vmem>>, vector<10000x128xf32>,
    return
  }
}

</mosaic_0001>

<sc_bundles>
// kernel: kernel.11.cloned.1.call-start
scs
__scs_entry_jumppad:
0x0: {  	(pc) =	sbr.rel $0x88, $3  }
0x1: {  	(tag) =	ssettag $0x0;
	lr =	simm.s32 $0x1  }
0x2: {  	[smem:$0x3F99] =	sst lr;
	_ =	strace $0xD0000000  }
0x3: {  	_ = 	snop  }
0x4: {  	_ = 	snop  }
0x5: {  	_ = 	snop  }
0x6: {  	_ = 	snop  }
0x7: {  	_ = 	snop  }
__scs_overlays_trampoline_lowered:
0x8: {  	[smem:$0x3FA8] =	sst s0  }
0x9: {  	[smem:$0x3FA9] =	sst s1  }
0xa: {  	[smem:$0x3FAA] =	sst s2  }
0xb: {  	[smem:$0x3FAB] =	sst s3  }
0xc: {  	[smem:$0x3FAC] =	sst s4  }
0xd: {  	[smem:$0x3FAD] =	sst s5  }
0xe: {  	[smem:$0x3FAE] =	sst s6  }
0xf: {  	[smem:$0x3FAF] =	sst s7  }
0x10: {  	[smem:$0x3FB0] =	sst s8  }
0x11: {  	[smem:$0x3FB1] =	sst s9;
	s0 =	simm.s32 @!p0 $0x0  }
0x12: {  	s1 =	sld [smem:$0x3F97];
	s0 =	simm.s32 @p0 $0x1  }
0x13: {  	[smem:$0x3FB2] =	sst s0;
	s0 =	simm.s32 @!p1 $0x0  }
0x14: {  	s2 =	sld [smem:$0x3F96];
	s0 =	simm.s32 @p1 $0x1  }
0x15: {  	[smem:$0x3FB3] =	sst s0;
	s0 =	simm.s32 @!p2 $0x0  }
0x16: {  	s3 =	sld [smem:$0x3FDB];
	s0 =	simm.s32 @p2 $0x1  }
0x17: {  	s4 =	simm.s32 $0x1BF5;
	[smem:$0x3FB5] =	sst s0  }
0x18: {  	s0 =	sld [smem:$0x3F98];
	_ =	swait.ge [sflag:s4], $0x0  }
0x19: {  	s7 =	sld [smem:$0x3F99]  }
0x1a: {  	s8 =	sadd.s32 $0xFFFFE003, lr  }
0x1b: {  	s9 =	sadd.s32 $0xFFFFFEF7, lr;
	s5 =	simm.s32 $0xFFFFFFFF;
	p2 =	slt.u32 s8, $0xFFFFF086  }
0x1c: {  	p1 =	slt.u32 s9, $0xF7A;
	s5 =	simm.s32 @!p2 $0x0  }
0x1d: {  	s5 =	simm.s32 @p1 $0x1;
	p0 =	seq.s32 s7, s2  }
0x1e: {  	s7 =	smul.u32 @!p0 $0xF7A, s2;
	p2 =	seq.s32 @!p0 s5, $0x0  }
0x1f: {  	s9 =	smul.u32 $0xF7A, s1;
	s8 =	simm.s32 @!p0 $0x1BF5;
	p2 =	por !p2, p0  }
0x20: {  	[sflag:s8] =	ssyncset.s32 @!p0 $0xFFFFF086;
	s6 =	sadd.s32 @!p0 s3, s7;
	s7 =	simm.s32 @!p0 $0x108  }
0x21: {  	s3 =	sadd.s32 s3, s9;
	s6 =	sadd.s32 @!p0 $0x88, s6;
	s7 =	simm.s32 @p2 $0x1082  }
0x22: {  	[simem:s7], [sflag:s8] =	dma.local @!p0 [hbm:s6], $0xF7A  }
0x23: {  	s9 =	sor.u32 $0xD0000000, s2;
	s6 =	simm.s32 $0x108;
	_ =	swait.ge @!p0 [sflag:s8], $0x0  }
0x24: {  	s3 =	sadd.s32 $0x88, s3;
	s6 =	simm.s32 @!p1 $0x1082;
	[sflag:s4] =	ssyncset.s32 $0xFFFFF086  }
0x25: {  	[simem:s6], [sflag:s4] =	dma.local [hbm:s3], $0xF7A  }
0x26: {  	[smem:$0x3F99] =	sst s1;
	(tag) =	ssettag s2;
	_ =	strace s9  }
0x27: {  	s1 =	sld [smem:$0x3FA9]  }
0x28: {  	s2 =	sld [smem:$0x3FAA]  }
0x29: {  	s4 =	sld [smem:$0x3FAC]  }
0x2a: {  	p0 =	seq.s32 s5, $0x0;
	s5 =	sld [smem:$0x3FAD]  }
0x2b: {  	s6 =	sld [smem:$0x3FAE]  }
0x2c: {  	s7 =	sld [smem:$0x3FAF]  }
0x2d: {  	s3 =	simm.s32 $0x108;
	s8 =	sld [smem:$0x3FB0]  }
0x2e: {  	s3 =	simm.s32 @!p0 $0x1082;
	s9 =	sld [smem:$0x3FB1]  }
0x2f: {  	lr =	sadd.s32 s0, s3;
	s0 =	sld [smem:$0x3FA8]  }
0x30: {  	s3 =	sld [smem:$0x3FAB]  }
0x31: {  	[smem:$0x3FB4] =	sst s10  }
0x32: {  	s10 =	sld [smem:$0x3FB2];
	_ =	sdelay $0x3  }
0x33: {  	p0 =	seq.s32 s10, $0x1;
	s10 =	sld [smem:$0x3FB4];
	_ =	sdelay $0x3  }
0x34: {  	[smem:$0x3FB4] =	sst s10  }
0x35: {  	s10 =	sld [smem:$0x3FB3];
	_ =	sdelay $0x3  }
0x36: {  	p1 =	seq.s32 s10, $0x1;
	s10 =	sld [smem:$0x3FB4];
	_ =	sdelay $0x3  }
0x37: {  	[smem:$0x3FB4] =	sst s10  }
0x38: {  	s10 =	sld [smem:$0x3FB5]  }
0x39: {  	_ = 	snop;
	(pc) =	sbr.ind lr, $3  }
0x3a: {  	_ = 	snop  }
0x3b: {  	_ = 	snop  }
0x3c: {  	p2 =	seq.s32 s10, $0x1;
	s10 =	sld [smem:$0x3FB4]  }
0x3d: {  	_ =	shalt  }
0x3e: {  	_ =	shalt  }
0x3f: {  	_ =	shalt  }
0x40: {  	_ =	shalt  }
0x41: {  	_ =	shalt  }
0x42: {  	_ =	shalt  }
0x43: {  	_ =	shalt  }
0x44: {  	_ =	shalt  }
0x45: {  	_ =	shalt  }
0x46: {  	_ =	shalt  }
0x47: {  	_ =	shalt  }
0x48: {  	_ =	shalt  }
0x49: {  	_ =	shalt  }
0x4a: {  	_ =	shalt  }
0x4b: {  	_ =	shalt  }
0x4c: {  	_ =	shalt  }
0x4d: {  	_ =	shalt  }
0x4e: {  	_ =	shalt  }
0x4f: {  	_ =	shalt  }
0x50: {  	_ =	shalt  }
0x51: {  	_ =	shalt  }
0x52: {  	_ =	shalt  }
0x53: {  	_ =	shalt  }
0x54: {  	_ =	shalt  }
0x55: {  	_ =	shalt  }
0x56: {  	_ =	shalt  }
0x57: {  	_ =	shalt  }
0x58: {  	_ =	shalt  }
0x59: {  	_ =	shalt  }
0x5a: {  	_ =	shalt  }
0x5b: {  	_ =	shalt  }
0x5c: {  	_ =	shalt  }
0x5d: {  	_ =	shalt  }
0x5e: {  	_ =	shalt  }
0x5f: {  	_ =	shalt  }
0x60: {  	_ =	shalt  }
0x61: {  	_ =	shalt  }
0x62: {  	_ =	shalt  }
0x63: {  	_ =	shalt  }
0x64: {  	_ =	shalt  }
0x65: {  	_ =	shalt  }
0x66: {  	_ =	shalt  }
0x67: {  	_ =	shalt  }
0x68: {  	_ =	shalt  }
0x69: {  	_ =	shalt  }
0x6a: {  	_ =	shalt  }
0x6b: {  	_ =	shalt  }
0x6c: {  	_ =	shalt  }
0x6d: {  	_ =	shalt  }
0x6e: {  	_ =	shalt  }
0x6f: {  	_ =	shalt  }
0x70: {  	_ =	shalt  }
0x71: {  	_ =	shalt  }
0x72: {  	_ =	shalt  }
0x73: {  	_ =	shalt  }
0x74: {  	_ =	shalt  }
0x75: {  	_ =	shalt  }
0x76: {  	_ =	shalt  }
0x77: {  	_ =	shalt  }
0x78: {  	_ =	shalt  }
0x79: {  	_ =	shalt  }
0x7a: {  	_ =	shalt  }
0x7b: {  	_ =	shalt  }
0x7c: {  	_ =	shalt  }
0x7d: {  	_ =	shalt  }
0x7e: {  	_ =	shalt  }
0x7f: {  	_ =	shalt  }
0x80: {  	_ =	shalt  }
0x81: {  	_ =	shalt  }
0x82: {  	_ =	shalt  }
0x83: {  	_ =	shalt  }
0x84: {  	_ =	shalt  }
0x85: {  	_ =	shalt  }
0x86: {  	_ =	shalt  }
0x87: {  	_ =	shalt  }
.Lfunc_end0:
.L_simem_size_0:
called_computation.1_lowered:
.L_overlay_start_0:
0x88: {  	s2 =	sld [smem:$0x3FD9]  }
0x89: {  	s3 =	sld [smem:$0x3FFE];
	_ =	sdelay $0x1  }
0x8a: {  	s1 =	srdreg.scid  }
0x8b: {  	s0 =	sand.u32 $0x1, s1  }
0x8c: {  	s17 =	sshll.u32 s0, $0xA;
	s2 =	sadd.s32 s3, s2  }
0x8d: {  	s2 =	sadd.s32 s2, s17  }
0x8e: {  	[smem:$0x3FC0] =	sst s2  }
0x8f: {  	_ = 	snop  }
0x90: {  	s18 =	sld [smem:$0x3FD0];
	(tm) =	ssettm $0x1  }
0x91: {  	s19 =	sld [smem:$0x3FFB];
	_ =	sdelay $0x3  }
0x92: {  	_ =	strace s19  }
0x93: {  	s2 =	sld [smem:$0x3FFC];
	_ =	sdelay $0x3  }
0x94: {  	_ =	strace s2  }
0x95: {  	s2 =	sld [smem:$0x3FFD];
	_ =	sdelay $0x3  }
0x96: {  	_ =	strace s2  }
0x97: {  	_ =	strace $0x8FFFFFFF  }
0x98: {  	s20 =	sld [smem:$0x3FDB];
	_ =	sdelay $0x1  }
0x99: {  	s4 =	simm.s32 $_scs_section_size  }
0x9a: {  	s5 =	simm.s32 $_size__tile_overlayer_lowered;
	s6 =	simm.s32 $_tile_overlayer_lowered  }
0x9b: {  	s7 =	simm.s32 $0x1BFF;
	s21 =	sshll.u32 s6, $0x1;
	s4 =	sadd.s32 s4, s20  }
0x9c: {  	s22 =	simm.s32 $0x0;
	s5 =	sshll.u32 s5, $0x1;
	s6 =	sadd.s32 s21, s4  }
0x9d: {  	[timem:s22], [sflag:s7] =	dma.local [hbm:s6], s5  }
0x9e: {  	_ =	swait.ge [sflag:s7], s5  }
0x9f: {  	s5 =	ssub.s32 $0x0, s5;
	[sflag:s7] =	ssyncset.done $0x0  }
0xa0: {  	[sflag:s7] =	ssyncadd.s32 s5;
	_ =	sdelay $0x1  }
0xa1: {  	s23 =	simm.s32 $0x1B8B  }
0xa2: {  	_ =	swait.ge [sflag:s23], $0x1  }
0xa3: {  	[sflag:s23] =	ssyncset.done $0x0  }
0xa4: {  	[sflag:s23] =	ssyncadd.s32 $0xFFFFFFFF  }
0xa5: {  	s5 =	sld [smem:$0x0]  }
0xa6: {  	s6 =	sand.u32 $0xFFFFFFFE, s1  }
0xa7: {  	p0 =	sne.s32 s1, s6  }
0xa8: {  	s6 =	sshll.u32 @p0 s6, $0xE  }
0xa9: {  	s6 =	sadd.s32 @p0 $0x11B8D, s6;
	s7 =	sshll.u32 @p0 s5, $0x11  }
0xaa: {  	s6 =	sor.u32 @p0 s7, s6  }
0xab: {  	[sflag:s6] =	ssyncadd.remote.s32 @p0 $0x1;
	_ =	sdelay $0x1  }
0xac: {  	s6 =	simm.s32 @p0 $0x1B8D  }
0xad: {  	_ =	swait.eq @p0 [sflag:s6], $0x1  }
0xae: {  	[sflag:s6] =	ssyncadd.s32 @p0 $0xFFFFFFFF  }
0xaf: {  	s7 =	sshll.u32 @!p0 s1, $0xE  }
0xb0: {  	s7 =	sor.u32 @!p0 $0x4000, s7;
	s6 =	simm.s32 @!p0 $0x1B8D  }
0xb1: {  	s5 =	sshll.u32 @!p0 s5, $0x11;
	s7 =	sadd.s32 @!p0 $0x11B8D, s7;
	_ =	swait.eq @!p0 [sflag:s6], $0x1  }
0xb2: {  	s5 =	sor.u32 @!p0 s5, s7;
	[sflag:s6] =	ssyncadd.s32 @!p0 $0xFFFFFFFF  }
0xb3: {  	s25 =	simm.s32 $0x1B8E;
	s24 =	sld [smem:$0x3FFE];
	[sflag:s5] =	ssyncadd.remote.s32 @!p0 $0x1  }
0xb4: {  	s26 =	simm.s32 $execute0_lowered;
	[smem:$0x3FD2] =	sst s25  }
0xb5: {  	s6 =	sshll.u32 s26, $0x1;
	_ =	strace $0x80000049;
	[dreg:$0x1] =	wrdreg $0xFFFFFFFF  }
0xb6: {  	s28 =	simm.s32 $_size_execute0_lowered;
	s4 =	sadd.s32 s4, s6;
	[dreg:$0x0] =	wrdreg $0x0  }
0xb7: {  	s6 =	sshll.u32 s28, $0x1;
	[dreg:$0x2] =	wrdreg s4  }
0xb8: {  	[dreg:$0x3] =	wrdreg s6  }
0xb9: {  	[dreg:$0x4] =	wrdreg $0xC0  }
0xba: {  	_ =	task [dreg:s22], $0x5FFFF  }
0xbb: {  	[dreg:$0x1] =	wrdreg $0xFFFFFFFF  }
0xbc: {  	[dreg:$0x0] =	wrdreg $0x60  }
0xbd: {  	[dreg:$0x2] =	wrdreg s24  }
0xbe: {  	[dreg:$0x3] =	wrdreg s18  }
0xbf: {  	[dreg:$0x4] =	wrdreg $0x0  }
0xc0: {  	[dreg:$0x5] =	wrdreg $0xA  }
0xc1: {  	_ =	task.clear_ibuf [dreg:s22], $0x6FFFF;
	_ =	strace $0x90000049  }
0xc2: {  	s29 =	simm.s32 $0xA;
	_ =	strace $0x8000004B  }
0xc3: {  	_ =	swait.ge [sflag:s29], $0x1  }
0xc4: {  	[sflag:s29] =	ssyncadd.s32 $0xFFFFFFFF  }
0xc5: {  	_ =	strace $0x9000004B  }
0xc6: {  	_ =	sfence  }
0xc7: {  	s30 =	sld [smem:$0x0];
	_ =	sdelay $0x2  }
0xc8: {  	s31 =	sshll.u32 s1, $0xD;
	s1 =	sshrl.u32 s1, $0x2  }
0xc9: {  	s4 =	sand.u32 $0x4000, s31;
	s1 =	sadd.s32 s1, s30  }
0xca: {  	s0 =	sor.u32 s4, s0;
	s1 =	sshll.u32 s1, $0x11  }
0xcb: {  	s0 =	sor.u32 s1, s0  }
0xcc: {  	s0 =	sadd.s32 $0x8F2B, s0  }
0xcd: {  	[sflag:s0] =	ssyncadd.remote.s32 $0x1  }
0xce: {  	_ =	sfence.sel $0xFFFF  }
0xcf: {  	[dreg:$0x0] =	wrdreg $0xFFFFFFFF;
	(pc) =	sbr.abs _section_cstart, $3  }
0xd0: {  	[dreg:$0x1] =	wrdreg $0xFFFFFFFF  }
0xd1: {  	_ =	task.clear_ibuf [dreg:s22], $0x2FFFF;
	_ =	strace $0x9FFFFFFF  }
0xd2: {  	(tm) =	ssettm $0x7FFFFFFF  }
0xd3: {  	_ =	shalt  }
tec
execute0_lowered:
.L_overlay_start_1:
0x0: {  	(tag) =	ssettag $0x1  }
0x1: {  	s0 =	rddreg [dreg:$0x0]  }
0x2: {  	s1 =	rddreg [dreg:$0x1]  }
0x3: {  	s2 =	rddreg [dreg:$0x2]  }
0x4: {  	s11 =	stileid.u32;
	s4 =	srdreg.scid  }
0x5: {  	s3 =	simm.s32 $0x0;
	s28 =	simm.s32 $0x1;
	s30 =	simm.s32 $0x2  }
0x6: {  	s12 =	simm.s32 $0x15300;
	s29 =	simm.s32 $0x15400;
	s31 =	simm.s32 $0x15B80  }
0x7: {  	s5 =	smul.u32 $0x14000, s11;
	s6 =	sand.u32 $0x1, s4;
	[smem:$0x7FF] =	sst s3  }
0x8: {  	s4 =	sadd.s32 $0x13400, s0;
	s16 =	sadd.s32 $0x2200, s0;
	s19 =	smul.u32 $0x50000, s11  }
0x9: {  	s10 =	sshll.u32 s11, $0xE;
	s11 =	simm.s32 $0x15A00;
	s7 =	smul.u32 $0x140000, s6  }
0xa: {  	_ =	strace $0x8000004A;
	s9 =	ssub.s32 $0x2, s6;
	s6 =	sshll.u32 s6, $0x12  }
0xb: {  	s8 =	sshrl.u32 s5, $0x3;
	s17 =	sshrl.u32 s9, $0x1;
	s6 =	sor.u32 s10, s6  }
0xc: {  	s23 =	sshrl.u32 s19, $0x2;
	s19 =	simm.s32 $0x3;
	s10 =	simm.s32 $0x14000  }
0xd: {  	s5 =	sadd.s32 s5, s7;
	s8 =	sadd.s32 s8, s0;
	s18 =	sshrl.u32 s6, $0x3  }
0xe: {  	s24 =	sor.u32 $0x1800, s6;
	s6 =	sor.u32 $0x1000, s6;
	s7 =	simm.s32 $0x0  }
0xf: {  	s5 =	sshrl.u32 s5, $0x3;
	s20 =	sadd.s32 s1, s18;
	s21 =	sadd.s32 s16, s18  }
0x10: {  	s8 =	sadd.s32 $0x3B400, s8;
	s25 =	sshrl.u32 s24, $0x3;
	s26 =	sshrl.u32 s6, $0x3  }
0x11: {  	s24 =	simm.s32 $0x15000;
	s0 =	sadd.s32 s5, s0;
	[dreg:$0x4] =	wrdreg s20  }
0x12: {  	s5 =	ssub.s32 s9, s17;
	[dreg:$0x5] =	wrdreg s21;
	s9 =	sor.u32 $0x100, s18  }
0x13: {  	[dreg:$0x9] =	wrdreg s8;
	s13 =	sadd.s32 s25, s16;
	s14 =	sadd.s32 s25, s1  }
0x14: {  	s15 =	sadd.s32 s26, s16;
	s20 =	simm.s32 $0x7D;
	s21 =	simm.s32 $0x16000  }
0x15: {  	s25 =	simm.s32 $0x15800;
	s17 =	simm.s32 $0x15380;
	s18 =	simm.s32 $0x15B00  }
0x16: {  	s22 =	sadd.s32 s1, s9;
	s9 =	sadd.s32 s16, s9;
	s0 =	sadd.s32 $0x63400, s0  }
.Ltmp0:
0x17: {  	s5 =	smax.u32 s5, $0x1;
	[dreg:$0x6] =	wrdreg s22;
	(pc) =	sbr.rel .LBB2_1-.Ltmp0, $4  }
0x18: {  	s16 =	sadd.s32 s26, s1;
	s26 =	simm.s32 $0x4;
	[dreg:$0x7] =	wrdreg s9  }
0x19: {  	s1 =	simm.s32 $0x15C00;
	s9 =	sadd.s32 s23, s2;
	[dreg:$0xa] =	wrdreg s0  }
0x1a: {  	[dreg:$0xb] =	wrdreg s5;
	s23 =	simm.s32 $0x1A000;
	s22 =	simm.s32 $0x15A80  }
0x1b: {  	s0 =	simm.s32 $0x15480;
	s5 =	simm.s32 $0x15C80;
	[dreg:$0x8] =	wrdreg s9  }
.LBB2_4:
0x1c: {  	_ =	swait.ge [sflag:s30], $0x3E80  }
0x1d: {  	[sflag:s30] =	ssyncset.done $0x0  }
0x1e: {  	[sflag:s30] =	ssyncadd.s32 $0xFFFFC180  }
0x1f: {  	[spmem:s2] =	stream.indirect.scatter.add.f32 [tilespmem:s23], [sflag:$0x4], $0x80, s5, s20, $0xb8;
	[tilespmem:$0x1E000] =	vst v63  }
0x20: {  	_ =	swait.ge [sflag:s26], $0x3E80  }
0x21: {  	[sflag:s26] =	ssyncset.done $0x0  }
0x22: {  	[sflag:s26] =	ssyncadd.s32 $0xFFFFC180  }
0x23: {  	[bflag:$0x0] =	sbarrier.arrive $0xFFFF  }
0x24: {  	s6 =	rddreg [dreg:$0xa]  }
0x25: {  	s7 =	rddreg [dreg:$0xd]  }
0x26: {  	s8 =	rddreg [dreg:$0xe]  }
0x27: {  	[hbm:s6], [sflag:s7] =	dma.local [spmem:s8], $0x2800  }
0x28: {  	_ =	swait.ge [sflag:s26], $0x2800  }
0x29: {  	s8 =	rddreg [dreg:$0xc]  }
0x2a: {  	s9 =	rddreg [dreg:$0xb];
	s7 =	sadd.s32 $0x1, s8  }
0x2b: {  	p0 =	sne.s32 s7, s9  }
.Ltmp1:
0x2c: {  	_ = 	snop;
	(pc) =	sbr.rel @!p0 .LBB2_5-.Ltmp1, $3  }
0x2d: {  	_ =	sdelay $0x1  }
0x2e: {  	[sflag:s26] =	ssyncset.done $0x0  }
0x2f: {  	[sflag:s26] =	ssyncadd.s32 $0xFFFFD800  }
.LBB2_1:
0x30: {  	[dreg:$0xc] =	wrdreg s7  }
0x31: {  	s6 =	rddreg [dreg:$0x4];
	s7 =	simm.s32 $0x14000  }
0x32: {  	[tilespmem:s7], [sflag:$0x3] =	stream.linear.gather [hbm4b:s6+s3], $0x500, $0x38;
	[tilespmem:$0x1E000] =	vst v63  }
0x33: {  	s9 =	rddreg [dreg:$0x5];
	s8 =	simm.s32 $0x14800  }
0x34: {  	[tilespmem:s8], [sflag:$0x3] =	stream.linear.gather [hbm4b:s9+s3], $0x500, $0x38;
	[tilespmem:$0x1E000] =	vst v63  }
0x35: {  	_ =	swait.ge [sflag:s19], $0x500  }
0x36: {  	[sflag:s19] =	ssyncset.done $0x0  }
0x37: {  	[sflag:s19] =	ssyncadd.s32 $0xFFFFFB00  }
0x38: {  	_ =	swait.ge [sflag:s19], $0x500  }
0x39: {  	[sflag:s19] =	ssyncset.done $0x0  }
0x3a: {  	[sflag:s19] =	ssyncadd.s32 $0xFFFFFB00  }
0x3b: {  	[tilespmem:s21], [sflag:$0x1] =	stream.indirect.gather [hbm4b:s4+s20], $0x80, s7, s20, $0xb8;
	[tilespmem:$0x1E000] =	vst v63  }
0x3c: {  	s7 =	simm.s32 $0x14080  }
0x3d: {  	[tilespmem:s23], [sflag:$0x2] =	stream.indirect.gather [hbm4b:s4+s20], $0x80, s7, s20, $0xb8;
	[tilespmem:$0x1E000] =	vst v63  }
0x3e: {  	s7 =	stileid.u32  }
0x3f: {  	s8 =	rddreg [dreg:$0x6];
	s6 =	sshll.u32 s7, $0x6  }
0x40: {  	[tilespmem:s24], [sflag:$0x3] =	stream.linear.gather [hbm4b:s8+s3], $0x500, $0x38;
	[tilespmem:$0x1E000] =	vst v63  }
0x41: {  	s9 =	rddreg [dreg:$0x7];
	s8 =	sor.u32 $0x1C04, s6  }
0x42: {  	[dreg:$0xd] =	wrdreg s8  }
0x43: {  	[tilespmem:s25], [sflag:$0x3] =	stream.linear.gather [hbm4b:s9+s3], $0x500, $0x38;
	[tilespmem:$0x1E000] =	vst v63  }
0x44: {  	s9 =	rddreg [dreg:$0x8]  }
0x45: {  	s6 =	sshrl.u32 s9, $0x3;
	s9 =	rddreg [dreg:$0x9]  }
0x46: {  	[dreg:$0xe] =	wrdreg s6  }
0x47: {  	[spmem:s6], [sflag:s8] =	dma.local [hbm:s9], $0x2800  }
0x48: {  	_ =	swait.ge [sflag:s26], $0x2800  }
0x49: {  	[sflag:s26] =	ssyncset.done $0x0  }
0x4a: {  	[sflag:s26] =	ssyncadd.s32 $0xFFFFD800  }
0x4b: {  	s6 =	simm.s32 $0x0;
	[bflag:$0x0] =	sbarrier.arrive $0xFFFF  }
.LBB2_2:
0x4c: {  	_ =	swait.ge [sflag:s28], $0x3E80  }
0x4d: {  	[sflag:s28] =	ssyncset.done $0x0  }
0x4e: {  	s7 =	simm.s32 $0x14800;
	[sflag:s28] =	ssyncadd.s32 $0xFFFFC180  }
0x4f: {  	[spmem:s2] =	stream.indirect.scatter.add.f32 [tilespmem:s21], [sflag:$0x4], $0x80, s7, s20, $0xb8;
	[tilespmem:$0x1E000] =	vst v63  }
0x50: {  	_ =	swait.ge [sflag:s26], $0x3E80  }
0x51: {  	[sflag:s26] =	ssyncset.done $0x0  }
0x52: {  	s9 =	simm.s32 $0x14100;
	[sflag:s26] =	ssyncadd.s32 $0xFFFFC180  }
0x53: {  	[tilespmem:s21], [sflag:$0x1] =	stream.indirect.gather [hbm4b:s4+s20], $0x80, s9, s20, $0xb8;
	[tilespmem:$0x1E000] =	vst v63  }
0x54: {  	_ =	swait.ge [sflag:s30], $0x3E80  }
0x55: {  	[sflag:s30] =	ssyncset.done $0x0  }
0x56: {  	s8 =	simm.s32 $0x14880;
	[sflag:s30] =	ssyncadd.s32 $0xFFFFC180  }
0x57: {  	[spmem:s2] =	stream.indirect.scatter.add.f32 [tilespmem:s23], [sflag:$0x4], $0x80, s8, s20, $0xb8;
	[tilespmem:$0x1E000] =	vst v63  }
0x58: {  	_ =	swait.ge [sflag:s26], $0x3E80  }
0x59: {  	[sflag:s26] =	ssyncset.done $0x0  }
0x5a: {  	s9 =	simm.s32 $0x14180;
	[sflag:s26] =	ssyncadd.s32 $0xFFFFC180  }
0x5b: {  	[tilespmem:s23], [sflag:$0x2] =	stream.indirect.gather [hbm4b:s4+s20], $0x80, s9, s20, $0xb8;
	[tilespmem:$0x1E000] =	vst v63  }
0x5c: {  	_ =	swait.ge [sflag:s28], $0x3E80  }
0x5d: {  	[sflag:s28] =	ssyncset.done $0x0  }
0x5e: {  	s8 =	simm.s32 $0x14900;
	[sflag:s28] =	ssyncadd.s32 $0xFFFFC180  }
0x5f: {  	[spmem:s2] =	stream.indirect.scatter.add.f32 [tilespmem:s21], [sflag:$0x4], $0x80, s8, s20, $0xb8;
	[tilespmem:$0x1E000] =	vst v63  }
0x60: {  	_ =	swait.ge [sflag:s26], $0x3E80  }
0x61: {  	[sflag:s26] =	ssyncset.done $0x0  }
0x62: {  	s9 =	simm.s32 $0x14200;
	[sflag:s26] =	ssyncadd.s32 $0xFFFFC180  }
0x63: {  	[tilespmem:s21], [sflag:$0x1] =	stream.indirect.gather [hbm4b:s4+s20], $0x80, s9, s20, $0xb8;
	[tilespmem:$0x1E000] =	vst v63  }
0x64: {  	_ =	swait.ge [sflag:s30], $0x3E80  }
0x65: {  	[sflag:s30] =	ssyncset.done $0x0  }
0x66: {  	s8 =	simm.s32 $0x14980;
	[sflag:s30] =	ssyncadd.s32 $0xFFFFC180  }
0x67: {  	[spmem:s2] =	stream.indirect.scatter.add.f32 [tilespmem:s23], [sflag:$0x4], $0x80, s8, s20, $0xb8;
	[tilespmem:$0x1E000] =	vst v63  }
0x68: {  	_ =	swait.ge [sflag:s26], $0x3E80  }
0x69: {  	[sflag:s26] =	ssyncset.done $0x0  }
0x6a: {  	s9 =	simm.s32 $0x14280;
	[sflag:s26] =	ssyncadd.s32 $0xFFFFC180  }
0x6b: {  	[tilespmem:s23], [sflag:$0x2] =	stream.indirect.gather [hbm4b:s4+s20], $0x80, s9, s20, $0xb8;
	[tilespmem:$0x1E000] =	vst v63  }
0x6c: {  	_ =	swait.ge [sflag:s28], $0x3E80  }
0x6d: {  	[sflag:s28] =	ssyncset.done $0x0  }
0x6e: {  	s8 =	simm.s32 $0x14A00;
	[sflag:s28] =	ssyncadd.s32 $0xFFFFC180  }
0x6f: {  	[spmem:s2] =	stream.indirect.scatter.add.f32 [tilespmem:s21], [sflag:$0x4], $0x80, s8, s20, $0xb8;
	[tilespmem:$0x1E000] =	vst v63  }
0x70: {  	_ =	swait.ge [sflag:s26], $0x3E80  }
0x71: {  	[sflag:s26] =	ssyncset.done $0x0  }
0x72: {  	s9 =	simm.s32 $0x14300;
	[sflag:s26] =	ssyncadd.s32 $0xFFFFC180  }
0x73: {  	[tilespmem:s21], [sflag:$0x1] =	stream.indirect.gather [hbm4b:s4+s20], $0x80, s9, s20, $0xb8;
	[tilespmem:$0x1E000] =	vst v63  }
0x74: {  	_ =	swait.ge [sflag:s30], $0x3E80  }
0x75: {  	[sflag:s30] =	ssyncset.done $0x0  }
0x76: {  	s8 =	simm.s32 $0x14A80;
	[sflag:s30] =	ssyncadd.s32 $0xFFFFC180  }
0x77: {  	[spmem:s2] =	stream.indirect.scatter.add.f32 [tilespmem:s23], [sflag:$0x4], $0x80, s8, s20, $0xb8;
	[tilespmem:$0x1E000] =	vst v63  }
0x78: {  	_ =	swait.ge [sflag:s26], $0x3E80  }
0x79: {  	[sflag:s26] =	ssyncset.done $0x0  }
0x7a: {  	s9 =	simm.s32 $0x14380;
	[sflag:s26] =	ssyncadd.s32 $0xFFFFC180  }
0x7b: {  	[tilespmem:s23], [sflag:$0x2] =	stream.indirect.gather [hbm4b:s4+s20], $0x80, s9, s20, $0xb8;
	[tilespmem:$0x1E000] =	vst v63  }
0x7c: {  	_ =	swait.ge [sflag:s28], $0x3E80  }
0x7d: {  	[sflag:s28] =	ssyncset.done $0x0  }
0x7e: {  	s8 =	simm.s32 $0x14B00;
	[sflag:s28] =	ssyncadd.s32 $0xFFFFC180  }
0x7f: {  	[spmem:s2] =	stream.indirect.scatter.add.f32 [tilespmem:s21], [sflag:$0x4], $0x80, s8, s20, $0xb8;
	[tilespmem:$0x1E000] =	vst v63  }
0x80: {  	_ =	swait.ge [sflag:s26], $0x3E80  }
0x81: {  	[sflag:s26] =	ssyncset.done $0x0  }
0x82: {  	s9 =	simm.s32 $0x14400;
	[sflag:s26] =	ssyncadd.s32 $0xFFFFC180  }
0x83: {  	[tilespmem:s21], [sflag:$0x1] =	stream.indirect.gather [hbm4b:s4+s20], $0x80, s9, s20, $0xb8;
	[tilespmem:$0x1E000] =	vst v63  }
0x84: {  	_ =	swait.ge [sflag:s30], $0x3E80  }
0x85: {  	[sflag:s30] =	ssyncset.done $0x0  }
0x86: {  	s8 =	simm.s32 $0x14B80;
	[sflag:s30] =	ssyncadd.s32 $0xFFFFC180  }
0x87: {  	[spmem:s2] =	stream.indirect.scatter.add.f32 [tilespmem:s23], [sflag:$0x4], $0x80, s8, s20, $0xb8;
	[tilespmem:$0x1E000] =	vst v63  }
0x88: {  	_ =	swait.ge [sflag:s26], $0x3E80  }
0x89: {  	[sflag:s26] =	ssyncset.done $0x0  }
0x8a: {  	s9 =	simm.s32 $0x14480;
	[sflag:s26] =	ssyncadd.s32 $0xFFFFC180  }
0x8b: {  	[tilespmem:s23], [sflag:$0x2] =	stream.indirect.gather [hbm4b:s4+s20], $0x80, s9, s20, $0xb8;
	[tilespmem:$0x1E000] =	vst v63  }
0x8c: {  	_ =	swait.ge [sflag:s28], $0x3E80  }
0x8d: {  	[sflag:s28] =	ssyncset.done $0x0  }
0x8e: {  	s8 =	simm.s32 $0x14C00;
	[sflag:s28] =	ssyncadd.s32 $0xFFFFC180  }
0x8f: {  	[spmem:s2] =	stream.indirect.scatter.add.f32 [tilespmem:s21], [sflag:$0x4], $0x80, s8, s20, $0xb8;
	[tilespmem:$0x1E000] =	vst v63  }
0x90: {  	_ =	swait.ge [sflag:s26], $0x3E80  }
0x91: {  	[sflag:s26] =	ssyncset.done $0x0  }
0x92: {  	[sflag:s26] =	ssyncadd.s32 $0xFFFFC180  }
0x93: {  	_ =	swait.ge [sflag:s19], $0x500  }
0x94: {  	[sflag:s19] =	ssyncset.done $0x0  }
0x95: {  	[sflag:s19] =	ssyncadd.s32 $0xFFFFFB00  }
0x96: {  	_ =	swait.ge [sflag:s19], $0x500  }
0x97: {  	[sflag:s19] =	ssyncset.done $0x0  }
0x98: {  	[sflag:s19] =	ssyncadd.s32 $0xFFFFFB00  }
0x99: {  	[tilespmem:s21], [sflag:$0x1] =	stream.indirect.gather [hbm4b:s4+s20], $0x80, s24, s20, $0xb8;
	[tilespmem:$0x1E000] =	vst v63  }
0x9a: {  	_ =	swait.ge [sflag:s30], $0x3E80  }
0x9b: {  	[sflag:s30] =	ssyncset.done $0x0  }
0x9c: {  	s9 =	simm.s32 $0x14C80;
	[sflag:s30] =	ssyncadd.s32 $0xFFFFC180  }
0x9d: {  	[spmem:s2] =	stream.indirect.scatter.add.f32 [tilespmem:s23], [sflag:$0x4], $0x80, s9, s20, $0xb8;
	[tilespmem:$0x1E000] =	vst v63  }
0x9e: {  	_ =	swait.ge [sflag:s26], $0x3E80  }
0x9f: {  	[sflag:s26] =	ssyncset.done $0x0  }
0xa0: {  	p0 =	seq.s32 s6, $0x600;
	s8 =	simm.s32 $0x15080;
	[sflag:s26] =	ssyncadd.s32 $0xFFFFC180  }
0xa1: {  	[tilespmem:s23], [sflag:$0x2] =	stream.indirect.gather [hbm4b:s4+s20], $0x80, s8, s20, $0xb8;
	[tilespmem:$0x1E000] =	vst v63  }
0xa2: {  	s7 =	sadd.s32 @!p0 s6, s16;
	s9 =	simm.s32 @!p0 $0x14000;
	s8 =	simm.s32 @!p0 $0x0  }
0xa3: {  	[tilespmem:s9], [sflag:$0x3] =	stream.linear.gather @!p0 [hbm4b:s7+s8], $0x500, $0x38;
	[tilespmem:$0x1E000] =	vst v63  }
0xa4: {  	s7 =	sadd.s32 @!p0 s6, s15;
	s9 =	simm.s32 @!p0 $0x14800  }
0xa5: {  	[tilespmem:s9], [sflag:$0x3] =	stream.linear.gather @!p0 [hbm4b:s7+s8], $0x500, $0x38;
	[tilespmem:$0x1E000] =	vst v63  }
0xa6: {  	_ =	swait.ge [sflag:s28], $0x3E80  }
0xa7: {  	[sflag:s28] =	ssyncset.done $0x0  }
0xa8: {  	[sflag:s28] =	ssyncadd.s32 $0xFFFFC180  }
0xa9: {  	[spmem:s2] =	stream.indirect.scatter.add.f32 [tilespmem:s21], [sflag:$0x4], $0x80, s25, s20, $0xb8;
	[tilespmem:$0x1E000] =	vst v63  }
0xaa: {  	_ =	swait.ge [sflag:s26], $0x3E80  }
0xab: {  	[sflag:s26] =	ssyncset.done $0x0  }
0xac: {  	s9 =	simm.s32 $0x15100;
	[sflag:s26] =	ssyncadd.s32 $0xFFFFC180  }
0xad: {  	[tilespmem:s21], [sflag:$0x1] =	stream.indirect.gather [hbm4b:s4+s20], $0x80, s9, s20, $0xb8;
	[tilespmem:$0x1E000] =	vst v63  }
0xae: {  	_ =	swait.ge [sflag:s30], $0x3E80  }
0xaf: {  	[sflag:s30] =	ssyncset.done $0x0  }
0xb0: {  	s8 =	simm.s32 $0x15880;
	[sflag:s30] =	ssyncadd.s32 $0xFFFFC180  }
0xb1: {  	[spmem:s2] =	stream.indirect.scatter.add.f32 [tilespmem:s23], [sflag:$0x4], $0x80, s8, s20, $0xb8;
	[tilespmem:$0x1E000] =	vst v63  }
0xb2: {  	_ =	swait.ge [sflag:s26], $0x3E80  }
0xb3: {  	[sflag:s26] =	ssyncset.done $0x0  }
0xb4: {  	s9 =	simm.s32 $0x15180;
	[sflag:s26] =	ssyncadd.s32 $0xFFFFC180  }
0xb5: {  	[tilespmem:s23], [sflag:$0x2] =	stream.indirect.gather [hbm4b:s4+s20], $0x80, s9, s20, $0xb8;
	[tilespmem:$0x1E000] =	vst v63  }
0xb6: {  	_ =	swait.ge [sflag:s28], $0x3E80  }
0xb7: {  	[sflag:s28] =	ssyncset.done $0x0  }
0xb8: {  	s8 =	simm.s32 $0x15900;
	[sflag:s28] =	ssyncadd.s32 $0xFFFFC180  }
0xb9: {  	[spmem:s2] =	stream.indirect.scatter.add.f32 [tilespmem:s21], [sflag:$0x4], $0x80, s8, s20, $0xb8;
	[tilespmem:$0x1E000] =	vst v63  }
0xba: {  	_ =	swait.ge [sflag:s26], $0x3E80  }
0xbb: {  	[sflag:s26] =	ssyncset.done $0x0  }
0xbc: {  	s9 =	simm.s32 $0x15200;
	[sflag:s26] =	ssyncadd.s32 $0xFFFFC180  }
0xbd: {  	[tilespmem:s21], [sflag:$0x1] =	stream.indirect.gather [hbm4b:s4+s20], $0x80, s9, s20, $0xb8;
	[tilespmem:$0x1E000] =	vst v63  }
0xbe: {  	_ =	swait.ge [sflag:s30], $0x3E80  }
0xbf: {  	[sflag:s30] =	ssyncset.done $0x0  }
0xc0: {  	s8 =	simm.s32 $0x15980;
	[sflag:s30] =	ssyncadd.s32 $0xFFFFC180  }
0xc1: {  	[spmem:s2] =	stream.indirect.scatter.add.f32 [tilespmem:s23], [sflag:$0x4], $0x80, s8, s20, $0xb8;
	[tilespmem:$0x1E000] =	vst v63  }
0xc2: {  	_ =	swait.ge [sflag:s26], $0x3E80  }
0xc3: {  	[sflag:s26] =	ssyncset.done $0x0  }
0xc4: {  	s9 =	simm.s32 $0x15280;
	[sflag:s26] =	ssyncadd.s32 $0xFFFFC180  }
0xc5: {  	[tilespmem:s23], [sflag:$0x2] =	stream.indirect.gather [hbm4b:s4+s20], $0x80, s9, s20, $0xb8;
	[tilespmem:$0x1E000] =	vst v63  }
0xc6: {  	_ =	swait.ge [sflag:s28], $0x3E80  }
0xc7: {  	[sflag:s28] =	ssyncset.done $0x0  }
0xc8: {  	[sflag:s28] =	ssyncadd.s32 $0xFFFFC180  }
0xc9: {  	[spmem:s2] =	stream.indirect.scatter.add.f32 [tilespmem:s21], [sflag:$0x4], $0x80, s11, s20, $0xb8;
	[tilespmem:$0x1E000] =	vst v63  }
0xca: {  	_ =	swait.ge [sflag:s26], $0x3E80  }
0xcb: {  	[sflag:s26] =	ssyncset.done $0x0  }
0xcc: {  	[sflag:s26] =	ssyncadd.s32 $0xFFFFC180  }
0xcd: {  	[tilespmem:s21], [sflag:$0x1] =	stream.indirect.gather [hbm4b:s4+s20], $0x80, s12, s20, $0xb8;
	[tilespmem:$0x1E000] =	vst v63  }
0xce: {  	_ =	swait.ge [sflag:s30], $0x3E80  }
0xcf: {  	[sflag:s30] =	ssyncset.done $0x0  }
0xd0: {  	[sflag:s30] =	ssyncadd.s32 $0xFFFFC180  }
0xd1: {  	[spmem:s2] =	stream.indirect.scatter.add.f32 [tilespmem:s23], [sflag:$0x4], $0x80, s22, s20, $0xb8;
	[tilespmem:$0x1E000] =	vst v63  }
0xd2: {  	_ =	swait.ge [sflag:s26], $0x3E80  }
0xd3: {  	[sflag:s26] =	ssyncset.done $0x0  }
0xd4: {  	[sflag:s26] =	ssyncadd.s32 $0xFFFFC180  }
0xd5: {  	[tilespmem:s23], [sflag:$0x2] =	stream.indirect.gather [hbm4b:s4+s20], $0x80, s17, s20, $0xb8;
	[tilespmem:$0x1E000] =	vst v63  }
0xd6: {  	_ =	swait.ge [sflag:s28], $0x3E80  }
0xd7: {  	[sflag:s28] =	ssyncset.done $0x0  }
0xd8: {  	[sflag:s28] =	ssyncadd.s32 $0xFFFFC180  }
0xd9: {  	[spmem:s2] =	stream.indirect.scatter.add.f32 [tilespmem:s21], [sflag:$0x4], $0x80, s18, s20, $0xb8;
	[tilespmem:$0x1E000] =	vst v63  }
0xda: {  	_ =	swait.ge [sflag:s26], $0x3E80  }
0xdb: {  	[sflag:s26] =	ssyncset.done $0x0  }
0xdc: {  	[sflag:s26] =	ssyncadd.s32 $0xFFFFC180  }
0xdd: {  	[tilespmem:s21], [sflag:$0x1] =	stream.indirect.gather [hbm4b:s4+s20], $0x80, s29, s20, $0xb8;
	[tilespmem:$0x1E000] =	vst v63  }
0xde: {  	_ =	swait.ge [sflag:s30], $0x3E80  }
0xdf: {  	[sflag:s30] =	ssyncset.done $0x0  }
0xe0: {  	[sflag:s30] =	ssyncadd.s32 $0xFFFFC180  }
0xe1: {  	[spmem:s2] =	stream.indirect.scatter.add.f32 [tilespmem:s23], [sflag:$0x4], $0x80, s31, s20, $0xb8;
	[tilespmem:$0x1E000] =	vst v63  }
0xe2: {  	_ =	swait.ge [sflag:s26], $0x3E80  }
0xe3: {  	[sflag:s26] =	ssyncset.done $0x0  }
0xe4: {  	[sflag:s26] =	ssyncadd.s32 $0xFFFFC180  }
0xe5: {  	[tilespmem:s23], [sflag:$0x2] =	stream.indirect.gather [hbm4b:s4+s20], $0x80, s0, s20, $0xb8;
	[tilespmem:$0x1E000] =	vst v63  }
0xe6: {  	_ =	swait.ge [sflag:s28], $0x3E80  }
0xe7: {  	[sflag:s28] =	ssyncset.done $0x0  }
.Ltmp2:
0xe8: {  	[sflag:s28] =	ssyncadd.s32 $0xFFFFC180;
	(pc) =	sbr.rel @p0 .LBB2_4-.Ltmp2, $4  }
0xe9: {  	[spmem:s2] =	stream.indirect.scatter.add.f32 [tilespmem:s21], [sflag:$0x4], $0x80, s1, s20, $0xb8;
	[tilespmem:$0x1E000] =	vst v63  }
0xea: {  	_ =	swait.ge [sflag:s26], $0x3E80  }
0xeb: {  	[sflag:s26] =	ssyncset.done $0x0  }
0xec: {  	[sflag:s26] =	ssyncadd.s32 $0xFFFFC180  }
0xed: {  	_ =	swait.ge [sflag:s19], $0x500  }
0xee: {  	[sflag:s19] =	ssyncset.done $0x0  }
0xef: {  	[sflag:s19] =	ssyncadd.s32 $0xFFFFFB00  }
0xf0: {  	_ =	swait.ge [sflag:s19], $0x500  }
0xf1: {  	[sflag:s19] =	ssyncset.done $0x0  }
0xf2: {  	[sflag:s19] =	ssyncadd.s32 $0xFFFFFB00  }
0xf3: {  	[tilespmem:s21], [sflag:$0x1] =	stream.indirect.gather [hbm4b:s4+s20], $0x80, s10, s20, $0xb8;
	[tilespmem:$0x1E000] =	vst v63  }
0xf4: {  	_ =	swait.ge [sflag:s30], $0x3E80  }
0xf5: {  	[sflag:s30] =	ssyncset.done $0x0  }
0xf6: {  	[sflag:s30] =	ssyncadd.s32 $0xFFFFC180  }
0xf7: {  	[spmem:s2] =	stream.indirect.scatter.add.f32 [tilespmem:s23], [sflag:$0x4], $0x80, s5, s20, $0xb8;
	[tilespmem:$0x1E000] =	vst v63  }
0xf8: {  	_ =	swait.ge [sflag:s26], $0x3E80  }
0xf9: {  	[sflag:s26] =	ssyncset.done $0x0  }
0xfa: {  	s7 =	simm.s32 $0x14080;
	[sflag:s26] =	ssyncadd.s32 $0xFFFFC180  }
0xfb: {  	[tilespmem:s23], [sflag:$0x2] =	stream.indirect.gather [hbm4b:s4+s20], $0x80, s7, s20, $0xb8;
	[tilespmem:$0x1E000] =	vst v63  }
.Ltmp3:
0xfc: {  	_ = 	snop;
	(pc) =	sbr.rel .LBB2_2-.Ltmp3, $4  }
0xfd: {  	s8 =	sadd.s32 s6, s14  }
0xfe: {  	[tilespmem:s24], [sflag:$0x3] =	stream.linear.gather [hbm4b:s8+s3], $0x500, $0x38;
	[tilespmem:$0x1E000] =	vst v63  }
0xff: {  	s9 =	sadd.s32 s6, s13;
	s6 =	sadd.s32 $0x200, s6  }
0x100: {  	[tilespmem:s25], [sflag:$0x3] =	stream.linear.gather [hbm4b:s9+s3], $0x500, $0x38;
	[tilespmem:$0x1E000] =	vst v63  }
.LBB2_5:
0x101: {  	_ =	sfence.sel $0x180000  }
0x102: {  	[bflag:$0x0] =	sbarrier.arrive $0xFFFF  }
0x103: {  	_ =	strace $0x9000004A  }
0x104: {  	s0 =	stileid.u32;
	[bflag:$0x2] =	sbarrier.arrive $0xFFFF  }
0x105: {  	p0 =	sne.s32 s0, $0x0;
	s0 =	rddreg [dreg:$0x3]  }
0x106: {  	s0 =	sadd.s32 @!p0 $0x100000, s0  }
0x107: {  	[sflag:s0] =	ssyncadd.tile.s32 @!p0 $0x1;
	_ =	shalt  }
.Lfunc_end2:
_tile_overlayer_lowered:
.L_overlay_start_2:
0x108: {  	(tag) =	ssettag $0x2  }
0x109: {  	s0 =	rddreg [dreg:$0x0];
	s2 =	stileid.u32  }
0x10a: {  	s1 =	rddreg [dreg:$0x1];
	p0 =	sne.s32 s2, $0x0  }
0x10b: {  	s3 =	rddreg [dreg:$0x2];
	[bflag:$0x3] =	sbarrier.arrive $0xFFFF;
	s2 =	simm.s32 @!p0 $0x1C04  }
0x10c: {  	[timem:s3], [sflag:s2] =	dma.local @!p0 [hbm:s0], s1  }
0x10d: {  	s0 =	simm.s32 @!p0 $0x4  }
0x10e: {  	_ =	swait.ge @!p0 [sflag:s0], s1  }
0x10f: {  	s1 =	ssub.s32 @!p0 $0x0, s1;
	[sflag:s0] =	ssyncset.done @!p0 $0x0  }
0x110: {  	[sflag:s0] =	ssyncadd.s32 @!p0 s1  }
0x111: {  	[bflag:$0x3] =	sbarrier.arrive $0xFFFF  }
0x112: {  	_ =	shalt  }

// kernel: kernel.14.cloned.1.call-start
scs
__scs_entry_jumppad:
0x0: {  	(pc) =	sbr.rel $0x88, $3  }
0x1: {  	(tag) =	ssettag $0x0;
	lr =	simm.s32 $0x1  }
0x2: {  	[smem:$0x3F99] =	sst lr;
	_ =	strace $0xD0000000  }
0x3: {  	_ = 	snop  }
0x4: {  	_ = 	snop  }
0x5: {  	_ = 	snop  }
0x6: {  	_ = 	snop  }
0x7: {  	_ = 	snop  }
__scs_overlays_trampoline_lowered:
0x8: {  	[smem:$0x3FA8] =	sst s0  }
0x9: {  	[smem:$0x3FA9] =	sst s1  }
0xa: {  	[smem:$0x3FAA] =	sst s2  }
0xb: {  	[smem:$0x3FAB] =	sst s3  }
0xc: {  	[smem:$0x3FAC] =	sst s4  }
0xd: {  	[smem:$0x3FAD] =	sst s5  }
0xe: {  	[smem:$0x3FAE] =	sst s6  }
0xf: {  	[smem:$0x3FAF] =	sst s7  }
0x10: {  	[smem:$0x3FB0] =	sst s8  }
0x11: {  	[smem:$0x3FB1] =	sst s9;
	s0 =	simm.s32 @!p0 $0x0  }
0x12: {  	s1 =	sld [smem:$0x3F97];
	s0 =	simm.s32 @p0 $0x1  }
0x13: {  	[smem:$0x3FB2] =	sst s0;
	s0 =	simm.s32 @!p1 $0x0  }
0x14: {  	s2 =	sld [smem:$0x3F96];
	s0 =	simm.s32 @p1 $0x1  }
0x15: {  	[smem:$0x3FB3] =	sst s0;
	s0 =	simm.s32 @!p2 $0x0  }
0x16: {  	s3 =	sld [smem:$0x3FDB];
	s0 =	simm.s32 @p2 $0x1  }
0x17: {  	s4 =	simm.s32 $0x1BF5;
	[smem:$0x3FB5] =	sst s0  }
0x18: {  	s0 =	sld [smem:$0x3F98];
	_ =	swait.ge [sflag:s4], $0x0  }
0x19: {  	s7 =	sld [smem:$0x3F99]  }
0x1a: {  	s8 =	sadd.s32 $0xFFFFE003, lr  }
0x1b: {  	s9 =	sadd.s32 $0xFFFFFEF7, lr;
	s5 =	simm.s32 $0xFFFFFFFF;
	p2 =	slt.u32 s8, $0xFFFFF086  }
0x1c: {  	p1 =	slt.u32 s9, $0xF7A;
	s5 =	simm.s32 @!p2 $0x0  }
0x1d: {  	s5 =	simm.s32 @p1 $0x1;
	p0 =	seq.s32 s7, s2  }
0x1e: {  	s7 =	smul.u32 @!p0 $0xF7A, s2;
	p2 =	seq.s32 @!p0 s5, $0x0  }
0x1f: {  	s9 =	smul.u32 $0xF7A, s1;
	s8 =	simm.s32 @!p0 $0x1BF5;
	p2 =	por !p2, p0  }
0x20: {  	[sflag:s8] =	ssyncset.s32 @!p0 $0xFFFFF086;
	s6 =	sadd.s32 @!p0 s3, s7;
	s7 =	simm.s32 @!p0 $0x108  }
0x21: {  	s3 =	sadd.s32 s3, s9;
	s6 =	sadd.s32 @!p0 $0x88, s6;
	s7 =	simm.s32 @p2 $0x1082  }
0x22: {  	[simem:s7], [sflag:s8] =	dma.local @!p0 [hbm:s6], $0xF7A  }
0x23: {  	s9 =	sor.u32 $0xD0000000, s2;
	s6 =	simm.s32 $0x108;
	_ =	swait.ge @!p0 [sflag:s8], $0x0  }
0x24: {  	s3 =	sadd.s32 $0x88, s3;
	s6 =	simm.s32 @!p1 $0x1082;
	[sflag:s4] =	ssyncset.s32 $0xFFFFF086  }
0x25: {  	[simem:s6], [sflag:s4] =	dma.local [hbm:s3], $0xF7A  }
0x26: {  	[smem:$0x3F99] =	sst s1;
	(tag) =	ssettag s2;
	_ =	strace s9  }
0x27: {  	s1 =	sld [smem:$0x3FA9]  }
0x28: {  	s2 =	sld [smem:$0x3FAA]  }
0x29: {  	s4 =	sld [smem:$0x3FAC]  }
0x2a: {  	p0 =	seq.s32 s5, $0x0;
	s5 =	sld [smem:$0x3FAD]  }
0x2b: {  	s6 =	sld [smem:$0x3FAE]  }
0x2c: {  	s7 =	sld [smem:$0x3FAF]  }
0x2d: {  	s3 =	simm.s32 $0x108;
	s8 =	sld [smem:$0x3FB0]  }
0x2e: {  	s3 =	simm.s32 @!p0 $0x1082;
	s9 =	sld [smem:$0x3FB1]  }
0x2f: {  	lr =	sadd.s32 s0, s3;
	s0 =	sld [smem:$0x3FA8]  }
0x30: {  	s3 =	sld [smem:$0x3FAB]  }
0x31: {  	[smem:$0x3FB4] =	sst s10  }
0x32: {  	s10 =	sld [smem:$0x3FB2];
	_ =	sdelay $0x3  }
0x33: {  	p0 =	seq.s32 s10, $0x1;
	s10 =	sld [smem:$0x3FB4];
	_ =	sdelay $0x3  }
0x34: {  	[smem:$0x3FB4] =	sst s10  }
0x35: {  	s10 =	sld [smem:$0x3FB3];
	_ =	sdelay $0x3  }
0x36: {  	p1 =	seq.s32 s10, $0x1;
	s10 =	sld [smem:$0x3FB4];
	_ =	sdelay $0x3  }
0x37: {  	[smem:$0x3FB4] =	sst s10  }
0x38: {  	s10 =	sld [smem:$0x3FB5]  }
0x39: {  	_ = 	snop;
	(pc) =	sbr.ind lr, $3  }
0x3a: {  	_ = 	snop  }
0x3b: {  	_ = 	snop  }
0x3c: {  	p2 =	seq.s32 s10, $0x1;
	s10 =	sld [smem:$0x3FB4]  }
0x3d: {  	_ =	shalt  }
0x3e: {  	_ =	shalt  }
0x3f: {  	_ =	shalt  }
0x40: {  	_ =	shalt  }
0x41: {  	_ =	shalt  }
0x42: {  	_ =	shalt  }
0x43: {  	_ =	shalt  }
0x44: {  	_ =	shalt  }
0x45: {  	_ =	shalt  }
0x46: {  	_ =	shalt  }
0x47: {  	_ =	shalt  }
0x48: {  	_ =	shalt  }
0x49: {  	_ =	shalt  }
0x4a: {  	_ =	shalt  }
0x4b: {  	_ =	shalt  }
0x4c: {  	_ =	shalt  }
0x4d: {  	_ =	shalt  }
0x4e: {  	_ =	shalt  }
0x4f: {  	_ =	shalt  }
0x50: {  	_ =	shalt  }
0x51: {  	_ =	shalt  }
0x52: {  	_ =	shalt  }
0x53: {  	_ =	shalt  }
0x54: {  	_ =	shalt  }
0x55: {  	_ =	shalt  }
0x56: {  	_ =	shalt  }
0x57: {  	_ =	shalt  }
0x58: {  	_ =	shalt  }
0x59: {  	_ =	shalt  }
0x5a: {  	_ =	shalt  }
0x5b: {  	_ =	shalt  }
0x5c: {  	_ =	shalt  }
0x5d: {  	_ =	shalt  }
0x5e: {  	_ =	shalt  }
0x5f: {  	_ =	shalt  }
0x60: {  	_ =	shalt  }
0x61: {  	_ =	shalt  }
0x62: {  	_ =	shalt  }
0x63: {  	_ =	shalt  }
0x64: {  	_ =	shalt  }
0x65: {  	_ =	shalt  }
0x66: {  	_ =	shalt  }
0x67: {  	_ =	shalt  }
0x68: {  	_ =	shalt  }
0x69: {  	_ =	shalt  }
0x6a: {  	_ =	shalt  }
0x6b: {  	_ =	shalt  }
0x6c: {  	_ =	shalt  }
0x6d: {  	_ =	shalt  }
0x6e: {  	_ =	shalt  }
0x6f: {  	_ =	shalt  }
0x70: {  	_ =	shalt  }
0x71: {  	_ =	shalt  }
0x72: {  	_ =	shalt  }
0x73: {  	_ =	shalt  }
0x74: {  	_ =	shalt  }
0x75: {  	_ =	shalt  }
0x76: {  	_ =	shalt  }
0x77: {  	_ =	shalt  }
0x78: {  	_ =	shalt  }
0x79: {  	_ =	shalt  }
0x7a: {  	_ =	shalt  }
0x7b: {  	_ =	shalt  }
0x7c: {  	_ =	shalt  }
0x7d: {  	_ =	shalt  }
0x7e: {  	_ =	shalt  }
0x7f: {  	_ =	shalt  }
0x80: {  	_ =	shalt  }
0x81: {  	_ =	shalt  }
0x82: {  	_ =	shalt  }
0x83: {  	_ =	shalt  }
0x84: {  	_ =	shalt  }
0x85: {  	_ =	shalt  }
0x86: {  	_ =	shalt  }
0x87: {  	_ =	shalt  }
.Lfunc_end0:
.L_simem_size_0:
called_computation.2_lowered:
.L_overlay_start_0:
0x88: {  	s2 =	sld [smem:$0x3FD9]  }
0x89: {  	s3 =	sld [smem:$0x3FFE];
	_ =	sdelay $0x1  }
0x8a: {  	s1 =	srdreg.scid  }
0x8b: {  	s0 =	sand.u32 $0x1, s1  }
0x8c: {  	s17 =	sshll.u32 s0, $0xA;
	s2 =	sadd.s32 s3, s2  }
0x8d: {  	s2 =	sadd.s32 s2, s17  }
0x8e: {  	[smem:$0x3FC0] =	sst s2  }
0x8f: {  	_ = 	snop  }
0x90: {  	s2 =	sld [smem:$0x3FD0];
	(tm) =	ssettm $0x1  }
0x91: {  	s18 =	sld [smem:$0x3FFB];
	_ =	sdelay $0x3  }
0x92: {  	_ =	strace s18  }
0x93: {  	s3 =	sld [smem:$0x3FFC];
	_ =	sdelay $0x3  }
0x94: {  	_ =	strace s3  }
0x95: {  	s3 =	sld [smem:$0x3FFD];
	_ =	sdelay $0x3  }
0x96: {  	_ =	strace s3  }
0x97: {  	_ =	strace $0x8FFFFFFF  }
0x98: {  	s19 =	sld [smem:$0x3FDB];
	_ =	sdelay $0x1  }
0x99: {  	s4 =	simm.s32 $_scs_section_size  }
0x9a: {  	s5 =	simm.s32 $_size__tile_overlayer_lowered;
	s6 =	simm.s32 $_tile_overlayer_lowered  }
0x9b: {  	s22 =	simm.s32 $0x1BFF;
	s21 =	sshll.u32 s6, $0x1;
	s3 =	sadd.s32 s4, s19  }
0x9c: {  	s7 =	simm.s32 $0x0;
	s20 =	sshll.u32 s5, $0x1;
	s5 =	sadd.s32 s21, s3  }
0x9d: {  	[timem:s7], [sflag:s22] =	dma.local [hbm:s5], s20  }
0x9e: {  	_ =	swait.ge [sflag:s22], s20  }
0x9f: {  	s4 =	ssub.s32 $0x0, s20;
	[sflag:s22] =	ssyncset.done $0x0  }
0xa0: {  	[sflag:s22] =	ssyncadd.s32 s4;
	_ =	sdelay $0x1  }
0xa1: {  	s23 =	simm.s32 $0x1B8B  }
0xa2: {  	_ =	swait.ge [sflag:s23], $0x1  }
0xa3: {  	[sflag:s23] =	ssyncset.done $0x0  }
0xa4: {  	s25 =	simm.s32 $0x1B8E;
	s24 =	sld [smem:$0x3FFE];
	[sflag:s23] =	ssyncadd.s32 $0xFFFFFFFF  }
0xa5: {  	s26 =	simm.s32 $execute0_lowered;
	[smem:$0x3FD2] =	sst s25  }
0xa6: {  	s5 =	sshll.u32 s26, $0x1;
	_ =	strace $0x8000004C;
	[dreg:$0x1] =	wrdreg $0xFFFFFFFF  }
0xa7: {  	s28 =	simm.s32 $_size_execute0_lowered;
	s3 =	sadd.s32 s3, s5;
	[dreg:$0x0] =	wrdreg $0x0  }
0xa8: {  	s5 =	sshll.u32 s28, $0x1;
	[dreg:$0x2] =	wrdreg s3  }
0xa9: {  	[dreg:$0x3] =	wrdreg s5  }
0xaa: {  	[dreg:$0x4] =	wrdreg $0xC0  }
0xab: {  	_ =	task [dreg:s7], $0x5FFFF  }
0xac: {  	[dreg:$0x1] =	wrdreg $0xFFFFFFFF  }
0xad: {  	[dreg:$0x0] =	wrdreg $0x60  }
0xae: {  	[dreg:$0x2] =	wrdreg s24  }
0xaf: {  	[dreg:$0x3] =	wrdreg s2  }
0xb0: {  	[dreg:$0x4] =	wrdreg $0x0  }
0xb1: {  	[dreg:$0x5] =	wrdreg $0x9  }
0xb2: {  	_ =	task.clear_ibuf [dreg:s7], $0x6FFFF;
	_ =	strace $0x9000004C  }
0xb3: {  	s29 =	simm.s32 $0x9;
	_ =	strace $0x8000004E  }
0xb4: {  	_ =	swait.ge [sflag:s29], $0x1  }
0xb5: {  	[sflag:s29] =	ssyncadd.s32 $0xFFFFFFFF  }
0xb6: {  	_ =	strace $0x9000004E  }
0xb7: {  	_ =	sfence  }
0xb8: {  	s30 =	sld [smem:$0x0];
	_ =	sdelay $0x2  }
0xb9: {  	s31 =	sshll.u32 s1, $0xD;
	s1 =	sshrl.u32 s1, $0x2  }
0xba: {  	s3 =	sand.u32 $0x4000, s31;
	s1 =	sadd.s32 s1, s30  }
0xbb: {  	s0 =	sor.u32 s3, s0;
	s1 =	sshll.u32 s1, $0x11  }
0xbc: {  	s0 =	sor.u32 s1, s0  }
0xbd: {  	s0 =	sadd.s32 $0x8F2B, s0  }
0xbe: {  	[sflag:s0] =	ssyncadd.remote.s32 $0x1  }
0xbf: {  	_ =	sfence.sel $0xFFFF  }
0xc0: {  	[dreg:$0x0] =	wrdreg $0xFFFFFFFF;
	(pc) =	sbr.abs _section_cstart, $3  }
0xc1: {  	[dreg:$0x1] =	wrdreg $0xFFFFFFFF  }
0xc2: {  	_ =	task.clear_ibuf [dreg:s7], $0x2FFFF;
	_ =	strace $0x9FFFFFFF  }
0xc3: {  	(tm) =	ssettm $0x7FFFFFFF  }
tec
execute0_lowered:
.L_overlay_start_1:
0x0: {  	(tag) =	ssettag $0x1  }
0x1: {  	s0 =	rddreg [dreg:$0x0]  }
0x2: {  	s1 =	rddreg [dreg:$0x1]  }
0x3: {  	s2 =	rddreg [dreg:$0x2]  }
0x4: {  	s11 =	stileid.u32;
	s4 =	srdreg.scid  }
0x5: {  	s3 =	simm.s32 $0x0;
	s28 =	simm.s32 $0x1;
	s30 =	simm.s32 $0x2  }
0x6: {  	s12 =	simm.s32 $0x15300;
	s29 =	simm.s32 $0x15400;
	s31 =	simm.s32 $0x15B80  }
0x7: {  	s5 =	smul.u32 $0x14000, s11;
	s6 =	sand.u32 $0x1, s4;
	[smem:$0x7FF] =	sst s3  }
0x8: {  	s4 =	sadd.s32 $0x12200, s0;
	s16 =	sadd.s32 $0x2200, s0;
	s19 =	smul.u32 $0x50000, s11  }
0x9: {  	s10 =	sshll.u32 s11, $0xE;
	s11 =	simm.s32 $0x15A00;
	s7 =	smul.u32 $0x140000, s6  }
0xa: {  	_ =	strace $0x8000004D;
	s9 =	ssub.s32 $0x2, s6;
	s6 =	sshll.u32 s6, $0x12  }
0xb: {  	s8 =	sshrl.u32 s5, $0x3;
	s17 =	sshrl.u32 s9, $0x1;
	s6 =	sor.u32 s10, s6  }
0xc: {  	s23 =	sshrl.u32 s19, $0x2;
	s19 =	simm.s32 $0x3;
	s10 =	simm.s32 $0x14000  }
0xd: {  	s5 =	sadd.s32 s5, s7;
	s8 =	sadd.s32 s8, s0;
	s18 =	sshrl.u32 s6, $0x3  }
0xe: {  	s24 =	sor.u32 $0x1800, s6;
	s6 =	sor.u32 $0x1000, s6;
	s7 =	simm.s32 $0x0  }
0xf: {  	s5 =	sshrl.u32 s5, $0x3;
	s20 =	sadd.s32 s1, s18;
	s21 =	sadd.s32 s16, s18  }
0x10: {  	s8 =	sadd.s32 $0x3B400, s8;
	s25 =	sshrl.u32 s24, $0x3;
	s26 =	sshrl.u32 s6, $0x3  }
0x11: {  	s24 =	simm.s32 $0x15000;
	s0 =	sadd.s32 s5, s0;
	[dreg:$0x4] =	wrdreg s20  }
0x12: {  	s5 =	ssub.s32 s9, s17;
	[dreg:$0x5] =	wrdreg s21;
	s9 =	sor.u32 $0x100, s18  }
0x13: {  	[dreg:$0x9] =	wrdreg s8;
	s13 =	sadd.s32 s25, s16;
	s14 =	sadd.s32 s25, s1  }
0x14: {  	s15 =	sadd.s32 s26, s16;
	s20 =	simm.s32 $0x7D;
	s21 =	simm.s32 $0x16000  }
0x15: {  	s25 =	simm.s32 $0x15800;
	s17 =	simm.s32 $0x15380;
	s18 =	simm.s32 $0x15B00  }
0x16: {  	s22 =	sadd.s32 s1, s9;
	s9 =	sadd.s32 s16, s9;
	s0 =	sadd.s32 $0x63400, s0  }
.Ltmp0:
0x17: {  	s5 =	smax.u32 s5, $0x1;
	[dreg:$0x6] =	wrdreg s22;
	(pc) =	sbr.rel .LBB2_1-.Ltmp0, $4  }
0x18: {  	s16 =	sadd.s32 s26, s1;
	s26 =	simm.s32 $0x4;
	[dreg:$0x7] =	wrdreg s9  }
0x19: {  	s1 =	simm.s32 $0x15C00;
	s9 =	sadd.s32 s23, s2;
	[dreg:$0xa] =	wrdreg s0  }
0x1a: {  	[dreg:$0xb] =	wrdreg s5;
	s23 =	simm.s32 $0x1A000;
	s22 =	simm.s32 $0x15A80  }
0x1b: {  	s0 =	simm.s32 $0x15480;
	s5 =	simm.s32 $0x15C80;
	[dreg:$0x8] =	wrdreg s9  }
.LBB2_4:
0x1c: {  	_ =	swait.ge [sflag:s30], $0x3E80  }
0x1d: {  	[sflag:s30] =	ssyncset.done $0x0  }
0x1e: {  	[sflag:s30] =	ssyncadd.s32 $0xFFFFC180  }
0x1f: {  	[spmem:s2] =	stream.indirect.scatter.add.f32 [tilespmem:s23], [sflag:$0x4], $0x80, s5, s20, $0xb8;
	[tilespmem:$0x1E000] =	vst v63  }
0x20: {  	_ =	swait.ge [sflag:s26], $0x3E80  }
0x21: {  	[sflag:s26] =	ssyncset.done $0x0  }
0x22: {  	[sflag:s26] =	ssyncadd.s32 $0xFFFFC180  }
0x23: {  	[bflag:$0x0] =	sbarrier.arrive $0xFFFF  }
0x24: {  	s6 =	rddreg [dreg:$0xa]  }
0x25: {  	s7 =	rddreg [dreg:$0xd]  }
0x26: {  	s8 =	rddreg [dreg:$0xe]  }
0x27: {  	[hbm:s6], [sflag:s7] =	dma.local [spmem:s8], $0x2800  }
0x28: {  	_ =	swait.ge [sflag:s26], $0x2800  }
0x29: {  	s8 =	rddreg [dreg:$0xc]  }
0x2a: {  	s9 =	rddreg [dreg:$0xb];
	s7 =	sadd.s32 $0x1, s8  }
0x2b: {  	p0 =	sne.s32 s7, s9  }
.Ltmp1:
0x2c: {  	_ = 	snop;
	(pc) =	sbr.rel @!p0 .LBB2_5-.Ltmp1, $3  }
0x2d: {  	_ =	sdelay $0x1  }
0x2e: {  	[sflag:s26] =	ssyncset.done $0x0  }
0x2f: {  	[sflag:s26] =	ssyncadd.s32 $0xFFFFD800  }
.LBB2_1:
0x30: {  	[dreg:$0xc] =	wrdreg s7  }
0x31: {  	s6 =	rddreg [dreg:$0x4];
	s7 =	simm.s32 $0x14000  }
0x32: {  	[tilespmem:s7], [sflag:$0x3] =	stream.linear.gather [hbm4b:s6+s3], $0x500, $0x38;
	[tilespmem:$0x1E000] =	vst v63  }
0x33: {  	s9 =	rddreg [dreg:$0x5];
	s8 =	simm.s32 $0x14800  }
0x34: {  	[tilespmem:s8], [sflag:$0x3] =	stream.linear.gather [hbm4b:s9+s3], $0x500, $0x38;
	[tilespmem:$0x1E000] =	vst v63  }
0x35: {  	_ =	swait.ge [sflag:s19], $0x500  }
0x36: {  	[sflag:s19] =	ssyncset.done $0x0  }
0x37: {  	[sflag:s19] =	ssyncadd.s32 $0xFFFFFB00  }
0x38: {  	_ =	swait.ge [sflag:s19], $0x500  }
0x39: {  	[sflag:s19] =	ssyncset.done $0x0  }
0x3a: {  	[sflag:s19] =	ssyncadd.s32 $0xFFFFFB00  }
0x3b: {  	[tilespmem:s21], [sflag:$0x1] =	stream.indirect.gather [hbm4b:s4+s20], $0x80, s7, s20, $0xb8;
	[tilespmem:$0x1E000] =	vst v63  }
0x3c: {  	s7 =	simm.s32 $0x14080  }
0x3d: {  	[tilespmem:s23], [sflag:$0x2] =	stream.indirect.gather [hbm4b:s4+s20], $0x80, s7, s20, $0xb8;
	[tilespmem:$0x1E000] =	vst v63  }
0x3e: {  	s7 =	stileid.u32  }
0x3f: {  	s8 =	rddreg [dreg:$0x6];
	s6 =	sshll.u32 s7, $0x6  }
0x40: {  	[tilespmem:s24], [sflag:$0x3] =	stream.linear.gather [hbm4b:s8+s3], $0x500, $0x38;
	[tilespmem:$0x1E000] =	vst v63  }
0x41: {  	s9 =	rddreg [dreg:$0x7];
	s8 =	sor.u32 $0x1C04, s6  }
0x42: {  	[dreg:$0xd] =	wrdreg s8  }
0x43: {  	[tilespmem:s25], [sflag:$0x3] =	stream.linear.gather [hbm4b:s9+s3], $0x500, $0x38;
	[tilespmem:$0x1E000] =	vst v63  }
0x44: {  	s9 =	rddreg [dreg:$0x8]  }
0x45: {  	s6 =	sshrl.u32 s9, $0x3;
	s9 =	rddreg [dreg:$0x9]  }
0x46: {  	[dreg:$0xe] =	wrdreg s6  }
0x47: {  	[spmem:s6], [sflag:s8] =	dma.local [hbm:s9], $0x2800  }
0x48: {  	_ =	swait.ge [sflag:s26], $0x2800  }
0x49: {  	[sflag:s26] =	ssyncset.done $0x0  }
0x4a: {  	[sflag:s26] =	ssyncadd.s32 $0xFFFFD800  }
0x4b: {  	s6 =	simm.s32 $0x0;
	[bflag:$0x0] =	sbarrier.arrive $0xFFFF  }
.LBB2_2:
0x4c: {  	_ =	swait.ge [sflag:s28], $0x3E80  }
0x4d: {  	[sflag:s28] =	ssyncset.done $0x0  }
0x4e: {  	s7 =	simm.s32 $0x14800;
	[sflag:s28] =	ssyncadd.s32 $0xFFFFC180  }
0x4f: {  	[spmem:s2] =	stream.indirect.scatter.add.f32 [tilespmem:s21], [sflag:$0x4], $0x80, s7, s20, $0xb8;
	[tilespmem:$0x1E000] =	vst v63  }
0x50: {  	_ =	swait.ge [sflag:s26], $0x3E80  }
0x51: {  	[sflag:s26] =	ssyncset.done $0x0  }
0x52: {  	s9 =	simm.s32 $0x14100;
	[sflag:s26] =	ssyncadd.s32 $0xFFFFC180  }
0x53: {  	[tilespmem:s21], [sflag:$0x1] =	stream.indirect.gather [hbm4b:s4+s20], $0x80, s9, s20, $0xb8;
	[tilespmem:$0x1E000] =	vst v63  }
0x54: {  	_ =	swait.ge [sflag:s30], $0x3E80  }
0x55: {  	[sflag:s30] =	ssyncset.done $0x0  }
0x56: {  	s8 =	simm.s32 $0x14880;
	[sflag:s30] =	ssyncadd.s32 $0xFFFFC180  }
0x57: {  	[spmem:s2] =	stream.indirect.scatter.add.f32 [tilespmem:s23], [sflag:$0x4], $0x80, s8, s20, $0xb8;
	[tilespmem:$0x1E000] =	vst v63  }
0x58: {  	_ =	swait.ge [sflag:s26], $0x3E80  }
0x59: {  	[sflag:s26] =	ssyncset.done $0x0  }
0x5a: {  	s9 =	simm.s32 $0x14180;
	[sflag:s26] =	ssyncadd.s32 $0xFFFFC180  }
0x5b: {  	[tilespmem:s23], [sflag:$0x2] =	stream.indirect.gather [hbm4b:s4+s20], $0x80, s9, s20, $0xb8;
	[tilespmem:$0x1E000] =	vst v63  }
0x5c: {  	_ =	swait.ge [sflag:s28], $0x3E80  }
0x5d: {  	[sflag:s28] =	ssyncset.done $0x0  }
0x5e: {  	s8 =	simm.s32 $0x14900;
	[sflag:s28] =	ssyncadd.s32 $0xFFFFC180  }
0x5f: {  	[spmem:s2] =	stream.indirect.scatter.add.f32 [tilespmem:s21], [sflag:$0x4], $0x80, s8, s20, $0xb8;
	[tilespmem:$0x1E000] =	vst v63  }
0x60: {  	_ =	swait.ge [sflag:s26], $0x3E80  }
0x61: {  	[sflag:s26] =	ssyncset.done $0x0  }
0x62: {  	s9 =	simm.s32 $0x14200;
	[sflag:s26] =	ssyncadd.s32 $0xFFFFC180  }
0x63: {  	[tilespmem:s21], [sflag:$0x1] =	stream.indirect.gather [hbm4b:s4+s20], $0x80, s9, s20, $0xb8;
	[tilespmem:$0x1E000] =	vst v63  }
0x64: {  	_ =	swait.ge [sflag:s30], $0x3E80  }
0x65: {  	[sflag:s30] =	ssyncset.done $0x0  }
0x66: {  	s8 =	simm.s32 $0x14980;
	[sflag:s30] =	ssyncadd.s32 $0xFFFFC180  }
0x67: {  	[spmem:s2] =	stream.indirect.scatter.add.f32 [tilespmem:s23], [sflag:$0x4], $0x80, s8, s20, $0xb8;
	[tilespmem:$0x1E000] =	vst v63  }
0x68: {  	_ =	swait.ge [sflag:s26], $0x3E80  }
0x69: {  	[sflag:s26] =	ssyncset.done $0x0  }
0x6a: {  	s9 =	simm.s32 $0x14280;
	[sflag:s26] =	ssyncadd.s32 $0xFFFFC180  }
0x6b: {  	[tilespmem:s23], [sflag:$0x2] =	stream.indirect.gather [hbm4b:s4+s20], $0x80, s9, s20, $0xb8;
	[tilespmem:$0x1E000] =	vst v63  }
0x6c: {  	_ =	swait.ge [sflag:s28], $0x3E80  }
0x6d: {  	[sflag:s28] =	ssyncset.done $0x0  }
0x6e: {  	s8 =	simm.s32 $0x14A00;
	[sflag:s28] =	ssyncadd.s32 $0xFFFFC180  }
0x6f: {  	[spmem:s2] =	stream.indirect.scatter.add.f32 [tilespmem:s21], [sflag:$0x4], $0x80, s8, s20, $0xb8;
	[tilespmem:$0x1E000] =	vst v63  }
0x70: {  	_ =	swait.ge [sflag:s26], $0x3E80  }
0x71: {  	[sflag:s26] =	ssyncset.done $0x0  }
0x72: {  	s9 =	simm.s32 $0x14300;
	[sflag:s26] =	ssyncadd.s32 $0xFFFFC180  }
0x73: {  	[tilespmem:s21], [sflag:$0x1] =	stream.indirect.gather [hbm4b:s4+s20], $0x80, s9, s20, $0xb8;
	[tilespmem:$0x1E000] =	vst v63  }
0x74: {  	_ =	swait.ge [sflag:s30], $0x3E80  }
0x75: {  	[sflag:s30] =	ssyncset.done $0x0  }
0x76: {  	s8 =	simm.s32 $0x14A80;
	[sflag:s30] =	ssyncadd.s32 $0xFFFFC180  }
0x77: {  	[spmem:s2] =	stream.indirect.scatter.add.f32 [tilespmem:s23], [sflag:$0x4], $0x80, s8, s20, $0xb8;
	[tilespmem:$0x1E000] =	vst v63  }
0x78: {  	_ =	swait.ge [sflag:s26], $0x3E80  }
0x79: {  	[sflag:s26] =	ssyncset.done $0x0  }
0x7a: {  	s9 =	simm.s32 $0x14380;
	[sflag:s26] =	ssyncadd.s32 $0xFFFFC180  }
0x7b: {  	[tilespmem:s23], [sflag:$0x2] =	stream.indirect.gather [hbm4b:s4+s20], $0x80, s9, s20, $0xb8;
	[tilespmem:$0x1E000] =	vst v63  }
0x7c: {  	_ =	swait.ge [sflag:s28], $0x3E80  }
0x7d: {  	[sflag:s28] =	ssyncset.done $0x0  }
0x7e: {  	s8 =	simm.s32 $0x14B00;
	[sflag:s28] =	ssyncadd.s32 $0xFFFFC180  }
0x7f: {  	[spmem:s2] =	stream.indirect.scatter.add.f32 [tilespmem:s21], [sflag:$0x4], $0x80, s8, s20, $0xb8;
	[tilespmem:$0x1E000] =	vst v63  }
0x80: {  	_ =	swait.ge [sflag:s26], $0x3E80  }
0x81: {  	[sflag:s26] =	ssyncset.done $0x0  }
0x82: {  	s9 =	simm.s32 $0x14400;
	[sflag:s26] =	ssyncadd.s32 $0xFFFFC180  }
0x83: {  	[tilespmem:s21], [sflag:$0x1] =	stream.indirect.gather [hbm4b:s4+s20], $0x80, s9, s20, $0xb8;
	[tilespmem:$0x1E000] =	vst v63  }
0x84: {  	_ =	swait.ge [sflag:s30], $0x3E80  }
0x85: {  	[sflag:s30] =	ssyncset.done $0x0  }
0x86: {  	s8 =	simm.s32 $0x14B80;
	[sflag:s30] =	ssyncadd.s32 $0xFFFFC180  }
0x87: {  	[spmem:s2] =	stream.indirect.scatter.add.f32 [tilespmem:s23], [sflag:$0x4], $0x80, s8, s20, $0xb8;
	[tilespmem:$0x1E000] =	vst v63  }
0x88: {  	_ =	swait.ge [sflag:s26], $0x3E80  }
0x89: {  	[sflag:s26] =	ssyncset.done $0x0  }
0x8a: {  	s9 =	simm.s32 $0x14480;
	[sflag:s26] =	ssyncadd.s32 $0xFFFFC180  }
0x8b: {  	[tilespmem:s23], [sflag:$0x2] =	stream.indirect.gather [hbm4b:s4+s20], $0x80, s9, s20, $0xb8;
	[tilespmem:$0x1E000] =	vst v63  }
0x8c: {  	_ =	swait.ge [sflag:s28], $0x3E80  }
0x8d: {  	[sflag:s28] =	ssyncset.done $0x0  }
0x8e: {  	s8 =	simm.s32 $0x14C00;
	[sflag:s28] =	ssyncadd.s32 $0xFFFFC180  }
0x8f: {  	[spmem:s2] =	stream.indirect.scatter.add.f32 [tilespmem:s21], [sflag:$0x4], $0x80, s8, s20, $0xb8;
	[tilespmem:$0x1E000] =	vst v63  }
0x90: {  	_ =	swait.ge [sflag:s26], $0x3E80  }
0x91: {  	[sflag:s26] =	ssyncset.done $0x0  }
0x92: {  	[sflag:s26] =	ssyncadd.s32 $0xFFFFC180  }
0x93: {  	_ =	swait.ge [sflag:s19], $0x500  }
0x94: {  	[sflag:s19] =	ssyncset.done $0x0  }
0x95: {  	[sflag:s19] =	ssyncadd.s32 $0xFFFFFB00  }
0x96: {  	_ =	swait.ge [sflag:s19], $0x500  }
0x97: {  	[sflag:s19] =	ssyncset.done $0x0  }
0x98: {  	[sflag:s19] =	ssyncadd.s32 $0xFFFFFB00  }
0x99: {  	[tilespmem:s21], [sflag:$0x1] =	stream.indirect.gather [hbm4b:s4+s20], $0x80, s24, s20, $0xb8;
	[tilespmem:$0x1E000] =	vst v63  }
0x9a: {  	_ =	swait.ge [sflag:s30], $0x3E80  }
0x9b: {  	[sflag:s30] =	ssyncset.done $0x0  }
0x9c: {  	s9 =	simm.s32 $0x14C80;
	[sflag:s30] =	ssyncadd.s32 $0xFFFFC180  }
0x9d: {  	[spmem:s2] =	stream.indirect.scatter.add.f32 [tilespmem:s23], [sflag:$0x4], $0x80, s9, s20, $0xb8;
	[tilespmem:$0x1E000] =	vst v63  }
0x9e: {  	_ =	swait.ge [sflag:s26], $0x3E80  }
0x9f: {  	[sflag:s26] =	ssyncset.done $0x0  }
0xa0: {  	p0 =	seq.s32 s6, $0x600;
	s8 =	simm.s32 $0x15080;
	[sflag:s26] =	ssyncadd.s32 $0xFFFFC180  }
0xa1: {  	[tilespmem:s23], [sflag:$0x2] =	stream.indirect.gather [hbm4b:s4+s20], $0x80, s8, s20, $0xb8;
	[tilespmem:$0x1E000] =	vst v63  }
0xa2: {  	s7 =	sadd.s32 @!p0 s6, s16;
	s9 =	simm.s32 @!p0 $0x14000;
	s8 =	simm.s32 @!p0 $0x0  }
0xa3: {  	[tilespmem:s9], [sflag:$0x3] =	stream.linear.gather @!p0 [hbm4b:s7+s8], $0x500, $0x38;
	[tilespmem:$0x1E000] =	vst v63  }
0xa4: {  	s7 =	sadd.s32 @!p0 s6, s15;
	s9 =	simm.s32 @!p0 $0x14800  }
0xa5: {  	[tilespmem:s9], [sflag:$0x3] =	stream.linear.gather @!p0 [hbm4b:s7+s8], $0x500, $0x38;
	[tilespmem:$0x1E000] =	vst v63  }
0xa6: {  	_ =	swait.ge [sflag:s28], $0x3E80  }
0xa7: {  	[sflag:s28] =	ssyncset.done $0x0  }
0xa8: {  	[sflag:s28] =	ssyncadd.s32 $0xFFFFC180  }
0xa9: {  	[spmem:s2] =	stream.indirect.scatter.add.f32 [tilespmem:s21], [sflag:$0x4], $0x80, s25, s20, $0xb8;
	[tilespmem:$0x1E000] =	vst v63  }
0xaa: {  	_ =	swait.ge [sflag:s26], $0x3E80  }
0xab: {  	[sflag:s26] =	ssyncset.done $0x0  }
0xac: {  	s9 =	simm.s32 $0x15100;
	[sflag:s26] =	ssyncadd.s32 $0xFFFFC180  }
0xad: {  	[tilespmem:s21], [sflag:$0x1] =	stream.indirect.gather [hbm4b:s4+s20], $0x80, s9, s20, $0xb8;
	[tilespmem:$0x1E000] =	vst v63  }
0xae: {  	_ =	swait.ge [sflag:s30], $0x3E80  }
0xaf: {  	[sflag:s30] =	ssyncset.done $0x0  }
0xb0: {  	s8 =	simm.s32 $0x15880;
	[sflag:s30] =	ssyncadd.s32 $0xFFFFC180  }
0xb1: {  	[spmem:s2] =	stream.indirect.scatter.add.f32 [tilespmem:s23], [sflag:$0x4], $0x80, s8, s20, $0xb8;
	[tilespmem:$0x1E000] =	vst v63  }
0xb2: {  	_ =	swait.ge [sflag:s26], $0x3E80  }
0xb3: {  	[sflag:s26] =	ssyncset.done $0x0  }
0xb4: {  	s9 =	simm.s32 $0x15180;
	[sflag:s26] =	ssyncadd.s32 $0xFFFFC180  }
0xb5: {  	[tilespmem:s23], [sflag:$0x2] =	stream.indirect.gather [hbm4b:s4+s20], $0x80, s9, s20, $0xb8;
	[tilespmem:$0x1E000] =	vst v63  }
0xb6: {  	_ =	swait.ge [sflag:s28], $0x3E80  }
0xb7: {  	[sflag:s28] =	ssyncset.done $0x0  }
0xb8: {  	s8 =	simm.s32 $0x15900;
	[sflag:s28] =	ssyncadd.s32 $0xFFFFC180  }
0xb9: {  	[spmem:s2] =	stream.indirect.scatter.add.f32 [tilespmem:s21], [sflag:$0x4], $0x80, s8, s20, $0xb8;
	[tilespmem:$0x1E000] =	vst v63  }
0xba: {  	_ =	swait.ge [sflag:s26], $0x3E80  }
0xbb: {  	[sflag:s26] =	ssyncset.done $0x0  }
0xbc: {  	s9 =	simm.s32 $0x15200;
	[sflag:s26] =	ssyncadd.s32 $0xFFFFC180  }
0xbd: {  	[tilespmem:s21], [sflag:$0x1] =	stream.indirect.gather [hbm4b:s4+s20], $0x80, s9, s20, $0xb8;
	[tilespmem:$0x1E000] =	vst v63  }
0xbe: {  	_ =	swait.ge [sflag:s30], $0x3E80  }
0xbf: {  	[sflag:s30] =	ssyncset.done $0x0  }
0xc0: {  	s8 =	simm.s32 $0x15980;
	[sflag:s30] =	ssyncadd.s32 $0xFFFFC180  }
0xc1: {  	[spmem:s2] =	stream.indirect.scatter.add.f32 [tilespmem:s23], [sflag:$0x4], $0x80, s8, s20, $0xb8;
	[tilespmem:$0x1E000] =	vst v63  }
0xc2: {  	_ =	swait.ge [sflag:s26], $0x3E80  }
0xc3: {  	[sflag:s26] =	ssyncset.done $0x0  }
0xc4: {  	s9 =	simm.s32 $0x15280;
	[sflag:s26] =	ssyncadd.s32 $0xFFFFC180  }
0xc5: {  	[tilespmem:s23], [sflag:$0x2] =	stream.indirect.gather [hbm4b:s4+s20], $0x80, s9, s20, $0xb8;
	[tilespmem:$0x1E000] =	vst v63  }
0xc6: {  	_ =	swait.ge [sflag:s28], $0x3E80  }
0xc7: {  	[sflag:s28] =	ssyncset.done $0x0  }
0xc8: {  	[sflag:s28] =	ssyncadd.s32 $0xFFFFC180  }
0xc9: {  	[spmem:s2] =	stream.indirect.scatter.add.f32 [tilespmem:s21], [sflag:$0x4], $0x80, s11, s20, $0xb8;
	[tilespmem:$0x1E000] =	vst v63  }
0xca: {  	_ =	swait.ge [sflag:s26], $0x3E80  }
0xcb: {  	[sflag:s26] =	ssyncset.done $0x0  }
0xcc: {  	[sflag:s26] =	ssyncadd.s32 $0xFFFFC180  }
0xcd: {  	[tilespmem:s21], [sflag:$0x1] =	stream.indirect.gather [hbm4b:s4+s20], $0x80, s12, s20, $0xb8;
	[tilespmem:$0x1E000] =	vst v63  }
0xce: {  	_ =	swait.ge [sflag:s30], $0x3E80  }
0xcf: {  	[sflag:s30] =	ssyncset.done $0x0  }
0xd0: {  	[sflag:s30] =	ssyncadd.s32 $0xFFFFC180  }
0xd1: {  	[spmem:s2] =	stream.indirect.scatter.add.f32 [tilespmem:s23], [sflag:$0x4], $0x80, s22, s20, $0xb8;
	[tilespmem:$0x1E000] =	vst v63  }
0xd2: {  	_ =	swait.ge [sflag:s26], $0x3E80  }
0xd3: {  	[sflag:s26] =	ssyncset.done $0x0  }
0xd4: {  	[sflag:s26] =	ssyncadd.s32 $0xFFFFC180  }
0xd5: {  	[tilespmem:s23], [sflag:$0x2] =	stream.indirect.gather [hbm4b:s4+s20], $0x80, s17, s20, $0xb8;
	[tilespmem:$0x1E000] =	vst v63  }
0xd6: {  	_ =	swait.ge [sflag:s28], $0x3E80  }
0xd7: {  	[sflag:s28] =	ssyncset.done $0x0  }
0xd8: {  	[sflag:s28] =	ssyncadd.s32 $0xFFFFC180  }
0xd9: {  	[spmem:s2] =	stream.indirect.scatter.add.f32 [tilespmem:s21], [sflag:$0x4], $0x80, s18, s20, $0xb8;
	[tilespmem:$0x1E000] =	vst v63  }
0xda: {  	_ =	swait.ge [sflag:s26], $0x3E80  }
0xdb: {  	[sflag:s26] =	ssyncset.done $0x0  }
0xdc: {  	[sflag:s26] =	ssyncadd.s32 $0xFFFFC180  }
0xdd: {  	[tilespmem:s21], [sflag:$0x1] =	stream.indirect.gather [hbm4b:s4+s20], $0x80, s29, s20, $0xb8;
	[tilespmem:$0x1E000] =	vst v63  }
0xde: {  	_ =	swait.ge [sflag:s30], $0x3E80  }
0xdf: {  	[sflag:s30] =	ssyncset.done $0x0  }
0xe0: {  	[sflag:s30] =	ssyncadd.s32 $0xFFFFC180  }
0xe1: {  	[spmem:s2] =	stream.indirect.scatter.add.f32 [tilespmem:s23], [sflag:$0x4], $0x80, s31, s20, $0xb8;
	[tilespmem:$0x1E000] =	vst v63  }
0xe2: {  	_ =	swait.ge [sflag:s26], $0x3E80  }
0xe3: {  	[sflag:s26] =	ssyncset.done $0x0  }
0xe4: {  	[sflag:s26] =	ssyncadd.s32 $0xFFFFC180  }
0xe5: {  	[tilespmem:s23], [sflag:$0x2] =	stream.indirect.gather [hbm4b:s4+s20], $0x80, s0, s20, $0xb8;
	[tilespmem:$0x1E000] =	vst v63  }
0xe6: {  	_ =	swait.ge [sflag:s28], $0x3E80  }
0xe7: {  	[sflag:s28] =	ssyncset.done $0x0  }
.Ltmp2:
0xe8: {  	[sflag:s28] =	ssyncadd.s32 $0xFFFFC180;
	(pc) =	sbr.rel @p0 .LBB2_4-.Ltmp2, $4  }
0xe9: {  	[spmem:s2] =	stream.indirect.scatter.add.f32 [tilespmem:s21], [sflag:$0x4], $0x80, s1, s20, $0xb8;
	[tilespmem:$0x1E000] =	vst v63  }
0xea: {  	_ =	swait.ge [sflag:s26], $0x3E80  }
0xeb: {  	[sflag:s26] =	ssyncset.done $0x0  }
0xec: {  	[sflag:s26] =	ssyncadd.s32 $0xFFFFC180  }
0xed: {  	_ =	swait.ge [sflag:s19], $0x500  }
0xee: {  	[sflag:s19] =	ssyncset.done $0x0  }
0xef: {  	[sflag:s19] =	ssyncadd.s32 $0xFFFFFB00  }
0xf0: {  	_ =	swait.ge [sflag:s19], $0x500  }
0xf1: {  	[sflag:s19] =	ssyncset.done $0x0  }
0xf2: {  	[sflag:s19] =	ssyncadd.s32 $0xFFFFFB00  }
0xf3: {  	[tilespmem:s21], [sflag:$0x1] =	stream.indirect.gather [hbm4b:s4+s20], $0x80, s10, s20, $0xb8;
	[tilespmem:$0x1E000] =	vst v63  }
0xf4: {  	_ =	swait.ge [sflag:s30], $0x3E80  }
0xf5: {  	[sflag:s30] =	ssyncset.done $0x0  }
0xf6: {  	[sflag:s30] =	ssyncadd.s32 $0xFFFFC180  }
0xf7: {  	[spmem:s2] =	stream.indirect.scatter.add.f32 [tilespmem:s23], [sflag:$0x4], $0x80, s5, s20, $0xb8;
	[tilespmem:$0x1E000] =	vst v63  }
0xf8: {  	_ =	swait.ge [sflag:s26], $0x3E80  }
0xf9: {  	[sflag:s26] =	ssyncset.done $0x0  }
0xfa: {  	s7 =	simm.s32 $0x14080;
	[sflag:s26] =	ssyncadd.s32 $0xFFFFC180  }
0xfb: {  	[tilespmem:s23], [sflag:$0x2] =	stream.indirect.gather [hbm4b:s4+s20], $0x80, s7, s20, $0xb8;
	[tilespmem:$0x1E000] =	vst v63  }
.Ltmp3:
0xfc: {  	_ = 	snop;
	(pc) =	sbr.rel .LBB2_2-.Ltmp3, $4  }
0xfd: {  	s8 =	sadd.s32 s6, s14  }
0xfe: {  	[tilespmem:s24], [sflag:$0x3] =	stream.linear.gather [hbm4b:s8+s3], $0x500, $0x38;
	[tilespmem:$0x1E000] =	vst v63  }
0xff: {  	s9 =	sadd.s32 s6, s13;
	s6 =	sadd.s32 $0x200, s6  }
0x100: {  	[tilespmem:s25], [sflag:$0x3] =	stream.linear.gather [hbm4b:s9+s3], $0x500, $0x38;
	[tilespmem:$0x1E000] =	vst v63  }
.LBB2_5:
0x101: {  	_ =	sfence.sel $0x180000  }
0x102: {  	[bflag:$0x0] =	sbarrier.arrive $0xFFFF  }
0x103: {  	_ =	strace $0x9000004D  }
0x104: {  	s0 =	stileid.u32;
	[bflag:$0x2] =	sbarrier.arrive $0xFFFF  }
0x105: {  	p0 =	sne.s32 s0, $0x0;
	s0 =	rddreg [dreg:$0x3]  }
0x106: {  	s0 =	sadd.s32 @!p0 $0x100000, s0  }
0x107: {  	[sflag:s0] =	ssyncadd.tile.s32 @!p0 $0x1;
	_ =	shalt  }
.Lfunc_end2:
_tile_overlayer_lowered:
.L_overlay_start_2:
0x108: {  	(tag) =	ssettag $0x2  }
0x109: {  	s0 =	rddreg [dreg:$0x0];
	s2 =	stileid.u32  }
0x10a: {  	s1 =	rddreg [dreg:$0x1];
	p0 =	sne.s32 s2, $0x0  }
0x10b: {  	s3 =	rddreg [dreg:$0x2];
	[bflag:$0x3] =	sbarrier.arrive $0xFFFF;
	s2 =	simm.s32 @!p0 $0x1C04  }
0x10c: {  	[timem:s3], [sflag:s2] =	dma.local @!p0 [hbm:s0], s1  }
0x10d: {  	s0 =	simm.s32 @!p0 $0x4  }
0x10e: {  	_ =	swait.ge @!p0 [sflag:s0], s1  }
0x10f: {  	s1 =	ssub.s32 @!p0 $0x0, s1;
	[sflag:s0] =	ssyncset.done @!p0 $0x0  }
0x110: {  	[sflag:s0] =	ssyncadd.s32 @!p0 s1  }
0x111: {  	[bflag:$0x3] =	sbarrier.arrive $0xFFFF  }
0x112: {  	_ =	shalt  }

// kernel: kernel.8.cloned.1.call-start
scs
__scs_entry_jumppad:
0x0: {  	(pc) =	sbr.rel $0x88, $3  }
0x1: {  	(tag) =	ssettag $0x0;
	lr =	simm.s32 $0x1  }
0x2: {  	[smem:$0x3F99] =	sst lr;
	_ =	strace $0xD0000000  }
0x3: {  	_ = 	snop  }
0x4: {  	_ = 	snop  }
0x5: {  	_ = 	snop  }
0x6: {  	_ = 	snop  }
0x7: {  	_ = 	snop  }
__scs_overlays_trampoline_lowered:
0x8: {  	[smem:$0x3FA8] =	sst s0  }
0x9: {  	[smem:$0x3FA9] =	sst s1  }
0xa: {  	[smem:$0x3FAA] =	sst s2  }
0xb: {  	[smem:$0x3FAB] =	sst s3  }
0xc: {  	[smem:$0x3FAC] =	sst s4  }
0xd: {  	[smem:$0x3FAD] =	sst s5  }
0xe: {  	[smem:$0x3FAE] =	sst s6  }
0xf: {  	[smem:$0x3FAF] =	sst s7  }
0x10: {  	[smem:$0x3FB0] =	sst s8  }
0x11: {  	[smem:$0x3FB1] =	sst s9;
	s0 =	simm.s32 @!p0 $0x0  }
0x12: {  	s1 =	sld [smem:$0x3F97];
	s0 =	simm.s32 @p0 $0x1  }
0x13: {  	[smem:$0x3FB2] =	sst s0;
	s0 =	simm.s32 @!p1 $0x0  }
0x14: {  	s2 =	sld [smem:$0x3F96];
	s0 =	simm.s32 @p1 $0x1  }
0x15: {  	[smem:$0x3FB3] =	sst s0;
	s0 =	simm.s32 @!p2 $0x0  }
0x16: {  	s3 =	sld [smem:$0x3FDB];
	s0 =	simm.s32 @p2 $0x1  }
0x17: {  	s4 =	simm.s32 $0x1BF5;
	[smem:$0x3FB5] =	sst s0  }
0x18: {  	s0 =	sld [smem:$0x3F98];
	_ =	swait.ge [sflag:s4], $0x0  }
0x19: {  	s7 =	sld [smem:$0x3F99]  }
0x1a: {  	s8 =	sadd.s32 $0xFFFFE003, lr  }
0x1b: {  	s9 =	sadd.s32 $0xFFFFFEF7, lr;
	s5 =	simm.s32 $0xFFFFFFFF;
	p2 =	slt.u32 s8, $0xFFFFF086  }
0x1c: {  	p1 =	slt.u32 s9, $0xF7A;
	s5 =	simm.s32 @!p2 $0x0  }
0x1d: {  	s5 =	simm.s32 @p1 $0x1;
	p0 =	seq.s32 s7, s2  }
0x1e: {  	s7 =	smul.u32 @!p0 $0xF7A, s2;
	p2 =	seq.s32 @!p0 s5, $0x0  }
0x1f: {  	s9 =	smul.u32 $0xF7A, s1;
	s8 =	simm.s32 @!p0 $0x1BF5;
	p2 =	por !p2, p0  }
0x20: {  	[sflag:s8] =	ssyncset.s32 @!p0 $0xFFFFF086;
	s6 =	sadd.s32 @!p0 s3, s7;
	s7 =	simm.s32 @!p0 $0x108  }
0x21: {  	s3 =	sadd.s32 s3, s9;
	s6 =	sadd.s32 @!p0 $0x88, s6;
	s7 =	simm.s32 @p2 $0x1082  }
0x22: {  	[simem:s7], [sflag:s8] =	dma.local @!p0 [hbm:s6], $0xF7A  }
0x23: {  	s9 =	sor.u32 $0xD0000000, s2;
	s6 =	simm.s32 $0x108;
	_ =	swait.ge @!p0 [sflag:s8], $0x0  }
0x24: {  	s3 =	sadd.s32 $0x88, s3;
	s6 =	simm.s32 @!p1 $0x1082;
	[sflag:s4] =	ssyncset.s32 $0xFFFFF086  }
0x25: {  	[simem:s6], [sflag:s4] =	dma.local [hbm:s3], $0xF7A  }
0x26: {  	[smem:$0x3F99] =	sst s1;
	(tag) =	ssettag s2;
	_ =	strace s9  }
0x27: {  	s1 =	sld [smem:$0x3FA9]  }
0x28: {  	s2 =	sld [smem:$0x3FAA]  }
0x29: {  	s4 =	sld [smem:$0x3FAC]  }
0x2a: {  	p0 =	seq.s32 s5, $0x0;
	s5 =	sld [smem:$0x3FAD]  }
0x2b: {  	s6 =	sld [smem:$0x3FAE]  }
0x2c: {  	s7 =	sld [smem:$0x3FAF]  }
0x2d: {  	s3 =	simm.s32 $0x108;
	s8 =	sld [smem:$0x3FB0]  }
0x2e: {  	s3 =	simm.s32 @!p0 $0x1082;
	s9 =	sld [smem:$0x3FB1]  }
0x2f: {  	lr =	sadd.s32 s0, s3;
	s0 =	sld [smem:$0x3FA8]  }
0x30: {  	s3 =	sld [smem:$0x3FAB]  }
0x31: {  	[smem:$0x3FB4] =	sst s10  }
0x32: {  	s10 =	sld [smem:$0x3FB2];
	_ =	sdelay $0x3  }
0x33: {  	p0 =	seq.s32 s10, $0x1;
	s10 =	sld [smem:$0x3FB4];
	_ =	sdelay $0x3  }
0x34: {  	[smem:$0x3FB4] =	sst s10  }
0x35: {  	s10 =	sld [smem:$0x3FB3];
	_ =	sdelay $0x3  }
0x36: {  	p1 =	seq.s32 s10, $0x1;
	s10 =	sld [smem:$0x3FB4];
	_ =	sdelay $0x3  }
0x37: {  	[smem:$0x3FB4] =	sst s10  }
0x38: {  	s10 =	sld [smem:$0x3FB5]  }
0x39: {  	_ = 	snop;
	(pc) =	sbr.ind lr, $3  }
0x3a: {  	_ = 	snop  }
0x3b: {  	_ = 	snop  }
0x3c: {  	p2 =	seq.s32 s10, $0x1;
	s10 =	sld [smem:$0x3FB4]  }
0x3d: {  	_ =	shalt  }
0x3e: {  	_ =	shalt  }
0x3f: {  	_ =	shalt  }
0x40: {  	_ =	shalt  }
0x41: {  	_ =	shalt  }
0x42: {  	_ =	shalt  }
0x43: {  	_ =	shalt  }
0x44: {  	_ =	shalt  }
0x45: {  	_ =	shalt  }
0x46: {  	_ =	shalt  }
0x47: {  	_ =	shalt  }
0x48: {  	_ =	shalt  }
0x49: {  	_ =	shalt  }
0x4a: {  	_ =	shalt  }
0x4b: {  	_ =	shalt  }
0x4c: {  	_ =	shalt  }
0x4d: {  	_ =	shalt  }
0x4e: {  	_ =	shalt  }
0x4f: {  	_ =	shalt  }
0x50: {  	_ =	shalt  }
0x51: {  	_ =	shalt  }
0x52: {  	_ =	shalt  }
0x53: {  	_ =	shalt  }
0x54: {  	_ =	shalt  }
0x55: {  	_ =	shalt  }
0x56: {  	_ =	shalt  }
0x57: {  	_ =	shalt  }
0x58: {  	_ =	shalt  }
0x59: {  	_ =	shalt  }
0x5a: {  	_ =	shalt  }
0x5b: {  	_ =	shalt  }
0x5c: {  	_ =	shalt  }
0x5d: {  	_ =	shalt  }
0x5e: {  	_ =	shalt  }
0x5f: {  	_ =	shalt  }
0x60: {  	_ =	shalt  }
0x61: {  	_ =	shalt  }
0x62: {  	_ =	shalt  }
0x63: {  	_ =	shalt  }
0x64: {  	_ =	shalt  }
0x65: {  	_ =	shalt  }
0x66: {  	_ =	shalt  }
0x67: {  	_ =	shalt  }
0x68: {  	_ =	shalt  }
0x69: {  	_ =	shalt  }
0x6a: {  	_ =	shalt  }
0x6b: {  	_ =	shalt  }
0x6c: {  	_ =	shalt  }
0x6d: {  	_ =	shalt  }
0x6e: {  	_ =	shalt  }
0x6f: {  	_ =	shalt  }
0x70: {  	_ =	shalt  }
0x71: {  	_ =	shalt  }
0x72: {  	_ =	shalt  }
0x73: {  	_ =	shalt  }
0x74: {  	_ =	shalt  }
0x75: {  	_ =	shalt  }
0x76: {  	_ =	shalt  }
0x77: {  	_ =	shalt  }
0x78: {  	_ =	shalt  }
0x79: {  	_ =	shalt  }
0x7a: {  	_ =	shalt  }
0x7b: {  	_ =	shalt  }
0x7c: {  	_ =	shalt  }
0x7d: {  	_ =	shalt  }
0x7e: {  	_ =	shalt  }
0x7f: {  	_ =	shalt  }
0x80: {  	_ =	shalt  }
0x81: {  	_ =	shalt  }
0x82: {  	_ =	shalt  }
0x83: {  	_ =	shalt  }
0x84: {  	_ =	shalt  }
0x85: {  	_ =	shalt  }
0x86: {  	_ =	shalt  }
0x87: {  	_ =	shalt  }
.Lfunc_end0:
.L_simem_size_0:
called_computation_lowered:
.L_overlay_start_0:
0x88: {  	s2 =	sld [smem:$0x3FD9]  }
0x89: {  	s3 =	sld [smem:$0x3FFE];
	_ =	sdelay $0x1  }
0x8a: {  	s1 =	srdreg.scid  }
0x8b: {  	s0 =	sand.u32 $0x1, s1  }
0x8c: {  	s16 =	sshll.u32 s0, $0xA;
	s2 =	sadd.s32 s3, s2  }
0x8d: {  	s2 =	sadd.s32 s2, s16  }
0x8e: {  	[smem:$0x3FC0] =	sst s2  }
0x8f: {  	_ = 	snop  }
0x90: {  	(tm) =	ssettm $0x1  }
0x91: {  	s17 =	sld [smem:$0x3FFB];
	_ =	sdelay $0x3  }
0x92: {  	_ =	strace s17  }
0x93: {  	s2 =	sld [smem:$0x3FFC];
	_ =	sdelay $0x3  }
0x94: {  	_ =	strace s2  }
0x95: {  	s2 =	sld [smem:$0x3FFD];
	_ =	sdelay $0x3  }
0x96: {  	_ =	strace s2  }
0x97: {  	_ =	strace $0x8FFFFFFF  }
0x98: {  	s18 =	sld [smem:$0x3FDB];
	_ =	sdelay $0x1  }
0x99: {  	s19 =	simm.s32 $_scs_section_size  }
0x9a: {  	s4 =	simm.s32 $_size__tile_overlayer_lowered;
	s5 =	simm.s32 $_tile_overlayer_lowered  }
0x9b: {  	s22 =	simm.s32 $0x1BFF;
	s21 =	sshll.u32 s5, $0x1;
	s2 =	sadd.s32 s19, s18  }
0x9c: {  	s6 =	simm.s32 $0x0;
	s20 =	sshll.u32 s4, $0x1;
	s4 =	sadd.s32 s21, s2  }
0x9d: {  	[timem:s6], [sflag:s22] =	dma.local [hbm:s4], s20  }
0x9e: {  	_ =	swait.ge [sflag:s22], s20  }
0x9f: {  	s3 =	ssub.s32 $0x0, s20;
	[sflag:s22] =	ssyncset.done $0x0  }
0xa0: {  	[sflag:s22] =	ssyncadd.s32 s3;
	_ =	sdelay $0x1  }
0xa1: {  	s23 =	simm.s32 $0x1B8B  }
0xa2: {  	_ =	swait.ge [sflag:s23], $0x1  }
0xa3: {  	[sflag:s23] =	ssyncset.done $0x0  }
0xa4: {  	s25 =	simm.s32 $0x1B8E;
	s24 =	sld [smem:$0x3FFE];
	[sflag:s23] =	ssyncadd.s32 $0xFFFFFFFF  }
0xa5: {  	s26 =	simm.s32 $execute0_lowered;
	[smem:$0x3FD2] =	sst s25  }
0xa6: {  	s4 =	sshll.u32 s26, $0x1;
	_ =	strace $0x80000046;
	[dreg:$0x1] =	wrdreg $0xFFFFFFFF  }
0xa7: {  	s28 =	simm.s32 $_size_execute0_lowered;
	s2 =	sadd.s32 s2, s4;
	[dreg:$0x0] =	wrdreg $0x0  }
0xa8: {  	s4 =	sshll.u32 s28, $0x1;
	[dreg:$0x2] =	wrdreg s2  }
0xa9: {  	[dreg:$0x3] =	wrdreg s4  }
0xaa: {  	[dreg:$0x4] =	wrdreg $0xC0  }
0xab: {  	_ =	task [dreg:s6], $0x5FFFF  }
0xac: {  	[dreg:$0x1] =	wrdreg $0xFFFFFFFF  }
0xad: {  	[dreg:$0x0] =	wrdreg $0x60  }
0xae: {  	[dreg:$0x2] =	wrdreg s24  }
0xaf: {  	[dreg:$0x3] =	wrdreg $0x0  }
0xb0: {  	[dreg:$0x4] =	wrdreg $0x9  }
0xb1: {  	_ =	task.clear_ibuf [dreg:s6], $0x5FFFF;
	_ =	strace $0x90000046  }
0xb2: {  	s29 =	simm.s32 $0x9;
	_ =	strace $0x80000048  }
0xb3: {  	_ =	swait.ge [sflag:s29], $0x1  }
0xb4: {  	[sflag:s29] =	ssyncadd.s32 $0xFFFFFFFF  }
0xb5: {  	_ =	strace $0x90000048  }
0xb6: {  	_ =	sfence  }
0xb7: {  	s30 =	sld [smem:$0x0];
	_ =	sdelay $0x2  }
0xb8: {  	s31 =	sshll.u32 s1, $0xD;
	s1 =	sshrl.u32 s1, $0x2  }
0xb9: {  	s3 =	sand.u32 $0x4000, s31;
	s1 =	sadd.s32 s1, s30  }
0xba: {  	s0 =	sor.u32 s3, s0;
	s1 =	sshll.u32 s1, $0x11  }
0xbb: {  	s0 =	sor.u32 s1, s0  }
0xbc: {  	s0 =	sadd.s32 $0x8F2B, s0  }
0xbd: {  	[sflag:s0] =	ssyncadd.remote.s32 $0x1  }
0xbe: {  	_ =	sfence.sel $0xFFFF  }
0xbf: {  	[dreg:$0x0] =	wrdreg $0xFFFFFFFF;
	(pc) =	sbr.abs _section_cstart, $3  }
0xc0: {  	[dreg:$0x1] =	wrdreg $0xFFFFFFFF  }
0xc1: {  	_ =	task.clear_ibuf [dreg:s6], $0x2FFFF;
	_ =	strace $0x9FFFFFFF  }
0xc2: {  	(tm) =	ssettm $0x7FFFFFFF  }
0xc3: {  	_ =	shalt  }
tec
execute0_lowered:
.L_overlay_start_1:
0x0: {  	(tag) =	ssettag $0x1  }
0x1: {  	s0 =	rddreg [dreg:$0x0]  }
0x2: {  	s2 =	rddreg [dreg:$0x1]  }
0x3: {  	s3 =	simm.s32 $0x0;
	s6 =	stileid.u32;
	s4 =	srdreg.scid  }
0x4: {  	s21 =	simm.s32 $0x2280;
	s22 =	simm.s32 $0x2A80;
	s23 =	simm.s32 $0x3280  }
0x5: {  	s28 =	simm.s32 $0x7D;
	s29 =	simm.s32 $0x1;
	s30 =	simm.s32 $0x0  }
0x6: {  	[smem:$0x7FF] =	sst s3;
	s1 =	smul.u32 $0x280, s6;
	s5 =	sand.u32 $0x1, s4  }
0x7: {  	s24 =	sshll.u32 s6, $0xB;
	s4 =	sadd.s32 $0x12200, s0;
	_ =	strace $0x80000047  }
0x8: {  	s7 =	smul.u32 $0x2800, s5;
	s8 =	sadd.s32 s24, s0;
	s31 =	ssub.s32 $0x2, s5  }
0x9: {  	s5 =	sshll.u32 s5, $0xF;
	s24 =	simm.s32 $0x3A80;
	s25 =	sshrl.u32 s1, $0x3  }
0xa: {  	s10 =	sshrl.u32 s31, $0x1;
	s16 =	sadd.s32 s5, s8;
	s9 =	sadd.s32 s25, s0  }
0xb: {  	s26 =	sadd.s32 s1, s7;
	s10 =	ssub.s32 s31, s10;
	s5 =	sadd.s32 $0x2200, s16  }
0xc: {  	s11 =	sadd.s32 $0x2400, s16;
	s12 =	sadd.s32 $0x2500, s16;
	s13 =	sadd.s32 $0x2600, s16  }
0xd: {  	s14 =	sadd.s32 $0x2700, s16;
	s15 =	sadd.s32 $0x2800, s16;
	s25 =	simm.s32 $0x2  }
0xe: {  	s6 =	sshrl.u32 s26, $0x3;
	s7 =	sadd.s32 $0x12400, s9;
	s9 =	smax.u32 s10, $0x1  }
0xf: {  	s10 =	sadd.s32 $0x2300, s16;
	s16 =	sadd.s32 $0x2900, s16;
	s0 =	sadd.s32 s6, s0  }
0x10: {  	s26 =	simm.s32 $0x4280;
	s6 =	sadd.s32 s1, s2;
	s8 =	sadd.s32 $0x12A00, s0  }
.LBB2_1:
0x11: {  	s0 =	simm.s32 $0x280  }
0x12: {  	[tilespmem:s0], [sflag:$0x2] =	stream.linear.gather [hbm4b:s5+s3], $0x500, $0x38;
	[tilespmem:$0x4300] =	vst v63  }
0x13: {  	s1 =	simm.s32 $0xA80  }
0x14: {  	[tilespmem:s1], [sflag:$0x2] =	stream.linear.gather [hbm4b:s10+s3], $0x500, $0x38;
	[tilespmem:$0x4300] =	vst v63  }
0x15: {  	s17 =	simm.s32 $0x1280  }
0x16: {  	[tilespmem:s17], [sflag:$0x2] =	stream.linear.gather [hbm4b:s11+s3], $0x500, $0x38;
	[tilespmem:$0x4300] =	vst v63  }
0x17: {  	s18 =	simm.s32 $0x1A80  }
0x18: {  	[tilespmem:s18], [sflag:$0x2] =	stream.linear.gather [hbm4b:s12+s3], $0x500, $0x38;
	[tilespmem:$0x4300] =	vst v63  }
0x19: {  	_ = 	snop  }
0x1a: {  	[tilespmem:s21], [sflag:$0x2] =	stream.linear.gather [hbm4b:s13+s3], $0x500, $0x38;
	[tilespmem:$0x4300] =	vst v63  }
0x1b: {  	_ = 	snop  }
0x1c: {  	[tilespmem:s22], [sflag:$0x2] =	stream.linear.gather [hbm4b:s14+s3], $0x500, $0x38;
	[tilespmem:$0x4300] =	vst v63  }
0x1d: {  	_ = 	snop  }
0x1e: {  	[tilespmem:s23], [sflag:$0x2] =	stream.linear.gather [hbm4b:s15+s3], $0x500, $0x38;
	[tilespmem:$0x4300] =	vst v63  }
0x1f: {  	_ = 	snop  }
0x20: {  	[tilespmem:s24], [sflag:$0x2] =	stream.linear.gather [hbm4b:s16+s3], $0x500, $0x38;
	[tilespmem:$0x4300] =	vst v63  }
0x21: {  	_ =	swait.ge [sflag:s25], $0x2800  }
0x22: {  	[sflag:s25] =	ssyncset.done $0x0  }
0x23: {  	[sflag:s25] =	ssyncadd.s32 $0xFFFFD800  }
0x24: {  	[tilespmem:s26], [sflag:$0x2] =	stream.linear.gather [hbm4b:s4+s3], $0x80, $0x38;
	[tilespmem:$0x4300] =	vst v63  }
0x25: {  	s19 =	stileid.u32;
	_ =	swait.ge [sflag:s25], $0x80  }
0x26: {  	s0 =	sshll.u32 s19, $0x6;
	[sflag:s25] =	ssyncset.done $0x0  }
0x27: {  	s31 =	sor.u32 $0x1C02, s0;
	s0 =	sshrl.u32 s6, $0x3;
	[sflag:s25] =	ssyncadd.s32 $0xFFFFFF80  }
0x28: {  	[spmem:s0], [sflag:s31] =	dma.local [hbm:s7], $0x50  }
0x29: {  	_ =	swait.ge [sflag:s25], $0x50  }
0x2a: {  	[sflag:s25] =	ssyncset.done $0x0  }
0x2b: {  	[sflag:s25] =	ssyncadd.s32 $0xFFFFFFB0  }
0x2c: {  	s1 =	simm.s32 $0x280;
	[bflag:$0x0] =	sbarrier.arrive $0xFFFF  }
0x2d: {  	[spmem:s2] =	stream.indirect.scatter.add.f32 [tilespmem:s26], [sflag:$0x1], $0x1, s1, s28, $0xb8;
	[tilespmem:$0x4300] =	vst v63  }
0x2e: {  	s20 =	simm.s32 $0x300  }
0x2f: {  	[spmem:s2] =	stream.indirect.scatter.add.f32 [tilespmem:s26], [sflag:$0x1], $0x1, s20, s28, $0xb8;
	[tilespmem:$0x4300] =	vst v63  }
0x30: {  	s17 =	simm.s32 $0x380  }
0x31: {  	[spmem:s2] =	stream.indirect.scatter.add.f32 [tilespmem:s26], [sflag:$0x1], $0x1, s17, s28, $0xb8;
	[tilespmem:$0x4300] =	vst v63  }
0x32: {  	s18 =	simm.s32 $0x400  }
0x33: {  	[spmem:s2] =	stream.indirect.scatter.add.f32 [tilespmem:s26], [sflag:$0x1], $0x1, s18, s28, $0xb8;
	[tilespmem:$0x4300] =	vst v63  }
0x34: {  	s19 =	simm.s32 $0x480  }
0x35: {  	[spmem:s2] =	stream.indirect.scatter.add.f32 [tilespmem:s26], [sflag:$0x1], $0x1, s19, s28, $0xb8;
	[tilespmem:$0x4300] =	vst v63  }
0x36: {  	s20 =	simm.s32 $0x500  }
0x37: {  	[spmem:s2] =	stream.indirect.scatter.add.f32 [tilespmem:s26], [sflag:$0x1], $0x1, s20, s28, $0xb8;
	[tilespmem:$0x4300] =	vst v63  }
0x38: {  	s17 =	simm.s32 $0x580  }
0x39: {  	[spmem:s2] =	stream.indirect.scatter.add.f32 [tilespmem:s26], [sflag:$0x1], $0x1, s17, s28, $0xb8;
	[tilespmem:$0x4300] =	vst v63  }
0x3a: {  	s18 =	simm.s32 $0x600  }
0x3b: {  	[spmem:s2] =	stream.indirect.scatter.add.f32 [tilespmem:s26], [sflag:$0x1], $0x1, s18, s28, $0xb8;
	[tilespmem:$0x4300] =	vst v63  }
0x3c: {  	s19 =	simm.s32 $0x680  }
0x3d: {  	[spmem:s2] =	stream.indirect.scatter.add.f32 [tilespmem:s26], [sflag:$0x1], $0x1, s19, s28, $0xb8;
	[tilespmem:$0x4300] =	vst v63  }
0x3e: {  	s20 =	simm.s32 $0x700  }
0x3f: {  	[spmem:s2] =	stream.indirect.scatter.add.f32 [tilespmem:s26], [sflag:$0x1], $0x1, s20, s28, $0xb8;
	[tilespmem:$0x4300] =	vst v63  }
0x40: {  	_ =	swait.ge [sflag:s29], $0x7D  }
0x41: {  	[sflag:s29] =	ssyncset.done $0x0  }
0x42: {  	[sflag:s29] =	ssyncadd.s32 $0xFFFFFF83  }
0x43: {  	_ =	swait.ge [sflag:s29], $0x7D  }
0x44: {  	[sflag:s29] =	ssyncset.done $0x0  }
0x45: {  	[sflag:s29] =	ssyncadd.s32 $0xFFFFFF83  }
0x46: {  	_ =	swait.ge [sflag:s29], $0x7D  }
0x47: {  	[sflag:s29] =	ssyncset.done $0x0  }
0x48: {  	[sflag:s29] =	ssyncadd.s32 $0xFFFFFF83  }
0x49: {  	_ =	swait.ge [sflag:s29], $0x7D  }
0x4a: {  	[sflag:s29] =	ssyncset.done $0x0  }
0x4b: {  	[sflag:s29] =	ssyncadd.s32 $0xFFFFFF83  }
0x4c: {  	_ =	swait.ge [sflag:s29], $0x7D  }
0x4d: {  	[sflag:s29] =	ssyncset.done $0x0  }
0x4e: {  	[sflag:s29] =	ssyncadd.s32 $0xFFFFFF83  }
0x4f: {  	_ =	swait.ge [sflag:s29], $0x7D  }
0x50: {  	[sflag:s29] =	ssyncset.done $0x0  }
0x51: {  	[sflag:s29] =	ssyncadd.s32 $0xFFFFFF83  }
0x52: {  	_ =	swait.ge [sflag:s29], $0x7D  }
0x53: {  	[sflag:s29] =	ssyncset.done $0x0  }
0x54: {  	[sflag:s29] =	ssyncadd.s32 $0xFFFFFF83  }
0x55: {  	_ =	swait.ge [sflag:s29], $0x7D  }
0x56: {  	[sflag:s29] =	ssyncset.done $0x0  }
0x57: {  	[sflag:s29] =	ssyncadd.s32 $0xFFFFFF83  }
0x58: {  	_ =	swait.ge [sflag:s29], $0x7D  }
0x59: {  	[sflag:s29] =	ssyncset.done $0x0  }
0x5a: {  	[sflag:s29] =	ssyncadd.s32 $0xFFFFFF83  }
0x5b: {  	_ =	swait.ge [sflag:s29], $0x7D  }
0x5c: {  	s1 =	simm.s32 $0x4000;
	s18 =	simm.s32 $0x800;
	[sflag:s29] =	ssyncset.done $0x0  }
.LBB2_2:
0x5d: {  	s20 =	sadd.s32 $0x280, s18  }
0x5e: {  	[sflag:s29] =	ssyncadd.s32 $0xFFFFFF83;
	s17 =	smov.u32 s1;
	s19 =	sadd.s32 $0x2000, s1  }
0x5f: {  	[spmem:s2] =	stream.indirect.scatter.add.f32 [tilespmem:s26], [sflag:$0x1], $0x1, s20, s28, $0xb8;
	[tilespmem:$0x4300] =	vst v63  }
0x60: {  	p0 =	sne.s32 s1, $0xE000;
	s1 =	sadd.s32 $0x300, s18  }
0x61: {  	[spmem:s2] =	stream.indirect.scatter.add.f32 [tilespmem:s26], [sflag:$0x1], $0x1, s1, s28, $0xb8;
	[tilespmem:$0x4300] =	vst v63  }
0x62: {  	s1 =	sadd.s32 $0x380, s18  }
0x63: {  	[spmem:s2] =	stream.indirect.scatter.add.f32 [tilespmem:s26], [sflag:$0x1], $0x1, s1, s28, $0xb8;
	[tilespmem:$0x4300] =	vst v63  }
0x64: {  	s1 =	sadd.s32 $0x400, s18  }
0x65: {  	[spmem:s2] =	stream.indirect.scatter.add.f32 [tilespmem:s26], [sflag:$0x1], $0x1, s1, s28, $0xb8;
	[tilespmem:$0x4300] =	vst v63  }
0x66: {  	s1 =	sadd.s32 $0x480, s18  }
0x67: {  	[spmem:s2] =	stream.indirect.scatter.add.f32 [tilespmem:s26], [sflag:$0x1], $0x1, s1, s28, $0xb8;
	[tilespmem:$0x4300] =	vst v63  }
0x68: {  	s1 =	sadd.s32 $0x500, s18  }
0x69: {  	[spmem:s2] =	stream.indirect.scatter.add.f32 [tilespmem:s26], [sflag:$0x1], $0x1, s1, s28, $0xb8;
	[tilespmem:$0x4300] =	vst v63  }
0x6a: {  	s1 =	sadd.s32 $0x580, s18  }
0x6b: {  	[spmem:s2] =	stream.indirect.scatter.add.f32 [tilespmem:s26], [sflag:$0x1], $0x1, s1, s28, $0xb8;
	[tilespmem:$0x4300] =	vst v63  }
0x6c: {  	s1 =	sadd.s32 $0x600, s18  }
0x6d: {  	[spmem:s2] =	stream.indirect.scatter.add.f32 [tilespmem:s26], [sflag:$0x1], $0x1, s1, s28, $0xb8;
	[tilespmem:$0x4300] =	vst v63  }
0x6e: {  	s1 =	sadd.s32 $0x680, s18  }
0x6f: {  	[spmem:s2] =	stream.indirect.scatter.add.f32 [tilespmem:s26], [sflag:$0x1], $0x1, s1, s28, $0xb8;
	[tilespmem:$0x4300] =	vst v63  }
0x70: {  	s1 =	sadd.s32 $0x700, s18  }
0x71: {  	[spmem:s2] =	stream.indirect.scatter.add.f32 [tilespmem:s26], [sflag:$0x1], $0x1, s1, s28, $0xb8;
	[tilespmem:$0x4300] =	vst v63  }
0x72: {  	_ =	swait.ge [sflag:s29], $0x7D  }
0x73: {  	[sflag:s29] =	ssyncset.done $0x0  }
0x74: {  	[sflag:s29] =	ssyncadd.s32 $0xFFFFFF83  }
0x75: {  	_ =	swait.ge [sflag:s29], $0x7D  }
0x76: {  	[sflag:s29] =	ssyncset.done $0x0  }
0x77: {  	[sflag:s29] =	ssyncadd.s32 $0xFFFFFF83  }
0x78: {  	_ =	swait.ge [sflag:s29], $0x7D  }
0x79: {  	[sflag:s29] =	ssyncset.done $0x0  }
0x7a: {  	[sflag:s29] =	ssyncadd.s32 $0xFFFFFF83  }
0x7b: {  	_ =	swait.ge [sflag:s29], $0x7D  }
0x7c: {  	[sflag:s29] =	ssyncset.done $0x0  }
0x7d: {  	[sflag:s29] =	ssyncadd.s32 $0xFFFFFF83  }
0x7e: {  	_ =	swait.ge [sflag:s29], $0x7D  }
0x7f: {  	[sflag:s29] =	ssyncset.done $0x0  }
0x80: {  	[sflag:s29] =	ssyncadd.s32 $0xFFFFFF83  }
0x81: {  	_ =	swait.ge [sflag:s29], $0x7D  }
0x82: {  	[sflag:s29] =	ssyncset.done $0x0  }
0x83: {  	[sflag:s29] =	ssyncadd.s32 $0xFFFFFF83  }
0x84: {  	_ =	swait.ge [sflag:s29], $0x7D  }
0x85: {  	[sflag:s29] =	ssyncset.done $0x0  }
0x86: {  	[sflag:s29] =	ssyncadd.s32 $0xFFFFFF83  }
0x87: {  	_ =	swait.ge [sflag:s29], $0x7D  }
0x88: {  	[sflag:s29] =	ssyncset.done $0x0  }
0x89: {  	[sflag:s29] =	ssyncadd.s32 $0xFFFFFF83  }
.Ltmp0:
0x8a: {  	_ =	swait.ge [sflag:s29], $0x7D;
	(pc) =	sbr.rel @p0 .LBB2_2-.Ltmp0, $4  }
0x8b: {  	[sflag:s29] =	ssyncset.done $0x0  }
0x8c: {  	[sflag:s29] =	ssyncadd.s32 $0xFFFFFF83  }
0x8d: {  	_ =	swait.ge [sflag:s29], $0x7D  }
0x8e: {  	s18 =	sshra.s32 s17, $0x2;
	s1 =	smov.u32 s19;
	[sflag:s29] =	ssyncset.done $0x0  }
0x8f: {  	s1 =	sadd.s32 $0x280, s18;
	[sflag:s29] =	ssyncadd.s32 $0xFFFFFF83  }
0x90: {  	[spmem:s2] =	stream.indirect.scatter.add.f32 [tilespmem:s26], [sflag:$0x1], $0x1, s1, s28, $0xb8;
	[tilespmem:$0x4300] =	vst v63  }
0x91: {  	s17 =	sadd.s32 $0x300, s18  }
0x92: {  	[spmem:s2] =	stream.indirect.scatter.add.f32 [tilespmem:s26], [sflag:$0x1], $0x1, s17, s28, $0xb8;
	[tilespmem:$0x4300] =	vst v63  }
0x93: {  	s19 =	sadd.s32 $0x380, s18  }
0x94: {  	[spmem:s2] =	stream.indirect.scatter.add.f32 [tilespmem:s26], [sflag:$0x1], $0x1, s19, s28, $0xb8;
	[tilespmem:$0x4300] =	vst v63  }
0x95: {  	s20 =	sadd.s32 $0x400, s18  }
0x96: {  	[spmem:s2] =	stream.indirect.scatter.add.f32 [tilespmem:s26], [sflag:$0x1], $0x1, s20, s28, $0xb8;
	[tilespmem:$0x4300] =	vst v63  }
0x97: {  	s17 =	sadd.s32 $0x480, s18  }
0x98: {  	[spmem:s2] =	stream.indirect.scatter.add.f32 [tilespmem:s26], [sflag:$0x1], $0x1, s17, s28, $0xb8;
	[tilespmem:$0x4300] =	vst v63  }
0x99: {  	s19 =	sadd.s32 $0x500, s18  }
0x9a: {  	[spmem:s2] =	stream.indirect.scatter.add.f32 [tilespmem:s26], [sflag:$0x1], $0x1, s19, s28, $0xb8;
	[tilespmem:$0x4300] =	vst v63  }
0x9b: {  	s20 =	sadd.s32 $0x580, s18  }
0x9c: {  	[spmem:s2] =	stream.indirect.scatter.add.f32 [tilespmem:s26], [sflag:$0x1], $0x1, s20, s28, $0xb8;
	[tilespmem:$0x4300] =	vst v63  }
0x9d: {  	s17 =	sadd.s32 $0x600, s18  }
0x9e: {  	[spmem:s2] =	stream.indirect.scatter.add.f32 [tilespmem:s26], [sflag:$0x1], $0x1, s17, s28, $0xb8;
	[tilespmem:$0x4300] =	vst v63  }
0x9f: {  	s19 =	sadd.s32 $0x680, s18  }
0xa0: {  	[spmem:s2] =	stream.indirect.scatter.add.f32 [tilespmem:s26], [sflag:$0x1], $0x1, s19, s28, $0xb8;
	[tilespmem:$0x4300] =	vst v63  }
0xa1: {  	s20 =	sadd.s32 $0x700, s18  }
0xa2: {  	[spmem:s2] =	stream.indirect.scatter.add.f32 [tilespmem:s26], [sflag:$0x1], $0x1, s20, s28, $0xb8;
	[tilespmem:$0x4300] =	vst v63  }
0xa3: {  	_ =	swait.ge [sflag:s29], $0x7D  }
0xa4: {  	[sflag:s29] =	ssyncset.done $0x0  }
0xa5: {  	[sflag:s29] =	ssyncadd.s32 $0xFFFFFF83  }
0xa6: {  	_ =	swait.ge [sflag:s29], $0x7D  }
0xa7: {  	[sflag:s29] =	ssyncset.done $0x0  }
0xa8: {  	[sflag:s29] =	ssyncadd.s32 $0xFFFFFF83  }
0xa9: {  	_ =	swait.ge [sflag:s29], $0x7D  }
0xaa: {  	[sflag:s29] =	ssyncset.done $0x0  }
0xab: {  	[sflag:s29] =	ssyncadd.s32 $0xFFFFFF83  }
0xac: {  	_ =	swait.ge [sflag:s29], $0x7D  }
0xad: {  	[sflag:s29] =	ssyncset.done $0x0  }
0xae: {  	[sflag:s29] =	ssyncadd.s32 $0xFFFFFF83  }
0xaf: {  	_ =	swait.ge [sflag:s29], $0x7D  }
0xb0: {  	[sflag:s29] =	ssyncset.done $0x0  }
0xb1: {  	[sflag:s29] =	ssyncadd.s32 $0xFFFFFF83  }
0xb2: {  	_ =	swait.ge [sflag:s29], $0x7D  }
0xb3: {  	[sflag:s29] =	ssyncset.done $0x0  }
0xb4: {  	[sflag:s29] =	ssyncadd.s32 $0xFFFFFF83  }
0xb5: {  	_ =	swait.ge [sflag:s29], $0x7D  }
0xb6: {  	[sflag:s29] =	ssyncset.done $0x0  }
0xb7: {  	[sflag:s29] =	ssyncadd.s32 $0xFFFFFF83  }
0xb8: {  	_ =	swait.ge [sflag:s29], $0x7D  }
0xb9: {  	[sflag:s29] =	ssyncset.done $0x0  }
0xba: {  	[sflag:s29] =	ssyncadd.s32 $0xFFFFFF83  }
0xbb: {  	_ =	swait.ge [sflag:s29], $0x7D  }
0xbc: {  	[sflag:s29] =	ssyncset.done $0x0  }
0xbd: {  	[sflag:s29] =	ssyncadd.s32 $0xFFFFFF83  }
0xbe: {  	_ =	swait.ge [sflag:s29], $0x7D  }
0xbf: {  	s30 =	sadd.s32 $0x1, s30;
	[sflag:s29] =	ssyncset.done $0x0  }
0xc0: {  	p0 =	sne.s32 s30, s9;
	[sflag:s29] =	ssyncadd.s32 $0xFFFFFF83  }
.Ltmp1:
0xc1: {  	[bflag:$0x0] =	sbarrier.arrive $0xFFFF;
	(pc) =	sbr.rel @p0 .LBB2_1-.Ltmp1, $4  }
0xc2: {  	[hbm:s8], [sflag:s31] =	dma.local [spmem:s0], $0x50  }
0xc3: {  	_ =	swait.ge [sflag:s25], $0x50  }
0xc4: {  	[sflag:s25] =	ssyncset.done $0x0  }
0xc5: {  	[sflag:s25] =	ssyncadd.s32 $0xFFFFFFB0  }
0xc6: {  	_ =	sfence.sel $0x180000  }
0xc7: {  	[bflag:$0x0] =	sbarrier.arrive $0xFFFF  }
0xc8: {  	_ =	strace $0x90000047  }
0xc9: {  	s0 =	stileid.u32;
	[bflag:$0x2] =	sbarrier.arrive $0xFFFF  }
0xca: {  	p0 =	sne.s32 s0, $0x0;
	s0 =	rddreg [dreg:$0x2]  }
0xcb: {  	s0 =	sadd.s32 @!p0 $0x100000, s0  }
0xcc: {  	[sflag:s0] =	ssyncadd.tile.s32 @!p0 $0x1;
	_ =	shalt  }
.Lfunc_end2:
_tile_overlayer_lowered:
.L_overlay_start_2:
0xcd: {  	(tag) =	ssettag $0x2  }
0xce: {  	s0 =	rddreg [dreg:$0x0];
	s2 =	stileid.u32  }
0xcf: {  	s1 =	rddreg [dreg:$0x1];
	p0 =	sne.s32 s2, $0x0  }
0xd0: {  	s3 =	rddreg [dreg:$0x2];
	[bflag:$0x3] =	sbarrier.arrive $0xFFFF;
	s2 =	simm.s32 @!p0 $0x1C02  }
0xd1: {  	[timem:s3], [sflag:s2] =	dma.local @!p0 [hbm:s0], s1  }
0xd2: {  	s0 =	simm.s32 @!p0 $0x2  }
0xd3: {  	_ =	swait.ge @!p0 [sflag:s0], s1  }
0xd4: {  	s1 =	ssub.s32 @!p0 $0x0, s1;
	[sflag:s0] =	ssyncset.done @!p0 $0x0  }
0xd5: {  	[sflag:s0] =	ssyncadd.s32 @!p0 s1  }
0xd6: {  	[bflag:$0x3] =	sbarrier.arrive $0xFFFF  }
0xd7: {  	_ =	shalt  }

</sc_bundles>
